<compile_context>
chip_gen: v7x
topology: tpu7x:2x2x1
jax: 0.10.2.dev20260603
libtpu: 0.0.44.dev20260713+nightly
codegen_flags: <defaults>
</compile_context>

<pallas_src>
import functools

import jax
import jax.numpy as jnp
from jax import lax
from jax.experimental import pallas as pl
from jax.experimental.pallas import tpu as pltpu
from jax.experimental.pallas import tpu_sc as plsc

N = 10000
E = 320000
D = 128
H = 64
C = 10
G = 64

NC = 2
NS = 16
NW = NC * NS
CHUNK = 128
NPAD = 10240
STRIPE = NPAD // NS
NCHUNK = E // CHUNK
GPW = -(-NCHUNK // NW)
W0 = 80

_f32 = jnp.float32


def _make_segsum(W, NRING, packed=False):
    mesh = plsc.VectorSubcoreMesh(core_axis_name="c", subcore_axis_name="s")
    NCP = STRIPE // CHUNK
    out_rows = NPAD if packed else 2 * NPAD

    @functools.partial(
        pl.kernel,
        out_type=jax.ShapeDtypeStruct((out_rows, 128), _f32),
        mesh=mesh,
        compiler_params=pltpu.CompilerParams(use_tc_tiling_on_sc=False),
        scratch_types=[
            pltpu.VMEM_SHARED((NPAD, W), _f32),
            pltpu.VMEM((GPW, CHUNK), jnp.int32),
            pltpu.VMEM((GPW, CHUNK), jnp.int32),
        ] + [pltpu.VMEM((CHUNK, W), _f32)] * NRING
          + [pltpu.SemaphoreType.DMA] * (2 * NRING),
    )
    def seg(table, ei3, out, acc, idx_s, idx_d, *rest):
        c = lax.axis_index("c")
        s = lax.axis_index("s")
        wid = s * NC + c
        bufs = rest[:NRING]
        sem_g = rest[NRING:2 * NRING]
        sem_s = rest[2 * NRING:]
        r0 = bufs[0]

        start = (wid * NCHUNK) // NW
        cnt = ((wid + 1) * NCHUNK) // NW - start
        dsi = pltpu.async_copy(ei3.at[0, pl.ds(start, GPW)], idx_s, sem_g[0])
        ddi = pltpu.async_copy(ei3.at[1, pl.ds(start, GPW)], idx_d, sem_g[1])

        def zrow(i, _):
            def zcol(j, _):
                r0[i, pl.ds(j * 16, 16)] = jnp.zeros((16,), _f32)
                return 0
            return lax.fori_loop(0, W // 16, zcol, 0)
        lax.fori_loop(0, CHUNK, zrow, 0)

        dz = []
        for k in range(NCP):
            b = pl.multiple_of(s * STRIPE + k * CHUNK, CHUNK)
            dz.append(pltpu.async_copy(r0, acc.at[pl.ds(b, CHUNK)],
                                       sem_s[k % NRING]))
        for d in dz:
            d.wait()
        dsi.wait()
        ddi.wait()
        plsc.subcore_barrier()

        def fire_gather(g, j):
            pltpu.async_copy(table.at[idx_s.at[g]], bufs[j], sem_g[j])

        for j in range(NRING):
            fire_gather(j, j)

        def body(i, _):
            g0 = NRING * i
            descs = []
            for j in range(NRING):
                pltpu.make_async_copy(table.at[idx_s.at[g0 + j]],
                                      bufs[j], sem_g[j]).wait()
                descs.append(pltpu.async_copy(
                    bufs[j], acc.at[idx_d.at[g0 + j]], sem_s[j], add=True))
            for j in range(NRING):
                descs[j].wait()

                @pl.when(g0 + NRING + j < cnt)
                def _():
                    fire_gather(g0 + NRING + j, j)
            return 0
        nfull = cnt // NRING
        lax.fori_loop(0, nfull, body, 0)
        t0 = nfull * NRING
        for j in range(NRING):
            @pl.when(t0 + j < cnt)
            def _():
                pltpu.make_async_copy(table.at[idx_s.at[t0 + j]],
                                      bufs[j], sem_g[j]).wait()
                pltpu.sync_copy(bufs[j], acc.at[idx_d.at[t0 + j]], add=True)
        plsc.subcore_barrier()

        din = {}
        dout = {}
        for k in range(NCP):
            if k >= NRING:
                dout[k - NRING].wait()
            b = pl.multiple_of(s * STRIPE + k * CHUNK, CHUNK)
            din[k] = pltpu.async_copy(acc.at[pl.ds(b, CHUNK)],
                                      bufs[k % NRING], sem_g[k % NRING])
            din[k].wait()
            if packed:
                col = lax.select(c > 0, W, 0)
                dout[k] = pltpu.async_copy(
                    bufs[k % NRING],
                    out.at[pl.ds(b, CHUNK), pl.ds(col, W)],
                    sem_s[k % NRING])
            else:
                ob = pl.multiple_of(c * NPAD + b, CHUNK)
                dout[k] = pltpu.async_copy(
                    bufs[k % NRING],
                    out.at[pl.ds(ob, CHUNK), pl.ds(0, W)],
                    sem_s[k % NRING])
        for k in range(max(0, NCP - NRING), NCP):
            dout[k].wait()

    return seg


_segsum80 = _make_segsum(W0, 5)
_segsum64 = _make_segsum(H, 6, packed=True)


def _tc0(x_ref, wl_ref, wr_ref, bl_ref, p_ref, r_ref):
    x = x_ref[...]
    p = jnp.dot(x, wl_ref[...], preferred_element_type=_f32)
    p_ref[...] = jnp.concatenate([p, jnp.ones((N, W0 - H), _f32)], axis=1)
    r_ref[...] = jnp.dot(x, wr_ref[...], preferred_element_type=_f32) + bl_ref[...]


def _bn_relu(z, g, b):
    mu = jnp.mean(z, axis=0, keepdims=True)
    zc = z - mu
    var = jnp.mean(zc * zc, axis=0, keepdims=True)
    return jnp.maximum(zc * lax.rsqrt(var + 1e-5) * g + b, 0.0)


def _tc1(parts_ref, r_ref, g_ref, b_ref, wl_ref, wr_ref, bl_ref,
         p_ref, ro_ref, invd_ref):
    parts = parts_ref[...]
    a = parts[:NPAD] + parts[NPAD:]
    agg = a[:N, :H]
    deg = a[:N, H:H + 1]
    invd = 1.0 / jnp.maximum(deg, 1.0)
    h = _bn_relu(agg * invd + r_ref[...], g_ref[...], b_ref[...])
    p_ref[...] = jnp.dot(h, wl_ref[...], preferred_element_type=_f32)
    ro_ref[...] = jnp.dot(h, wr_ref[...], preferred_element_type=_f32) + bl_ref[...]
    invd_ref[...] = invd


def _tc2(parts_ref, invd_ref, r_ref, g_ref, b_ref, wl_ref, wr_ref, bl_ref,
         p_ref, ro_ref):
    parts = parts_ref[...]
    agg = parts[:N, :H] + parts[:N, H:2 * H]
    h = _bn_relu(agg * invd_ref[...] + r_ref[...], g_ref[...], b_ref[...])
    p_ref[...] = jnp.dot(h, wl_ref[...], preferred_element_type=_f32)
    ro_ref[...] = jnp.dot(h, wr_ref[...], preferred_element_type=_f32) + bl_ref[...]


def _tc3(parts_ref, invd_ref, r_ref, g_ref, b_ref, blane_ref, wc_ref, bc_ref,
         out_ref):
    parts = parts_ref[...]
    agg = parts[:N, :H] + parts[:N, H:2 * H]
    h = _bn_relu(agg * invd_ref[...] + r_ref[...], g_ref[...], b_ref[...])
    oh = (jax.lax.broadcasted_iota(jnp.int32, (G, N), 0)
          == blane_ref[...]).astype(_f32)
    pooled = jnp.dot(oh, h, preferred_element_type=_f32)
    cnt = jnp.sum(oh, axis=1, keepdims=True)
    emb = pooled / jnp.maximum(cnt, 1.0)
    out_ref[...] = jnp.dot(emb, wc_ref[...], preferred_element_type=_f32) + bc_ref[...]


def kernel(x, edge_index, batch, Wl0, bl0, Wr0, g0, b0, Wl1, bl1, Wr1, g1, b1,
           Wl2, bl2, Wr2, g2, b2, Wc, bc):
    ei3 = edge_index.reshape(2, NCHUNK, CHUNK)
    blane = batch.reshape(1, N)
    r2 = lambda v: v.reshape(1, -1)

    p0, r0 = pl.pallas_call(
        _tc0,
        out_shape=[jax.ShapeDtypeStruct((N, W0), _f32),
                   jax.ShapeDtypeStruct((N, H), _f32)],
    )(x, Wl0, Wr0, r2(bl0))

    parts0 = _segsum80(p0, ei3)

    p1, r1, invd = pl.pallas_call(
        _tc1,
        out_shape=[jax.ShapeDtypeStruct((N, H), _f32),
                   jax.ShapeDtypeStruct((N, H), _f32),
                   jax.ShapeDtypeStruct((N, 1), _f32)],
    )(parts0, r0, r2(g0), r2(b0), Wl1, Wr1, r2(bl1))

    parts1 = _segsum64(p1, ei3)

    p2, r2b = pl.pallas_call(
        _tc2,
        out_shape=[jax.ShapeDtypeStruct((N, H), _f32),
                   jax.ShapeDtypeStruct((N, H), _f32)],
    )(parts1, invd, r1, r2(g1), r2(b1), Wl2, Wr2, r2(bl2))

    parts2 = _segsum64(p2, ei3)

    out = pl.pallas_call(
        _tc3,
        out_shape=jax.ShapeDtypeStruct((G, C), _f32),
    )(parts2, invd, r2b, r2(g2), r2(b2), blane, Wc, r2(bc))

    return out

# --- scband reference (transcript-rebuilt; emitter-appended) ---
"""Pipeline reference for scband-sagemodel-60155311948300 (READ-ONLY COPY).

The authoritative reference and input builder live on the scoring server;
editing this copy changes nothing except your own understanding.
"""

import jax, jax.numpy as jnp
import numpy as np

N = 10000
E = 320000
D = 128
H = 64
C = 10
G = 64

def setup_inputs(seed: int = 0) -> dict:
    key = jax.random.key(seed)
    ks = jax.random.split(key, 24)
    inp = {}
    inp['x'] = jax.random.normal(ks[0], (N, D), dtype=jnp.float32)
    inp['edge_index'] = jax.random.randint(ks[1], (2, E), 0, N, dtype=jnp.int32)
    inp['batch'] = jnp.sort(jax.random.randint(ks[2], (N,), 0, G, dtype=jnp.int32))
    dims = [(D, H), (H, H), (H, H)]
    for i, (din, dout) in enumerate(dims):
        inp['Wl%d' % i] = 0.1 * jax.random.normal(ks[3 + 5 * i], (din, dout), dtype=jnp.float32)
        inp['bl%d' % i] = jnp.zeros((dout,), dtype=jnp.float32)
        inp['Wr%d' % i] = 0.1 * jax.random.normal(ks[4 + 5 * i], (din, dout), dtype=jnp.float32)
        inp['g%d' % i] = jnp.ones((dout,), dtype=jnp.float32)
        inp['b%d' % i] = jnp.zeros((dout,), dtype=jnp.float32)
    inp['Wc'] = 0.1 * jax.random.normal(ks[20], (H, C), dtype=jnp.float32)
    inp['bc'] = jnp.zeros((C,), dtype=jnp.float32)
    return inp

def _sage_conv(h, src, dst, Wl, bl, Wr):
    # PyG SAGEConv (mean aggr): lin_l(mean of neighbor msgs) + lin_r(root)
    agg = jax.ops.segment_sum(h[src], dst, num_segments=N)
    deg = jax.ops.segment_sum(jnp.ones((src.shape[0],), jnp.float32), dst, num_segments=N)
    mean = agg / jnp.clip(deg, 1.0)[:, None]
    return mean @ Wl + bl + h @ Wr

def _bn(h, g, b, eps=1e-5):
    mu = jnp.mean(h, axis=0)
    var = jnp.var(h, axis=0)
    return (h - mu) / jnp.sqrt(var + eps) * g + b

def reference(x, edge_index, batch, Wl0, bl0, Wr0, g0, b0, Wl1, bl1, Wr1, g1, b1, Wl2, bl2, Wr2, g2, b2, Wc, bc):
    src, dst = edge_index[0], edge_index[1]
    layers = [(Wl0, bl0, Wr0, g0, b0), (Wl1, bl1, Wr1, g1, b1), (Wl2, bl2, Wr2, g2, b2)]
    h = x
    for (Wl, bl, Wr, gg, bb) in layers:
        h = _sage_conv(h, src, dst, Wl, bl, Wr)
        h = _bn(h, gg, bb)
        h = jax.nn.relu(h)
        # dropout is identity in eval mode
    pooled = jax.ops.segment_sum(h, batch, num_segments=G)
    cnt = jax.ops.segment_sum(jnp.ones((N,), jnp.float32), batch, num_segments=G)
    emb = pooled / jnp.clip(cnt, 1.0)[:, None]
    return emb @ Wc + bc

if __name__ == "__main__":
    import jax
    _d = setup_inputs()
    print(jax.jit(kernel)(*tuple(_d.values())))

</pallas_src>

<mosaic_0001>
#map = affine_map<(d0, d1) -> (0, 0)>
#map1 = affine_map<(d0, d1) -> (0, 0, 0)>
module attributes {stable_mosaic.version = 14 : i64} {
  func.func @seg(%arg0: i32, %arg1: i32, %arg2: memref<10000x80xf32, #tpu.memory_space<hbm>>, %arg3: memref<2x2500x128xi32, #tpu.memory_space<hbm>>, %arg4: memref<20480x128xf32, #tpu.memory_space<hbm>>, %arg5: memref<10240x80xf32, #tpu.memory_space<vmem_shared>>, %arg6: memref<79x128xi32, #tpu.memory_space<vmem>>, %arg7: memref<79x128xi32, #tpu.memory_space<vmem>>, %arg8: memref<128x80xf32, #tpu.memory_space<vmem>>, %arg9: memref<128x80xf32, #tpu.memory_space<vmem>>, %arg10: memref<128x80xf32, #tpu.memory_space<vmem>>, %arg11: memref<128x80xf32, #tpu.memory_space<vmem>>, %arg12: memref<128x80xf32, #tpu.memory_space<vmem>>, %arg13: memref<!tpu.dma_semaphore, #tpu.memory_space<semaphore_mem>>, %arg14: memref<!tpu.dma_semaphore, #tpu.memory_space<semaphore_mem>>, %arg15: memref<!tpu.dma_semaphore, #tpu.memory_space<semaphore_mem>>, %arg16: memref<!tpu.dma_semaphore, #tpu.memory_space<semaphore_mem>>, %arg17: memref<!tpu.dma_semaphore, #tpu.memory_space<semaphore_mem>>, %arg18: memref<!tpu.dma_semaphore, #tpu.memory_space<semaphore_mem>>, %arg19: memref<!tpu.dma_semaphore, #tpu.memory_space<semaphore_mem>>, %arg20: memref<!tpu.dma_semaphore, #tpu.memory_space<semaphore_mem>>, %arg21: memref<!tpu.dma_semaphore, #tpu.memory_space<semaphore_mem>>, %arg22: memref<!tpu.dma_semaphore, #tpu.memory_space<semaphore_mem>>) attributes {dimension_semantics = [#tpu.dimension_semantics<core_parallel>, #tpu.dimension_semantics<subcore_parallel>], iteration_bounds = array<i64: 2, 16>, scalar_prefetch = 0 : i64, scratch_operands = 18 : i64, tpu.core_type = #tpu.core_type<sc_vector_subcore>, window_params = [{transform_indices = #map}, {transform_indices = #map1}, {transform_indices = #map}]} {
    %mul3A = arith.constant 2 : i32
    %mul3A_0 = arith.muli %arg1, %mul3A : i32
    %add3A = arith.addi %mul3A_0, %arg0 : i32
    %mul3A_1 = arith.constant 2500 : i32
    %mul3A_2 = arith.muli %add3A, %mul3A_1 : i32
    %jit3A = arith.constant 32 : i32
    %div3A = arith.divsi %mul3A_2, %jit3A : i32
    %sign3A = arith.constant 0 : i32
    %sign3A_3 = arith.cmpi sgt, %mul3A_2, %sign3A : i32
    %sign3A_4 = arith.extui %sign3A_3 : i1 to i32
    %sign3A_5 = arith.constant 0 : i32
    %sign3A_6 = arith.cmpi slt, %mul3A_2, %sign3A_5 : i32
    %sign3A_7 = arith.extui %sign3A_6 : i1 to i32
    %sign3A_8 = arith.subi %sign3A_4, %sign3A_7 : i32
    %sign3A_9 = arith.constant 0 : i32
    %sign3A_10 = arith.cmpi sgt, %jit3A, %sign3A_9 : i32
    %sign3A_11 = arith.extui %sign3A_10 : i1 to i32
    %sign3A_12 = arith.constant 0 : i32
    %sign3A_13 = arith.cmpi slt, %jit3A, %sign3A_12 : i32
    %sign3A_14 = arith.extui %sign3A_13 : i1 to i32
    %sign3A_15 = arith.subi %sign3A_11, %sign3A_14 : i32
    %ne3A = arith.cmpi ne, %sign3A_8, %sign3A_15 : i32
    %rem3A = arith.remsi %mul3A_2, %jit3A : i32
    %ne3A_16 = arith.constant 0 : i32
    %ne3A_17 = arith.cmpi ne, %rem3A, %ne3A_16 : i32
    %and3A = arith.andi %ne3A, %ne3A_17 : i1
    %sub3A = arith.constant 1 : i32
    %sub3A_18 = arith.subi %div3A, %sub3A : i32
    %select_n3A = arith.select %and3A, %sub3A_18, %div3A : i32
    %add3A_19 = arith.constant 1 : i32
    %add3A_20 = arith.addi %add3A, %add3A_19 : i32
    %mul3A_21 = arith.constant 2500 : i32
    %mul3A_22 = arith.muli %add3A_20, %mul3A_21 : i32
    %jit3A_23 = arith.constant 32 : i32
    %div3A_24 = arith.divsi %mul3A_22, %jit3A_23 : i32
    %sign3A_25 = arith.constant 0 : i32
    %sign3A_26 = arith.cmpi sgt, %mul3A_22, %sign3A_25 : i32
    %sign3A_27 = arith.extui %sign3A_26 : i1 to i32
    %sign3A_28 = arith.constant 0 : i32
    %sign3A_29 = arith.cmpi slt, %mul3A_22, %sign3A_28 : i32
    %sign3A_30 = arith.extui %sign3A_29 : i1 to i32
    %sign3A_31 = arith.subi %sign3A_27, %sign3A_30 : i32
    %sign3A_32 = arith.constant 0 : i32
    %sign3A_33 = arith.cmpi sgt, %jit3A_23, %sign3A_32 : i32
    %sign3A_34 = arith.extui %sign3A_33 : i1 to i32
    %sign3A_35 = arith.constant 0 : i32
    %sign3A_36 = arith.cmpi slt, %jit3A_23, %sign3A_35 : i32
    %sign3A_37 = arith.extui %sign3A_36 : i1 to i32
    %sign3A_38 = arith.subi %sign3A_34, %sign3A_37 : i32
    %ne3A_39 = arith.cmpi ne, %sign3A_31, %sign3A_38 : i32
    %rem3A_40 = arith.remsi %mul3A_22, %jit3A_23 : i32
    %ne3A_41 = arith.constant 0 : i32
    %ne3A_42 = arith.cmpi ne, %rem3A_40, %ne3A_41 : i32
    %and3A_43 = arith.andi %ne3A_39, %ne3A_42 : i1
    %sub3A_44 = arith.constant 1 : i32
    %sub3A_45 = arith.subi %div3A_24, %sub3A_44 : i32
    %select_n3A_46 = arith.select %and3A_43, %sub3A_45, %div3A_24 : i32
    %sub3A_47 = arith.subi %select_n3A_46, %select_n3A : i32
    %dma_start3A = arith.constant 0 : i32
    %dma_start3A_48 = arith.constant 0 : i32
    %dma_start3A_49 = tpu.memref_slice %arg3[%dma_start3A, %select_n3A, %dma_start3A_48] : memref<2x2500x128xi32, #tpu.memory_space<hbm>> -> memref<1x79x128xi32, #tpu.memory_space<hbm>>
    %dma_start3A_50 = tpu.memref_squeeze %dma_start3A_49 : memref<1x79x128xi32, #tpu.memory_space<hbm>> -> memref<79x128xi32, #tpu.memory_space<hbm>>
    %dma_start3A_51 = arith.constant 0 : i32
    %dma_start3A_52 = tpu.memref_slice %arg3[%dma_start3A, %select_n3A, %dma_start3A_51] : memref<2x2500x128xi32, #tpu.memory_space<hbm>> -> memref<1x79x128xi32, #tpu.memory_space<hbm>>
    %dma_start3A_53 = tpu.memref_squeeze %dma_start3A_52 : memref<1x79x128xi32, #tpu.memory_space<hbm>> -> memref<79x128xi32, #tpu.memory_space<hbm>>
    tpu.enqueue_dma source(%dma_start3A_53 : memref<79x128xi32, #tpu.memory_space<hbm>>) target(%arg6 : memref<79x128xi32, #tpu.memory_space<vmem>>) target_semaphore(%arg13 : memref<!tpu.dma_semaphore, #tpu.memory_space<semaphore_mem>>)
    %dma_start3A_54 = arith.constant 1 : i32
    %dma_start3A_55 = arith.constant 0 : i32
    %dma_start3A_56 = tpu.memref_slice %arg3[%dma_start3A_54, %select_n3A, %dma_start3A_55] : memref<2x2500x128xi32, #tpu.memory_space<hbm>> -> memref<1x79x128xi32, #tpu.memory_space<hbm>>
    %dma_start3A_57 = tpu.memref_squeeze %dma_start3A_56 : memref<1x79x128xi32, #tpu.memory_space<hbm>> -> memref<79x128xi32, #tpu.memory_space<hbm>>
    %dma_start3A_58 = arith.constant 0 : i32
    %dma_start3A_59 = tpu.memref_slice %arg3[%dma_start3A_54, %select_n3A, %dma_start3A_58] : memref<2x2500x128xi32, #tpu.memory_space<hbm>> -> memref<1x79x128xi32, #tpu.memory_space<hbm>>
    %dma_start3A_60 = tpu.memref_squeeze %dma_start3A_59 : memref<1x79x128xi32, #tpu.memory_space<hbm>> -> memref<79x128xi32, #tpu.memory_space<hbm>>
    tpu.enqueue_dma source(%dma_start3A_60 : memref<79x128xi32, #tpu.memory_space<hbm>>) target(%arg7 : memref<79x128xi32, #tpu.memory_space<vmem>>) target_semaphore(%arg14 : memref<!tpu.dma_semaphore, #tpu.memory_space<semaphore_mem>>)
    %scan3A = arith.constant 0 : i32
    %scan3A_61 = arith.constant 0 : i32
    %scan3A_62 = arith.constant 128 : i32
    %scan3A_63 = arith.addi %scan3A_61, %scan3A_62 : i32
    %scan3A_64 = arith.constant 1 : i32
    %scan3A_65 = scf.for %scan3A_369 = %scan3A_61 to %scan3A_63 step %scan3A_64 iter_args(%scan3A_370 = %scan3A) -> (i32)  : i32 {
      %scan3A_371 = arith.constant 0 : i32
      %scan3A_372 = arith.constant 0 : i32
      %scan3A_373 = arith.constant 5 : i32
      %scan3A_374 = arith.addi %scan3A_372, %scan3A_373 : i32
      %scan3A_375 = arith.constant 1 : i32
      %scan3A_376 = scf.for %scan3A_378 = %scan3A_372 to %scan3A_374 step %scan3A_375 iter_args(%scan3A_379 = %scan3A_371) -> (i32)  : i32 {
        %broadcast_in_dim3A = arith.constant 0.000000e+00 : f32
        %broadcast_in_dim3A_380 = vector.broadcast %broadcast_in_dim3A : f32 to vector<16xf32>
        %mul3A_381 = arith.constant 16 : i32
        %mul3A_382 = arith.muli %scan3A_378, %mul3A_381 : i32
        %swap3A = arith.index_cast %scan3A_369 : i32 to index
        %swap3A_383 = arith.index_cast %mul3A_382 : i32 to index
        %swap3A_384 = tpu.vector_load %arg8[%swap3A, %swap3A_383] {strides = array<i32>} : memref<128x80xf32, #tpu.memory_space<vmem>>, vector<1x16xf32>,
        %swap3A_385 = vector.shape_cast %swap3A_384 : vector<1x16xf32> to vector<16xf32>
        %swap3A_386 = vector.shape_cast %broadcast_in_dim3A_380 : vector<16xf32> to vector<1x16xf32>
        tpu.vector_store %arg8[%swap3A, %swap3A_383], %swap3A_386 {strides = array<i32>} : memref<128x80xf32, #tpu.memory_space<vmem>>, vector<1x16xf32>,
        %scan3A_387 = arith.constant 0 : i32
        scf.yield %scan3A_387 : i32
      }
      %scan3A_377 = arith.constant 5 : i32
      scf.yield %scan3A_376 : i32
    }
    %scan3A_66 = arith.constant 128 : i32
    %mul3A_67 = arith.constant 640 : i32
    %mul3A_68 = arith.muli %arg1, %mul3A_67 : i32
    %add3A_69 = arith.constant 0 : i32
    %add3A_70 = arith.addi %mul3A_68, %add3A_69 : i32
    %multiple_of3A = tpu.assume_multiple %add3A_70, 128 : i32
    %dma_start3A_71 = arith.constant 0 : i32
    %dma_start3A_72 = tpu.memref_slice %arg5[%multiple_of3A, %dma_start3A_71] : memref<10240x80xf32, #tpu.memory_space<vmem_shared>> -> memref<128x80xf32, #tpu.memory_space<vmem_shared>>
    %dma_start3A_73 = arith.constant 0 : i32
    %dma_start3A_74 = tpu.memref_slice %arg5[%multiple_of3A, %dma_start3A_73] : memref<10240x80xf32, #tpu.memory_space<vmem_shared>> -> memref<128x80xf32, #tpu.memory_space<vmem_shared>>
    tpu.enqueue_dma source(%arg8 : memref<128x80xf32, #tpu.memory_space<vmem>>) target(%dma_start3A_74 : memref<128x80xf32, #tpu.memory_space<vmem_shared>>) target_semaphore(%arg18 : memref<!tpu.dma_semaphore, #tpu.memory_space<semaphore_mem>>)
    %mul3A_75 = arith.constant 640 : i32
    %mul3A_76 = arith.muli %arg1, %mul3A_75 : i32
    %add3A_77 = arith.constant 128 : i32
    %add3A_78 = arith.addi %mul3A_76, %add3A_77 : i32
    %multiple_of3A_79 = tpu.assume_multiple %add3A_78, 128 : i32
    %dma_start3A_80 = arith.constant 0 : i32
    %dma_start3A_81 = tpu.memref_slice %arg5[%multiple_of3A_79, %dma_start3A_80] : memref<10240x80xf32, #tpu.memory_space<vmem_shared>> -> memref<128x80xf32, #tpu.memory_space<vmem_shared>>
    %dma_start3A_82 = arith.constant 0 : i32
    %dma_start3A_83 = tpu.memref_slice %arg5[%multiple_of3A_79, %dma_start3A_82] : memref<10240x80xf32, #tpu.memory_space<vmem_shared>> -> memref<128x80xf32, #tpu.memory_space<vmem_shared>>
    tpu.enqueue_dma source(%arg8 : memref<128x80xf32, #tpu.memory_space<vmem>>) target(%dma_start3A_83 : memref<128x80xf32, #tpu.memory_space<vmem_shared>>) target_semaphore(%arg19 : memref<!tpu.dma_semaphore, #tpu.memory_space<semaphore_mem>>)
    %mul3A_84 = arith.constant 640 : i32
    %mul3A_85 = arith.muli %arg1, %mul3A_84 : i32
    %add3A_86 = arith.constant 256 : i32
    %add3A_87 = arith.addi %mul3A_85, %add3A_86 : i32
    %multiple_of3A_88 = tpu.assume_multiple %add3A_87, 128 : i32
    %dma_start3A_89 = arith.constant 0 : i32
    %dma_start3A_90 = tpu.memref_slice %arg5[%multiple_of3A_88, %dma_start3A_89] : memref<10240x80xf32, #tpu.memory_space<vmem_shared>> -> memref<128x80xf32, #tpu.memory_space<vmem_shared>>
    %dma_start3A_91 = arith.constant 0 : i32
    %dma_start3A_92 = tpu.memref_slice %arg5[%multiple_of3A_88, %dma_start3A_91] : memref<10240x80xf32, #tpu.memory_space<vmem_shared>> -> memref<128x80xf32, #tpu.memory_space<vmem_shared>>
    tpu.enqueue_dma source(%arg8 : memref<128x80xf32, #tpu.memory_space<vmem>>) target(%dma_start3A_92 : memref<128x80xf32, #tpu.memory_space<vmem_shared>>) target_semaphore(%arg20 : memref<!tpu.dma_semaphore, #tpu.memory_space<semaphore_mem>>)
    %mul3A_93 = arith.constant 640 : i32
    %mul3A_94 = arith.muli %arg1, %mul3A_93 : i32
    %add3A_95 = arith.constant 384 : i32
    %add3A_96 = arith.addi %mul3A_94, %add3A_95 : i32
    %multiple_of3A_97 = tpu.assume_multiple %add3A_96, 128 : i32
    %dma_start3A_98 = arith.constant 0 : i32
    %dma_start3A_99 = tpu.memref_slice %arg5[%multiple_of3A_97, %dma_start3A_98] : memref<10240x80xf32, #tpu.memory_space<vmem_shared>> -> memref<128x80xf32, #tpu.memory_space<vmem_shared>>
    %dma_start3A_100 = arith.constant 0 : i32
    %dma_start3A_101 = tpu.memref_slice %arg5[%multiple_of3A_97, %dma_start3A_100] : memref<10240x80xf32, #tpu.memory_space<vmem_shared>> -> memref<128x80xf32, #tpu.memory_space<vmem_shared>>
    tpu.enqueue_dma source(%arg8 : memref<128x80xf32, #tpu.memory_space<vmem>>) target(%dma_start3A_101 : memref<128x80xf32, #tpu.memory_space<vmem_shared>>) target_semaphore(%arg21 : memref<!tpu.dma_semaphore, #tpu.memory_space<semaphore_mem>>)
    %mul3A_102 = arith.constant 640 : i32
    %mul3A_103 = arith.muli %arg1, %mul3A_102 : i32
    %add3A_104 = arith.constant 512 : i32
    %add3A_105 = arith.addi %mul3A_103, %add3A_104 : i32
    %multiple_of3A_106 = tpu.assume_multiple %add3A_105, 128 : i32
    %dma_start3A_107 = arith.constant 0 : i32
    %dma_start3A_108 = tpu.memref_slice %arg5[%multiple_of3A_106, %dma_start3A_107] : memref<10240x80xf32, #tpu.memory_space<vmem_shared>> -> memref<128x80xf32, #tpu.memory_space<vmem_shared>>
    %dma_start3A_109 = arith.constant 0 : i32
    %dma_start3A_110 = tpu.memref_slice %arg5[%multiple_of3A_106, %dma_start3A_109] : memref<10240x80xf32, #tpu.memory_space<vmem_shared>> -> memref<128x80xf32, #tpu.memory_space<vmem_shared>>
    tpu.enqueue_dma source(%arg8 : memref<128x80xf32, #tpu.memory_space<vmem>>) target(%dma_start3A_110 : memref<128x80xf32, #tpu.memory_space<vmem_shared>>) target_semaphore(%arg22 : memref<!tpu.dma_semaphore, #tpu.memory_space<semaphore_mem>>)
    %dma_wait3A = arith.constant 0 : i32
    %dma_wait3A_111 = tpu.memref_slice %arg5[%multiple_of3A, %dma_wait3A] : memref<10240x80xf32, #tpu.memory_space<vmem_shared>> -> memref<128x80xf32, #tpu.memory_space<vmem_shared>>
    %dma_wait3A_112 = arith.constant 0 : i32
    %dma_wait3A_113 = tpu.memref_slice %arg5[%multiple_of3A, %dma_wait3A_112] : memref<10240x80xf32, #tpu.memory_space<vmem_shared>> -> memref<128x80xf32, #tpu.memory_space<vmem_shared>>
    tpu.wait_dma2 semaphore(%arg18 : memref<!tpu.dma_semaphore, #tpu.memory_space<semaphore_mem>>) src(%arg8 : memref<128x80xf32, #tpu.memory_space<vmem>>) dst(%dma_wait3A_113 : memref<128x80xf32, #tpu.memory_space<vmem_shared>>)
    %dma_wait3A_114 = arith.constant 0 : i32
    %dma_wait3A_115 = tpu.memref_slice %arg5[%multiple_of3A_79, %dma_wait3A_114] : memref<10240x80xf32, #tpu.memory_space<vmem_shared>> -> memref<128x80xf32, #tpu.memory_space<vmem_shared>>
    %dma_wait3A_116 = arith.constant 0 : i32
    %dma_wait3A_117 = tpu.memref_slice %arg5[%multiple_of3A_79, %dma_wait3A_116] : memref<10240x80xf32, #tpu.memory_space<vmem_shared>> -> memref<128x80xf32, #tpu.memory_space<vmem_shared>>
    tpu.wait_dma2 semaphore(%arg19 : memref<!tpu.dma_semaphore, #tpu.memory_space<semaphore_mem>>) src(%arg8 : memref<128x80xf32, #tpu.memory_space<vmem>>) dst(%dma_wait3A_117 : memref<128x80xf32, #tpu.memory_space<vmem_shared>>)
    %dma_wait3A_118 = arith.constant 0 : i32
    %dma_wait3A_119 = tpu.memref_slice %arg5[%multiple_of3A_88, %dma_wait3A_118] : memref<10240x80xf32, #tpu.memory_space<vmem_shared>> -> memref<128x80xf32, #tpu.memory_space<vmem_shared>>
    %dma_wait3A_120 = arith.constant 0 : i32
    %dma_wait3A_121 = tpu.memref_slice %arg5[%multiple_of3A_88, %dma_wait3A_120] : memref<10240x80xf32, #tpu.memory_space<vmem_shared>> -> memref<128x80xf32, #tpu.memory_space<vmem_shared>>
    tpu.wait_dma2 semaphore(%arg20 : memref<!tpu.dma_semaphore, #tpu.memory_space<semaphore_mem>>) src(%arg8 : memref<128x80xf32, #tpu.memory_space<vmem>>) dst(%dma_wait3A_121 : memref<128x80xf32, #tpu.memory_space<vmem_shared>>)
    %dma_wait3A_122 = arith.constant 0 : i32
    %dma_wait3A_123 = tpu.memref_slice %arg5[%multiple_of3A_97, %dma_wait3A_122] : memref<10240x80xf32, #tpu.memory_space<vmem_shared>> -> memref<128x80xf32, #tpu.memory_space<vmem_shared>>
    %dma_wait3A_124 = arith.constant 0 : i32
    %dma_wait3A_125 = tpu.memref_slice %arg5[%multiple_of3A_97, %dma_wait3A_124] : memref<10240x80xf32, #tpu.memory_space<vmem_shared>> -> memref<128x80xf32, #tpu.memory_space<vmem_shared>>
    tpu.wait_dma2 semaphore(%arg21 : memref<!tpu.dma_semaphore, #tpu.memory_space<semaphore_mem>>) src(%arg8 : memref<128x80xf32, #tpu.memory_space<vmem>>) dst(%dma_wait3A_125 : memref<128x80xf32, #tpu.memory_space<vmem_shared>>)
    %dma_wait3A_126 = arith.constant 0 : i32
    %dma_wait3A_127 = tpu.memref_slice %arg5[%multiple_of3A_106, %dma_wait3A_126] : memref<10240x80xf32, #tpu.memory_space<vmem_shared>> -> memref<128x80xf32, #tpu.memory_space<vmem_shared>>
    %dma_wait3A_128 = arith.constant 0 : i32
    %dma_wait3A_129 = tpu.memref_slice %arg5[%multiple_of3A_106, %dma_wait3A_128] : memref<10240x80xf32, #tpu.memory_space<vmem_shared>> -> memref<128x80xf32, #tpu.memory_space<vmem_shared>>
    tpu.wait_dma2 semaphore(%arg22 : memref<!tpu.dma_semaphore, #tpu.memory_space<semaphore_mem>>) src(%arg8 : memref<128x80xf32, #tpu.memory_space<vmem>>) dst(%dma_wait3A_129 : memref<128x80xf32, #tpu.memory_space<vmem_shared>>)
    %dma_wait3A_130 = arith.constant 0 : i32
    %dma_wait3A_131 = arith.constant 0 : i32
    %dma_wait3A_132 = tpu.memref_slice %arg3[%dma_wait3A_130, %select_n3A, %dma_wait3A_131] : memref<2x2500x128xi32, #tpu.memory_space<hbm>> -> memref<1x79x128xi32, #tpu.memory_space<hbm>>
    %dma_wait3A_133 = tpu.memref_squeeze %dma_wait3A_132 : memref<1x79x128xi32, #tpu.memory_space<hbm>> -> memref<79x128xi32, #tpu.memory_space<hbm>>
    %dma_wait3A_134 = arith.constant 0 : i32
    %dma_wait3A_135 = tpu.memref_slice %arg3[%dma_wait3A_130, %select_n3A, %dma_wait3A_134] : memref<2x2500x128xi32, #tpu.memory_space<hbm>> -> memref<1x79x128xi32, #tpu.memory_space<hbm>>
    %dma_wait3A_136 = tpu.memref_squeeze %dma_wait3A_135 : memref<1x79x128xi32, #tpu.memory_space<hbm>> -> memref<79x128xi32, #tpu.memory_space<hbm>>
    tpu.wait_dma2 semaphore(%arg13 : memref<!tpu.dma_semaphore, #tpu.memory_space<semaphore_mem>>) src(%dma_wait3A_136 : memref<79x128xi32, #tpu.memory_space<hbm>>) dst(%arg6 : memref<79x128xi32, #tpu.memory_space<vmem>>)
    %dma_wait3A_137 = arith.constant 1 : i32
    %dma_wait3A_138 = arith.constant 0 : i32
    %dma_wait3A_139 = tpu.memref_slice %arg3[%dma_wait3A_137, %select_n3A, %dma_wait3A_138] : memref<2x2500x128xi32, #tpu.memory_space<hbm>> -> memref<1x79x128xi32, #tpu.memory_space<hbm>>
    %dma_wait3A_140 = tpu.memref_squeeze %dma_wait3A_139 : memref<1x79x128xi32, #tpu.memory_space<hbm>> -> memref<79x128xi32, #tpu.memory_space<hbm>>
    %dma_wait3A_141 = arith.constant 0 : i32
    %dma_wait3A_142 = tpu.memref_slice %arg3[%dma_wait3A_137, %select_n3A, %dma_wait3A_141] : memref<2x2500x128xi32, #tpu.memory_space<hbm>> -> memref<1x79x128xi32, #tpu.memory_space<hbm>>
    %dma_wait3A_143 = tpu.memref_squeeze %dma_wait3A_142 : memref<1x79x128xi32, #tpu.memory_space<hbm>> -> memref<79x128xi32, #tpu.memory_space<hbm>>
    tpu.wait_dma2 semaphore(%arg14 : memref<!tpu.dma_semaphore, #tpu.memory_space<semaphore_mem>>) src(%dma_wait3A_143 : memref<79x128xi32, #tpu.memory_space<hbm>>) dst(%arg7 : memref<79x128xi32, #tpu.memory_space<vmem>>)
    %barrier3A = arith.constant 0 : index
    tpu.barrier barrier_id(%barrier3A)
    %dma_start3A_144 = arith.constant 0 : i32
    %dma_start3A_145 = arith.constant 0 : i32
    %dma_start3A_146 = tpu.memref_slice %arg6[%dma_start3A_144, %dma_start3A_145] : memref<79x128xi32, #tpu.memory_space<vmem>> -> memref<1x128xi32, #tpu.memory_space<vmem>>
    %dma_start3A_147 = tpu.memref_squeeze %dma_start3A_146 : memref<1x128xi32, #tpu.memory_space<vmem>> -> memref<128xi32, #tpu.memory_space<vmem>>
    %dma_start3A_148 = arith.constant 0 : i32
    %dma_start3A_149 = arith.constant 0 : i32
    %dma_start3A_150 = tpu.memref_slice %arg2[%dma_start3A_148, %dma_start3A_149] : memref<10000x80xf32, #tpu.memory_space<hbm>> -> memref<10000x80xf32, #tpu.memory_space<hbm>>
    tpu.enqueue_indirect_dma source(%dma_start3A_150 : memref<10000x80xf32, #tpu.memory_space<hbm>>) target(%arg8 : memref<128x80xf32, #tpu.memory_space<vmem>>) offsets(%dma_start3A_147 : memref<128xi32, #tpu.memory_space<vmem>>) semaphore(%arg13 : memref<!tpu.dma_semaphore, #tpu.memory_space<semaphore_mem>>)
    %dma_start3A_151 = arith.constant 1 : i32
    %dma_start3A_152 = arith.constant 0 : i32
    %dma_start3A_153 = tpu.memref_slice %arg6[%dma_start3A_151, %dma_start3A_152] : memref<79x128xi32, #tpu.memory_space<vmem>> -> memref<1x128xi32, #tpu.memory_space<vmem>>
    %dma_start3A_154 = tpu.memref_squeeze %dma_start3A_153 : memref<1x128xi32, #tpu.memory_space<vmem>> -> memref<128xi32, #tpu.memory_space<vmem>>
    %dma_start3A_155 = arith.constant 0 : i32
    %dma_start3A_156 = arith.constant 0 : i32
    %dma_start3A_157 = tpu.memref_slice %arg2[%dma_start3A_155, %dma_start3A_156] : memref<10000x80xf32, #tpu.memory_space<hbm>> -> memref<10000x80xf32, #tpu.memory_space<hbm>>
    tpu.enqueue_indirect_dma source(%dma_start3A_157 : memref<10000x80xf32, #tpu.memory_space<hbm>>) target(%arg9 : memref<128x80xf32, #tpu.memory_space<vmem>>) offsets(%dma_start3A_154 : memref<128xi32, #tpu.memory_space<vmem>>) semaphore(%arg14 : memref<!tpu.dma_semaphore, #tpu.memory_space<semaphore_mem>>)
    %dma_start3A_158 = arith.constant 2 : i32
    %dma_start3A_159 = arith.constant 0 : i32
    %dma_start3A_160 = tpu.memref_slice %arg6[%dma_start3A_158, %dma_start3A_159] : memref<79x128xi32, #tpu.memory_space<vmem>> -> memref<1x128xi32, #tpu.memory_space<vmem>>
    %dma_start3A_161 = tpu.memref_squeeze %dma_start3A_160 : memref<1x128xi32, #tpu.memory_space<vmem>> -> memref<128xi32, #tpu.memory_space<vmem>>
    %dma_start3A_162 = arith.constant 0 : i32
    %dma_start3A_163 = arith.constant 0 : i32
    %dma_start3A_164 = tpu.memref_slice %arg2[%dma_start3A_162, %dma_start3A_163] : memref<10000x80xf32, #tpu.memory_space<hbm>> -> memref<10000x80xf32, #tpu.memory_space<hbm>>
    tpu.enqueue_indirect_dma source(%dma_start3A_164 : memref<10000x80xf32, #tpu.memory_space<hbm>>) target(%arg10 : memref<128x80xf32, #tpu.memory_space<vmem>>) offsets(%dma_start3A_161 : memref<128xi32, #tpu.memory_space<vmem>>) semaphore(%arg15 : memref<!tpu.dma_semaphore, #tpu.memory_space<semaphore_mem>>)
    %dma_start3A_165 = arith.constant 3 : i32
    %dma_start3A_166 = arith.constant 0 : i32
    %dma_start3A_167 = tpu.memref_slice %arg6[%dma_start3A_165, %dma_start3A_166] : memref<79x128xi32, #tpu.memory_space<vmem>> -> memref<1x128xi32, #tpu.memory_space<vmem>>
    %dma_start3A_168 = tpu.memref_squeeze %dma_start3A_167 : memref<1x128xi32, #tpu.memory_space<vmem>> -> memref<128xi32, #tpu.memory_space<vmem>>
    %dma_start3A_169 = arith.constant 0 : i32
    %dma_start3A_170 = arith.constant 0 : i32
    %dma_start3A_171 = tpu.memref_slice %arg2[%dma_start3A_169, %dma_start3A_170] : memref<10000x80xf32, #tpu.memory_space<hbm>> -> memref<10000x80xf32, #tpu.memory_space<hbm>>
    tpu.enqueue_indirect_dma source(%dma_start3A_171 : memref<10000x80xf32, #tpu.memory_space<hbm>>) target(%arg11 : memref<128x80xf32, #tpu.memory_space<vmem>>) offsets(%dma_start3A_168 : memref<128xi32, #tpu.memory_space<vmem>>) semaphore(%arg16 : memref<!tpu.dma_semaphore, #tpu.memory_space<semaphore_mem>>)
    %dma_start3A_172 = arith.constant 4 : i32
    %dma_start3A_173 = arith.constant 0 : i32
    %dma_start3A_174 = tpu.memref_slice %arg6[%dma_start3A_172, %dma_start3A_173] : memref<79x128xi32, #tpu.memory_space<vmem>> -> memref<1x128xi32, #tpu.memory_space<vmem>>
    %dma_start3A_175 = tpu.memref_squeeze %dma_start3A_174 : memref<1x128xi32, #tpu.memory_space<vmem>> -> memref<128xi32, #tpu.memory_space<vmem>>
    %dma_start3A_176 = arith.constant 0 : i32
    %dma_start3A_177 = arith.constant 0 : i32
    %dma_start3A_178 = tpu.memref_slice %arg2[%dma_start3A_176, %dma_start3A_177] : memref<10000x80xf32, #tpu.memory_space<hbm>> -> memref<10000x80xf32, #tpu.memory_space<hbm>>
    tpu.enqueue_indirect_dma source(%dma_start3A_178 : memref<10000x80xf32, #tpu.memory_space<hbm>>) target(%arg12 : memref<128x80xf32, #tpu.memory_space<vmem>>) offsets(%dma_start3A_175 : memref<128xi32, #tpu.memory_space<vmem>>) semaphore(%arg17 : memref<!tpu.dma_semaphore, #tpu.memory_space<semaphore_mem>>)
    %jit3A_179 = arith.constant 5 : i32
    %div3A_180 = arith.divsi %sub3A_47, %jit3A_179 : i32
    %sign3A_181 = arith.constant 0 : i32
    %sign3A_182 = arith.cmpi sgt, %sub3A_47, %sign3A_181 : i32
    %sign3A_183 = arith.extui %sign3A_182 : i1 to i32
    %sign3A_184 = arith.constant 0 : i32
    %sign3A_185 = arith.cmpi slt, %sub3A_47, %sign3A_184 : i32
    %sign3A_186 = arith.extui %sign3A_185 : i1 to i32
    %sign3A_187 = arith.subi %sign3A_183, %sign3A_186 : i32
    %sign3A_188 = arith.constant 0 : i32
    %sign3A_189 = arith.cmpi sgt, %jit3A_179, %sign3A_188 : i32
    %sign3A_190 = arith.extui %sign3A_189 : i1 to i32
    %sign3A_191 = arith.constant 0 : i32
    %sign3A_192 = arith.cmpi slt, %jit3A_179, %sign3A_191 : i32
    %sign3A_193 = arith.extui %sign3A_192 : i1 to i32
    %sign3A_194 = arith.subi %sign3A_190, %sign3A_193 : i32
    %ne3A_195 = arith.cmpi ne, %sign3A_187, %sign3A_194 : i32
    %rem3A_196 = arith.remsi %sub3A_47, %jit3A_179 : i32
    %ne3A_197 = arith.constant 0 : i32
    %ne3A_198 = arith.cmpi ne, %rem3A_196, %ne3A_197 : i32
    %and3A_199 = arith.andi %ne3A_195, %ne3A_198 : i1
    %sub3A_200 = arith.constant 1 : i32
    %sub3A_201 = arith.subi %div3A_180, %sub3A_200 : i32
    %select_n3A_202 = arith.select %and3A_199, %sub3A_201, %div3A_180 : i32
    %while3A = arith.constant 0 : i32
    %while3A_203 = arith.constant 0 : i32
    %while3A_204 = arith.subi %select_n3A_202, %while3A : i32
    %while3A_205 = arith.addi %while3A, %while3A_204 : i32
    %while3A_206 = arith.constant 1 : i32
    %while3A_207 = arith.divsi %while3A_204, %while3A_206 : i32
    %while3A_208 = arith.muli %while3A_207, %while3A_206 : i32
    %while3A_209 = arith.addi %while3A, %while3A_208 : i32
    %while3A_210 = arith.constant 1 : i32
    %while3A_211 = scf.for %while3A_369 = %while3A to %while3A_209 step %while3A_210 iter_args(%while3A_370 = %while3A_203) -> (i32)  : i32 {
      %mul3A_371 = arith.constant 5 : i32
      %mul3A_372 = arith.muli %mul3A_371, %while3A_369 : i32
      %add3A_373 = arith.constant 0 : i32
      %add3A_374 = arith.addi %mul3A_372, %add3A_373 : i32
      %dma_wait3A_375 = arith.constant 0 : i32
      %dma_wait3A_376 = tpu.memref_slice %arg6[%add3A_374, %dma_wait3A_375] : memref<79x128xi32, #tpu.memory_space<vmem>> -> memref<1x128xi32, #tpu.memory_space<vmem>>
      %dma_wait3A_377 = tpu.memref_squeeze %dma_wait3A_376 : memref<1x128xi32, #tpu.memory_space<vmem>> -> memref<128xi32, #tpu.memory_space<vmem>>
      %dma_wait3A_378 = arith.constant 0 : i32
      %dma_wait3A_379 = arith.constant 0 : i32
      %dma_wait3A_380 = tpu.memref_slice %arg2[%dma_wait3A_378, %dma_wait3A_379] : memref<10000x80xf32, #tpu.memory_space<hbm>> -> memref<10000x80xf32, #tpu.memory_space<hbm>>
      tpu.wait_indirect_dma semaphore(%arg13 : memref<!tpu.dma_semaphore, #tpu.memory_space<semaphore_mem>>) src(%dma_wait3A_380 : memref<10000x80xf32, #tpu.memory_space<hbm>>) dst(%arg8 : memref<128x80xf32, #tpu.memory_space<vmem>>)
      %add3A_381 = arith.constant 0 : i32
      %add3A_382 = arith.addi %mul3A_372, %add3A_381 : i32
      %dma_start3A_383 = arith.constant 0 : i32
      %dma_start3A_384 = tpu.memref_slice %arg7[%add3A_382, %dma_start3A_383] : memref<79x128xi32, #tpu.memory_space<vmem>> -> memref<1x128xi32, #tpu.memory_space<vmem>>
      %dma_start3A_385 = tpu.memref_squeeze %dma_start3A_384 : memref<1x128xi32, #tpu.memory_space<vmem>> -> memref<128xi32, #tpu.memory_space<vmem>>
      %dma_start3A_386 = arith.constant 0 : i32
      %dma_start3A_387 = arith.constant 0 : i32
      %dma_start3A_388 = tpu.memref_slice %arg5[%dma_start3A_386, %dma_start3A_387] : memref<10240x80xf32, #tpu.memory_space<vmem_shared>> -> memref<10240x80xf32, #tpu.memory_space<vmem_shared>>
      tpu.enqueue_indirect_dma source(%arg8 : memref<128x80xf32, #tpu.memory_space<vmem>>) target(%dma_start3A_388 : memref<10240x80xf32, #tpu.memory_space<vmem_shared>>) offsets(%dma_start3A_385 : memref<128xi32, #tpu.memory_space<vmem>>) semaphore(%arg18 : memref<!tpu.dma_semaphore, #tpu.memory_space<semaphore_mem>>) {add = true}
      %add3A_389 = arith.constant 1 : i32
      %add3A_390 = arith.addi %mul3A_372, %add3A_389 : i32
      %dma_wait3A_391 = arith.constant 0 : i32
      %dma_wait3A_392 = tpu.memref_slice %arg6[%add3A_390, %dma_wait3A_391] : memref<79x128xi32, #tpu.memory_space<vmem>> -> memref<1x128xi32, #tpu.memory_space<vmem>>
      %dma_wait3A_393 = tpu.memref_squeeze %dma_wait3A_392 : memref<1x128xi32, #tpu.memory_space<vmem>> -> memref<128xi32, #tpu.memory_space<vmem>>
      %dma_wait3A_394 = arith.constant 0 : i32
      %dma_wait3A_395 = arith.constant 0 : i32
      %dma_wait3A_396 = tpu.memref_slice %arg2[%dma_wait3A_394, %dma_wait3A_395] : memref<10000x80xf32, #tpu.memory_space<hbm>> -> memref<10000x80xf32, #tpu.memory_space<hbm>>
      tpu.wait_indirect_dma semaphore(%arg14 : memref<!tpu.dma_semaphore, #tpu.memory_space<semaphore_mem>>) src(%dma_wait3A_396 : memref<10000x80xf32, #tpu.memory_space<hbm>>) dst(%arg9 : memref<128x80xf32, #tpu.memory_space<vmem>>)
      %add3A_397 = arith.constant 1 : i32
      %add3A_398 = arith.addi %mul3A_372, %add3A_397 : i32
      %dma_start3A_399 = arith.constant 0 : i32
      %dma_start3A_400 = tpu.memref_slice %arg7[%add3A_398, %dma_start3A_399] : memref<79x128xi32, #tpu.memory_space<vmem>> -> memref<1x128xi32, #tpu.memory_space<vmem>>
      %dma_start3A_401 = tpu.memref_squeeze %dma_start3A_400 : memref<1x128xi32, #tpu.memory_space<vmem>> -> memref<128xi32, #tpu.memory_space<vmem>>
      %dma_start3A_402 = arith.constant 0 : i32
      %dma_start3A_403 = arith.constant 0 : i32
      %dma_start3A_404 = tpu.memref_slice %arg5[%dma_start3A_402, %dma_start3A_403] : memref<10240x80xf32, #tpu.memory_space<vmem_shared>> -> memref<10240x80xf32, #tpu.memory_space<vmem_shared>>
      tpu.enqueue_indirect_dma source(%arg9 : memref<128x80xf32, #tpu.memory_space<vmem>>) target(%dma_start3A_404 : memref<10240x80xf32, #tpu.memory_space<vmem_shared>>) offsets(%dma_start3A_401 : memref<128xi32, #tpu.memory_space<vmem>>) semaphore(%arg19 : memref<!tpu.dma_semaphore, #tpu.memory_space<semaphore_mem>>) {add = true}
      %add3A_405 = arith.constant 2 : i32
      %add3A_406 = arith.addi %mul3A_372, %add3A_405 : i32
      %dma_wait3A_407 = arith.constant 0 : i32
      %dma_wait3A_408 = tpu.memref_slice %arg6[%add3A_406, %dma_wait3A_407] : memref<79x128xi32, #tpu.memory_space<vmem>> -> memref<1x128xi32, #tpu.memory_space<vmem>>
      %dma_wait3A_409 = tpu.memref_squeeze %dma_wait3A_408 : memref<1x128xi32, #tpu.memory_space<vmem>> -> memref<128xi32, #tpu.memory_space<vmem>>
      %dma_wait3A_410 = arith.constant 0 : i32
      %dma_wait3A_411 = arith.constant 0 : i32
      %dma_wait3A_412 = tpu.memref_slice %arg2[%dma_wait3A_410, %dma_wait3A_411] : memref<10000x80xf32, #tpu.memory_space<hbm>> -> memref<10000x80xf32, #tpu.memory_space<hbm>>
      tpu.wait_indirect_dma semaphore(%arg15 : memref<!tpu.dma_semaphore, #tpu.memory_space<semaphore_mem>>) src(%dma_wait3A_412 : memref<10000x80xf32, #tpu.memory_space<hbm>>) dst(%arg10 : memref<128x80xf32, #tpu.memory_space<vmem>>)
      %add3A_413 = arith.constant 2 : i32
      %add3A_414 = arith.addi %mul3A_372, %add3A_413 : i32
      %dma_start3A_415 = arith.constant 0 : i32
      %dma_start3A_416 = tpu.memref_slice %arg7[%add3A_414, %dma_start3A_415] : memref<79x128xi32, #tpu.memory_space<vmem>> -> memref<1x128xi32, #tpu.memory_space<vmem>>
      %dma_start3A_417 = tpu.memref_squeeze %dma_start3A_416 : memref<1x128xi32, #tpu.memory_space<vmem>> -> memref<128xi32, #tpu.memory_space<vmem>>
      %dma_start3A_418 = arith.constant 0 : i32
      %dma_start3A_419 = arith.constant 0 : i32
      %dma_start3A_420 = tpu.memref_slice %arg5[%dma_start3A_418, %dma_start3A_419] : memref<10240x80xf32, #tpu.memory_space<vmem_shared>> -> memref<10240x80xf32, #tpu.memory_space<vmem_shared>>
      tpu.enqueue_indirect_dma source(%arg10 : memref<128x80xf32, #tpu.memory_space<vmem>>) target(%dma_start3A_420 : memref<10240x80xf32, #tpu.memory_space<vmem_shared>>) offsets(%dma_start3A_417 : memref<128xi32, #tpu.memory_space<vmem>>) semaphore(%arg20 : memref<!tpu.dma_semaphore, #tpu.memory_space<semaphore_mem>>) {add = true}
      %add3A_421 = arith.constant 3 : i32
      %add3A_422 = arith.addi %mul3A_372, %add3A_421 : i32
      %dma_wait3A_423 = arith.constant 0 : i32
      %dma_wait3A_424 = tpu.memref_slice %arg6[%add3A_422, %dma_wait3A_423] : memref<79x128xi32, #tpu.memory_space<vmem>> -> memref<1x128xi32, #tpu.memory_space<vmem>>
      %dma_wait3A_425 = tpu.memref_squeeze %dma_wait3A_424 : memref<1x128xi32, #tpu.memory_space<vmem>> -> memref<128xi32, #tpu.memory_space<vmem>>
      %dma_wait3A_426 = arith.constant 0 : i32
      %dma_wait3A_427 = arith.constant 0 : i32
      %dma_wait3A_428 = tpu.memref_slice %arg2[%dma_wait3A_426, %dma_wait3A_427] : memref<10000x80xf32, #tpu.memory_space<hbm>> -> memref<10000x80xf32, #tpu.memory_space<hbm>>
      tpu.wait_indirect_dma semaphore(%arg16 : memref<!tpu.dma_semaphore, #tpu.memory_space<semaphore_mem>>) src(%dma_wait3A_428 : memref<10000x80xf32, #tpu.memory_space<hbm>>) dst(%arg11 : memref<128x80xf32, #tpu.memory_space<vmem>>)
      %add3A_429 = arith.constant 3 : i32
      %add3A_430 = arith.addi %mul3A_372, %add3A_429 : i32
      %dma_start3A_431 = arith.constant 0 : i32
      %dma_start3A_432 = tpu.memref_slice %arg7[%add3A_430, %dma_start3A_431] : memref<79x128xi32, #tpu.memory_space<vmem>> -> memref<1x128xi32, #tpu.memory_space<vmem>>
      %dma_start3A_433 = tpu.memref_squeeze %dma_start3A_432 : memref<1x128xi32, #tpu.memory_space<vmem>> -> memref<128xi32, #tpu.memory_space<vmem>>
      %dma_start3A_434 = arith.constant 0 : i32
      %dma_start3A_435 = arith.constant 0 : i32
      %dma_start3A_436 = tpu.memref_slice %arg5[%dma_start3A_434, %dma_start3A_435] : memref<10240x80xf32, #tpu.memory_space<vmem_shared>> -> memref<10240x80xf32, #tpu.memory_space<vmem_shared>>
      tpu.enqueue_indirect_dma source(%arg11 : memref<128x80xf32, #tpu.memory_space<vmem>>) target(%dma_start3A_436 : memref<10240x80xf32, #tpu.memory_space<vmem_shared>>) offsets(%dma_start3A_433 : memref<128xi32, #tpu.memory_space<vmem>>) semaphore(%arg21 : memref<!tpu.dma_semaphore, #tpu.memory_space<semaphore_mem>>) {add = true}
      %add3A_437 = arith.constant 4 : i32
      %add3A_438 = arith.addi %mul3A_372, %add3A_437 : i32
      %dma_wait3A_439 = arith.constant 0 : i32
      %dma_wait3A_440 = tpu.memref_slice %arg6[%add3A_438, %dma_wait3A_439] : memref<79x128xi32, #tpu.memory_space<vmem>> -> memref<1x128xi32, #tpu.memory_space<vmem>>
      %dma_wait3A_441 = tpu.memref_squeeze %dma_wait3A_440 : memref<1x128xi32, #tpu.memory_space<vmem>> -> memref<128xi32, #tpu.memory_space<vmem>>
      %dma_wait3A_442 = arith.constant 0 : i32
      %dma_wait3A_443 = arith.constant 0 : i32
      %dma_wait3A_444 = tpu.memref_slice %arg2[%dma_wait3A_442, %dma_wait3A_443] : memref<10000x80xf32, #tpu.memory_space<hbm>> -> memref<10000x80xf32, #tpu.memory_space<hbm>>
      tpu.wait_indirect_dma semaphore(%arg17 : memref<!tpu.dma_semaphore, #tpu.memory_space<semaphore_mem>>) src(%dma_wait3A_444 : memref<10000x80xf32, #tpu.memory_space<hbm>>) dst(%arg12 : memref<128x80xf32, #tpu.memory_space<vmem>>)
      %add3A_445 = arith.constant 4 : i32
      %add3A_446 = arith.addi %mul3A_372, %add3A_445 : i32
      %dma_start3A_447 = arith.constant 0 : i32
      %dma_start3A_448 = tpu.memref_slice %arg7[%add3A_446, %dma_start3A_447] : memref<79x128xi32, #tpu.memory_space<vmem>> -> memref<1x128xi32, #tpu.memory_space<vmem>>
      %dma_start3A_449 = tpu.memref_squeeze %dma_start3A_448 : memref<1x128xi32, #tpu.memory_space<vmem>> -> memref<128xi32, #tpu.memory_space<vmem>>
      %dma_start3A_450 = arith.constant 0 : i32
      %dma_start3A_451 = arith.constant 0 : i32
      %dma_start3A_452 = tpu.memref_slice %arg5[%dma_start3A_450, %dma_start3A_451] : memref<10240x80xf32, #tpu.memory_space<vmem_shared>> -> memref<10240x80xf32, #tpu.memory_space<vmem_shared>>
      tpu.enqueue_indirect_dma source(%arg12 : memref<128x80xf32, #tpu.memory_space<vmem>>) target(%dma_start3A_452 : memref<10240x80xf32, #tpu.memory_space<vmem_shared>>) offsets(%dma_start3A_449 : memref<128xi32, #tpu.memory_space<vmem>>) semaphore(%arg22 : memref<!tpu.dma_semaphore, #tpu.memory_space<semaphore_mem>>) {add = true}
      %dma_wait3A_453 = arith.constant 0 : i32
      %dma_wait3A_454 = tpu.memref_slice %arg7[%add3A_382, %dma_wait3A_453] : memref<79x128xi32, #tpu.memory_space<vmem>> -> memref<1x128xi32, #tpu.memory_space<vmem>>
      %dma_wait3A_455 = tpu.memref_squeeze %dma_wait3A_454 : memref<1x128xi32, #tpu.memory_space<vmem>> -> memref<128xi32, #tpu.memory_space<vmem>>
      %dma_wait3A_456 = arith.constant 0 : i32
      %dma_wait3A_457 = arith.constant 0 : i32
      %dma_wait3A_458 = tpu.memref_slice %arg5[%dma_wait3A_456, %dma_wait3A_457] : memref<10240x80xf32, #tpu.memory_space<vmem_shared>> -> memref<10240x80xf32, #tpu.memory_space<vmem_shared>>
      tpu.wait_indirect_dma semaphore(%arg18 : memref<!tpu.dma_semaphore, #tpu.memory_space<semaphore_mem>>) src(%arg8 : memref<128x80xf32, #tpu.memory_space<vmem>>) dst(%dma_wait3A_458 : memref<10240x80xf32, #tpu.memory_space<vmem_shared>>)
      %add3A_459 = arith.constant 5 : i32
      %add3A_460 = arith.addi %mul3A_372, %add3A_459 : i32
      %add3A_461 = arith.constant 0 : i32
      %add3A_462 = arith.addi %add3A_460, %add3A_461 : i32
      %lt3A_463 = arith.cmpi slt, %add3A_462, %sub3A_47 : i32
      %convert_element_type3A_464 = arith.extui %lt3A_463 : i1 to i32
      %cond3A_465 = arith.constant 0 : i32
      %cond3A_466 = arith.cmpi ne, %convert_element_type3A_464, %cond3A_465 : i32
      scf.if %cond3A_466 {
        %add3A_524 = arith.constant 5 : i32
        %add3A_525 = arith.addi %mul3A_372, %add3A_524 : i32
        %add3A_526 = arith.constant 0 : i32
        %add3A_527 = arith.addi %add3A_525, %add3A_526 : i32
        %dma_start3A_528 = arith.constant 0 : i32
        %dma_start3A_529 = tpu.memref_slice %arg6[%add3A_527, %dma_start3A_528] : memref<79x128xi32, #tpu.memory_space<vmem>> -> memref<1x128xi32, #tpu.memory_space<vmem>>
        %dma_start3A_530 = tpu.memref_squeeze %dma_start3A_529 : memref<1x128xi32, #tpu.memory_space<vmem>> -> memref<128xi32, #tpu.memory_space<vmem>>
        %dma_start3A_531 = arith.constant 0 : i32
        %dma_start3A_532 = arith.constant 0 : i32
        %dma_start3A_533 = tpu.memref_slice %arg2[%dma_start3A_531, %dma_start3A_532] : memref<10000x80xf32, #tpu.memory_space<hbm>> -> memref<10000x80xf32, #tpu.memory_space<hbm>>
        tpu.enqueue_indirect_dma source(%dma_start3A_533 : memref<10000x80xf32, #tpu.memory_space<hbm>>) target(%arg8 : memref<128x80xf32, #tpu.memory_space<vmem>>) offsets(%dma_start3A_530 : memref<128xi32, #tpu.memory_space<vmem>>) semaphore(%arg13 : memref<!tpu.dma_semaphore, #tpu.memory_space<semaphore_mem>>)
      } else {
      }
      %dma_wait3A_467 = arith.constant 0 : i32
      %dma_wait3A_468 = tpu.memref_slice %arg7[%add3A_398, %dma_wait3A_467] : memref<79x128xi32, #tpu.memory_space<vmem>> -> memref<1x128xi32, #tpu.memory_space<vmem>>
      %dma_wait3A_469 = tpu.memref_squeeze %dma_wait3A_468 : memref<1x128xi32, #tpu.memory_space<vmem>> -> memref<128xi32, #tpu.memory_space<vmem>>
      %dma_wait3A_470 = arith.constant 0 : i32
      %dma_wait3A_471 = arith.constant 0 : i32
      %dma_wait3A_472 = tpu.memref_slice %arg5[%dma_wait3A_470, %dma_wait3A_471] : memref<10240x80xf32, #tpu.memory_space<vmem_shared>> -> memref<10240x80xf32, #tpu.memory_space<vmem_shared>>
      tpu.wait_indirect_dma semaphore(%arg19 : memref<!tpu.dma_semaphore, #tpu.memory_space<semaphore_mem>>) src(%arg9 : memref<128x80xf32, #tpu.memory_space<vmem>>) dst(%dma_wait3A_472 : memref<10240x80xf32, #tpu.memory_space<vmem_shared>>)
      %add3A_473 = arith.constant 5 : i32
      %add3A_474 = arith.addi %mul3A_372, %add3A_473 : i32
      %add3A_475 = arith.constant 1 : i32
      %add3A_476 = arith.addi %add3A_474, %add3A_475 : i32
      %lt3A_477 = arith.cmpi slt, %add3A_476, %sub3A_47 : i32
      %convert_element_type3A_478 = arith.extui %lt3A_477 : i1 to i32
      %cond3A_479 = arith.constant 0 : i32
      %cond3A_480 = arith.cmpi ne, %convert_element_type3A_478, %cond3A_479 : i32
      scf.if %cond3A_480 {
        %add3A_524 = arith.constant 5 : i32
        %add3A_525 = arith.addi %mul3A_372, %add3A_524 : i32
        %add3A_526 = arith.constant 1 : i32
        %add3A_527 = arith.addi %add3A_525, %add3A_526 : i32
        %dma_start3A_528 = arith.constant 0 : i32
        %dma_start3A_529 = tpu.memref_slice %arg6[%add3A_527, %dma_start3A_528] : memref<79x128xi32, #tpu.memory_space<vmem>> -> memref<1x128xi32, #tpu.memory_space<vmem>>
        %dma_start3A_530 = tpu.memref_squeeze %dma_start3A_529 : memref<1x128xi32, #tpu.memory_space<vmem>> -> memref<128xi32, #tpu.memory_space<vmem>>
        %dma_start3A_531 = arith.constant 0 : i32
        %dma_start3A_532 = arith.constant 0 : i32
        %dma_start3A_533 = tpu.memref_slice %arg2[%dma_start3A_531, %dma_start3A_532] : memref<10000x80xf32, #tpu.memory_space<hbm>> -> memref<10000x80xf32, #tpu.memory_space<hbm>>
        tpu.enqueue_indirect_dma source(%dma_start3A_533 : memref<10000x80xf32, #tpu.memory_space<hbm>>) target(%arg9 : memref<128x80xf32, #tpu.memory_space<vmem>>) offsets(%dma_start3A_530 : memref<128xi32, #tpu.memory_space<vmem>>) semaphore(%arg14 : memref<!tpu.dma_semaphore, #tpu.memory_space<semaphore_mem>>)
      } else {
      }
      %dma_wait3A_481 = arith.constant 0 : i32
      %dma_wait3A_482 = tpu.memref_slice %arg7[%add3A_414, %dma_wait3A_481] : memref<79x128xi32, #tpu.memory_space<vmem>> -> memref<1x128xi32, #tpu.memory_space<vmem>>
      %dma_wait3A_483 = tpu.memref_squeeze %dma_wait3A_482 : memref<1x128xi32, #tpu.memory_space<vmem>> -> memref<128xi32, #tpu.memory_space<vmem>>
      %dma_wait3A_484 = arith.constant 0 : i32
      %dma_wait3A_485 = arith.constant 0 : i32
      %dma_wait3A_486 = tpu.memref_slice %arg5[%dma_wait3A_484, %dma_wait3A_485] : memref<10240x80xf32, #tpu.memory_space<vmem_shared>> -> memref<10240x80xf32, #tpu.memory_space<vmem_shared>>
      tpu.wait_indirect_dma semaphore(%arg20 : memref<!tpu.dma_semaphore, #tpu.memory_space<semaphore_mem>>) src(%arg10 : memref<128x80xf32, #tpu.memory_space<vmem>>) dst(%dma_wait3A_486 : memref<10240x80xf32, #tpu.memory_space<vmem_shared>>)
      %add3A_487 = arith.constant 5 : i32
      %add3A_488 = arith.addi %mul3A_372, %add3A_487 : i32
      %add3A_489 = arith.constant 2 : i32
      %add3A_490 = arith.addi %add3A_488, %add3A_489 : i32
      %lt3A_491 = arith.cmpi slt, %add3A_490, %sub3A_47 : i32
      %convert_element_type3A_492 = arith.extui %lt3A_491 : i1 to i32
      %cond3A_493 = arith.constant 0 : i32
      %cond3A_494 = arith.cmpi ne, %convert_element_type3A_492, %cond3A_493 : i32
      scf.if %cond3A_494 {
        %add3A_524 = arith.constant 5 : i32
        %add3A_525 = arith.addi %mul3A_372, %add3A_524 : i32
        %add3A_526 = arith.constant 2 : i32
        %add3A_527 = arith.addi %add3A_525, %add3A_526 : i32
        %dma_start3A_528 = arith.constant 0 : i32
        %dma_start3A_529 = tpu.memref_slice %arg6[%add3A_527, %dma_start3A_528] : memref<79x128xi32, #tpu.memory_space<vmem>> -> memref<1x128xi32, #tpu.memory_space<vmem>>
        %dma_start3A_530 = tpu.memref_squeeze %dma_start3A_529 : memref<1x128xi32, #tpu.memory_space<vmem>> -> memref<128xi32, #tpu.memory_space<vmem>>
        %dma_start3A_531 = arith.constant 0 : i32
        %dma_start3A_532 = arith.constant 0 : i32
        %dma_start3A_533 = tpu.memref_slice %arg2[%dma_start3A_531, %dma_start3A_532] : memref<10000x80xf32, #tpu.memory_space<hbm>> -> memref<10000x80xf32, #tpu.memory_space<hbm>>
        tpu.enqueue_indirect_dma source(%dma_start3A_533 : memref<10000x80xf32, #tpu.memory_space<hbm>>) target(%arg10 : memref<128x80xf32, #tpu.memory_space<vmem>>) offsets(%dma_start3A_530 : memref<128xi32, #tpu.memory_space<vmem>>) semaphore(%arg15 : memref<!tpu.dma_semaphore, #tpu.memory_space<semaphore_mem>>)
      } else {
      }
      %dma_wait3A_495 = arith.constant 0 : i32
      %dma_wait3A_496 = tpu.memref_slice %arg7[%add3A_430, %dma_wait3A_495] : memref<79x128xi32, #tpu.memory_space<vmem>> -> memref<1x128xi32, #tpu.memory_space<vmem>>
      %dma_wait3A_497 = tpu.memref_squeeze %dma_wait3A_496 : memref<1x128xi32, #tpu.memory_space<vmem>> -> memref<128xi32, #tpu.memory_space<vmem>>
      %dma_wait3A_498 = arith.constant 0 : i32
      %dma_wait3A_499 = arith.constant 0 : i32
      %dma_wait3A_500 = tpu.memref_slice %arg5[%dma_wait3A_498, %dma_wait3A_499] : memref<10240x80xf32, #tpu.memory_space<vmem_shared>> -> memref<10240x80xf32, #tpu.memory_space<vmem_shared>>
      tpu.wait_indirect_dma semaphore(%arg21 : memref<!tpu.dma_semaphore, #tpu.memory_space<semaphore_mem>>) src(%arg11 : memref<128x80xf32, #tpu.memory_space<vmem>>) dst(%dma_wait3A_500 : memref<10240x80xf32, #tpu.memory_space<vmem_shared>>)
      %add3A_501 = arith.constant 5 : i32
      %add3A_502 = arith.addi %mul3A_372, %add3A_501 : i32
      %add3A_503 = arith.constant 3 : i32
      %add3A_504 = arith.addi %add3A_502, %add3A_503 : i32
      %lt3A_505 = arith.cmpi slt, %add3A_504, %sub3A_47 : i32
      %convert_element_type3A_506 = arith.extui %lt3A_505 : i1 to i32
      %cond3A_507 = arith.constant 0 : i32
      %cond3A_508 = arith.cmpi ne, %convert_element_type3A_506, %cond3A_507 : i32
      scf.if %cond3A_508 {
        %add3A_524 = arith.constant 5 : i32
        %add3A_525 = arith.addi %mul3A_372, %add3A_524 : i32
        %add3A_526 = arith.constant 3 : i32
        %add3A_527 = arith.addi %add3A_525, %add3A_526 : i32
        %dma_start3A_528 = arith.constant 0 : i32
        %dma_start3A_529 = tpu.memref_slice %arg6[%add3A_527, %dma_start3A_528] : memref<79x128xi32, #tpu.memory_space<vmem>> -> memref<1x128xi32, #tpu.memory_space<vmem>>
        %dma_start3A_530 = tpu.memref_squeeze %dma_start3A_529 : memref<1x128xi32, #tpu.memory_space<vmem>> -> memref<128xi32, #tpu.memory_space<vmem>>
        %dma_start3A_531 = arith.constant 0 : i32
        %dma_start3A_532 = arith.constant 0 : i32
        %dma_start3A_533 = tpu.memref_slice %arg2[%dma_start3A_531, %dma_start3A_532] : memref<10000x80xf32, #tpu.memory_space<hbm>> -> memref<10000x80xf32, #tpu.memory_space<hbm>>
        tpu.enqueue_indirect_dma source(%dma_start3A_533 : memref<10000x80xf32, #tpu.memory_space<hbm>>) target(%arg11 : memref<128x80xf32, #tpu.memory_space<vmem>>) offsets(%dma_start3A_530 : memref<128xi32, #tpu.memory_space<vmem>>) semaphore(%arg16 : memref<!tpu.dma_semaphore, #tpu.memory_space<semaphore_mem>>)
      } else {
      }
      %dma_wait3A_509 = arith.constant 0 : i32
      %dma_wait3A_510 = tpu.memref_slice %arg7[%add3A_446, %dma_wait3A_509] : memref<79x128xi32, #tpu.memory_space<vmem>> -> memref<1x128xi32, #tpu.memory_space<vmem>>
      %dma_wait3A_511 = tpu.memref_squeeze %dma_wait3A_510 : memref<1x128xi32, #tpu.memory_space<vmem>> -> memref<128xi32, #tpu.memory_space<vmem>>
      %dma_wait3A_512 = arith.constant 0 : i32
      %dma_wait3A_513 = arith.constant 0 : i32
      %dma_wait3A_514 = tpu.memref_slice %arg5[%dma_wait3A_512, %dma_wait3A_513] : memref<10240x80xf32, #tpu.memory_space<vmem_shared>> -> memref<10240x80xf32, #tpu.memory_space<vmem_shared>>
      tpu.wait_indirect_dma semaphore(%arg22 : memref<!tpu.dma_semaphore, #tpu.memory_space<semaphore_mem>>) src(%arg12 : memref<128x80xf32, #tpu.memory_space<vmem>>) dst(%dma_wait3A_514 : memref<10240x80xf32, #tpu.memory_space<vmem_shared>>)
      %add3A_515 = arith.constant 5 : i32
      %add3A_516 = arith.addi %mul3A_372, %add3A_515 : i32
      %add3A_517 = arith.constant 4 : i32
      %add3A_518 = arith.addi %add3A_516, %add3A_517 : i32
      %lt3A_519 = arith.cmpi slt, %add3A_518, %sub3A_47 : i32
      %convert_element_type3A_520 = arith.extui %lt3A_519 : i1 to i32
      %cond3A_521 = arith.constant 0 : i32
      %cond3A_522 = arith.cmpi ne, %convert_element_type3A_520, %cond3A_521 : i32
      scf.if %cond3A_522 {
        %add3A_524 = arith.constant 5 : i32
        %add3A_525 = arith.addi %mul3A_372, %add3A_524 : i32
        %add3A_526 = arith.constant 4 : i32
        %add3A_527 = arith.addi %add3A_525, %add3A_526 : i32
        %dma_start3A_528 = arith.constant 0 : i32
        %dma_start3A_529 = tpu.memref_slice %arg6[%add3A_527, %dma_start3A_528] : memref<79x128xi32, #tpu.memory_space<vmem>> -> memref<1x128xi32, #tpu.memory_space<vmem>>
        %dma_start3A_530 = tpu.memref_squeeze %dma_start3A_529 : memref<1x128xi32, #tpu.memory_space<vmem>> -> memref<128xi32, #tpu.memory_space<vmem>>
        %dma_start3A_531 = arith.constant 0 : i32
        %dma_start3A_532 = arith.constant 0 : i32
        %dma_start3A_533 = tpu.memref_slice %arg2[%dma_start3A_531, %dma_start3A_532] : memref<10000x80xf32, #tpu.memory_space<hbm>> -> memref<10000x80xf32, #tpu.memory_space<hbm>>
        tpu.enqueue_indirect_dma source(%dma_start3A_533 : memref<10000x80xf32, #tpu.memory_space<hbm>>) target(%arg12 : memref<128x80xf32, #tpu.memory_space<vmem>>) offsets(%dma_start3A_530 : memref<128xi32, #tpu.memory_space<vmem>>) semaphore(%arg17 : memref<!tpu.dma_semaphore, #tpu.memory_space<semaphore_mem>>)
      } else {
      }
      %while3A_523 = arith.constant 0 : i32
      scf.yield %while3A_523 : i32
    }
    %while3A_212 = arith.constant 1 : i32
    %while3A_213 = scf.for %while3A_369 = %while3A_209 to %while3A_205 step %while3A_212 iter_args(%while3A_370 = %while3A_211) -> (i32)  : i32 {
      %mul3A_371 = arith.constant 5 : i32
      %mul3A_372 = arith.muli %mul3A_371, %while3A_369 : i32
      %add3A_373 = arith.constant 0 : i32
      %add3A_374 = arith.addi %mul3A_372, %add3A_373 : i32
      %dma_wait3A_375 = arith.constant 0 : i32
      %dma_wait3A_376 = tpu.memref_slice %arg6[%add3A_374, %dma_wait3A_375] : memref<79x128xi32, #tpu.memory_space<vmem>> -> memref<1x128xi32, #tpu.memory_space<vmem>>
      %dma_wait3A_377 = tpu.memref_squeeze %dma_wait3A_376 : memref<1x128xi32, #tpu.memory_space<vmem>> -> memref<128xi32, #tpu.memory_space<vmem>>
      %dma_wait3A_378 = arith.constant 0 : i32
      %dma_wait3A_379 = arith.constant 0 : i32
      %dma_wait3A_380 = tpu.memref_slice %arg2[%dma_wait3A_378, %dma_wait3A_379] : memref<10000x80xf32, #tpu.memory_space<hbm>> -> memref<10000x80xf32, #tpu.memory_space<hbm>>
      tpu.wait_indirect_dma semaphore(%arg13 : memref<!tpu.dma_semaphore, #tpu.memory_space<semaphore_mem>>) src(%dma_wait3A_380 : memref<10000x80xf32, #tpu.memory_space<hbm>>) dst(%arg8 : memref<128x80xf32, #tpu.memory_space<vmem>>)
      %add3A_381 = arith.constant 0 : i32
      %add3A_382 = arith.addi %mul3A_372, %add3A_381 : i32
      %dma_start3A_383 = arith.constant 0 : i32
      %dma_start3A_384 = tpu.memref_slice %arg7[%add3A_382, %dma_start3A_383] : memref<79x128xi32, #tpu.memory_space<vmem>> -> memref<1x128xi32, #tpu.memory_space<vmem>>
      %dma_start3A_385 = tpu.memref_squeeze %dma_start3A_384 : memref<1x128xi32, #tpu.memory_space<vmem>> -> memref<128xi32, #tpu.memory_space<vmem>>
      %dma_start3A_386 = arith.constant 0 : i32
      %dma_start3A_387 = arith.constant 0 : i32
      %dma_start3A_388 = tpu.memref_slice %arg5[%dma_start3A_386, %dma_start3A_387] : memref<10240x80xf32, #tpu.memory_space<vmem_shared>> -> memref<10240x80xf32, #tpu.memory_space<vmem_shared>>
      tpu.enqueue_indirect_dma source(%arg8 : memref<128x80xf32, #tpu.memory_space<vmem>>) target(%dma_start3A_388 : memref<10240x80xf32, #tpu.memory_space<vmem_shared>>) offsets(%dma_start3A_385 : memref<128xi32, #tpu.memory_space<vmem>>) semaphore(%arg18 : memref<!tpu.dma_semaphore, #tpu.memory_space<semaphore_mem>>) {add = true}
      %add3A_389 = arith.constant 1 : i32
      %add3A_390 = arith.addi %mul3A_372, %add3A_389 : i32
      %dma_wait3A_391 = arith.constant 0 : i32
      %dma_wait3A_392 = tpu.memref_slice %arg6[%add3A_390, %dma_wait3A_391] : memref<79x128xi32, #tpu.memory_space<vmem>> -> memref<1x128xi32, #tpu.memory_space<vmem>>
      %dma_wait3A_393 = tpu.memref_squeeze %dma_wait3A_392 : memref<1x128xi32, #tpu.memory_space<vmem>> -> memref<128xi32, #tpu.memory_space<vmem>>
      %dma_wait3A_394 = arith.constant 0 : i32
      %dma_wait3A_395 = arith.constant 0 : i32
      %dma_wait3A_396 = tpu.memref_slice %arg2[%dma_wait3A_394, %dma_wait3A_395] : memref<10000x80xf32, #tpu.memory_space<hbm>> -> memref<10000x80xf32, #tpu.memory_space<hbm>>
      tpu.wait_indirect_dma semaphore(%arg14 : memref<!tpu.dma_semaphore, #tpu.memory_space<semaphore_mem>>) src(%dma_wait3A_396 : memref<10000x80xf32, #tpu.memory_space<hbm>>) dst(%arg9 : memref<128x80xf32, #tpu.memory_space<vmem>>)
      %add3A_397 = arith.constant 1 : i32
      %add3A_398 = arith.addi %mul3A_372, %add3A_397 : i32
      %dma_start3A_399 = arith.constant 0 : i32
      %dma_start3A_400 = tpu.memref_slice %arg7[%add3A_398, %dma_start3A_399] : memref<79x128xi32, #tpu.memory_space<vmem>> -> memref<1x128xi32, #tpu.memory_space<vmem>>
      %dma_start3A_401 = tpu.memref_squeeze %dma_start3A_400 : memref<1x128xi32, #tpu.memory_space<vmem>> -> memref<128xi32, #tpu.memory_space<vmem>>
      %dma_start3A_402 = arith.constant 0 : i32
      %dma_start3A_403 = arith.constant 0 : i32
      %dma_start3A_404 = tpu.memref_slice %arg5[%dma_start3A_402, %dma_start3A_403] : memref<10240x80xf32, #tpu.memory_space<vmem_shared>> -> memref<10240x80xf32, #tpu.memory_space<vmem_shared>>
      tpu.enqueue_indirect_dma source(%arg9 : memref<128x80xf32, #tpu.memory_space<vmem>>) target(%dma_start3A_404 : memref<10240x80xf32, #tpu.memory_space<vmem_shared>>) offsets(%dma_start3A_401 : memref<128xi32, #tpu.memory_space<vmem>>) semaphore(%arg19 : memref<!tpu.dma_semaphore, #tpu.memory_space<semaphore_mem>>) {add = true}
      %add3A_405 = arith.constant 2 : i32
      %add3A_406 = arith.addi %mul3A_372, %add3A_405 : i32
      %dma_wait3A_407 = arith.constant 0 : i32
      %dma_wait3A_408 = tpu.memref_slice %arg6[%add3A_406, %dma_wait3A_407] : memref<79x128xi32, #tpu.memory_space<vmem>> -> memref<1x128xi32, #tpu.memory_space<vmem>>
      %dma_wait3A_409 = tpu.memref_squeeze %dma_wait3A_408 : memref<1x128xi32, #tpu.memory_space<vmem>> -> memref<128xi32, #tpu.memory_space<vmem>>
      %dma_wait3A_410 = arith.constant 0 : i32
      %dma_wait3A_411 = arith.constant 0 : i32
      %dma_wait3A_412 = tpu.memref_slice %arg2[%dma_wait3A_410, %dma_wait3A_411] : memref<10000x80xf32, #tpu.memory_space<hbm>> -> memref<10000x80xf32, #tpu.memory_space<hbm>>
      tpu.wait_indirect_dma semaphore(%arg15 : memref<!tpu.dma_semaphore, #tpu.memory_space<semaphore_mem>>) src(%dma_wait3A_412 : memref<10000x80xf32, #tpu.memory_space<hbm>>) dst(%arg10 : memref<128x80xf32, #tpu.memory_space<vmem>>)
      %add3A_413 = arith.constant 2 : i32
      %add3A_414 = arith.addi %mul3A_372, %add3A_413 : i32
      %dma_start3A_415 = arith.constant 0 : i32
      %dma_start3A_416 = tpu.memref_slice %arg7[%add3A_414, %dma_start3A_415] : memref<79x128xi32, #tpu.memory_space<vmem>> -> memref<1x128xi32, #tpu.memory_space<vmem>>
      %dma_start3A_417 = tpu.memref_squeeze %dma_start3A_416 : memref<1x128xi32, #tpu.memory_space<vmem>> -> memref<128xi32, #tpu.memory_space<vmem>>
      %dma_start3A_418 = arith.constant 0 : i32
      %dma_start3A_419 = arith.constant 0 : i32
      %dma_start3A_420 = tpu.memref_slice %arg5[%dma_start3A_418, %dma_start3A_419] : memref<10240x80xf32, #tpu.memory_space<vmem_shared>> -> memref<10240x80xf32, #tpu.memory_space<vmem_shared>>
      tpu.enqueue_indirect_dma source(%arg10 : memref<128x80xf32, #tpu.memory_space<vmem>>) target(%dma_start3A_420 : memref<10240x80xf32, #tpu.memory_space<vmem_shared>>) offsets(%dma_start3A_417 : memref<128xi32, #tpu.memory_space<vmem>>) semaphore(%arg20 : memref<!tpu.dma_semaphore, #tpu.memory_space<semaphore_mem>>) {add = true}
      %add3A_421 = arith.constant 3 : i32
      %add3A_422 = arith.addi %mul3A_372, %add3A_421 : i32
      %dma_wait3A_423 = arith.constant 0 : i32
      %dma_wait3A_424 = tpu.memref_slice %arg6[%add3A_422, %dma_wait3A_423] : memref<79x128xi32, #tpu.memory_space<vmem>> -> memref<1x128xi32, #tpu.memory_space<vmem>>
      %dma_wait3A_425 = tpu.memref_squeeze %dma_wait3A_424 : memref<1x128xi32, #tpu.memory_space<vmem>> -> memref<128xi32, #tpu.memory_space<vmem>>
      %dma_wait3A_426 = arith.constant 0 : i32
      %dma_wait3A_427 = arith.constant 0 : i32
      %dma_wait3A_428 = tpu.memref_slice %arg2[%dma_wait3A_426, %dma_wait3A_427] : memref<10000x80xf32, #tpu.memory_space<hbm>> -> memref<10000x80xf32, #tpu.memory_space<hbm>>
      tpu.wait_indirect_dma semaphore(%arg16 : memref<!tpu.dma_semaphore, #tpu.memory_space<semaphore_mem>>) src(%dma_wait3A_428 : memref<10000x80xf32, #tpu.memory_space<hbm>>) dst(%arg11 : memref<128x80xf32, #tpu.memory_space<vmem>>)
      %add3A_429 = arith.constant 3 : i32
      %add3A_430 = arith.addi %mul3A_372, %add3A_429 : i32
      %dma_start3A_431 = arith.constant 0 : i32
      %dma_start3A_432 = tpu.memref_slice %arg7[%add3A_430, %dma_start3A_431] : memref<79x128xi32, #tpu.memory_space<vmem>> -> memref<1x128xi32, #tpu.memory_space<vmem>>
      %dma_start3A_433 = tpu.memref_squeeze %dma_start3A_432 : memref<1x128xi32, #tpu.memory_space<vmem>> -> memref<128xi32, #tpu.memory_space<vmem>>
      %dma_start3A_434 = arith.constant 0 : i32
      %dma_start3A_435 = arith.constant 0 : i32
      %dma_start3A_436 = tpu.memref_slice %arg5[%dma_start3A_434, %dma_start3A_435] : memref<10240x80xf32, #tpu.memory_space<vmem_shared>> -> memref<10240x80xf32, #tpu.memory_space<vmem_shared>>
      tpu.enqueue_indirect_dma source(%arg11 : memref<128x80xf32, #tpu.memory_space<vmem>>) target(%dma_start3A_436 : memref<10240x80xf32, #tpu.memory_space<vmem_shared>>) offsets(%dma_start3A_433 : memref<128xi32, #tpu.memory_space<vmem>>) semaphore(%arg21 : memref<!tpu.dma_semaphore, #tpu.memory_space<semaphore_mem>>) {add = true}
      %add3A_437 = arith.constant 4 : i32
      %add3A_438 = arith.addi %mul3A_372, %add3A_437 : i32
      %dma_wait3A_439 = arith.constant 0 : i32
      %dma_wait3A_440 = tpu.memref_slice %arg6[%add3A_438, %dma_wait3A_439] : memref<79x128xi32, #tpu.memory_space<vmem>> -> memref<1x128xi32, #tpu.memory_space<vmem>>
      %dma_wait3A_441 = tpu.memref_squeeze %dma_wait3A_440 : memref<1x128xi32, #tpu.memory_space<vmem>> -> memref<128xi32, #tpu.memory_space<vmem>>
      %dma_wait3A_442 = arith.constant 0 : i32
      %dma_wait3A_443 = arith.constant 0 : i32
      %dma_wait3A_444 = tpu.memref_slice %arg2[%dma_wait3A_442, %dma_wait3A_443] : memref<10000x80xf32, #tpu.memory_space<hbm>> -> memref<10000x80xf32, #tpu.memory_space<hbm>>
      tpu.wait_indirect_dma semaphore(%arg17 : memref<!tpu.dma_semaphore, #tpu.memory_space<semaphore_mem>>) src(%dma_wait3A_444 : memref<10000x80xf32, #tpu.memory_space<hbm>>) dst(%arg12 : memref<128x80xf32, #tpu.memory_space<vmem>>)
      %add3A_445 = arith.constant 4 : i32
      %add3A_446 = arith.addi %mul3A_372, %add3A_445 : i32
      %dma_start3A_447 = arith.constant 0 : i32
      %dma_start3A_448 = tpu.memref_slice %arg7[%add3A_446, %dma_start3A_447] : memref<79x128xi32, #tpu.memory_space<vmem>> -> memref<1x128xi32, #tpu.memory_space<vmem>>
      %dma_start3A_449 = tpu.memref_squeeze %dma_start3A_448 : memref<1x128xi32, #tpu.memory_space<vmem>> -> memref<128xi32, #tpu.memory_space<vmem>>
      %dma_start3A_450 = arith.constant 0 : i32
      %dma_start3A_451 = arith.constant 0 : i32
      %dma_start3A_452 = tpu.memref_slice %arg5[%dma_start3A_450, %dma_start3A_451] : memref<10240x80xf32, #tpu.memory_space<vmem_shared>> -> memref<10240x80xf32, #tpu.memory_space<vmem_shared>>
      tpu.enqueue_indirect_dma source(%arg12 : memref<128x80xf32, #tpu.memory_space<vmem>>) target(%dma_start3A_452 : memref<10240x80xf32, #tpu.memory_space<vmem_shared>>) offsets(%dma_start3A_449 : memref<128xi32, #tpu.memory_space<vmem>>) semaphore(%arg22 : memref<!tpu.dma_semaphore, #tpu.memory_space<semaphore_mem>>) {add = true}
      %dma_wait3A_453 = arith.constant 0 : i32
      %dma_wait3A_454 = tpu.memref_slice %arg7[%add3A_382, %dma_wait3A_453] : memref<79x128xi32, #tpu.memory_space<vmem>> -> memref<1x128xi32, #tpu.memory_space<vmem>>
      %dma_wait3A_455 = tpu.memref_squeeze %dma_wait3A_454 : memref<1x128xi32, #tpu.memory_space<vmem>> -> memref<128xi32, #tpu.memory_space<vmem>>
      %dma_wait3A_456 = arith.constant 0 : i32
      %dma_wait3A_457 = arith.constant 0 : i32
      %dma_wait3A_458 = tpu.memref_slice %arg5[%dma_wait3A_456, %dma_wait3A_457] : memref<10240x80xf32, #tpu.memory_space<vmem_shared>> -> memref<10240x80xf32, #tpu.memory_space<vmem_shared>>
      tpu.wait_indirect_dma semaphore(%arg18 : memref<!tpu.dma_semaphore, #tpu.memory_space<semaphore_mem>>) src(%arg8 : memref<128x80xf32, #tpu.memory_space<vmem>>) dst(%dma_wait3A_458 : memref<10240x80xf32, #tpu.memory_space<vmem_shared>>)
      %add3A_459 = arith.constant 5 : i32
      %add3A_460 = arith.addi %mul3A_372, %add3A_459 : i32
      %add3A_461 = arith.constant 0 : i32
      %add3A_462 = arith.addi %add3A_460, %add3A_461 : i32
      %lt3A_463 = arith.cmpi slt, %add3A_462, %sub3A_47 : i32
      %convert_element_type3A_464 = arith.extui %lt3A_463 : i1 to i32
      %cond3A_465 = arith.constant 0 : i32
      %cond3A_466 = arith.cmpi ne, %convert_element_type3A_464, %cond3A_465 : i32
      scf.if %cond3A_466 {
        %add3A_524 = arith.constant 5 : i32
        %add3A_525 = arith.addi %mul3A_372, %add3A_524 : i32
        %add3A_526 = arith.constant 0 : i32
        %add3A_527 = arith.addi %add3A_525, %add3A_526 : i32
        %dma_start3A_528 = arith.constant 0 : i32
        %dma_start3A_529 = tpu.memref_slice %arg6[%add3A_527, %dma_start3A_528] : memref<79x128xi32, #tpu.memory_space<vmem>> -> memref<1x128xi32, #tpu.memory_space<vmem>>
        %dma_start3A_530 = tpu.memref_squeeze %dma_start3A_529 : memref<1x128xi32, #tpu.memory_space<vmem>> -> memref<128xi32, #tpu.memory_space<vmem>>
        %dma_start3A_531 = arith.constant 0 : i32
        %dma_start3A_532 = arith.constant 0 : i32
        %dma_start3A_533 = tpu.memref_slice %arg2[%dma_start3A_531, %dma_start3A_532] : memref<10000x80xf32, #tpu.memory_space<hbm>> -> memref<10000x80xf32, #tpu.memory_space<hbm>>
        tpu.enqueue_indirect_dma source(%dma_start3A_533 : memref<10000x80xf32, #tpu.memory_space<hbm>>) target(%arg8 : memref<128x80xf32, #tpu.memory_space<vmem>>) offsets(%dma_start3A_530 : memref<128xi32, #tpu.memory_space<vmem>>) semaphore(%arg13 : memref<!tpu.dma_semaphore, #tpu.memory_space<semaphore_mem>>)
      } else {
      }
      %dma_wait3A_467 = arith.constant 0 : i32
      %dma_wait3A_468 = tpu.memref_slice %arg7[%add3A_398, %dma_wait3A_467] : memref<79x128xi32, #tpu.memory_space<vmem>> -> memref<1x128xi32, #tpu.memory_space<vmem>>
      %dma_wait3A_469 = tpu.memref_squeeze %dma_wait3A_468 : memref<1x128xi32, #tpu.memory_space<vmem>> -> memref<128xi32, #tpu.memory_space<vmem>>
      %dma_wait3A_470 = arith.constant 0 : i32
      %dma_wait3A_471 = arith.constant 0 : i32
      %dma_wait3A_472 = tpu.memref_slice %arg5[%dma_wait3A_470, %dma_wait3A_471] : memref<10240x80xf32, #tpu.memory_space<vmem_shared>> -> memref<10240x80xf32, #tpu.memory_space<vmem_shared>>
      tpu.wait_indirect_dma semaphore(%arg19 : memref<!tpu.dma_semaphore, #tpu.memory_space<semaphore_mem>>) src(%arg9 : memref<128x80xf32, #tpu.memory_space<vmem>>) dst(%dma_wait3A_472 : memref<10240x80xf32, #tpu.memory_space<vmem_shared>>)
      %add3A_473 = arith.constant 5 : i32
      %add3A_474 = arith.addi %mul3A_372, %add3A_473 : i32
      %add3A_475 = arith.constant 1 : i32
      %add3A_476 = arith.addi %add3A_474, %add3A_475 : i32
      %lt3A_477 = arith.cmpi slt, %add3A_476, %sub3A_47 : i32
      %convert_element_type3A_478 = arith.extui %lt3A_477 : i1 to i32
      %cond3A_479 = arith.constant 0 : i32
      %cond3A_480 = arith.cmpi ne, %convert_element_type3A_478, %cond3A_479 : i32
      scf.if %cond3A_480 {
        %add3A_524 = arith.constant 5 : i32
        %add3A_525 = arith.addi %mul3A_372, %add3A_524 : i32
        %add3A_526 = arith.constant 1 : i32
        %add3A_527 = arith.addi %add3A_525, %add3A_526 : i32
        %dma_start3A_528 = arith.constant 0 : i32
        %dma_start3A_529 = tpu.memref_slice %arg6[%add3A_527, %dma_start3A_528] : memref<79x128xi32, #tpu.memory_space<vmem>> -> memref<1x128xi32, #tpu.memory_space<vmem>>
        %dma_start3A_530 = tpu.memref_squeeze %dma_start3A_529 : memref<1x128xi32, #tpu.memory_space<vmem>> -> memref<128xi32, #tpu.memory_space<vmem>>
        %dma_start3A_531 = arith.constant 0 : i32
        %dma_start3A_532 = arith.constant 0 : i32
        %dma_start3A_533 = tpu.memref_slice %arg2[%dma_start3A_531, %dma_start3A_532] : memref<10000x80xf32, #tpu.memory_space<hbm>> -> memref<10000x80xf32, #tpu.memory_space<hbm>>
        tpu.enqueue_indirect_dma source(%dma_start3A_533 : memref<10000x80xf32, #tpu.memory_space<hbm>>) target(%arg9 : memref<128x80xf32, #tpu.memory_space<vmem>>) offsets(%dma_start3A_530 : memref<128xi32, #tpu.memory_space<vmem>>) semaphore(%arg14 : memref<!tpu.dma_semaphore, #tpu.memory_space<semaphore_mem>>)
      } else {
      }
      %dma_wait3A_481 = arith.constant 0 : i32
      %dma_wait3A_482 = tpu.memref_slice %arg7[%add3A_414, %dma_wait3A_481] : memref<79x128xi32, #tpu.memory_space<vmem>> -> memref<1x128xi32, #tpu.memory_space<vmem>>
      %dma_wait3A_483 = tpu.memref_squeeze %dma_wait3A_482 : memref<1x128xi32, #tpu.memory_space<vmem>> -> memref<128xi32, #tpu.memory_space<vmem>>
      %dma_wait3A_484 = arith.constant 0 : i32
      %dma_wait3A_485 = arith.constant 0 : i32
      %dma_wait3A_486 = tpu.memref_slice %arg5[%dma_wait3A_484, %dma_wait3A_485] : memref<10240x80xf32, #tpu.memory_space<vmem_shared>> -> memref<10240x80xf32, #tpu.memory_space<vmem_shared>>
      tpu.wait_indirect_dma semaphore(%arg20 : memref<!tpu.dma_semaphore, #tpu.memory_space<semaphore_mem>>) src(%arg10 : memref<128x80xf32, #tpu.memory_space<vmem>>) dst(%dma_wait3A_486 : memref<10240x80xf32, #tpu.memory_space<vmem_shared>>)
      %add3A_487 = arith.constant 5 : i32
      %add3A_488 = arith.addi %mul3A_372, %add3A_487 : i32
      %add3A_489 = arith.constant 2 : i32
      %add3A_490 = arith.addi %add3A_488, %add3A_489 : i32
      %lt3A_491 = arith.cmpi slt, %add3A_490, %sub3A_47 : i32
      %convert_element_type3A_492 = arith.extui %lt3A_491 : i1 to i32
      %cond3A_493 = arith.constant 0 : i32
      %cond3A_494 = arith.cmpi ne, %convert_element_type3A_492, %cond3A_493 : i32
      scf.if %cond3A_494 {
        %add3A_524 = arith.constant 5 : i32
        %add3A_525 = arith.addi %mul3A_372, %add3A_524 : i32
        %add3A_526 = arith.constant 2 : i32
        %add3A_527 = arith.addi %add3A_525, %add3A_526 : i32
        %dma_start3A_528 = arith.constant 0 : i32
        %dma_start3A_529 = tpu.memref_slice %arg6[%add3A_527, %dma_start3A_528] : memref<79x128xi32, #tpu.memory_space<vmem>> -> memref<1x128xi32, #tpu.memory_space<vmem>>
        %dma_start3A_530 = tpu.memref_squeeze %dma_start3A_529 : memref<1x128xi32, #tpu.memory_space<vmem>> -> memref<128xi32, #tpu.memory_space<vmem>>
        %dma_start3A_531 = arith.constant 0 : i32
        %dma_start3A_532 = arith.constant 0 : i32
        %dma_start3A_533 = tpu.memref_slice %arg2[%dma_start3A_531, %dma_start3A_532] : memref<10000x80xf32, #tpu.memory_space<hbm>> -> memref<10000x80xf32, #tpu.memory_space<hbm>>
        tpu.enqueue_indirect_dma source(%dma_start3A_533 : memref<10000x80xf32, #tpu.memory_space<hbm>>) target(%arg10 : memref<128x80xf32, #tpu.memory_space<vmem>>) offsets(%dma_start3A_530 : memref<128xi32, #tpu.memory_space<vmem>>) semaphore(%arg15 : memref<!tpu.dma_semaphore, #tpu.memory_space<semaphore_mem>>)
      } else {
      }
      %dma_wait3A_495 = arith.constant 0 : i32
      %dma_wait3A_496 = tpu.memref_slice %arg7[%add3A_430, %dma_wait3A_495] : memref<79x128xi32, #tpu.memory_space<vmem>> -> memref<1x128xi32, #tpu.memory_space<vmem>>
      %dma_wait3A_497 = tpu.memref_squeeze %dma_wait3A_496 : memref<1x128xi32, #tpu.memory_space<vmem>> -> memref<128xi32, #tpu.memory_space<vmem>>
      %dma_wait3A_498 = arith.constant 0 : i32
      %dma_wait3A_499 = arith.constant 0 : i32
      %dma_wait3A_500 = tpu.memref_slice %arg5[%dma_wait3A_498, %dma_wait3A_499] : memref<10240x80xf32, #tpu.memory_space<vmem_shared>> -> memref<10240x80xf32, #tpu.memory_space<vmem_shared>>
      tpu.wait_indirect_dma semaphore(%arg21 : memref<!tpu.dma_semaphore, #tpu.memory_space<semaphore_mem>>) src(%arg11 : memref<128x80xf32, #tpu.memory_space<vmem>>) dst(%dma_wait3A_500 : memref<10240x80xf32, #tpu.memory_space<vmem_shared>>)
      %add3A_501 = arith.constant 5 : i32
      %add3A_502 = arith.addi %mul3A_372, %add3A_501 : i32
      %add3A_503 = arith.constant 3 : i32
      %add3A_504 = arith.addi %add3A_502, %add3A_503 : i32
      %lt3A_505 = arith.cmpi slt, %add3A_504, %sub3A_47 : i32
      %convert_element_type3A_506 = arith.extui %lt3A_505 : i1 to i32
      %cond3A_507 = arith.constant 0 : i32
      %cond3A_508 = arith.cmpi ne, %convert_element_type3A_506, %cond3A_507 : i32
      scf.if %cond3A_508 {
        %add3A_524 = arith.constant 5 : i32
        %add3A_525 = arith.addi %mul3A_372, %add3A_524 : i32
        %add3A_526 = arith.constant 3 : i32
        %add3A_527 = arith.addi %add3A_525, %add3A_526 : i32
        %dma_start3A_528 = arith.constant 0 : i32
        %dma_start3A_529 = tpu.memref_slice %arg6[%add3A_527, %dma_start3A_528] : memref<79x128xi32, #tpu.memory_space<vmem>> -> memref<1x128xi32, #tpu.memory_space<vmem>>
        %dma_start3A_530 = tpu.memref_squeeze %dma_start3A_529 : memref<1x128xi32, #tpu.memory_space<vmem>> -> memref<128xi32, #tpu.memory_space<vmem>>
        %dma_start3A_531 = arith.constant 0 : i32
        %dma_start3A_532 = arith.constant 0 : i32
        %dma_start3A_533 = tpu.memref_slice %arg2[%dma_start3A_531, %dma_start3A_532] : memref<10000x80xf32, #tpu.memory_space<hbm>> -> memref<10000x80xf32, #tpu.memory_space<hbm>>
        tpu.enqueue_indirect_dma source(%dma_start3A_533 : memref<10000x80xf32, #tpu.memory_space<hbm>>) target(%arg11 : memref<128x80xf32, #tpu.memory_space<vmem>>) offsets(%dma_start3A_530 : memref<128xi32, #tpu.memory_space<vmem>>) semaphore(%arg16 : memref<!tpu.dma_semaphore, #tpu.memory_space<semaphore_mem>>)
      } else {
      }
      %dma_wait3A_509 = arith.constant 0 : i32
      %dma_wait3A_510 = tpu.memref_slice %arg7[%add3A_446, %dma_wait3A_509] : memref<79x128xi32, #tpu.memory_space<vmem>> -> memref<1x128xi32, #tpu.memory_space<vmem>>
      %dma_wait3A_511 = tpu.memref_squeeze %dma_wait3A_510 : memref<1x128xi32, #tpu.memory_space<vmem>> -> memref<128xi32, #tpu.memory_space<vmem>>
      %dma_wait3A_512 = arith.constant 0 : i32
      %dma_wait3A_513 = arith.constant 0 : i32
      %dma_wait3A_514 = tpu.memref_slice %arg5[%dma_wait3A_512, %dma_wait3A_513] : memref<10240x80xf32, #tpu.memory_space<vmem_shared>> -> memref<10240x80xf32, #tpu.memory_space<vmem_shared>>
      tpu.wait_indirect_dma semaphore(%arg22 : memref<!tpu.dma_semaphore, #tpu.memory_space<semaphore_mem>>) src(%arg12 : memref<128x80xf32, #tpu.memory_space<vmem>>) dst(%dma_wait3A_514 : memref<10240x80xf32, #tpu.memory_space<vmem_shared>>)
      %add3A_515 = arith.constant 5 : i32
      %add3A_516 = arith.addi %mul3A_372, %add3A_515 : i32
      %add3A_517 = arith.constant 4 : i32
      %add3A_518 = arith.addi %add3A_516, %add3A_517 : i32
      %lt3A_519 = arith.cmpi slt, %add3A_518, %sub3A_47 : i32
      %convert_element_type3A_520 = arith.extui %lt3A_519 : i1 to i32
      %cond3A_521 = arith.constant 0 : i32
      %cond3A_522 = arith.cmpi ne, %convert_element_type3A_520, %cond3A_521 : i32
      scf.if %cond3A_522 {
        %add3A_524 = arith.constant 5 : i32
        %add3A_525 = arith.addi %mul3A_372, %add3A_524 : i32
        %add3A_526 = arith.constant 4 : i32
        %add3A_527 = arith.addi %add3A_525, %add3A_526 : i32
        %dma_start3A_528 = arith.constant 0 : i32
        %dma_start3A_529 = tpu.memref_slice %arg6[%add3A_527, %dma_start3A_528] : memref<79x128xi32, #tpu.memory_space<vmem>> -> memref<1x128xi32, #tpu.memory_space<vmem>>
        %dma_start3A_530 = tpu.memref_squeeze %dma_start3A_529 : memref<1x128xi32, #tpu.memory_space<vmem>> -> memref<128xi32, #tpu.memory_space<vmem>>
        %dma_start3A_531 = arith.constant 0 : i32
        %dma_start3A_532 = arith.constant 0 : i32
        %dma_start3A_533 = tpu.memref_slice %arg2[%dma_start3A_531, %dma_start3A_532] : memref<10000x80xf32, #tpu.memory_space<hbm>> -> memref<10000x80xf32, #tpu.memory_space<hbm>>
        tpu.enqueue_indirect_dma source(%dma_start3A_533 : memref<10000x80xf32, #tpu.memory_space<hbm>>) target(%arg12 : memref<128x80xf32, #tpu.memory_space<vmem>>) offsets(%dma_start3A_530 : memref<128xi32, #tpu.memory_space<vmem>>) semaphore(%arg17 : memref<!tpu.dma_semaphore, #tpu.memory_space<semaphore_mem>>)
      } else {
      }
      %while3A_523 = arith.constant 0 : i32
      scf.yield %while3A_523 : i32
    }
    %mul3A_214 = arith.constant 5 : i32
    %mul3A_215 = arith.muli %select_n3A_202, %mul3A_214 : i32
    %add3A_216 = arith.constant 0 : i32
    %add3A_217 = arith.addi %mul3A_215, %add3A_216 : i32
    %lt3A = arith.cmpi slt, %add3A_217, %sub3A_47 : i32
    %convert_element_type3A = arith.extui %lt3A : i1 to i32
    %cond3A = arith.constant 0 : i32
    %cond3A_218 = arith.cmpi ne, %convert_element_type3A, %cond3A : i32
    scf.if %cond3A_218 {
      %add3A_369 = arith.constant 0 : i32
      %add3A_370 = arith.addi %mul3A_215, %add3A_369 : i32
      %dma_wait3A_371 = arith.constant 0 : i32
      %dma_wait3A_372 = tpu.memref_slice %arg6[%add3A_370, %dma_wait3A_371] : memref<79x128xi32, #tpu.memory_space<vmem>> -> memref<1x128xi32, #tpu.memory_space<vmem>>
      %dma_wait3A_373 = tpu.memref_squeeze %dma_wait3A_372 : memref<1x128xi32, #tpu.memory_space<vmem>> -> memref<128xi32, #tpu.memory_space<vmem>>
      %dma_wait3A_374 = arith.constant 0 : i32
      %dma_wait3A_375 = arith.constant 0 : i32
      %dma_wait3A_376 = tpu.memref_slice %arg2[%dma_wait3A_374, %dma_wait3A_375] : memref<10000x80xf32, #tpu.memory_space<hbm>> -> memref<10000x80xf32, #tpu.memory_space<hbm>>
      tpu.wait_indirect_dma semaphore(%arg13 : memref<!tpu.dma_semaphore, #tpu.memory_space<semaphore_mem>>) src(%dma_wait3A_376 : memref<10000x80xf32, #tpu.memory_space<hbm>>) dst(%arg8 : memref<128x80xf32, #tpu.memory_space<vmem>>)
      %add3A_377 = arith.constant 0 : i32
      %add3A_378 = arith.addi %mul3A_215, %add3A_377 : i32
      "tpu.region"() ({
        %run_scoped3A = tpu.sem_alloc : memref<!tpu.dma_semaphore, #tpu.memory_space<semaphore_mem>>
        %dma_start3A_379 = arith.constant 0 : i32
        %dma_start3A_380 = tpu.memref_slice %arg7[%add3A_378, %dma_start3A_379] : memref<79x128xi32, #tpu.memory_space<vmem>> -> memref<1x128xi32, #tpu.memory_space<vmem>>
        %dma_start3A_381 = tpu.memref_squeeze %dma_start3A_380 : memref<1x128xi32, #tpu.memory_space<vmem>> -> memref<128xi32, #tpu.memory_space<vmem>>
        %dma_start3A_382 = arith.constant 0 : i32
        %dma_start3A_383 = arith.constant 0 : i32
        %dma_start3A_384 = tpu.memref_slice %arg5[%dma_start3A_382, %dma_start3A_383] : memref<10240x80xf32, #tpu.memory_space<vmem_shared>> -> memref<10240x80xf32, #tpu.memory_space<vmem_shared>>
        tpu.enqueue_indirect_dma source(%arg8 : memref<128x80xf32, #tpu.memory_space<vmem>>) target(%dma_start3A_384 : memref<10240x80xf32, #tpu.memory_space<vmem_shared>>) offsets(%dma_start3A_381 : memref<128xi32, #tpu.memory_space<vmem>>) semaphore(%run_scoped3A : memref<!tpu.dma_semaphore, #tpu.memory_space<semaphore_mem>>) {add = true}
        %dma_wait3A_385 = arith.constant 0 : i32
        %dma_wait3A_386 = tpu.memref_slice %arg7[%add3A_378, %dma_wait3A_385] : memref<79x128xi32, #tpu.memory_space<vmem>> -> memref<1x128xi32, #tpu.memory_space<vmem>>
        %dma_wait3A_387 = tpu.memref_squeeze %dma_wait3A_386 : memref<1x128xi32, #tpu.memory_space<vmem>> -> memref<128xi32, #tpu.memory_space<vmem>>
        %dma_wait3A_388 = arith.constant 0 : i32
        %dma_wait3A_389 = arith.constant 0 : i32
        %dma_wait3A_390 = tpu.memref_slice %arg5[%dma_wait3A_388, %dma_wait3A_389] : memref<10240x80xf32, #tpu.memory_space<vmem_shared>> -> memref<10240x80xf32, #tpu.memory_space<vmem_shared>>
        tpu.wait_indirect_dma semaphore(%run_scoped3A : memref<!tpu.dma_semaphore, #tpu.memory_space<semaphore_mem>>) src(%arg8 : memref<128x80xf32, #tpu.memory_space<vmem>>) dst(%dma_wait3A_390 : memref<10240x80xf32, #tpu.memory_space<vmem_shared>>)
        tpu.yield
      }) : () -> ()
    } else {
    }
    %add3A_219 = arith.constant 1 : i32
    %add3A_220 = arith.addi %mul3A_215, %add3A_219 : i32
    %lt3A_221 = arith.cmpi slt, %add3A_220, %sub3A_47 : i32
    %convert_element_type3A_222 = arith.extui %lt3A_221 : i1 to i32
    %cond3A_223 = arith.constant 0 : i32
    %cond3A_224 = arith.cmpi ne, %convert_element_type3A_222, %cond3A_223 : i32
    scf.if %cond3A_224 {
      %add3A_369 = arith.constant 1 : i32
      %add3A_370 = arith.addi %mul3A_215, %add3A_369 : i32
      %dma_wait3A_371 = arith.constant 0 : i32
      %dma_wait3A_372 = tpu.memref_slice %arg6[%add3A_370, %dma_wait3A_371] : memref<79x128xi32, #tpu.memory_space<vmem>> -> memref<1x128xi32, #tpu.memory_space<vmem>>
      %dma_wait3A_373 = tpu.memref_squeeze %dma_wait3A_372 : memref<1x128xi32, #tpu.memory_space<vmem>> -> memref<128xi32, #tpu.memory_space<vmem>>
      %dma_wait3A_374 = arith.constant 0 : i32
      %dma_wait3A_375 = arith.constant 0 : i32
      %dma_wait3A_376 = tpu.memref_slice %arg2[%dma_wait3A_374, %dma_wait3A_375] : memref<10000x80xf32, #tpu.memory_space<hbm>> -> memref<10000x80xf32, #tpu.memory_space<hbm>>
      tpu.wait_indirect_dma semaphore(%arg14 : memref<!tpu.dma_semaphore, #tpu.memory_space<semaphore_mem>>) src(%dma_wait3A_376 : memref<10000x80xf32, #tpu.memory_space<hbm>>) dst(%arg9 : memref<128x80xf32, #tpu.memory_space<vmem>>)
      %add3A_377 = arith.constant 1 : i32
      %add3A_378 = arith.addi %mul3A_215, %add3A_377 : i32
      "tpu.region"() ({
        %run_scoped3A = tpu.sem_alloc : memref<!tpu.dma_semaphore, #tpu.memory_space<semaphore_mem>>
        %dma_start3A_379 = arith.constant 0 : i32
        %dma_start3A_380 = tpu.memref_slice %arg7[%add3A_378, %dma_start3A_379] : memref<79x128xi32, #tpu.memory_space<vmem>> -> memref<1x128xi32, #tpu.memory_space<vmem>>
        %dma_start3A_381 = tpu.memref_squeeze %dma_start3A_380 : memref<1x128xi32, #tpu.memory_space<vmem>> -> memref<128xi32, #tpu.memory_space<vmem>>
        %dma_start3A_382 = arith.constant 0 : i32
        %dma_start3A_383 = arith.constant 0 : i32
        %dma_start3A_384 = tpu.memref_slice %arg5[%dma_start3A_382, %dma_start3A_383] : memref<10240x80xf32, #tpu.memory_space<vmem_shared>> -> memref<10240x80xf32, #tpu.memory_space<vmem_shared>>
        tpu.enqueue_indirect_dma source(%arg9 : memref<128x80xf32, #tpu.memory_space<vmem>>) target(%dma_start3A_384 : memref<10240x80xf32, #tpu.memory_space<vmem_shared>>) offsets(%dma_start3A_381 : memref<128xi32, #tpu.memory_space<vmem>>) semaphore(%run_scoped3A : memref<!tpu.dma_semaphore, #tpu.memory_space<semaphore_mem>>) {add = true}
        %dma_wait3A_385 = arith.constant 0 : i32
        %dma_wait3A_386 = tpu.memref_slice %arg7[%add3A_378, %dma_wait3A_385] : memref<79x128xi32, #tpu.memory_space<vmem>> -> memref<1x128xi32, #tpu.memory_space<vmem>>
        %dma_wait3A_387 = tpu.memref_squeeze %dma_wait3A_386 : memref<1x128xi32, #tpu.memory_space<vmem>> -> memref<128xi32, #tpu.memory_space<vmem>>
        %dma_wait3A_388 = arith.constant 0 : i32
        %dma_wait3A_389 = arith.constant 0 : i32
        %dma_wait3A_390 = tpu.memref_slice %arg5[%dma_wait3A_388, %dma_wait3A_389] : memref<10240x80xf32, #tpu.memory_space<vmem_shared>> -> memref<10240x80xf32, #tpu.memory_space<vmem_shared>>
        tpu.wait_indirect_dma semaphore(%run_scoped3A : memref<!tpu.dma_semaphore, #tpu.memory_space<semaphore_mem>>) src(%arg9 : memref<128x80xf32, #tpu.memory_space<vmem>>) dst(%dma_wait3A_390 : memref<10240x80xf32, #tpu.memory_space<vmem_shared>>)
        tpu.yield
      }) : () -> ()
    } else {
    }
    %add3A_225 = arith.constant 2 : i32
    %add3A_226 = arith.addi %mul3A_215, %add3A_225 : i32
    %lt3A_227 = arith.cmpi slt, %add3A_226, %sub3A_47 : i32
    %convert_element_type3A_228 = arith.extui %lt3A_227 : i1 to i32
    %cond3A_229 = arith.constant 0 : i32
    %cond3A_230 = arith.cmpi ne, %convert_element_type3A_228, %cond3A_229 : i32
    scf.if %cond3A_230 {
      %add3A_369 = arith.constant 2 : i32
      %add3A_370 = arith.addi %mul3A_215, %add3A_369 : i32
      %dma_wait3A_371 = arith.constant 0 : i32
      %dma_wait3A_372 = tpu.memref_slice %arg6[%add3A_370, %dma_wait3A_371] : memref<79x128xi32, #tpu.memory_space<vmem>> -> memref<1x128xi32, #tpu.memory_space<vmem>>
      %dma_wait3A_373 = tpu.memref_squeeze %dma_wait3A_372 : memref<1x128xi32, #tpu.memory_space<vmem>> -> memref<128xi32, #tpu.memory_space<vmem>>
      %dma_wait3A_374 = arith.constant 0 : i32
      %dma_wait3A_375 = arith.constant 0 : i32
      %dma_wait3A_376 = tpu.memref_slice %arg2[%dma_wait3A_374, %dma_wait3A_375] : memref<10000x80xf32, #tpu.memory_space<hbm>> -> memref<10000x80xf32, #tpu.memory_space<hbm>>
      tpu.wait_indirect_dma semaphore(%arg15 : memref<!tpu.dma_semaphore, #tpu.memory_space<semaphore_mem>>) src(%dma_wait3A_376 : memref<10000x80xf32, #tpu.memory_space<hbm>>) dst(%arg10 : memref<128x80xf32, #tpu.memory_space<vmem>>)
      %add3A_377 = arith.constant 2 : i32
      %add3A_378 = arith.addi %mul3A_215, %add3A_377 : i32
      "tpu.region"() ({
        %run_scoped3A = tpu.sem_alloc : memref<!tpu.dma_semaphore, #tpu.memory_space<semaphore_mem>>
        %dma_start3A_379 = arith.constant 0 : i32
        %dma_start3A_380 = tpu.memref_slice %arg7[%add3A_378, %dma_start3A_379] : memref<79x128xi32, #tpu.memory_space<vmem>> -> memref<1x128xi32, #tpu.memory_space<vmem>>
        %dma_start3A_381 = tpu.memref_squeeze %dma_start3A_380 : memref<1x128xi32, #tpu.memory_space<vmem>> -> memref<128xi32, #tpu.memory_space<vmem>>
        %dma_start3A_382 = arith.constant 0 : i32
        %dma_start3A_383 = arith.constant 0 : i32
        %dma_start3A_384 = tpu.memref_slice %arg5[%dma_start3A_382, %dma_start3A_383] : memref<10240x80xf32, #tpu.memory_space<vmem_shared>> -> memref<10240x80xf32, #tpu.memory_space<vmem_shared>>
        tpu.enqueue_indirect_dma source(%arg10 : memref<128x80xf32, #tpu.memory_space<vmem>>) target(%dma_start3A_384 : memref<10240x80xf32, #tpu.memory_space<vmem_shared>>) offsets(%dma_start3A_381 : memref<128xi32, #tpu.memory_space<vmem>>) semaphore(%run_scoped3A : memref<!tpu.dma_semaphore, #tpu.memory_space<semaphore_mem>>) {add = true}
        %dma_wait3A_385 = arith.constant 0 : i32
        %dma_wait3A_386 = tpu.memref_slice %arg7[%add3A_378, %dma_wait3A_385] : memref<79x128xi32, #tpu.memory_space<vmem>> -> memref<1x128xi32, #tpu.memory_space<vmem>>
        %dma_wait3A_387 = tpu.memref_squeeze %dma_wait3A_386 : memref<1x128xi32, #tpu.memory_space<vmem>> -> memref<128xi32, #tpu.memory_space<vmem>>
        %dma_wait3A_388 = arith.constant 0 : i32
        %dma_wait3A_389 = arith.constant 0 : i32
        %dma_wait3A_390 = tpu.memref_slice %arg5[%dma_wait3A_388, %dma_wait3A_389] : memref<10240x80xf32, #tpu.memory_space<vmem_shared>> -> memref<10240x80xf32, #tpu.memory_space<vmem_shared>>
        tpu.wait_indirect_dma semaphore(%run_scoped3A : memref<!tpu.dma_semaphore, #tpu.memory_space<semaphore_mem>>) src(%arg10 : memref<128x80xf32, #tpu.memory_space<vmem>>) dst(%dma_wait3A_390 : memref<10240x80xf32, #tpu.memory_space<vmem_shared>>)
        tpu.yield
      }) : () -> ()
    } else {
    }
    %add3A_231 = arith.constant 3 : i32
    %add3A_232 = arith.addi %mul3A_215, %add3A_231 : i32
    %lt3A_233 = arith.cmpi slt, %add3A_232, %sub3A_47 : i32
    %convert_element_type3A_234 = arith.extui %lt3A_233 : i1 to i32
    %cond3A_235 = arith.constant 0 : i32
    %cond3A_236 = arith.cmpi ne, %convert_element_type3A_234, %cond3A_235 : i32
    scf.if %cond3A_236 {
      %add3A_369 = arith.constant 3 : i32
      %add3A_370 = arith.addi %mul3A_215, %add3A_369 : i32
      %dma_wait3A_371 = arith.constant 0 : i32
      %dma_wait3A_372 = tpu.memref_slice %arg6[%add3A_370, %dma_wait3A_371] : memref<79x128xi32, #tpu.memory_space<vmem>> -> memref<1x128xi32, #tpu.memory_space<vmem>>
      %dma_wait3A_373 = tpu.memref_squeeze %dma_wait3A_372 : memref<1x128xi32, #tpu.memory_space<vmem>> -> memref<128xi32, #tpu.memory_space<vmem>>
      %dma_wait3A_374 = arith.constant 0 : i32
      %dma_wait3A_375 = arith.constant 0 : i32
      %dma_wait3A_376 = tpu.memref_slice %arg2[%dma_wait3A_374, %dma_wait3A_375] : memref<10000x80xf32, #tpu.memory_space<hbm>> -> memref<10000x80xf32, #tpu.memory_space<hbm>>
      tpu.wait_indirect_dma semaphore(%arg16 : memref<!tpu.dma_semaphore, #tpu.memory_space<semaphore_mem>>) src(%dma_wait3A_376 : memref<10000x80xf32, #tpu.memory_space<hbm>>) dst(%arg11 : memref<128x80xf32, #tpu.memory_space<vmem>>)
      %add3A_377 = arith.constant 3 : i32
      %add3A_378 = arith.addi %mul3A_215, %add3A_377 : i32
      "tpu.region"() ({
        %run_scoped3A = tpu.sem_alloc : memref<!tpu.dma_semaphore, #tpu.memory_space<semaphore_mem>>
        %dma_start3A_379 = arith.constant 0 : i32
        %dma_start3A_380 = tpu.memref_slice %arg7[%add3A_378, %dma_start3A_379] : memref<79x128xi32, #tpu.memory_space<vmem>> -> memref<1x128xi32, #tpu.memory_space<vmem>>
        %dma_start3A_381 = tpu.memref_squeeze %dma_start3A_380 : memref<1x128xi32, #tpu.memory_space<vmem>> -> memref<128xi32, #tpu.memory_space<vmem>>
        %dma_start3A_382 = arith.constant 0 : i32
        %dma_start3A_383 = arith.constant 0 : i32
        %dma_start3A_384 = tpu.memref_slice %arg5[%dma_start3A_382, %dma_start3A_383] : memref<10240x80xf32, #tpu.memory_space<vmem_shared>> -> memref<10240x80xf32, #tpu.memory_space<vmem_shared>>
        tpu.enqueue_indirect_dma source(%arg11 : memref<128x80xf32, #tpu.memory_space<vmem>>) target(%dma_start3A_384 : memref<10240x80xf32, #tpu.memory_space<vmem_shared>>) offsets(%dma_start3A_381 : memref<128xi32, #tpu.memory_space<vmem>>) semaphore(%run_scoped3A : memref<!tpu.dma_semaphore, #tpu.memory_space<semaphore_mem>>) {add = true}
        %dma_wait3A_385 = arith.constant 0 : i32
        %dma_wait3A_386 = tpu.memref_slice %arg7[%add3A_378, %dma_wait3A_385] : memref<79x128xi32, #tpu.memory_space<vmem>> -> memref<1x128xi32, #tpu.memory_space<vmem>>
        %dma_wait3A_387 = tpu.memref_squeeze %dma_wait3A_386 : memref<1x128xi32, #tpu.memory_space<vmem>> -> memref<128xi32, #tpu.memory_space<vmem>>
        %dma_wait3A_388 = arith.constant 0 : i32
        %dma_wait3A_389 = arith.constant 0 : i32
        %dma_wait3A_390 = tpu.memref_slice %arg5[%dma_wait3A_388, %dma_wait3A_389] : memref<10240x80xf32, #tpu.memory_space<vmem_shared>> -> memref<10240x80xf32, #tpu.memory_space<vmem_shared>>
        tpu.wait_indirect_dma semaphore(%run_scoped3A : memref<!tpu.dma_semaphore, #tpu.memory_space<semaphore_mem>>) src(%arg11 : memref<128x80xf32, #tpu.memory_space<vmem>>) dst(%dma_wait3A_390 : memref<10240x80xf32, #tpu.memory_space<vmem_shared>>)
        tpu.yield
      }) : () -> ()
    } else {
    }
    %add3A_237 = arith.constant 4 : i32
    %add3A_238 = arith.addi %mul3A_215, %add3A_237 : i32
    %lt3A_239 = arith.cmpi slt, %add3A_238, %sub3A_47 : i32
    %convert_element_type3A_240 = arith.extui %lt3A_239 : i1 to i32
    %cond3A_241 = arith.constant 0 : i32
    %cond3A_242 = arith.cmpi ne, %convert_element_type3A_240, %cond3A_241 : i32
    scf.if %cond3A_242 {
      %add3A_369 = arith.constant 4 : i32
      %add3A_370 = arith.addi %mul3A_215, %add3A_369 : i32
      %dma_wait3A_371 = arith.constant 0 : i32
      %dma_wait3A_372 = tpu.memref_slice %arg6[%add3A_370, %dma_wait3A_371] : memref<79x128xi32, #tpu.memory_space<vmem>> -> memref<1x128xi32, #tpu.memory_space<vmem>>
      %dma_wait3A_373 = tpu.memref_squeeze %dma_wait3A_372 : memref<1x128xi32, #tpu.memory_space<vmem>> -> memref<128xi32, #tpu.memory_space<vmem>>
      %dma_wait3A_374 = arith.constant 0 : i32
      %dma_wait3A_375 = arith.constant 0 : i32
      %dma_wait3A_376 = tpu.memref_slice %arg2[%dma_wait3A_374, %dma_wait3A_375] : memref<10000x80xf32, #tpu.memory_space<hbm>> -> memref<10000x80xf32, #tpu.memory_space<hbm>>
      tpu.wait_indirect_dma semaphore(%arg17 : memref<!tpu.dma_semaphore, #tpu.memory_space<semaphore_mem>>) src(%dma_wait3A_376 : memref<10000x80xf32, #tpu.memory_space<hbm>>) dst(%arg12 : memref<128x80xf32, #tpu.memory_space<vmem>>)
      %add3A_377 = arith.constant 4 : i32
      %add3A_378 = arith.addi %mul3A_215, %add3A_377 : i32
      "tpu.region"() ({
        %run_scoped3A = tpu.sem_alloc : memref<!tpu.dma_semaphore, #tpu.memory_space<semaphore_mem>>
        %dma_start3A_379 = arith.constant 0 : i32
        %dma_start3A_380 = tpu.memref_slice %arg7[%add3A_378, %dma_start3A_379] : memref<79x128xi32, #tpu.memory_space<vmem>> -> memref<1x128xi32, #tpu.memory_space<vmem>>
        %dma_start3A_381 = tpu.memref_squeeze %dma_start3A_380 : memref<1x128xi32, #tpu.memory_space<vmem>> -> memref<128xi32, #tpu.memory_space<vmem>>
        %dma_start3A_382 = arith.constant 0 : i32
        %dma_start3A_383 = arith.constant 0 : i32
        %dma_start3A_384 = tpu.memref_slice %arg5[%dma_start3A_382, %dma_start3A_383] : memref<10240x80xf32, #tpu.memory_space<vmem_shared>> -> memref<10240x80xf32, #tpu.memory_space<vmem_shared>>
        tpu.enqueue_indirect_dma source(%arg12 : memref<128x80xf32, #tpu.memory_space<vmem>>) target(%dma_start3A_384 : memref<10240x80xf32, #tpu.memory_space<vmem_shared>>) offsets(%dma_start3A_381 : memref<128xi32, #tpu.memory_space<vmem>>) semaphore(%run_scoped3A : memref<!tpu.dma_semaphore, #tpu.memory_space<semaphore_mem>>) {add = true}
        %dma_wait3A_385 = arith.constant 0 : i32
        %dma_wait3A_386 = tpu.memref_slice %arg7[%add3A_378, %dma_wait3A_385] : memref<79x128xi32, #tpu.memory_space<vmem>> -> memref<1x128xi32, #tpu.memory_space<vmem>>
        %dma_wait3A_387 = tpu.memref_squeeze %dma_wait3A_386 : memref<1x128xi32, #tpu.memory_space<vmem>> -> memref<128xi32, #tpu.memory_space<vmem>>
        %dma_wait3A_388 = arith.constant 0 : i32
        %dma_wait3A_389 = arith.constant 0 : i32
        %dma_wait3A_390 = tpu.memref_slice %arg5[%dma_wait3A_388, %dma_wait3A_389] : memref<10240x80xf32, #tpu.memory_space<vmem_shared>> -> memref<10240x80xf32, #tpu.memory_space<vmem_shared>>
        tpu.wait_indirect_dma semaphore(%run_scoped3A : memref<!tpu.dma_semaphore, #tpu.memory_space<semaphore_mem>>) src(%arg12 : memref<128x80xf32, #tpu.memory_space<vmem>>) dst(%dma_wait3A_390 : memref<10240x80xf32, #tpu.memory_space<vmem_shared>>)
        tpu.yield
      }) : () -> ()
    } else {
    }
    %barrier3A_243 = arith.constant 0 : index
    tpu.barrier barrier_id(%barrier3A_243)
    %mul3A_244 = arith.constant 640 : i32
    %mul3A_245 = arith.muli %arg1, %mul3A_244 : i32
    %add3A_246 = arith.constant 0 : i32
    %add3A_247 = arith.addi %mul3A_245, %add3A_246 : i32
    %multiple_of3A_248 = tpu.assume_multiple %add3A_247, 128 : i32
    %dma_start3A_249 = arith.constant 0 : i32
    %dma_start3A_250 = tpu.memref_slice %arg5[%multiple_of3A_248, %dma_start3A_249] : memref<10240x80xf32, #tpu.memory_space<vmem_shared>> -> memref<128x80xf32, #tpu.memory_space<vmem_shared>>
    %dma_start3A_251 = arith.constant 0 : i32
    %dma_start3A_252 = tpu.memref_slice %arg5[%multiple_of3A_248, %dma_start3A_251] : memref<10240x80xf32, #tpu.memory_space<vmem_shared>> -> memref<128x80xf32, #tpu.memory_space<vmem_shared>>
    tpu.enqueue_dma source(%dma_start3A_252 : memref<128x80xf32, #tpu.memory_space<vmem_shared>>) target(%arg8 : memref<128x80xf32, #tpu.memory_space<vmem>>) target_semaphore(%arg13 : memref<!tpu.dma_semaphore, #tpu.memory_space<semaphore_mem>>)
    %dma_wait3A_253 = arith.constant 0 : i32
    %dma_wait3A_254 = tpu.memref_slice %arg5[%multiple_of3A_248, %dma_wait3A_253] : memref<10240x80xf32, #tpu.memory_space<vmem_shared>> -> memref<128x80xf32, #tpu.memory_space<vmem_shared>>
    %dma_wait3A_255 = arith.constant 0 : i32
    %dma_wait3A_256 = tpu.memref_slice %arg5[%multiple_of3A_248, %dma_wait3A_255] : memref<10240x80xf32, #tpu.memory_space<vmem_shared>> -> memref<128x80xf32, #tpu.memory_space<vmem_shared>>
    tpu.wait_dma2 semaphore(%arg13 : memref<!tpu.dma_semaphore, #tpu.memory_space<semaphore_mem>>) src(%dma_wait3A_256 : memref<128x80xf32, #tpu.memory_space<vmem_shared>>) dst(%arg8 : memref<128x80xf32, #tpu.memory_space<vmem>>)
    %mul3A_257 = arith.constant 10240 : i32
    %mul3A_258 = arith.muli %arg0, %mul3A_257 : i32
    %add3A_259 = arith.addi %mul3A_258, %multiple_of3A_248 : i32
    %multiple_of3A_260 = tpu.assume_multiple %add3A_259, 128 : i32
    %dma_start3A_261 = arith.constant 0 : i32
    %dma_start3A_262 = tpu.memref_slice %arg4[%multiple_of3A_260, %dma_start3A_261] : memref<20480x128xf32, #tpu.memory_space<hbm>> -> memref<128x80xf32, #tpu.memory_space<hbm>>
    %dma_start3A_263 = arith.constant 0 : i32
    %dma_start3A_264 = tpu.memref_slice %arg4[%multiple_of3A_260, %dma_start3A_263] : memref<20480x128xf32, #tpu.memory_space<hbm>> -> memref<128x80xf32, #tpu.memory_space<hbm>>
    tpu.enqueue_dma source(%arg8 : memref<128x80xf32, #tpu.memory_space<vmem>>) target(%dma_start3A_264 : memref<128x80xf32, #tpu.memory_space<hbm>>) target_semaphore(%arg18 : memref<!tpu.dma_semaphore, #tpu.memory_space<semaphore_mem>>)
    %mul3A_265 = arith.constant 640 : i32
    %mul3A_266 = arith.muli %arg1, %mul3A_265 : i32
    %add3A_267 = arith.constant 128 : i32
    %add3A_268 = arith.addi %mul3A_266, %add3A_267 : i32
    %multiple_of3A_269 = tpu.assume_multiple %add3A_268, 128 : i32
    %dma_start3A_270 = arith.constant 0 : i32
    %dma_start3A_271 = tpu.memref_slice %arg5[%multiple_of3A_269, %dma_start3A_270] : memref<10240x80xf32, #tpu.memory_space<vmem_shared>> -> memref<128x80xf32, #tpu.memory_space<vmem_shared>>
    %dma_start3A_272 = arith.constant 0 : i32
    %dma_start3A_273 = tpu.memref_slice %arg5[%multiple_of3A_269, %dma_start3A_272] : memref<10240x80xf32, #tpu.memory_space<vmem_shared>> -> memref<128x80xf32, #tpu.memory_space<vmem_shared>>
    tpu.enqueue_dma source(%dma_start3A_273 : memref<128x80xf32, #tpu.memory_space<vmem_shared>>) target(%arg9 : memref<128x80xf32, #tpu.memory_space<vmem>>) target_semaphore(%arg14 : memref<!tpu.dma_semaphore, #tpu.memory_space<semaphore_mem>>)
    %dma_wait3A_274 = arith.constant 0 : i32
    %dma_wait3A_275 = tpu.memref_slice %arg5[%multiple_of3A_269, %dma_wait3A_274] : memref<10240x80xf32, #tpu.memory_space<vmem_shared>> -> memref<128x80xf32, #tpu.memory_space<vmem_shared>>
    %dma_wait3A_276 = arith.constant 0 : i32
    %dma_wait3A_277 = tpu.memref_slice %arg5[%multiple_of3A_269, %dma_wait3A_276] : memref<10240x80xf32, #tpu.memory_space<vmem_shared>> -> memref<128x80xf32, #tpu.memory_space<vmem_shared>>
    tpu.wait_dma2 semaphore(%arg14 : memref<!tpu.dma_semaphore, #tpu.memory_space<semaphore_mem>>) src(%dma_wait3A_277 : memref<128x80xf32, #tpu.memory_space<vmem_shared>>) dst(%arg9 : memref<128x80xf32, #tpu.memory_space<vmem>>)
    %mul3A_278 = arith.constant 10240 : i32
    %mul3A_279 = arith.muli %arg0, %mul3A_278 : i32
    %add3A_280 = arith.addi %mul3A_279, %multiple_of3A_269 : i32
    %multiple_of3A_281 = tpu.assume_multiple %add3A_280, 128 : i32
    %dma_start3A_282 = arith.constant 0 : i32
    %dma_start3A_283 = tpu.memref_slice %arg4[%multiple_of3A_281, %dma_start3A_282] : memref<20480x128xf32, #tpu.memory_space<hbm>> -> memref<128x80xf32, #tpu.memory_space<hbm>>
    %dma_start3A_284 = arith.constant 0 : i32
    %dma_start3A_285 = tpu.memref_slice %arg4[%multiple_of3A_281, %dma_start3A_284] : memref<20480x128xf32, #tpu.memory_space<hbm>> -> memref<128x80xf32, #tpu.memory_space<hbm>>
    tpu.enqueue_dma source(%arg9 : memref<128x80xf32, #tpu.memory_space<vmem>>) target(%dma_start3A_285 : memref<128x80xf32, #tpu.memory_space<hbm>>) target_semaphore(%arg19 : memref<!tpu.dma_semaphore, #tpu.memory_space<semaphore_mem>>)
    %mul3A_286 = arith.constant 640 : i32
    %mul3A_287 = arith.muli %arg1, %mul3A_286 : i32
    %add3A_288 = arith.constant 256 : i32
    %add3A_289 = arith.addi %mul3A_287, %add3A_288 : i32
    %multiple_of3A_290 = tpu.assume_multiple %add3A_289, 128 : i32
    %dma_start3A_291 = arith.constant 0 : i32
    %dma_start3A_292 = tpu.memref_slice %arg5[%multiple_of3A_290, %dma_start3A_291] : memref<10240x80xf32, #tpu.memory_space<vmem_shared>> -> memref<128x80xf32, #tpu.memory_space<vmem_shared>>
    %dma_start3A_293 = arith.constant 0 : i32
    %dma_start3A_294 = tpu.memref_slice %arg5[%multiple_of3A_290, %dma_start3A_293] : memref<10240x80xf32, #tpu.memory_space<vmem_shared>> -> memref<128x80xf32, #tpu.memory_space<vmem_shared>>
    tpu.enqueue_dma source(%dma_start3A_294 : memref<128x80xf32, #tpu.memory_space<vmem_shared>>) target(%arg10 : memref<128x80xf32, #tpu.memory_space<vmem>>) target_semaphore(%arg15 : memref<!tpu.dma_semaphore, #tpu.memory_space<semaphore_mem>>)
    %dma_wait3A_295 = arith.constant 0 : i32
    %dma_wait3A_296 = tpu.memref_slice %arg5[%multiple_of3A_290, %dma_wait3A_295] : memref<10240x80xf32, #tpu.memory_space<vmem_shared>> -> memref<128x80xf32, #tpu.memory_space<vmem_shared>>
    %dma_wait3A_297 = arith.constant 0 : i32
    %dma_wait3A_298 = tpu.memref_slice %arg5[%multiple_of3A_290, %dma_wait3A_297] : memref<10240x80xf32, #tpu.memory_space<vmem_shared>> -> memref<128x80xf32, #tpu.memory_space<vmem_shared>>
    tpu.wait_dma2 semaphore(%arg15 : memref<!tpu.dma_semaphore, #tpu.memory_space<semaphore_mem>>) src(%dma_wait3A_298 : memref<128x80xf32, #tpu.memory_space<vmem_shared>>) dst(%arg10 : memref<128x80xf32, #tpu.memory_space<vmem>>)
    %mul3A_299 = arith.constant 10240 : i32
    %mul3A_300 = arith.muli %arg0, %mul3A_299 : i32
    %add3A_301 = arith.addi %mul3A_300, %multiple_of3A_290 : i32
    %multiple_of3A_302 = tpu.assume_multiple %add3A_301, 128 : i32
    %dma_start3A_303 = arith.constant 0 : i32
    %dma_start3A_304 = tpu.memref_slice %arg4[%multiple_of3A_302, %dma_start3A_303] : memref<20480x128xf32, #tpu.memory_space<hbm>> -> memref<128x80xf32, #tpu.memory_space<hbm>>
    %dma_start3A_305 = arith.constant 0 : i32
    %dma_start3A_306 = tpu.memref_slice %arg4[%multiple_of3A_302, %dma_start3A_305] : memref<20480x128xf32, #tpu.memory_space<hbm>> -> memref<128x80xf32, #tpu.memory_space<hbm>>
    tpu.enqueue_dma source(%arg10 : memref<128x80xf32, #tpu.memory_space<vmem>>) target(%dma_start3A_306 : memref<128x80xf32, #tpu.memory_space<hbm>>) target_semaphore(%arg20 : memref<!tpu.dma_semaphore, #tpu.memory_space<semaphore_mem>>)
    %mul3A_307 = arith.constant 640 : i32
    %mul3A_308 = arith.muli %arg1, %mul3A_307 : i32
    %add3A_309 = arith.constant 384 : i32
    %add3A_310 = arith.addi %mul3A_308, %add3A_309 : i32
    %multiple_of3A_311 = tpu.assume_multiple %add3A_310, 128 : i32
    %dma_start3A_312 = arith.constant 0 : i32
    %dma_start3A_313 = tpu.memref_slice %arg5[%multiple_of3A_311, %dma_start3A_312] : memref<10240x80xf32, #tpu.memory_space<vmem_shared>> -> memref<128x80xf32, #tpu.memory_space<vmem_shared>>
    %dma_start3A_314 = arith.constant 0 : i32
    %dma_start3A_315 = tpu.memref_slice %arg5[%multiple_of3A_311, %dma_start3A_314] : memref<10240x80xf32, #tpu.memory_space<vmem_shared>> -> memref<128x80xf32, #tpu.memory_space<vmem_shared>>
    tpu.enqueue_dma source(%dma_start3A_315 : memref<128x80xf32, #tpu.memory_space<vmem_shared>>) target(%arg11 : memref<128x80xf32, #tpu.memory_space<vmem>>) target_semaphore(%arg16 : memref<!tpu.dma_semaphore, #tpu.memory_space<semaphore_mem>>)
    %dma_wait3A_316 = arith.constant 0 : i32
    %dma_wait3A_317 = tpu.memref_slice %arg5[%multiple_of3A_311, %dma_wait3A_316] : memref<10240x80xf32, #tpu.memory_space<vmem_shared>> -> memref<128x80xf32, #tpu.memory_space<vmem_shared>>
    %dma_wait3A_318 = arith.constant 0 : i32
    %dma_wait3A_319 = tpu.memref_slice %arg5[%multiple_of3A_311, %dma_wait3A_318] : memref<10240x80xf32, #tpu.memory_space<vmem_shared>> -> memref<128x80xf32, #tpu.memory_space<vmem_shared>>
    tpu.wait_dma2 semaphore(%arg16 : memref<!tpu.dma_semaphore, #tpu.memory_space<semaphore_mem>>) src(%dma_wait3A_319 : memref<128x80xf32, #tpu.memory_space<vmem_shared>>) dst(%arg11 : memref<128x80xf32, #tpu.memory_space<vmem>>)
    %mul3A_320 = arith.constant 10240 : i32
    %mul3A_321 = arith.muli %arg0, %mul3A_320 : i32
    %add3A_322 = arith.addi %mul3A_321, %multiple_of3A_311 : i32
    %multiple_of3A_323 = tpu.assume_multiple %add3A_322, 128 : i32
    %dma_start3A_324 = arith.constant 0 : i32
    %dma_start3A_325 = tpu.memref_slice %arg4[%multiple_of3A_323, %dma_start3A_324] : memref<20480x128xf32, #tpu.memory_space<hbm>> -> memref<128x80xf32, #tpu.memory_space<hbm>>
    %dma_start3A_326 = arith.constant 0 : i32
    %dma_start3A_327 = tpu.memref_slice %arg4[%multiple_of3A_323, %dma_start3A_326] : memref<20480x128xf32, #tpu.memory_space<hbm>> -> memref<128x80xf32, #tpu.memory_space<hbm>>
    tpu.enqueue_dma source(%arg11 : memref<128x80xf32, #tpu.memory_space<vmem>>) target(%dma_start3A_327 : memref<128x80xf32, #tpu.memory_space<hbm>>) target_semaphore(%arg21 : memref<!tpu.dma_semaphore, #tpu.memory_space<semaphore_mem>>)
    %mul3A_328 = arith.constant 640 : i32
    %mul3A_329 = arith.muli %arg1, %mul3A_328 : i32
    %add3A_330 = arith.constant 512 : i32
    %add3A_331 = arith.addi %mul3A_329, %add3A_330 : i32
    %multiple_of3A_332 = tpu.assume_multiple %add3A_331, 128 : i32
    %dma_start3A_333 = arith.constant 0 : i32
    %dma_start3A_334 = tpu.memref_slice %arg5[%multiple_of3A_332, %dma_start3A_333] : memref<10240x80xf32, #tpu.memory_space<vmem_shared>> -> memref<128x80xf32, #tpu.memory_space<vmem_shared>>
    %dma_start3A_335 = arith.constant 0 : i32
    %dma_start3A_336 = tpu.memref_slice %arg5[%multiple_of3A_332, %dma_start3A_335] : memref<10240x80xf32, #tpu.memory_space<vmem_shared>> -> memref<128x80xf32, #tpu.memory_space<vmem_shared>>
    tpu.enqueue_dma source(%dma_start3A_336 : memref<128x80xf32, #tpu.memory_space<vmem_shared>>) target(%arg12 : memref<128x80xf32, #tpu.memory_space<vmem>>) target_semaphore(%arg17 : memref<!tpu.dma_semaphore, #tpu.memory_space<semaphore_mem>>)
    %dma_wait3A_337 = arith.constant 0 : i32
    %dma_wait3A_338 = tpu.memref_slice %arg5[%multiple_of3A_332, %dma_wait3A_337] : memref<10240x80xf32, #tpu.memory_space<vmem_shared>> -> memref<128x80xf32, #tpu.memory_space<vmem_shared>>
    %dma_wait3A_339 = arith.constant 0 : i32
    %dma_wait3A_340 = tpu.memref_slice %arg5[%multiple_of3A_332, %dma_wait3A_339] : memref<10240x80xf32, #tpu.memory_space<vmem_shared>> -> memref<128x80xf32, #tpu.memory_space<vmem_shared>>
    tpu.wait_dma2 semaphore(%arg17 : memref<!tpu.dma_semaphore, #tpu.memory_space<semaphore_mem>>) src(%dma_wait3A_340 : memref<128x80xf32, #tpu.memory_space<vmem_shared>>) dst(%arg12 : memref<128x80xf32, #tpu.memory_space<vmem>>)
    %mul3A_341 = arith.constant 10240 : i32
    %mul3A_342 = arith.muli %arg0, %mul3A_341 : i32
    %add3A_343 = arith.addi %mul3A_342, %multiple_of3A_332 : i32
    %multiple_of3A_344 = tpu.assume_multiple %add3A_343, 128 : i32
    %dma_start3A_345 = arith.constant 0 : i32
    %dma_start3A_346 = tpu.memref_slice %arg4[%multiple_of3A_344, %dma_start3A_345] : memref<20480x128xf32, #tpu.memory_space<hbm>> -> memref<128x80xf32, #tpu.memory_space<hbm>>
    %dma_start3A_347 = arith.constant 0 : i32
    %dma_start3A_348 = tpu.memref_slice %arg4[%multiple_of3A_344, %dma_start3A_347] : memref<20480x128xf32, #tpu.memory_space<hbm>> -> memref<128x80xf32, #tpu.memory_space<hbm>>
    tpu.enqueue_dma source(%arg12 : memref<128x80xf32, #tpu.memory_space<vmem>>) target(%dma_start3A_348 : memref<128x80xf32, #tpu.memory_space<hbm>>) target_semaphore(%arg22 : memref<!tpu.dma_semaphore, #tpu.memory_space<semaphore_mem>>)
    %dma_wait3A_349 = arith.constant 0 : i32
    %dma_wait3A_350 = tpu.memref_slice %arg4[%multiple_of3A_260, %dma_wait3A_349] : memref<20480x128xf32, #tpu.memory_space<hbm>> -> memref<128x80xf32, #tpu.memory_space<hbm>>
    %dma_wait3A_351 = arith.constant 0 : i32
    %dma_wait3A_352 = tpu.memref_slice %arg4[%multiple_of3A_260, %dma_wait3A_351] : memref<20480x128xf32, #tpu.memory_space<hbm>> -> memref<128x80xf32, #tpu.memory_space<hbm>>
    tpu.wait_dma2 semaphore(%arg18 : memref<!tpu.dma_semaphore, #tpu.memory_space<semaphore_mem>>) src(%arg8 : memref<128x80xf32, #tpu.memory_space<vmem>>) dst(%dma_wait3A_352 : memref<128x80xf32, #tpu.memory_space<hbm>>)
    %dma_wait3A_353 = arith.constant 0 : i32
    %dma_wait3A_354 = tpu.memref_slice %arg4[%multiple_of3A_281, %dma_wait3A_353] : memref<20480x128xf32, #tpu.memory_space<hbm>> -> memref<128x80xf32, #tpu.memory_space<hbm>>
    %dma_wait3A_355 = arith.constant 0 : i32
    %dma_wait3A_356 = tpu.memref_slice %arg4[%multiple_of3A_281, %dma_wait3A_355] : memref<20480x128xf32, #tpu.memory_space<hbm>> -> memref<128x80xf32, #tpu.memory_space<hbm>>
    tpu.wait_dma2 semaphore(%arg19 : memref<!tpu.dma_semaphore, #tpu.memory_space<semaphore_mem>>) src(%arg9 : memref<128x80xf32, #tpu.memory_space<vmem>>) dst(%dma_wait3A_356 : memref<128x80xf32, #tpu.memory_space<hbm>>)
    %dma_wait3A_357 = arith.constant 0 : i32
    %dma_wait3A_358 = tpu.memref_slice %arg4[%multiple_of3A_302, %dma_wait3A_357] : memref<20480x128xf32, #tpu.memory_space<hbm>> -> memref<128x80xf32, #tpu.memory_space<hbm>>
    %dma_wait3A_359 = arith.constant 0 : i32
    %dma_wait3A_360 = tpu.memref_slice %arg4[%multiple_of3A_302, %dma_wait3A_359] : memref<20480x128xf32, #tpu.memory_space<hbm>> -> memref<128x80xf32, #tpu.memory_space<hbm>>
    tpu.wait_dma2 semaphore(%arg20 : memref<!tpu.dma_semaphore, #tpu.memory_space<semaphore_mem>>) src(%arg10 : memref<128x80xf32, #tpu.memory_space<vmem>>) dst(%dma_wait3A_360 : memref<128x80xf32, #tpu.memory_space<hbm>>)
    %dma_wait3A_361 = arith.constant 0 : i32
    %dma_wait3A_362 = tpu.memref_slice %arg4[%multiple_of3A_323, %dma_wait3A_361] : memref<20480x128xf32, #tpu.memory_space<hbm>> -> memref<128x80xf32, #tpu.memory_space<hbm>>
    %dma_wait3A_363 = arith.constant 0 : i32
    %dma_wait3A_364 = tpu.memref_slice %arg4[%multiple_of3A_323, %dma_wait3A_363] : memref<20480x128xf32, #tpu.memory_space<hbm>> -> memref<128x80xf32, #tpu.memory_space<hbm>>
    tpu.wait_dma2 semaphore(%arg21 : memref<!tpu.dma_semaphore, #tpu.memory_space<semaphore_mem>>) src(%arg11 : memref<128x80xf32, #tpu.memory_space<vmem>>) dst(%dma_wait3A_364 : memref<128x80xf32, #tpu.memory_space<hbm>>)
    %dma_wait3A_365 = arith.constant 0 : i32
    %dma_wait3A_366 = tpu.memref_slice %arg4[%multiple_of3A_344, %dma_wait3A_365] : memref<20480x128xf32, #tpu.memory_space<hbm>> -> memref<128x80xf32, #tpu.memory_space<hbm>>
    %dma_wait3A_367 = arith.constant 0 : i32
    %dma_wait3A_368 = tpu.memref_slice %arg4[%multiple_of3A_344, %dma_wait3A_367] : memref<20480x128xf32, #tpu.memory_space<hbm>> -> memref<128x80xf32, #tpu.memory_space<hbm>>
    tpu.wait_dma2 semaphore(%arg22 : memref<!tpu.dma_semaphore, #tpu.memory_space<semaphore_mem>>) src(%arg12 : memref<128x80xf32, #tpu.memory_space<vmem>>) dst(%dma_wait3A_368 : memref<128x80xf32, #tpu.memory_space<hbm>>)
    return
  }
}

#map = affine_map<(d0, d1) -> (0, 0)>
#map1 = affine_map<(d0, d1) -> (0, 0, 0)>
module attributes {stable_mosaic.version = 14 : i64} {
  func.func @seg(%arg0: i32, %arg1: i32, %arg2: memref<10000x64xf32, #tpu.memory_space<hbm>>, %arg3: memref<2x2500x128xi32, #tpu.memory_space<hbm>>, %arg4: memref<10240x128xf32, #tpu.memory_space<hbm>>, %arg5: memref<10240x64xf32, #tpu.memory_space<vmem_shared>>, %arg6: memref<79x128xi32, #tpu.memory_space<vmem>>, %arg7: memref<79x128xi32, #tpu.memory_space<vmem>>, %arg8: memref<128x64xf32, #tpu.memory_space<vmem>>, %arg9: memref<128x64xf32, #tpu.memory_space<vmem>>, %arg10: memref<128x64xf32, #tpu.memory_space<vmem>>, %arg11: memref<128x64xf32, #tpu.memory_space<vmem>>, %arg12: memref<128x64xf32, #tpu.memory_space<vmem>>, %arg13: memref<128x64xf32, #tpu.memory_space<vmem>>, %arg14: memref<!tpu.dma_semaphore, #tpu.memory_space<semaphore_mem>>, %arg15: memref<!tpu.dma_semaphore, #tpu.memory_space<semaphore_mem>>, %arg16: memref<!tpu.dma_semaphore, #tpu.memory_space<semaphore_mem>>, %arg17: memref<!tpu.dma_semaphore, #tpu.memory_space<semaphore_mem>>, %arg18: memref<!tpu.dma_semaphore, #tpu.memory_space<semaphore_mem>>, %arg19: memref<!tpu.dma_semaphore, #tpu.memory_space<semaphore_mem>>, %arg20: memref<!tpu.dma_semaphore, #tpu.memory_space<semaphore_mem>>, %arg21: memref<!tpu.dma_semaphore, #tpu.memory_space<semaphore_mem>>, %arg22: memref<!tpu.dma_semaphore, #tpu.memory_space<semaphore_mem>>, %arg23: memref<!tpu.dma_semaphore, #tpu.memory_space<semaphore_mem>>, %arg24: memref<!tpu.dma_semaphore, #tpu.memory_space<semaphore_mem>>, %arg25: memref<!tpu.dma_semaphore, #tpu.memory_space<semaphore_mem>>) attributes {dimension_semantics = [#tpu.dimension_semantics<core_parallel>, #tpu.dimension_semantics<subcore_parallel>], iteration_bounds = array<i64: 2, 16>, scalar_prefetch = 0 : i64, scratch_operands = 21 : i64, tpu.core_type = #tpu.core_type<sc_vector_subcore>, window_params = [{transform_indices = #map}, {transform_indices = #map1}, {transform_indices = #map}]} {
    %mul3A = arith.constant 2 : i32
    %mul3A_0 = arith.muli %arg1, %mul3A : i32
    %add3A = arith.addi %mul3A_0, %arg0 : i32
    %mul3A_1 = arith.constant 2500 : i32
    %mul3A_2 = arith.muli %add3A, %mul3A_1 : i32
    %jit3A = arith.constant 32 : i32
    %div3A = arith.divsi %mul3A_2, %jit3A : i32
    %sign3A = arith.constant 0 : i32
    %sign3A_3 = arith.cmpi sgt, %mul3A_2, %sign3A : i32
    %sign3A_4 = arith.extui %sign3A_3 : i1 to i32
    %sign3A_5 = arith.constant 0 : i32
    %sign3A_6 = arith.cmpi slt, %mul3A_2, %sign3A_5 : i32
    %sign3A_7 = arith.extui %sign3A_6 : i1 to i32
    %sign3A_8 = arith.subi %sign3A_4, %sign3A_7 : i32
    %sign3A_9 = arith.constant 0 : i32
    %sign3A_10 = arith.cmpi sgt, %jit3A, %sign3A_9 : i32
    %sign3A_11 = arith.extui %sign3A_10 : i1 to i32
    %sign3A_12 = arith.constant 0 : i32
    %sign3A_13 = arith.cmpi slt, %jit3A, %sign3A_12 : i32
    %sign3A_14 = arith.extui %sign3A_13 : i1 to i32
    %sign3A_15 = arith.subi %sign3A_11, %sign3A_14 : i32
    %ne3A = arith.cmpi ne, %sign3A_8, %sign3A_15 : i32
    %rem3A = arith.remsi %mul3A_2, %jit3A : i32
    %ne3A_16 = arith.constant 0 : i32
    %ne3A_17 = arith.cmpi ne, %rem3A, %ne3A_16 : i32
    %and3A = arith.andi %ne3A, %ne3A_17 : i1
    %sub3A = arith.constant 1 : i32
    %sub3A_18 = arith.subi %div3A, %sub3A : i32
    %select_n3A = arith.select %and3A, %sub3A_18, %div3A : i32
    %add3A_19 = arith.constant 1 : i32
    %add3A_20 = arith.addi %add3A, %add3A_19 : i32
    %mul3A_21 = arith.constant 2500 : i32
    %mul3A_22 = arith.muli %add3A_20, %mul3A_21 : i32
    %jit3A_23 = arith.constant 32 : i32
    %div3A_24 = arith.divsi %mul3A_22, %jit3A_23 : i32
    %sign3A_25 = arith.constant 0 : i32
    %sign3A_26 = arith.cmpi sgt, %mul3A_22, %sign3A_25 : i32
    %sign3A_27 = arith.extui %sign3A_26 : i1 to i32
    %sign3A_28 = arith.constant 0 : i32
    %sign3A_29 = arith.cmpi slt, %mul3A_22, %sign3A_28 : i32
    %sign3A_30 = arith.extui %sign3A_29 : i1 to i32
    %sign3A_31 = arith.subi %sign3A_27, %sign3A_30 : i32
    %sign3A_32 = arith.constant 0 : i32
    %sign3A_33 = arith.cmpi sgt, %jit3A_23, %sign3A_32 : i32
    %sign3A_34 = arith.extui %sign3A_33 : i1 to i32
    %sign3A_35 = arith.constant 0 : i32
    %sign3A_36 = arith.cmpi slt, %jit3A_23, %sign3A_35 : i32
    %sign3A_37 = arith.extui %sign3A_36 : i1 to i32
    %sign3A_38 = arith.subi %sign3A_34, %sign3A_37 : i32
    %ne3A_39 = arith.cmpi ne, %sign3A_31, %sign3A_38 : i32
    %rem3A_40 = arith.remsi %mul3A_22, %jit3A_23 : i32
    %ne3A_41 = arith.constant 0 : i32
    %ne3A_42 = arith.cmpi ne, %rem3A_40, %ne3A_41 : i32
    %and3A_43 = arith.andi %ne3A_39, %ne3A_42 : i1
    %sub3A_44 = arith.constant 1 : i32
    %sub3A_45 = arith.subi %div3A_24, %sub3A_44 : i32
    %select_n3A_46 = arith.select %and3A_43, %sub3A_45, %div3A_24 : i32
    %sub3A_47 = arith.subi %select_n3A_46, %select_n3A : i32
    %dma_start3A = arith.constant 0 : i32
    %dma_start3A_48 = arith.constant 0 : i32
    %dma_start3A_49 = tpu.memref_slice %arg3[%dma_start3A, %select_n3A, %dma_start3A_48] : memref<2x2500x128xi32, #tpu.memory_space<hbm>> -> memref<1x79x128xi32, #tpu.memory_space<hbm>>
    %dma_start3A_50 = tpu.memref_squeeze %dma_start3A_49 : memref<1x79x128xi32, #tpu.memory_space<hbm>> -> memref<79x128xi32, #tpu.memory_space<hbm>>
    %dma_start3A_51 = arith.constant 0 : i32
    %dma_start3A_52 = tpu.memref_slice %arg3[%dma_start3A, %select_n3A, %dma_start3A_51] : memref<2x2500x128xi32, #tpu.memory_space<hbm>> -> memref<1x79x128xi32, #tpu.memory_space<hbm>>
    %dma_start3A_53 = tpu.memref_squeeze %dma_start3A_52 : memref<1x79x128xi32, #tpu.memory_space<hbm>> -> memref<79x128xi32, #tpu.memory_space<hbm>>
    tpu.enqueue_dma source(%dma_start3A_53 : memref<79x128xi32, #tpu.memory_space<hbm>>) target(%arg6 : memref<79x128xi32, #tpu.memory_space<vmem>>) target_semaphore(%arg14 : memref<!tpu.dma_semaphore, #tpu.memory_space<semaphore_mem>>)
    %dma_start3A_54 = arith.constant 1 : i32
    %dma_start3A_55 = arith.constant 0 : i32
    %dma_start3A_56 = tpu.memref_slice %arg3[%dma_start3A_54, %select_n3A, %dma_start3A_55] : memref<2x2500x128xi32, #tpu.memory_space<hbm>> -> memref<1x79x128xi32, #tpu.memory_space<hbm>>
    %dma_start3A_57 = tpu.memref_squeeze %dma_start3A_56 : memref<1x79x128xi32, #tpu.memory_space<hbm>> -> memref<79x128xi32, #tpu.memory_space<hbm>>
    %dma_start3A_58 = arith.constant 0 : i32
    %dma_start3A_59 = tpu.memref_slice %arg3[%dma_start3A_54, %select_n3A, %dma_start3A_58] : memref<2x2500x128xi32, #tpu.memory_space<hbm>> -> memref<1x79x128xi32, #tpu.memory_space<hbm>>
    %dma_start3A_60 = tpu.memref_squeeze %dma_start3A_59 : memref<1x79x128xi32, #tpu.memory_space<hbm>> -> memref<79x128xi32, #tpu.memory_space<hbm>>
    tpu.enqueue_dma source(%dma_start3A_60 : memref<79x128xi32, #tpu.memory_space<hbm>>) target(%arg7 : memref<79x128xi32, #tpu.memory_space<vmem>>) target_semaphore(%arg15 : memref<!tpu.dma_semaphore, #tpu.memory_space<semaphore_mem>>)
    %scan3A = arith.constant 0 : i32
    %scan3A_61 = arith.constant 0 : i32
    %scan3A_62 = arith.constant 128 : i32
    %scan3A_63 = arith.addi %scan3A_61, %scan3A_62 : i32
    %scan3A_64 = arith.constant 1 : i32
    %scan3A_65 = scf.for %scan3A_366 = %scan3A_61 to %scan3A_63 step %scan3A_64 iter_args(%scan3A_367 = %scan3A) -> (i32)  : i32 {
      %scan3A_368 = arith.constant 0 : i32
      %scan3A_369 = arith.constant 0 : i32
      %scan3A_370 = arith.constant 4 : i32
      %scan3A_371 = arith.addi %scan3A_369, %scan3A_370 : i32
      %scan3A_372 = arith.constant 1 : i32
      %scan3A_373 = scf.for %scan3A_375 = %scan3A_369 to %scan3A_371 step %scan3A_372 iter_args(%scan3A_376 = %scan3A_368) -> (i32)  : i32 {
        %broadcast_in_dim3A = arith.constant 0.000000e+00 : f32
        %broadcast_in_dim3A_377 = vector.broadcast %broadcast_in_dim3A : f32 to vector<16xf32>
        %mul3A_378 = arith.constant 16 : i32
        %mul3A_379 = arith.muli %scan3A_375, %mul3A_378 : i32
        %swap3A = arith.index_cast %scan3A_366 : i32 to index
        %swap3A_380 = arith.index_cast %mul3A_379 : i32 to index
        %swap3A_381 = tpu.vector_load %arg8[%swap3A, %swap3A_380] {strides = array<i32>} : memref<128x64xf32, #tpu.memory_space<vmem>>, vector<1x16xf32>,
        %swap3A_382 = vector.shape_cast %swap3A_381 : vector<1x16xf32> to vector<16xf32>
        %swap3A_383 = vector.shape_cast %broadcast_in_dim3A_377 : vector<16xf32> to vector<1x16xf32>
        tpu.vector_store %arg8[%swap3A, %swap3A_380], %swap3A_383 {strides = array<i32>} : memref<128x64xf32, #tpu.memory_space<vmem>>, vector<1x16xf32>,
        %scan3A_384 = arith.constant 0 : i32
        scf.yield %scan3A_384 : i32
      }
      %scan3A_374 = arith.constant 4 : i32
      scf.yield %scan3A_373 : i32
    }
    %scan3A_66 = arith.constant 128 : i32
    %mul3A_67 = arith.constant 640 : i32
    %mul3A_68 = arith.muli %arg1, %mul3A_67 : i32
    %add3A_69 = arith.constant 0 : i32
    %add3A_70 = arith.addi %mul3A_68, %add3A_69 : i32
    %multiple_of3A = tpu.assume_multiple %add3A_70, 128 : i32
    %dma_start3A_71 = arith.constant 0 : i32
    %dma_start3A_72 = tpu.memref_slice %arg5[%multiple_of3A, %dma_start3A_71] : memref<10240x64xf32, #tpu.memory_space<vmem_shared>> -> memref<128x64xf32, #tpu.memory_space<vmem_shared>>
    %dma_start3A_73 = arith.constant 0 : i32
    %dma_start3A_74 = tpu.memref_slice %arg5[%multiple_of3A, %dma_start3A_73] : memref<10240x64xf32, #tpu.memory_space<vmem_shared>> -> memref<128x64xf32, #tpu.memory_space<vmem_shared>>
    tpu.enqueue_dma source(%arg8 : memref<128x64xf32, #tpu.memory_space<vmem>>) target(%dma_start3A_74 : memref<128x64xf32, #tpu.memory_space<vmem_shared>>) target_semaphore(%arg20 : memref<!tpu.dma_semaphore, #tpu.memory_space<semaphore_mem>>)
    %mul3A_75 = arith.constant 640 : i32
    %mul3A_76 = arith.muli %arg1, %mul3A_75 : i32
    %add3A_77 = arith.constant 128 : i32
    %add3A_78 = arith.addi %mul3A_76, %add3A_77 : i32
    %multiple_of3A_79 = tpu.assume_multiple %add3A_78, 128 : i32
    %dma_start3A_80 = arith.constant 0 : i32
    %dma_start3A_81 = tpu.memref_slice %arg5[%multiple_of3A_79, %dma_start3A_80] : memref<10240x64xf32, #tpu.memory_space<vmem_shared>> -> memref<128x64xf32, #tpu.memory_space<vmem_shared>>
    %dma_start3A_82 = arith.constant 0 : i32
    %dma_start3A_83 = tpu.memref_slice %arg5[%multiple_of3A_79, %dma_start3A_82] : memref<10240x64xf32, #tpu.memory_space<vmem_shared>> -> memref<128x64xf32, #tpu.memory_space<vmem_shared>>
    tpu.enqueue_dma source(%arg8 : memref<128x64xf32, #tpu.memory_space<vmem>>) target(%dma_start3A_83 : memref<128x64xf32, #tpu.memory_space<vmem_shared>>) target_semaphore(%arg21 : memref<!tpu.dma_semaphore, #tpu.memory_space<semaphore_mem>>)
    %mul3A_84 = arith.constant 640 : i32
    %mul3A_85 = arith.muli %arg1, %mul3A_84 : i32
    %add3A_86 = arith.constant 256 : i32
    %add3A_87 = arith.addi %mul3A_85, %add3A_86 : i32
    %multiple_of3A_88 = tpu.assume_multiple %add3A_87, 128 : i32
    %dma_start3A_89 = arith.constant 0 : i32
    %dma_start3A_90 = tpu.memref_slice %arg5[%multiple_of3A_88, %dma_start3A_89] : memref<10240x64xf32, #tpu.memory_space<vmem_shared>> -> memref<128x64xf32, #tpu.memory_space<vmem_shared>>
    %dma_start3A_91 = arith.constant 0 : i32
    %dma_start3A_92 = tpu.memref_slice %arg5[%multiple_of3A_88, %dma_start3A_91] : memref<10240x64xf32, #tpu.memory_space<vmem_shared>> -> memref<128x64xf32, #tpu.memory_space<vmem_shared>>
    tpu.enqueue_dma source(%arg8 : memref<128x64xf32, #tpu.memory_space<vmem>>) target(%dma_start3A_92 : memref<128x64xf32, #tpu.memory_space<vmem_shared>>) target_semaphore(%arg22 : memref<!tpu.dma_semaphore, #tpu.memory_space<semaphore_mem>>)
    %mul3A_93 = arith.constant 640 : i32
    %mul3A_94 = arith.muli %arg1, %mul3A_93 : i32
    %add3A_95 = arith.constant 384 : i32
    %add3A_96 = arith.addi %mul3A_94, %add3A_95 : i32
    %multiple_of3A_97 = tpu.assume_multiple %add3A_96, 128 : i32
    %dma_start3A_98 = arith.constant 0 : i32
    %dma_start3A_99 = tpu.memref_slice %arg5[%multiple_of3A_97, %dma_start3A_98] : memref<10240x64xf32, #tpu.memory_space<vmem_shared>> -> memref<128x64xf32, #tpu.memory_space<vmem_shared>>
    %dma_start3A_100 = arith.constant 0 : i32
    %dma_start3A_101 = tpu.memref_slice %arg5[%multiple_of3A_97, %dma_start3A_100] : memref<10240x64xf32, #tpu.memory_space<vmem_shared>> -> memref<128x64xf32, #tpu.memory_space<vmem_shared>>
    tpu.enqueue_dma source(%arg8 : memref<128x64xf32, #tpu.memory_space<vmem>>) target(%dma_start3A_101 : memref<128x64xf32, #tpu.memory_space<vmem_shared>>) target_semaphore(%arg23 : memref<!tpu.dma_semaphore, #tpu.memory_space<semaphore_mem>>)
    %mul3A_102 = arith.constant 640 : i32
    %mul3A_103 = arith.muli %arg1, %mul3A_102 : i32
    %add3A_104 = arith.constant 512 : i32
    %add3A_105 = arith.addi %mul3A_103, %add3A_104 : i32
    %multiple_of3A_106 = tpu.assume_multiple %add3A_105, 128 : i32
    %dma_start3A_107 = arith.constant 0 : i32
    %dma_start3A_108 = tpu.memref_slice %arg5[%multiple_of3A_106, %dma_start3A_107] : memref<10240x64xf32, #tpu.memory_space<vmem_shared>> -> memref<128x64xf32, #tpu.memory_space<vmem_shared>>
    %dma_start3A_109 = arith.constant 0 : i32
    %dma_start3A_110 = tpu.memref_slice %arg5[%multiple_of3A_106, %dma_start3A_109] : memref<10240x64xf32, #tpu.memory_space<vmem_shared>> -> memref<128x64xf32, #tpu.memory_space<vmem_shared>>
    tpu.enqueue_dma source(%arg8 : memref<128x64xf32, #tpu.memory_space<vmem>>) target(%dma_start3A_110 : memref<128x64xf32, #tpu.memory_space<vmem_shared>>) target_semaphore(%arg24 : memref<!tpu.dma_semaphore, #tpu.memory_space<semaphore_mem>>)
    %dma_wait3A = arith.constant 0 : i32
    %dma_wait3A_111 = tpu.memref_slice %arg5[%multiple_of3A, %dma_wait3A] : memref<10240x64xf32, #tpu.memory_space<vmem_shared>> -> memref<128x64xf32, #tpu.memory_space<vmem_shared>>
    %dma_wait3A_112 = arith.constant 0 : i32
    %dma_wait3A_113 = tpu.memref_slice %arg5[%multiple_of3A, %dma_wait3A_112] : memref<10240x64xf32, #tpu.memory_space<vmem_shared>> -> memref<128x64xf32, #tpu.memory_space<vmem_shared>>
    tpu.wait_dma2 semaphore(%arg20 : memref<!tpu.dma_semaphore, #tpu.memory_space<semaphore_mem>>) src(%arg8 : memref<128x64xf32, #tpu.memory_space<vmem>>) dst(%dma_wait3A_113 : memref<128x64xf32, #tpu.memory_space<vmem_shared>>)
    %dma_wait3A_114 = arith.constant 0 : i32
    %dma_wait3A_115 = tpu.memref_slice %arg5[%multiple_of3A_79, %dma_wait3A_114] : memref<10240x64xf32, #tpu.memory_space<vmem_shared>> -> memref<128x64xf32, #tpu.memory_space<vmem_shared>>
    %dma_wait3A_116 = arith.constant 0 : i32
    %dma_wait3A_117 = tpu.memref_slice %arg5[%multiple_of3A_79, %dma_wait3A_116] : memref<10240x64xf32, #tpu.memory_space<vmem_shared>> -> memref<128x64xf32, #tpu.memory_space<vmem_shared>>
    tpu.wait_dma2 semaphore(%arg21 : memref<!tpu.dma_semaphore, #tpu.memory_space<semaphore_mem>>) src(%arg8 : memref<128x64xf32, #tpu.memory_space<vmem>>) dst(%dma_wait3A_117 : memref<128x64xf32, #tpu.memory_space<vmem_shared>>)
    %dma_wait3A_118 = arith.constant 0 : i32
    %dma_wait3A_119 = tpu.memref_slice %arg5[%multiple_of3A_88, %dma_wait3A_118] : memref<10240x64xf32, #tpu.memory_space<vmem_shared>> -> memref<128x64xf32, #tpu.memory_space<vmem_shared>>
    %dma_wait3A_120 = arith.constant 0 : i32
    %dma_wait3A_121 = tpu.memref_slice %arg5[%multiple_of3A_88, %dma_wait3A_120] : memref<10240x64xf32, #tpu.memory_space<vmem_shared>> -> memref<128x64xf32, #tpu.memory_space<vmem_shared>>
    tpu.wait_dma2 semaphore(%arg22 : memref<!tpu.dma_semaphore, #tpu.memory_space<semaphore_mem>>) src(%arg8 : memref<128x64xf32, #tpu.memory_space<vmem>>) dst(%dma_wait3A_121 : memref<128x64xf32, #tpu.memory_space<vmem_shared>>)
    %dma_wait3A_122 = arith.constant 0 : i32
    %dma_wait3A_123 = tpu.memref_slice %arg5[%multiple_of3A_97, %dma_wait3A_122] : memref<10240x64xf32, #tpu.memory_space<vmem_shared>> -> memref<128x64xf32, #tpu.memory_space<vmem_shared>>
    %dma_wait3A_124 = arith.constant 0 : i32
    %dma_wait3A_125 = tpu.memref_slice %arg5[%multiple_of3A_97, %dma_wait3A_124] : memref<10240x64xf32, #tpu.memory_space<vmem_shared>> -> memref<128x64xf32, #tpu.memory_space<vmem_shared>>
    tpu.wait_dma2 semaphore(%arg23 : memref<!tpu.dma_semaphore, #tpu.memory_space<semaphore_mem>>) src(%arg8 : memref<128x64xf32, #tpu.memory_space<vmem>>) dst(%dma_wait3A_125 : memref<128x64xf32, #tpu.memory_space<vmem_shared>>)
    %dma_wait3A_126 = arith.constant 0 : i32
    %dma_wait3A_127 = tpu.memref_slice %arg5[%multiple_of3A_106, %dma_wait3A_126] : memref<10240x64xf32, #tpu.memory_space<vmem_shared>> -> memref<128x64xf32, #tpu.memory_space<vmem_shared>>
    %dma_wait3A_128 = arith.constant 0 : i32
    %dma_wait3A_129 = tpu.memref_slice %arg5[%multiple_of3A_106, %dma_wait3A_128] : memref<10240x64xf32, #tpu.memory_space<vmem_shared>> -> memref<128x64xf32, #tpu.memory_space<vmem_shared>>
    tpu.wait_dma2 semaphore(%arg24 : memref<!tpu.dma_semaphore, #tpu.memory_space<semaphore_mem>>) src(%arg8 : memref<128x64xf32, #tpu.memory_space<vmem>>) dst(%dma_wait3A_129 : memref<128x64xf32, #tpu.memory_space<vmem_shared>>)
    %dma_wait3A_130 = arith.constant 0 : i32
    %dma_wait3A_131 = arith.constant 0 : i32
    %dma_wait3A_132 = tpu.memref_slice %arg3[%dma_wait3A_130, %select_n3A, %dma_wait3A_131] : memref<2x2500x128xi32, #tpu.memory_space<hbm>> -> memref<1x79x128xi32, #tpu.memory_space<hbm>>
    %dma_wait3A_133 = tpu.memref_squeeze %dma_wait3A_132 : memref<1x79x128xi32, #tpu.memory_space<hbm>> -> memref<79x128xi32, #tpu.memory_space<hbm>>
    %dma_wait3A_134 = arith.constant 0 : i32
    %dma_wait3A_135 = tpu.memref_slice %arg3[%dma_wait3A_130, %select_n3A, %dma_wait3A_134] : memref<2x2500x128xi32, #tpu.memory_space<hbm>> -> memref<1x79x128xi32, #tpu.memory_space<hbm>>
    %dma_wait3A_136 = tpu.memref_squeeze %dma_wait3A_135 : memref<1x79x128xi32, #tpu.memory_space<hbm>> -> memref<79x128xi32, #tpu.memory_space<hbm>>
    tpu.wait_dma2 semaphore(%arg14 : memref<!tpu.dma_semaphore, #tpu.memory_space<semaphore_mem>>) src(%dma_wait3A_136 : memref<79x128xi32, #tpu.memory_space<hbm>>) dst(%arg6 : memref<79x128xi32, #tpu.memory_space<vmem>>)
    %dma_wait3A_137 = arith.constant 1 : i32
    %dma_wait3A_138 = arith.constant 0 : i32
    %dma_wait3A_139 = tpu.memref_slice %arg3[%dma_wait3A_137, %select_n3A, %dma_wait3A_138] : memref<2x2500x128xi32, #tpu.memory_space<hbm>> -> memref<1x79x128xi32, #tpu.memory_space<hbm>>
    %dma_wait3A_140 = tpu.memref_squeeze %dma_wait3A_139 : memref<1x79x128xi32, #tpu.memory_space<hbm>> -> memref<79x128xi32, #tpu.memory_space<hbm>>
    %dma_wait3A_141 = arith.constant 0 : i32
    %dma_wait3A_142 = tpu.memref_slice %arg3[%dma_wait3A_137, %select_n3A, %dma_wait3A_141] : memref<2x2500x128xi32, #tpu.memory_space<hbm>> -> memref<1x79x128xi32, #tpu.memory_space<hbm>>
    %dma_wait3A_143 = tpu.memref_squeeze %dma_wait3A_142 : memref<1x79x128xi32, #tpu.memory_space<hbm>> -> memref<79x128xi32, #tpu.memory_space<hbm>>
    tpu.wait_dma2 semaphore(%arg15 : memref<!tpu.dma_semaphore, #tpu.memory_space<semaphore_mem>>) src(%dma_wait3A_143 : memref<79x128xi32, #tpu.memory_space<hbm>>) dst(%arg7 : memref<79x128xi32, #tpu.memory_space<vmem>>)
    %barrier3A = arith.constant 0 : index
    tpu.barrier barrier_id(%barrier3A)
    %dma_start3A_144 = arith.constant 0 : i32
    %dma_start3A_145 = arith.constant 0 : i32
    %dma_start3A_146 = tpu.memref_slice %arg6[%dma_start3A_144, %dma_start3A_145] : memref<79x128xi32, #tpu.memory_space<vmem>> -> memref<1x128xi32, #tpu.memory_space<vmem>>
    %dma_start3A_147 = tpu.memref_squeeze %dma_start3A_146 : memref<1x128xi32, #tpu.memory_space<vmem>> -> memref<128xi32, #tpu.memory_space<vmem>>
    %dma_start3A_148 = arith.constant 0 : i32
    %dma_start3A_149 = arith.constant 0 : i32
    %dma_start3A_150 = tpu.memref_slice %arg2[%dma_start3A_148, %dma_start3A_149] : memref<10000x64xf32, #tpu.memory_space<hbm>> -> memref<10000x64xf32, #tpu.memory_space<hbm>>
    tpu.enqueue_indirect_dma source(%dma_start3A_150 : memref<10000x64xf32, #tpu.memory_space<hbm>>) target(%arg8 : memref<128x64xf32, #tpu.memory_space<vmem>>) offsets(%dma_start3A_147 : memref<128xi32, #tpu.memory_space<vmem>>) semaphore(%arg14 : memref<!tpu.dma_semaphore, #tpu.memory_space<semaphore_mem>>)
    %dma_start3A_151 = arith.constant 1 : i32
    %dma_start3A_152 = arith.constant 0 : i32
    %dma_start3A_153 = tpu.memref_slice %arg6[%dma_start3A_151, %dma_start3A_152] : memref<79x128xi32, #tpu.memory_space<vmem>> -> memref<1x128xi32, #tpu.memory_space<vmem>>
    %dma_start3A_154 = tpu.memref_squeeze %dma_start3A_153 : memref<1x128xi32, #tpu.memory_space<vmem>> -> memref<128xi32, #tpu.memory_space<vmem>>
    %dma_start3A_155 = arith.constant 0 : i32
    %dma_start3A_156 = arith.constant 0 : i32
    %dma_start3A_157 = tpu.memref_slice %arg2[%dma_start3A_155, %dma_start3A_156] : memref<10000x64xf32, #tpu.memory_space<hbm>> -> memref<10000x64xf32, #tpu.memory_space<hbm>>
    tpu.enqueue_indirect_dma source(%dma_start3A_157 : memref<10000x64xf32, #tpu.memory_space<hbm>>) target(%arg9 : memref<128x64xf32, #tpu.memory_space<vmem>>) offsets(%dma_start3A_154 : memref<128xi32, #tpu.memory_space<vmem>>) semaphore(%arg15 : memref<!tpu.dma_semaphore, #tpu.memory_space<semaphore_mem>>)
    %dma_start3A_158 = arith.constant 2 : i32
    %dma_start3A_159 = arith.constant 0 : i32
    %dma_start3A_160 = tpu.memref_slice %arg6[%dma_start3A_158, %dma_start3A_159] : memref<79x128xi32, #tpu.memory_space<vmem>> -> memref<1x128xi32, #tpu.memory_space<vmem>>
    %dma_start3A_161 = tpu.memref_squeeze %dma_start3A_160 : memref<1x128xi32, #tpu.memory_space<vmem>> -> memref<128xi32, #tpu.memory_space<vmem>>
    %dma_start3A_162 = arith.constant 0 : i32
    %dma_start3A_163 = arith.constant 0 : i32
    %dma_start3A_164 = tpu.memref_slice %arg2[%dma_start3A_162, %dma_start3A_163] : memref<10000x64xf32, #tpu.memory_space<hbm>> -> memref<10000x64xf32, #tpu.memory_space<hbm>>
    tpu.enqueue_indirect_dma source(%dma_start3A_164 : memref<10000x64xf32, #tpu.memory_space<hbm>>) target(%arg10 : memref<128x64xf32, #tpu.memory_space<vmem>>) offsets(%dma_start3A_161 : memref<128xi32, #tpu.memory_space<vmem>>) semaphore(%arg16 : memref<!tpu.dma_semaphore, #tpu.memory_space<semaphore_mem>>)
    %dma_start3A_165 = arith.constant 3 : i32
    %dma_start3A_166 = arith.constant 0 : i32
    %dma_start3A_167 = tpu.memref_slice %arg6[%dma_start3A_165, %dma_start3A_166] : memref<79x128xi32, #tpu.memory_space<vmem>> -> memref<1x128xi32, #tpu.memory_space<vmem>>
    %dma_start3A_168 = tpu.memref_squeeze %dma_start3A_167 : memref<1x128xi32, #tpu.memory_space<vmem>> -> memref<128xi32, #tpu.memory_space<vmem>>
    %dma_start3A_169 = arith.constant 0 : i32
    %dma_start3A_170 = arith.constant 0 : i32
    %dma_start3A_171 = tpu.memref_slice %arg2[%dma_start3A_169, %dma_start3A_170] : memref<10000x64xf32, #tpu.memory_space<hbm>> -> memref<10000x64xf32, #tpu.memory_space<hbm>>
    tpu.enqueue_indirect_dma source(%dma_start3A_171 : memref<10000x64xf32, #tpu.memory_space<hbm>>) target(%arg11 : memref<128x64xf32, #tpu.memory_space<vmem>>) offsets(%dma_start3A_168 : memref<128xi32, #tpu.memory_space<vmem>>) semaphore(%arg17 : memref<!tpu.dma_semaphore, #tpu.memory_space<semaphore_mem>>)
    %dma_start3A_172 = arith.constant 4 : i32
    %dma_start3A_173 = arith.constant 0 : i32
    %dma_start3A_174 = tpu.memref_slice %arg6[%dma_start3A_172, %dma_start3A_173] : memref<79x128xi32, #tpu.memory_space<vmem>> -> memref<1x128xi32, #tpu.memory_space<vmem>>
    %dma_start3A_175 = tpu.memref_squeeze %dma_start3A_174 : memref<1x128xi32, #tpu.memory_space<vmem>> -> memref<128xi32, #tpu.memory_space<vmem>>
    %dma_start3A_176 = arith.constant 0 : i32
    %dma_start3A_177 = arith.constant 0 : i32
    %dma_start3A_178 = tpu.memref_slice %arg2[%dma_start3A_176, %dma_start3A_177] : memref<10000x64xf32, #tpu.memory_space<hbm>> -> memref<10000x64xf32, #tpu.memory_space<hbm>>
    tpu.enqueue_indirect_dma source(%dma_start3A_178 : memref<10000x64xf32, #tpu.memory_space<hbm>>) target(%arg12 : memref<128x64xf32, #tpu.memory_space<vmem>>) offsets(%dma_start3A_175 : memref<128xi32, #tpu.memory_space<vmem>>) semaphore(%arg18 : memref<!tpu.dma_semaphore, #tpu.memory_space<semaphore_mem>>)
    %dma_start3A_179 = arith.constant 5 : i32
    %dma_start3A_180 = arith.constant 0 : i32
    %dma_start3A_181 = tpu.memref_slice %arg6[%dma_start3A_179, %dma_start3A_180] : memref<79x128xi32, #tpu.memory_space<vmem>> -> memref<1x128xi32, #tpu.memory_space<vmem>>
    %dma_start3A_182 = tpu.memref_squeeze %dma_start3A_181 : memref<1x128xi32, #tpu.memory_space<vmem>> -> memref<128xi32, #tpu.memory_space<vmem>>
    %dma_start3A_183 = arith.constant 0 : i32
    %dma_start3A_184 = arith.constant 0 : i32
    %dma_start3A_185 = tpu.memref_slice %arg2[%dma_start3A_183, %dma_start3A_184] : memref<10000x64xf32, #tpu.memory_space<hbm>> -> memref<10000x64xf32, #tpu.memory_space<hbm>>
    tpu.enqueue_indirect_dma source(%dma_start3A_185 : memref<10000x64xf32, #tpu.memory_space<hbm>>) target(%arg13 : memref<128x64xf32, #tpu.memory_space<vmem>>) offsets(%dma_start3A_182 : memref<128xi32, #tpu.memory_space<vmem>>) semaphore(%arg19 : memref<!tpu.dma_semaphore, #tpu.memory_space<semaphore_mem>>)
    %jit3A_186 = arith.constant 6 : i32
    %div3A_187 = arith.divsi %sub3A_47, %jit3A_186 : i32
    %sign3A_188 = arith.constant 0 : i32
    %sign3A_189 = arith.cmpi sgt, %sub3A_47, %sign3A_188 : i32
    %sign3A_190 = arith.extui %sign3A_189 : i1 to i32
    %sign3A_191 = arith.constant 0 : i32
    %sign3A_192 = arith.cmpi slt, %sub3A_47, %sign3A_191 : i32
    %sign3A_193 = arith.extui %sign3A_192 : i1 to i32
    %sign3A_194 = arith.subi %sign3A_190, %sign3A_193 : i32
    %sign3A_195 = arith.constant 0 : i32
    %sign3A_196 = arith.cmpi sgt, %jit3A_186, %sign3A_195 : i32
    %sign3A_197 = arith.extui %sign3A_196 : i1 to i32
    %sign3A_198 = arith.constant 0 : i32
    %sign3A_199 = arith.cmpi slt, %jit3A_186, %sign3A_198 : i32
    %sign3A_200 = arith.extui %sign3A_199 : i1 to i32
    %sign3A_201 = arith.subi %sign3A_197, %sign3A_200 : i32
    %ne3A_202 = arith.cmpi ne, %sign3A_194, %sign3A_201 : i32
    %rem3A_203 = arith.remsi %sub3A_47, %jit3A_186 : i32
    %ne3A_204 = arith.constant 0 : i32
    %ne3A_205 = arith.cmpi ne, %rem3A_203, %ne3A_204 : i32
    %and3A_206 = arith.andi %ne3A_202, %ne3A_205 : i1
    %sub3A_207 = arith.constant 1 : i32
    %sub3A_208 = arith.subi %div3A_187, %sub3A_207 : i32
    %select_n3A_209 = arith.select %and3A_206, %sub3A_208, %div3A_187 : i32
    %while3A = arith.constant 0 : i32
    %while3A_210 = arith.constant 0 : i32
    %while3A_211 = arith.subi %select_n3A_209, %while3A : i32
    %while3A_212 = arith.addi %while3A, %while3A_211 : i32
    %while3A_213 = arith.constant 1 : i32
    %while3A_214 = arith.divsi %while3A_211, %while3A_213 : i32
    %while3A_215 = arith.muli %while3A_214, %while3A_213 : i32
    %while3A_216 = arith.addi %while3A, %while3A_215 : i32
    %while3A_217 = arith.constant 1 : i32
    %while3A_218 = scf.for %while3A_366 = %while3A to %while3A_216 step %while3A_217 iter_args(%while3A_367 = %while3A_210) -> (i32)  : i32 {
      %mul3A_368 = arith.constant 6 : i32
      %mul3A_369 = arith.muli %mul3A_368, %while3A_366 : i32
      %add3A_370 = arith.constant 0 : i32
      %add3A_371 = arith.addi %mul3A_369, %add3A_370 : i32
      %dma_wait3A_372 = arith.constant 0 : i32
      %dma_wait3A_373 = tpu.memref_slice %arg6[%add3A_371, %dma_wait3A_372] : memref<79x128xi32, #tpu.memory_space<vmem>> -> memref<1x128xi32, #tpu.memory_space<vmem>>
      %dma_wait3A_374 = tpu.memref_squeeze %dma_wait3A_373 : memref<1x128xi32, #tpu.memory_space<vmem>> -> memref<128xi32, #tpu.memory_space<vmem>>
      %dma_wait3A_375 = arith.constant 0 : i32
      %dma_wait3A_376 = arith.constant 0 : i32
      %dma_wait3A_377 = tpu.memref_slice %arg2[%dma_wait3A_375, %dma_wait3A_376] : memref<10000x64xf32, #tpu.memory_space<hbm>> -> memref<10000x64xf32, #tpu.memory_space<hbm>>
      tpu.wait_indirect_dma semaphore(%arg14 : memref<!tpu.dma_semaphore, #tpu.memory_space<semaphore_mem>>) src(%dma_wait3A_377 : memref<10000x64xf32, #tpu.memory_space<hbm>>) dst(%arg8 : memref<128x64xf32, #tpu.memory_space<vmem>>)
      %add3A_378 = arith.constant 0 : i32
      %add3A_379 = arith.addi %mul3A_369, %add3A_378 : i32
      %dma_start3A_380 = arith.constant 0 : i32
      %dma_start3A_381 = tpu.memref_slice %arg7[%add3A_379, %dma_start3A_380] : memref<79x128xi32, #tpu.memory_space<vmem>> -> memref<1x128xi32, #tpu.memory_space<vmem>>
      %dma_start3A_382 = tpu.memref_squeeze %dma_start3A_381 : memref<1x128xi32, #tpu.memory_space<vmem>> -> memref<128xi32, #tpu.memory_space<vmem>>
      %dma_start3A_383 = arith.constant 0 : i32
      %dma_start3A_384 = arith.constant 0 : i32
      %dma_start3A_385 = tpu.memref_slice %arg5[%dma_start3A_383, %dma_start3A_384] : memref<10240x64xf32, #tpu.memory_space<vmem_shared>> -> memref<10240x64xf32, #tpu.memory_space<vmem_shared>>
      tpu.enqueue_indirect_dma source(%arg8 : memref<128x64xf32, #tpu.memory_space<vmem>>) target(%dma_start3A_385 : memref<10240x64xf32, #tpu.memory_space<vmem_shared>>) offsets(%dma_start3A_382 : memref<128xi32, #tpu.memory_space<vmem>>) semaphore(%arg20 : memref<!tpu.dma_semaphore, #tpu.memory_space<semaphore_mem>>) {add = true}
      %add3A_386 = arith.constant 1 : i32
      %add3A_387 = arith.addi %mul3A_369, %add3A_386 : i32
      %dma_wait3A_388 = arith.constant 0 : i32
      %dma_wait3A_389 = tpu.memref_slice %arg6[%add3A_387, %dma_wait3A_388] : memref<79x128xi32, #tpu.memory_space<vmem>> -> memref<1x128xi32, #tpu.memory_space<vmem>>
      %dma_wait3A_390 = tpu.memref_squeeze %dma_wait3A_389 : memref<1x128xi32, #tpu.memory_space<vmem>> -> memref<128xi32, #tpu.memory_space<vmem>>
      %dma_wait3A_391 = arith.constant 0 : i32
      %dma_wait3A_392 = arith.constant 0 : i32
      %dma_wait3A_393 = tpu.memref_slice %arg2[%dma_wait3A_391, %dma_wait3A_392] : memref<10000x64xf32, #tpu.memory_space<hbm>> -> memref<10000x64xf32, #tpu.memory_space<hbm>>
      tpu.wait_indirect_dma semaphore(%arg15 : memref<!tpu.dma_semaphore, #tpu.memory_space<semaphore_mem>>) src(%dma_wait3A_393 : memref<10000x64xf32, #tpu.memory_space<hbm>>) dst(%arg9 : memref<128x64xf32, #tpu.memory_space<vmem>>)
      %add3A_394 = arith.constant 1 : i32
      %add3A_395 = arith.addi %mul3A_369, %add3A_394 : i32
      %dma_start3A_396 = arith.constant 0 : i32
      %dma_start3A_397 = tpu.memref_slice %arg7[%add3A_395, %dma_start3A_396] : memref<79x128xi32, #tpu.memory_space<vmem>> -> memref<1x128xi32, #tpu.memory_space<vmem>>
      %dma_start3A_398 = tpu.memref_squeeze %dma_start3A_397 : memref<1x128xi32, #tpu.memory_space<vmem>> -> memref<128xi32, #tpu.memory_space<vmem>>
      %dma_start3A_399 = arith.constant 0 : i32
      %dma_start3A_400 = arith.constant 0 : i32
      %dma_start3A_401 = tpu.memref_slice %arg5[%dma_start3A_399, %dma_start3A_400] : memref<10240x64xf32, #tpu.memory_space<vmem_shared>> -> memref<10240x64xf32, #tpu.memory_space<vmem_shared>>
      tpu.enqueue_indirect_dma source(%arg9 : memref<128x64xf32, #tpu.memory_space<vmem>>) target(%dma_start3A_401 : memref<10240x64xf32, #tpu.memory_space<vmem_shared>>) offsets(%dma_start3A_398 : memref<128xi32, #tpu.memory_space<vmem>>) semaphore(%arg21 : memref<!tpu.dma_semaphore, #tpu.memory_space<semaphore_mem>>) {add = true}
      %add3A_402 = arith.constant 2 : i32
      %add3A_403 = arith.addi %mul3A_369, %add3A_402 : i32
      %dma_wait3A_404 = arith.constant 0 : i32
      %dma_wait3A_405 = tpu.memref_slice %arg6[%add3A_403, %dma_wait3A_404] : memref<79x128xi32, #tpu.memory_space<vmem>> -> memref<1x128xi32, #tpu.memory_space<vmem>>
      %dma_wait3A_406 = tpu.memref_squeeze %dma_wait3A_405 : memref<1x128xi32, #tpu.memory_space<vmem>> -> memref<128xi32, #tpu.memory_space<vmem>>
      %dma_wait3A_407 = arith.constant 0 : i32
      %dma_wait3A_408 = arith.constant 0 : i32
      %dma_wait3A_409 = tpu.memref_slice %arg2[%dma_wait3A_407, %dma_wait3A_408] : memref<10000x64xf32, #tpu.memory_space<hbm>> -> memref<10000x64xf32, #tpu.memory_space<hbm>>
      tpu.wait_indirect_dma semaphore(%arg16 : memref<!tpu.dma_semaphore, #tpu.memory_space<semaphore_mem>>) src(%dma_wait3A_409 : memref<10000x64xf32, #tpu.memory_space<hbm>>) dst(%arg10 : memref<128x64xf32, #tpu.memory_space<vmem>>)
      %add3A_410 = arith.constant 2 : i32
      %add3A_411 = arith.addi %mul3A_369, %add3A_410 : i32
      %dma_start3A_412 = arith.constant 0 : i32
      %dma_start3A_413 = tpu.memref_slice %arg7[%add3A_411, %dma_start3A_412] : memref<79x128xi32, #tpu.memory_space<vmem>> -> memref<1x128xi32, #tpu.memory_space<vmem>>
      %dma_start3A_414 = tpu.memref_squeeze %dma_start3A_413 : memref<1x128xi32, #tpu.memory_space<vmem>> -> memref<128xi32, #tpu.memory_space<vmem>>
      %dma_start3A_415 = arith.constant 0 : i32
      %dma_start3A_416 = arith.constant 0 : i32
      %dma_start3A_417 = tpu.memref_slice %arg5[%dma_start3A_415, %dma_start3A_416] : memref<10240x64xf32, #tpu.memory_space<vmem_shared>> -> memref<10240x64xf32, #tpu.memory_space<vmem_shared>>
      tpu.enqueue_indirect_dma source(%arg10 : memref<128x64xf32, #tpu.memory_space<vmem>>) target(%dma_start3A_417 : memref<10240x64xf32, #tpu.memory_space<vmem_shared>>) offsets(%dma_start3A_414 : memref<128xi32, #tpu.memory_space<vmem>>) semaphore(%arg22 : memref<!tpu.dma_semaphore, #tpu.memory_space<semaphore_mem>>) {add = true}
      %add3A_418 = arith.constant 3 : i32
      %add3A_419 = arith.addi %mul3A_369, %add3A_418 : i32
      %dma_wait3A_420 = arith.constant 0 : i32
      %dma_wait3A_421 = tpu.memref_slice %arg6[%add3A_419, %dma_wait3A_420] : memref<79x128xi32, #tpu.memory_space<vmem>> -> memref<1x128xi32, #tpu.memory_space<vmem>>
      %dma_wait3A_422 = tpu.memref_squeeze %dma_wait3A_421 : memref<1x128xi32, #tpu.memory_space<vmem>> -> memref<128xi32, #tpu.memory_space<vmem>>
      %dma_wait3A_423 = arith.constant 0 : i32
      %dma_wait3A_424 = arith.constant 0 : i32
      %dma_wait3A_425 = tpu.memref_slice %arg2[%dma_wait3A_423, %dma_wait3A_424] : memref<10000x64xf32, #tpu.memory_space<hbm>> -> memref<10000x64xf32, #tpu.memory_space<hbm>>
      tpu.wait_indirect_dma semaphore(%arg17 : memref<!tpu.dma_semaphore, #tpu.memory_space<semaphore_mem>>) src(%dma_wait3A_425 : memref<10000x64xf32, #tpu.memory_space<hbm>>) dst(%arg11 : memref<128x64xf32, #tpu.memory_space<vmem>>)
      %add3A_426 = arith.constant 3 : i32
      %add3A_427 = arith.addi %mul3A_369, %add3A_426 : i32
      %dma_start3A_428 = arith.constant 0 : i32
      %dma_start3A_429 = tpu.memref_slice %arg7[%add3A_427, %dma_start3A_428] : memref<79x128xi32, #tpu.memory_space<vmem>> -> memref<1x128xi32, #tpu.memory_space<vmem>>
      %dma_start3A_430 = tpu.memref_squeeze %dma_start3A_429 : memref<1x128xi32, #tpu.memory_space<vmem>> -> memref<128xi32, #tpu.memory_space<vmem>>
      %dma_start3A_431 = arith.constant 0 : i32
      %dma_start3A_432 = arith.constant 0 : i32
      %dma_start3A_433 = tpu.memref_slice %arg5[%dma_start3A_431, %dma_start3A_432] : memref<10240x64xf32, #tpu.memory_space<vmem_shared>> -> memref<10240x64xf32, #tpu.memory_space<vmem_shared>>
      tpu.enqueue_indirect_dma source(%arg11 : memref<128x64xf32, #tpu.memory_space<vmem>>) target(%dma_start3A_433 : memref<10240x64xf32, #tpu.memory_space<vmem_shared>>) offsets(%dma_start3A_430 : memref<128xi32, #tpu.memory_space<vmem>>) semaphore(%arg23 : memref<!tpu.dma_semaphore, #tpu.memory_space<semaphore_mem>>) {add = true}
      %add3A_434 = arith.constant 4 : i32
      %add3A_435 = arith.addi %mul3A_369, %add3A_434 : i32
      %dma_wait3A_436 = arith.constant 0 : i32
      %dma_wait3A_437 = tpu.memref_slice %arg6[%add3A_435, %dma_wait3A_436] : memref<79x128xi32, #tpu.memory_space<vmem>> -> memref<1x128xi32, #tpu.memory_space<vmem>>
      %dma_wait3A_438 = tpu.memref_squeeze %dma_wait3A_437 : memref<1x128xi32, #tpu.memory_space<vmem>> -> memref<128xi32, #tpu.memory_space<vmem>>
      %dma_wait3A_439 = arith.constant 0 : i32
      %dma_wait3A_440 = arith.constant 0 : i32
      %dma_wait3A_441 = tpu.memref_slice %arg2[%dma_wait3A_439, %dma_wait3A_440] : memref<10000x64xf32, #tpu.memory_space<hbm>> -> memref<10000x64xf32, #tpu.memory_space<hbm>>
      tpu.wait_indirect_dma semaphore(%arg18 : memref<!tpu.dma_semaphore, #tpu.memory_space<semaphore_mem>>) src(%dma_wait3A_441 : memref<10000x64xf32, #tpu.memory_space<hbm>>) dst(%arg12 : memref<128x64xf32, #tpu.memory_space<vmem>>)
      %add3A_442 = arith.constant 4 : i32
      %add3A_443 = arith.addi %mul3A_369, %add3A_442 : i32
      %dma_start3A_444 = arith.constant 0 : i32
      %dma_start3A_445 = tpu.memref_slice %arg7[%add3A_443, %dma_start3A_444] : memref<79x128xi32, #tpu.memory_space<vmem>> -> memref<1x128xi32, #tpu.memory_space<vmem>>
      %dma_start3A_446 = tpu.memref_squeeze %dma_start3A_445 : memref<1x128xi32, #tpu.memory_space<vmem>> -> memref<128xi32, #tpu.memory_space<vmem>>
      %dma_start3A_447 = arith.constant 0 : i32
      %dma_start3A_448 = arith.constant 0 : i32
      %dma_start3A_449 = tpu.memref_slice %arg5[%dma_start3A_447, %dma_start3A_448] : memref<10240x64xf32, #tpu.memory_space<vmem_shared>> -> memref<10240x64xf32, #tpu.memory_space<vmem_shared>>
      tpu.enqueue_indirect_dma source(%arg12 : memref<128x64xf32, #tpu.memory_space<vmem>>) target(%dma_start3A_449 : memref<10240x64xf32, #tpu.memory_space<vmem_shared>>) offsets(%dma_start3A_446 : memref<128xi32, #tpu.memory_space<vmem>>) semaphore(%arg24 : memref<!tpu.dma_semaphore, #tpu.memory_space<semaphore_mem>>) {add = true}
      %add3A_450 = arith.constant 5 : i32
      %add3A_451 = arith.addi %mul3A_369, %add3A_450 : i32
      %dma_wait3A_452 = arith.constant 0 : i32
      %dma_wait3A_453 = tpu.memref_slice %arg6[%add3A_451, %dma_wait3A_452] : memref<79x128xi32, #tpu.memory_space<vmem>> -> memref<1x128xi32, #tpu.memory_space<vmem>>
      %dma_wait3A_454 = tpu.memref_squeeze %dma_wait3A_453 : memref<1x128xi32, #tpu.memory_space<vmem>> -> memref<128xi32, #tpu.memory_space<vmem>>
      %dma_wait3A_455 = arith.constant 0 : i32
      %dma_wait3A_456 = arith.constant 0 : i32
      %dma_wait3A_457 = tpu.memref_slice %arg2[%dma_wait3A_455, %dma_wait3A_456] : memref<10000x64xf32, #tpu.memory_space<hbm>> -> memref<10000x64xf32, #tpu.memory_space<hbm>>
      tpu.wait_indirect_dma semaphore(%arg19 : memref<!tpu.dma_semaphore, #tpu.memory_space<semaphore_mem>>) src(%dma_wait3A_457 : memref<10000x64xf32, #tpu.memory_space<hbm>>) dst(%arg13 : memref<128x64xf32, #tpu.memory_space<vmem>>)
      %add3A_458 = arith.constant 5 : i32
      %add3A_459 = arith.addi %mul3A_369, %add3A_458 : i32
      %dma_start3A_460 = arith.constant 0 : i32
      %dma_start3A_461 = tpu.memref_slice %arg7[%add3A_459, %dma_start3A_460] : memref<79x128xi32, #tpu.memory_space<vmem>> -> memref<1x128xi32, #tpu.memory_space<vmem>>
      %dma_start3A_462 = tpu.memref_squeeze %dma_start3A_461 : memref<1x128xi32, #tpu.memory_space<vmem>> -> memref<128xi32, #tpu.memory_space<vmem>>
      %dma_start3A_463 = arith.constant 0 : i32
      %dma_start3A_464 = arith.constant 0 : i32
      %dma_start3A_465 = tpu.memref_slice %arg5[%dma_start3A_463, %dma_start3A_464] : memref<10240x64xf32, #tpu.memory_space<vmem_shared>> -> memref<10240x64xf32, #tpu.memory_space<vmem_shared>>
      tpu.enqueue_indirect_dma source(%arg13 : memref<128x64xf32, #tpu.memory_space<vmem>>) target(%dma_start3A_465 : memref<10240x64xf32, #tpu.memory_space<vmem_shared>>) offsets(%dma_start3A_462 : memref<128xi32, #tpu.memory_space<vmem>>) semaphore(%arg25 : memref<!tpu.dma_semaphore, #tpu.memory_space<semaphore_mem>>) {add = true}
      %dma_wait3A_466 = arith.constant 0 : i32
      %dma_wait3A_467 = tpu.memref_slice %arg7[%add3A_379, %dma_wait3A_466] : memref<79x128xi32, #tpu.memory_space<vmem>> -> memref<1x128xi32, #tpu.memory_space<vmem>>
      %dma_wait3A_468 = tpu.memref_squeeze %dma_wait3A_467 : memref<1x128xi32, #tpu.memory_space<vmem>> -> memref<128xi32, #tpu.memory_space<vmem>>
      %dma_wait3A_469 = arith.constant 0 : i32
      %dma_wait3A_470 = arith.constant 0 : i32
      %dma_wait3A_471 = tpu.memref_slice %arg5[%dma_wait3A_469, %dma_wait3A_470] : memref<10240x64xf32, #tpu.memory_space<vmem_shared>> -> memref<10240x64xf32, #tpu.memory_space<vmem_shared>>
      tpu.wait_indirect_dma semaphore(%arg20 : memref<!tpu.dma_semaphore, #tpu.memory_space<semaphore_mem>>) src(%arg8 : memref<128x64xf32, #tpu.memory_space<vmem>>) dst(%dma_wait3A_471 : memref<10240x64xf32, #tpu.memory_space<vmem_shared>>)
      %add3A_472 = arith.constant 6 : i32
      %add3A_473 = arith.addi %mul3A_369, %add3A_472 : i32
      %add3A_474 = arith.constant 0 : i32
      %add3A_475 = arith.addi %add3A_473, %add3A_474 : i32
      %lt3A_476 = arith.cmpi slt, %add3A_475, %sub3A_47 : i32
      %convert_element_type3A_477 = arith.extui %lt3A_476 : i1 to i32
      %cond3A_478 = arith.constant 0 : i32
      %cond3A_479 = arith.cmpi ne, %convert_element_type3A_477, %cond3A_478 : i32
      scf.if %cond3A_479 {
        %add3A_551 = arith.constant 6 : i32
        %add3A_552 = arith.addi %mul3A_369, %add3A_551 : i32
        %add3A_553 = arith.constant 0 : i32
        %add3A_554 = arith.addi %add3A_552, %add3A_553 : i32
        %dma_start3A_555 = arith.constant 0 : i32
        %dma_start3A_556 = tpu.memref_slice %arg6[%add3A_554, %dma_start3A_555] : memref<79x128xi32, #tpu.memory_space<vmem>> -> memref<1x128xi32, #tpu.memory_space<vmem>>
        %dma_start3A_557 = tpu.memref_squeeze %dma_start3A_556 : memref<1x128xi32, #tpu.memory_space<vmem>> -> memref<128xi32, #tpu.memory_space<vmem>>
        %dma_start3A_558 = arith.constant 0 : i32
        %dma_start3A_559 = arith.constant 0 : i32
        %dma_start3A_560 = tpu.memref_slice %arg2[%dma_start3A_558, %dma_start3A_559] : memref<10000x64xf32, #tpu.memory_space<hbm>> -> memref<10000x64xf32, #tpu.memory_space<hbm>>
        tpu.enqueue_indirect_dma source(%dma_start3A_560 : memref<10000x64xf32, #tpu.memory_space<hbm>>) target(%arg8 : memref<128x64xf32, #tpu.memory_space<vmem>>) offsets(%dma_start3A_557 : memref<128xi32, #tpu.memory_space<vmem>>) semaphore(%arg14 : memref<!tpu.dma_semaphore, #tpu.memory_space<semaphore_mem>>)
      } else {
      }
      %dma_wait3A_480 = arith.constant 0 : i32
      %dma_wait3A_481 = tpu.memref_slice %arg7[%add3A_395, %dma_wait3A_480] : memref<79x128xi32, #tpu.memory_space<vmem>> -> memref<1x128xi32, #tpu.memory_space<vmem>>
      %dma_wait3A_482 = tpu.memref_squeeze %dma_wait3A_481 : memref<1x128xi32, #tpu.memory_space<vmem>> -> memref<128xi32, #tpu.memory_space<vmem>>
      %dma_wait3A_483 = arith.constant 0 : i32
      %dma_wait3A_484 = arith.constant 0 : i32
      %dma_wait3A_485 = tpu.memref_slice %arg5[%dma_wait3A_483, %dma_wait3A_484] : memref<10240x64xf32, #tpu.memory_space<vmem_shared>> -> memref<10240x64xf32, #tpu.memory_space<vmem_shared>>
      tpu.wait_indirect_dma semaphore(%arg21 : memref<!tpu.dma_semaphore, #tpu.memory_space<semaphore_mem>>) src(%arg9 : memref<128x64xf32, #tpu.memory_space<vmem>>) dst(%dma_wait3A_485 : memref<10240x64xf32, #tpu.memory_space<vmem_shared>>)
      %add3A_486 = arith.constant 6 : i32
      %add3A_487 = arith.addi %mul3A_369, %add3A_486 : i32
      %add3A_488 = arith.constant 1 : i32
      %add3A_489 = arith.addi %add3A_487, %add3A_488 : i32
      %lt3A_490 = arith.cmpi slt, %add3A_489, %sub3A_47 : i32
      %convert_element_type3A_491 = arith.extui %lt3A_490 : i1 to i32
      %cond3A_492 = arith.constant 0 : i32
      %cond3A_493 = arith.cmpi ne, %convert_element_type3A_491, %cond3A_492 : i32
      scf.if %cond3A_493 {
        %add3A_551 = arith.constant 6 : i32
        %add3A_552 = arith.addi %mul3A_369, %add3A_551 : i32
        %add3A_553 = arith.constant 1 : i32
        %add3A_554 = arith.addi %add3A_552, %add3A_553 : i32
        %dma_start3A_555 = arith.constant 0 : i32
        %dma_start3A_556 = tpu.memref_slice %arg6[%add3A_554, %dma_start3A_555] : memref<79x128xi32, #tpu.memory_space<vmem>> -> memref<1x128xi32, #tpu.memory_space<vmem>>
        %dma_start3A_557 = tpu.memref_squeeze %dma_start3A_556 : memref<1x128xi32, #tpu.memory_space<vmem>> -> memref<128xi32, #tpu.memory_space<vmem>>
        %dma_start3A_558 = arith.constant 0 : i32
        %dma_start3A_559 = arith.constant 0 : i32
        %dma_start3A_560 = tpu.memref_slice %arg2[%dma_start3A_558, %dma_start3A_559] : memref<10000x64xf32, #tpu.memory_space<hbm>> -> memref<10000x64xf32, #tpu.memory_space<hbm>>
        tpu.enqueue_indirect_dma source(%dma_start3A_560 : memref<10000x64xf32, #tpu.memory_space<hbm>>) target(%arg9 : memref<128x64xf32, #tpu.memory_space<vmem>>) offsets(%dma_start3A_557 : memref<128xi32, #tpu.memory_space<vmem>>) semaphore(%arg15 : memref<!tpu.dma_semaphore, #tpu.memory_space<semaphore_mem>>)
      } else {
      }
      %dma_wait3A_494 = arith.constant 0 : i32
      %dma_wait3A_495 = tpu.memref_slice %arg7[%add3A_411, %dma_wait3A_494] : memref<79x128xi32, #tpu.memory_space<vmem>> -> memref<1x128xi32, #tpu.memory_space<vmem>>
      %dma_wait3A_496 = tpu.memref_squeeze %dma_wait3A_495 : memref<1x128xi32, #tpu.memory_space<vmem>> -> memref<128xi32, #tpu.memory_space<vmem>>
      %dma_wait3A_497 = arith.constant 0 : i32
      %dma_wait3A_498 = arith.constant 0 : i32
      %dma_wait3A_499 = tpu.memref_slice %arg5[%dma_wait3A_497, %dma_wait3A_498] : memref<10240x64xf32, #tpu.memory_space<vmem_shared>> -> memref<10240x64xf32, #tpu.memory_space<vmem_shared>>
      tpu.wait_indirect_dma semaphore(%arg22 : memref<!tpu.dma_semaphore, #tpu.memory_space<semaphore_mem>>) src(%arg10 : memref<128x64xf32, #tpu.memory_space<vmem>>) dst(%dma_wait3A_499 : memref<10240x64xf32, #tpu.memory_space<vmem_shared>>)
      %add3A_500 = arith.constant 6 : i32
      %add3A_501 = arith.addi %mul3A_369, %add3A_500 : i32
      %add3A_502 = arith.constant 2 : i32
      %add3A_503 = arith.addi %add3A_501, %add3A_502 : i32
      %lt3A_504 = arith.cmpi slt, %add3A_503, %sub3A_47 : i32
      %convert_element_type3A_505 = arith.extui %lt3A_504 : i1 to i32
      %cond3A_506 = arith.constant 0 : i32
      %cond3A_507 = arith.cmpi ne, %convert_element_type3A_505, %cond3A_506 : i32
      scf.if %cond3A_507 {
        %add3A_551 = arith.constant 6 : i32
        %add3A_552 = arith.addi %mul3A_369, %add3A_551 : i32
        %add3A_553 = arith.constant 2 : i32
        %add3A_554 = arith.addi %add3A_552, %add3A_553 : i32
        %dma_start3A_555 = arith.constant 0 : i32
        %dma_start3A_556 = tpu.memref_slice %arg6[%add3A_554, %dma_start3A_555] : memref<79x128xi32, #tpu.memory_space<vmem>> -> memref<1x128xi32, #tpu.memory_space<vmem>>
        %dma_start3A_557 = tpu.memref_squeeze %dma_start3A_556 : memref<1x128xi32, #tpu.memory_space<vmem>> -> memref<128xi32, #tpu.memory_space<vmem>>
        %dma_start3A_558 = arith.constant 0 : i32
        %dma_start3A_559 = arith.constant 0 : i32
        %dma_start3A_560 = tpu.memref_slice %arg2[%dma_start3A_558, %dma_start3A_559] : memref<10000x64xf32, #tpu.memory_space<hbm>> -> memref<10000x64xf32, #tpu.memory_space<hbm>>
        tpu.enqueue_indirect_dma source(%dma_start3A_560 : memref<10000x64xf32, #tpu.memory_space<hbm>>) target(%arg10 : memref<128x64xf32, #tpu.memory_space<vmem>>) offsets(%dma_start3A_557 : memref<128xi32, #tpu.memory_space<vmem>>) semaphore(%arg16 : memref<!tpu.dma_semaphore, #tpu.memory_space<semaphore_mem>>)
      } else {
      }
      %dma_wait3A_508 = arith.constant 0 : i32
      %dma_wait3A_509 = tpu.memref_slice %arg7[%add3A_427, %dma_wait3A_508] : memref<79x128xi32, #tpu.memory_space<vmem>> -> memref<1x128xi32, #tpu.memory_space<vmem>>
      %dma_wait3A_510 = tpu.memref_squeeze %dma_wait3A_509 : memref<1x128xi32, #tpu.memory_space<vmem>> -> memref<128xi32, #tpu.memory_space<vmem>>
      %dma_wait3A_511 = arith.constant 0 : i32
      %dma_wait3A_512 = arith.constant 0 : i32
      %dma_wait3A_513 = tpu.memref_slice %arg5[%dma_wait3A_511, %dma_wait3A_512] : memref<10240x64xf32, #tpu.memory_space<vmem_shared>> -> memref<10240x64xf32, #tpu.memory_space<vmem_shared>>
      tpu.wait_indirect_dma semaphore(%arg23 : memref<!tpu.dma_semaphore, #tpu.memory_space<semaphore_mem>>) src(%arg11 : memref<128x64xf32, #tpu.memory_space<vmem>>) dst(%dma_wait3A_513 : memref<10240x64xf32, #tpu.memory_space<vmem_shared>>)
      %add3A_514 = arith.constant 6 : i32
      %add3A_515 = arith.addi %mul3A_369, %add3A_514 : i32
      %add3A_516 = arith.constant 3 : i32
      %add3A_517 = arith.addi %add3A_515, %add3A_516 : i32
      %lt3A_518 = arith.cmpi slt, %add3A_517, %sub3A_47 : i32
      %convert_element_type3A_519 = arith.extui %lt3A_518 : i1 to i32
      %cond3A_520 = arith.constant 0 : i32
      %cond3A_521 = arith.cmpi ne, %convert_element_type3A_519, %cond3A_520 : i32
      scf.if %cond3A_521 {
        %add3A_551 = arith.constant 6 : i32
        %add3A_552 = arith.addi %mul3A_369, %add3A_551 : i32
        %add3A_553 = arith.constant 3 : i32
        %add3A_554 = arith.addi %add3A_552, %add3A_553 : i32
        %dma_start3A_555 = arith.constant 0 : i32
        %dma_start3A_556 = tpu.memref_slice %arg6[%add3A_554, %dma_start3A_555] : memref<79x128xi32, #tpu.memory_space<vmem>> -> memref<1x128xi32, #tpu.memory_space<vmem>>
        %dma_start3A_557 = tpu.memref_squeeze %dma_start3A_556 : memref<1x128xi32, #tpu.memory_space<vmem>> -> memref<128xi32, #tpu.memory_space<vmem>>
        %dma_start3A_558 = arith.constant 0 : i32
        %dma_start3A_559 = arith.constant 0 : i32
        %dma_start3A_560 = tpu.memref_slice %arg2[%dma_start3A_558, %dma_start3A_559] : memref<10000x64xf32, #tpu.memory_space<hbm>> -> memref<10000x64xf32, #tpu.memory_space<hbm>>
        tpu.enqueue_indirect_dma source(%dma_start3A_560 : memref<10000x64xf32, #tpu.memory_space<hbm>>) target(%arg11 : memref<128x64xf32, #tpu.memory_space<vmem>>) offsets(%dma_start3A_557 : memref<128xi32, #tpu.memory_space<vmem>>) semaphore(%arg17 : memref<!tpu.dma_semaphore, #tpu.memory_space<semaphore_mem>>)
      } else {
      }
      %dma_wait3A_522 = arith.constant 0 : i32
      %dma_wait3A_523 = tpu.memref_slice %arg7[%add3A_443, %dma_wait3A_522] : memref<79x128xi32, #tpu.memory_space<vmem>> -> memref<1x128xi32, #tpu.memory_space<vmem>>
      %dma_wait3A_524 = tpu.memref_squeeze %dma_wait3A_523 : memref<1x128xi32, #tpu.memory_space<vmem>> -> memref<128xi32, #tpu.memory_space<vmem>>
      %dma_wait3A_525 = arith.constant 0 : i32
      %dma_wait3A_526 = arith.constant 0 : i32
      %dma_wait3A_527 = tpu.memref_slice %arg5[%dma_wait3A_525, %dma_wait3A_526] : memref<10240x64xf32, #tpu.memory_space<vmem_shared>> -> memref<10240x64xf32, #tpu.memory_space<vmem_shared>>
      tpu.wait_indirect_dma semaphore(%arg24 : memref<!tpu.dma_semaphore, #tpu.memory_space<semaphore_mem>>) src(%arg12 : memref<128x64xf32, #tpu.memory_space<vmem>>) dst(%dma_wait3A_527 : memref<10240x64xf32, #tpu.memory_space<vmem_shared>>)
      %add3A_528 = arith.constant 6 : i32
      %add3A_529 = arith.addi %mul3A_369, %add3A_528 : i32
      %add3A_530 = arith.constant 4 : i32
      %add3A_531 = arith.addi %add3A_529, %add3A_530 : i32
      %lt3A_532 = arith.cmpi slt, %add3A_531, %sub3A_47 : i32
      %convert_element_type3A_533 = arith.extui %lt3A_532 : i1 to i32
      %cond3A_534 = arith.constant 0 : i32
      %cond3A_535 = arith.cmpi ne, %convert_element_type3A_533, %cond3A_534 : i32
      scf.if %cond3A_535 {
        %add3A_551 = arith.constant 6 : i32
        %add3A_552 = arith.addi %mul3A_369, %add3A_551 : i32
        %add3A_553 = arith.constant 4 : i32
        %add3A_554 = arith.addi %add3A_552, %add3A_553 : i32
        %dma_start3A_555 = arith.constant 0 : i32
        %dma_start3A_556 = tpu.memref_slice %arg6[%add3A_554, %dma_start3A_555] : memref<79x128xi32, #tpu.memory_space<vmem>> -> memref<1x128xi32, #tpu.memory_space<vmem>>
        %dma_start3A_557 = tpu.memref_squeeze %dma_start3A_556 : memref<1x128xi32, #tpu.memory_space<vmem>> -> memref<128xi32, #tpu.memory_space<vmem>>
        %dma_start3A_558 = arith.constant 0 : i32
        %dma_start3A_559 = arith.constant 0 : i32
        %dma_start3A_560 = tpu.memref_slice %arg2[%dma_start3A_558, %dma_start3A_559] : memref<10000x64xf32, #tpu.memory_space<hbm>> -> memref<10000x64xf32, #tpu.memory_space<hbm>>
        tpu.enqueue_indirect_dma source(%dma_start3A_560 : memref<10000x64xf32, #tpu.memory_space<hbm>>) target(%arg12 : memref<128x64xf32, #tpu.memory_space<vmem>>) offsets(%dma_start3A_557 : memref<128xi32, #tpu.memory_space<vmem>>) semaphore(%arg18 : memref<!tpu.dma_semaphore, #tpu.memory_space<semaphore_mem>>)
      } else {
      }
      %dma_wait3A_536 = arith.constant 0 : i32
      %dma_wait3A_537 = tpu.memref_slice %arg7[%add3A_459, %dma_wait3A_536] : memref<79x128xi32, #tpu.memory_space<vmem>> -> memref<1x128xi32, #tpu.memory_space<vmem>>
      %dma_wait3A_538 = tpu.memref_squeeze %dma_wait3A_537 : memref<1x128xi32, #tpu.memory_space<vmem>> -> memref<128xi32, #tpu.memory_space<vmem>>
      %dma_wait3A_539 = arith.constant 0 : i32
      %dma_wait3A_540 = arith.constant 0 : i32
      %dma_wait3A_541 = tpu.memref_slice %arg5[%dma_wait3A_539, %dma_wait3A_540] : memref<10240x64xf32, #tpu.memory_space<vmem_shared>> -> memref<10240x64xf32, #tpu.memory_space<vmem_shared>>
      tpu.wait_indirect_dma semaphore(%arg25 : memref<!tpu.dma_semaphore, #tpu.memory_space<semaphore_mem>>) src(%arg13 : memref<128x64xf32, #tpu.memory_space<vmem>>) dst(%dma_wait3A_541 : memref<10240x64xf32, #tpu.memory_space<vmem_shared>>)
      %add3A_542 = arith.constant 6 : i32
      %add3A_543 = arith.addi %mul3A_369, %add3A_542 : i32
      %add3A_544 = arith.constant 5 : i32
      %add3A_545 = arith.addi %add3A_543, %add3A_544 : i32
      %lt3A_546 = arith.cmpi slt, %add3A_545, %sub3A_47 : i32
      %convert_element_type3A_547 = arith.extui %lt3A_546 : i1 to i32
      %cond3A_548 = arith.constant 0 : i32
      %cond3A_549 = arith.cmpi ne, %convert_element_type3A_547, %cond3A_548 : i32
      scf.if %cond3A_549 {
        %add3A_551 = arith.constant 6 : i32
        %add3A_552 = arith.addi %mul3A_369, %add3A_551 : i32
        %add3A_553 = arith.constant 5 : i32
        %add3A_554 = arith.addi %add3A_552, %add3A_553 : i32
        %dma_start3A_555 = arith.constant 0 : i32
        %dma_start3A_556 = tpu.memref_slice %arg6[%add3A_554, %dma_start3A_555] : memref<79x128xi32, #tpu.memory_space<vmem>> -> memref<1x128xi32, #tpu.memory_space<vmem>>
        %dma_start3A_557 = tpu.memref_squeeze %dma_start3A_556 : memref<1x128xi32, #tpu.memory_space<vmem>> -> memref<128xi32, #tpu.memory_space<vmem>>
        %dma_start3A_558 = arith.constant 0 : i32
        %dma_start3A_559 = arith.constant 0 : i32
        %dma_start3A_560 = tpu.memref_slice %arg2[%dma_start3A_558, %dma_start3A_559] : memref<10000x64xf32, #tpu.memory_space<hbm>> -> memref<10000x64xf32, #tpu.memory_space<hbm>>
        tpu.enqueue_indirect_dma source(%dma_start3A_560 : memref<10000x64xf32, #tpu.memory_space<hbm>>) target(%arg13 : memref<128x64xf32, #tpu.memory_space<vmem>>) offsets(%dma_start3A_557 : memref<128xi32, #tpu.memory_space<vmem>>) semaphore(%arg19 : memref<!tpu.dma_semaphore, #tpu.memory_space<semaphore_mem>>)
      } else {
      }
      %while3A_550 = arith.constant 0 : i32
      scf.yield %while3A_550 : i32
    }
    %while3A_219 = arith.constant 1 : i32
    %while3A_220 = scf.for %while3A_366 = %while3A_216 to %while3A_212 step %while3A_219 iter_args(%while3A_367 = %while3A_218) -> (i32)  : i32 {
      %mul3A_368 = arith.constant 6 : i32
      %mul3A_369 = arith.muli %mul3A_368, %while3A_366 : i32
      %add3A_370 = arith.constant 0 : i32
      %add3A_371 = arith.addi %mul3A_369, %add3A_370 : i32
      %dma_wait3A_372 = arith.constant 0 : i32
      %dma_wait3A_373 = tpu.memref_slice %arg6[%add3A_371, %dma_wait3A_372] : memref<79x128xi32, #tpu.memory_space<vmem>> -> memref<1x128xi32, #tpu.memory_space<vmem>>
      %dma_wait3A_374 = tpu.memref_squeeze %dma_wait3A_373 : memref<1x128xi32, #tpu.memory_space<vmem>> -> memref<128xi32, #tpu.memory_space<vmem>>
      %dma_wait3A_375 = arith.constant 0 : i32
      %dma_wait3A_376 = arith.constant 0 : i32
      %dma_wait3A_377 = tpu.memref_slice %arg2[%dma_wait3A_375, %dma_wait3A_376] : memref<10000x64xf32, #tpu.memory_space<hbm>> -> memref<10000x64xf32, #tpu.memory_space<hbm>>
      tpu.wait_indirect_dma semaphore(%arg14 : memref<!tpu.dma_semaphore, #tpu.memory_space<semaphore_mem>>) src(%dma_wait3A_377 : memref<10000x64xf32, #tpu.memory_space<hbm>>) dst(%arg8 : memref<128x64xf32, #tpu.memory_space<vmem>>)
      %add3A_378 = arith.constant 0 : i32
      %add3A_379 = arith.addi %mul3A_369, %add3A_378 : i32
      %dma_start3A_380 = arith.constant 0 : i32
      %dma_start3A_381 = tpu.memref_slice %arg7[%add3A_379, %dma_start3A_380] : memref<79x128xi32, #tpu.memory_space<vmem>> -> memref<1x128xi32, #tpu.memory_space<vmem>>
      %dma_start3A_382 = tpu.memref_squeeze %dma_start3A_381 : memref<1x128xi32, #tpu.memory_space<vmem>> -> memref<128xi32, #tpu.memory_space<vmem>>
      %dma_start3A_383 = arith.constant 0 : i32
      %dma_start3A_384 = arith.constant 0 : i32
      %dma_start3A_385 = tpu.memref_slice %arg5[%dma_start3A_383, %dma_start3A_384] : memref<10240x64xf32, #tpu.memory_space<vmem_shared>> -> memref<10240x64xf32, #tpu.memory_space<vmem_shared>>
      tpu.enqueue_indirect_dma source(%arg8 : memref<128x64xf32, #tpu.memory_space<vmem>>) target(%dma_start3A_385 : memref<10240x64xf32, #tpu.memory_space<vmem_shared>>) offsets(%dma_start3A_382 : memref<128xi32, #tpu.memory_space<vmem>>) semaphore(%arg20 : memref<!tpu.dma_semaphore, #tpu.memory_space<semaphore_mem>>) {add = true}
      %add3A_386 = arith.constant 1 : i32
      %add3A_387 = arith.addi %mul3A_369, %add3A_386 : i32
      %dma_wait3A_388 = arith.constant 0 : i32
      %dma_wait3A_389 = tpu.memref_slice %arg6[%add3A_387, %dma_wait3A_388] : memref<79x128xi32, #tpu.memory_space<vmem>> -> memref<1x128xi32, #tpu.memory_space<vmem>>
      %dma_wait3A_390 = tpu.memref_squeeze %dma_wait3A_389 : memref<1x128xi32, #tpu.memory_space<vmem>> -> memref<128xi32, #tpu.memory_space<vmem>>
      %dma_wait3A_391 = arith.constant 0 : i32
      %dma_wait3A_392 = arith.constant 0 : i32
      %dma_wait3A_393 = tpu.memref_slice %arg2[%dma_wait3A_391, %dma_wait3A_392] : memref<10000x64xf32, #tpu.memory_space<hbm>> -> memref<10000x64xf32, #tpu.memory_space<hbm>>
      tpu.wait_indirect_dma semaphore(%arg15 : memref<!tpu.dma_semaphore, #tpu.memory_space<semaphore_mem>>) src(%dma_wait3A_393 : memref<10000x64xf32, #tpu.memory_space<hbm>>) dst(%arg9 : memref<128x64xf32, #tpu.memory_space<vmem>>)
      %add3A_394 = arith.constant 1 : i32
      %add3A_395 = arith.addi %mul3A_369, %add3A_394 : i32
      %dma_start3A_396 = arith.constant 0 : i32
      %dma_start3A_397 = tpu.memref_slice %arg7[%add3A_395, %dma_start3A_396] : memref<79x128xi32, #tpu.memory_space<vmem>> -> memref<1x128xi32, #tpu.memory_space<vmem>>
      %dma_start3A_398 = tpu.memref_squeeze %dma_start3A_397 : memref<1x128xi32, #tpu.memory_space<vmem>> -> memref<128xi32, #tpu.memory_space<vmem>>
      %dma_start3A_399 = arith.constant 0 : i32
      %dma_start3A_400 = arith.constant 0 : i32
      %dma_start3A_401 = tpu.memref_slice %arg5[%dma_start3A_399, %dma_start3A_400] : memref<10240x64xf32, #tpu.memory_space<vmem_shared>> -> memref<10240x64xf32, #tpu.memory_space<vmem_shared>>
      tpu.enqueue_indirect_dma source(%arg9 : memref<128x64xf32, #tpu.memory_space<vmem>>) target(%dma_start3A_401 : memref<10240x64xf32, #tpu.memory_space<vmem_shared>>) offsets(%dma_start3A_398 : memref<128xi32, #tpu.memory_space<vmem>>) semaphore(%arg21 : memref<!tpu.dma_semaphore, #tpu.memory_space<semaphore_mem>>) {add = true}
      %add3A_402 = arith.constant 2 : i32
      %add3A_403 = arith.addi %mul3A_369, %add3A_402 : i32
      %dma_wait3A_404 = arith.constant 0 : i32
      %dma_wait3A_405 = tpu.memref_slice %arg6[%add3A_403, %dma_wait3A_404] : memref<79x128xi32, #tpu.memory_space<vmem>> -> memref<1x128xi32, #tpu.memory_space<vmem>>
      %dma_wait3A_406 = tpu.memref_squeeze %dma_wait3A_405 : memref<1x128xi32, #tpu.memory_space<vmem>> -> memref<128xi32, #tpu.memory_space<vmem>>
      %dma_wait3A_407 = arith.constant 0 : i32
      %dma_wait3A_408 = arith.constant 0 : i32
      %dma_wait3A_409 = tpu.memref_slice %arg2[%dma_wait3A_407, %dma_wait3A_408] : memref<10000x64xf32, #tpu.memory_space<hbm>> -> memref<10000x64xf32, #tpu.memory_space<hbm>>
      tpu.wait_indirect_dma semaphore(%arg16 : memref<!tpu.dma_semaphore, #tpu.memory_space<semaphore_mem>>) src(%dma_wait3A_409 : memref<10000x64xf32, #tpu.memory_space<hbm>>) dst(%arg10 : memref<128x64xf32, #tpu.memory_space<vmem>>)
      %add3A_410 = arith.constant 2 : i32
      %add3A_411 = arith.addi %mul3A_369, %add3A_410 : i32
      %dma_start3A_412 = arith.constant 0 : i32
      %dma_start3A_413 = tpu.memref_slice %arg7[%add3A_411, %dma_start3A_412] : memref<79x128xi32, #tpu.memory_space<vmem>> -> memref<1x128xi32, #tpu.memory_space<vmem>>
      %dma_start3A_414 = tpu.memref_squeeze %dma_start3A_413 : memref<1x128xi32, #tpu.memory_space<vmem>> -> memref<128xi32, #tpu.memory_space<vmem>>
      %dma_start3A_415 = arith.constant 0 : i32
      %dma_start3A_416 = arith.constant 0 : i32
      %dma_start3A_417 = tpu.memref_slice %arg5[%dma_start3A_415, %dma_start3A_416] : memref<10240x64xf32, #tpu.memory_space<vmem_shared>> -> memref<10240x64xf32, #tpu.memory_space<vmem_shared>>
      tpu.enqueue_indirect_dma source(%arg10 : memref<128x64xf32, #tpu.memory_space<vmem>>) target(%dma_start3A_417 : memref<10240x64xf32, #tpu.memory_space<vmem_shared>>) offsets(%dma_start3A_414 : memref<128xi32, #tpu.memory_space<vmem>>) semaphore(%arg22 : memref<!tpu.dma_semaphore, #tpu.memory_space<semaphore_mem>>) {add = true}
      %add3A_418 = arith.constant 3 : i32
      %add3A_419 = arith.addi %mul3A_369, %add3A_418 : i32
      %dma_wait3A_420 = arith.constant 0 : i32
      %dma_wait3A_421 = tpu.memref_slice %arg6[%add3A_419, %dma_wait3A_420] : memref<79x128xi32, #tpu.memory_space<vmem>> -> memref<1x128xi32, #tpu.memory_space<vmem>>
      %dma_wait3A_422 = tpu.memref_squeeze %dma_wait3A_421 : memref<1x128xi32, #tpu.memory_space<vmem>> -> memref<128xi32, #tpu.memory_space<vmem>>
      %dma_wait3A_423 = arith.constant 0 : i32
      %dma_wait3A_424 = arith.constant 0 : i32
      %dma_wait3A_425 = tpu.memref_slice %arg2[%dma_wait3A_423, %dma_wait3A_424] : memref<10000x64xf32, #tpu.memory_space<hbm>> -> memref<10000x64xf32, #tpu.memory_space<hbm>>
      tpu.wait_indirect_dma semaphore(%arg17 : memref<!tpu.dma_semaphore, #tpu.memory_space<semaphore_mem>>) src(%dma_wait3A_425 : memref<10000x64xf32, #tpu.memory_space<hbm>>) dst(%arg11 : memref<128x64xf32, #tpu.memory_space<vmem>>)
      %add3A_426 = arith.constant 3 : i32
      %add3A_427 = arith.addi %mul3A_369, %add3A_426 : i32
      %dma_start3A_428 = arith.constant 0 : i32
      %dma_start3A_429 = tpu.memref_slice %arg7[%add3A_427, %dma_start3A_428] : memref<79x128xi32, #tpu.memory_space<vmem>> -> memref<1x128xi32, #tpu.memory_space<vmem>>
      %dma_start3A_430 = tpu.memref_squeeze %dma_start3A_429 : memref<1x128xi32, #tpu.memory_space<vmem>> -> memref<128xi32, #tpu.memory_space<vmem>>
      %dma_start3A_431 = arith.constant 0 : i32
      %dma_start3A_432 = arith.constant 0 : i32
      %dma_start3A_433 = tpu.memref_slice %arg5[%dma_start3A_431, %dma_start3A_432] : memref<10240x64xf32, #tpu.memory_space<vmem_shared>> -> memref<10240x64xf32, #tpu.memory_space<vmem_shared>>
      tpu.enqueue_indirect_dma source(%arg11 : memref<128x64xf32, #tpu.memory_space<vmem>>) target(%dma_start3A_433 : memref<10240x64xf32, #tpu.memory_space<vmem_shared>>) offsets(%dma_start3A_430 : memref<128xi32, #tpu.memory_space<vmem>>) semaphore(%arg23 : memref<!tpu.dma_semaphore, #tpu.memory_space<semaphore_mem>>) {add = true}
      %add3A_434 = arith.constant 4 : i32
      %add3A_435 = arith.addi %mul3A_369, %add3A_434 : i32
      %dma_wait3A_436 = arith.constant 0 : i32
      %dma_wait3A_437 = tpu.memref_slice %arg6[%add3A_435, %dma_wait3A_436] : memref<79x128xi32, #tpu.memory_space<vmem>> -> memref<1x128xi32, #tpu.memory_space<vmem>>
      %dma_wait3A_438 = tpu.memref_squeeze %dma_wait3A_437 : memref<1x128xi32, #tpu.memory_space<vmem>> -> memref<128xi32, #tpu.memory_space<vmem>>
      %dma_wait3A_439 = arith.constant 0 : i32
      %dma_wait3A_440 = arith.constant 0 : i32
      %dma_wait3A_441 = tpu.memref_slice %arg2[%dma_wait3A_439, %dma_wait3A_440] : memref<10000x64xf32, #tpu.memory_space<hbm>> -> memref<10000x64xf32, #tpu.memory_space<hbm>>
      tpu.wait_indirect_dma semaphore(%arg18 : memref<!tpu.dma_semaphore, #tpu.memory_space<semaphore_mem>>) src(%dma_wait3A_441 : memref<10000x64xf32, #tpu.memory_space<hbm>>) dst(%arg12 : memref<128x64xf32, #tpu.memory_space<vmem>>)
      %add3A_442 = arith.constant 4 : i32
      %add3A_443 = arith.addi %mul3A_369, %add3A_442 : i32
      %dma_start3A_444 = arith.constant 0 : i32
      %dma_start3A_445 = tpu.memref_slice %arg7[%add3A_443, %dma_start3A_444] : memref<79x128xi32, #tpu.memory_space<vmem>> -> memref<1x128xi32, #tpu.memory_space<vmem>>
      %dma_start3A_446 = tpu.memref_squeeze %dma_start3A_445 : memref<1x128xi32, #tpu.memory_space<vmem>> -> memref<128xi32, #tpu.memory_space<vmem>>
      %dma_start3A_447 = arith.constant 0 : i32
      %dma_start3A_448 = arith.constant 0 : i32
      %dma_start3A_449 = tpu.memref_slice %arg5[%dma_start3A_447, %dma_start3A_448] : memref<10240x64xf32, #tpu.memory_space<vmem_shared>> -> memref<10240x64xf32, #tpu.memory_space<vmem_shared>>
      tpu.enqueue_indirect_dma source(%arg12 : memref<128x64xf32, #tpu.memory_space<vmem>>) target(%dma_start3A_449 : memref<10240x64xf32, #tpu.memory_space<vmem_shared>>) offsets(%dma_start3A_446 : memref<128xi32, #tpu.memory_space<vmem>>) semaphore(%arg24 : memref<!tpu.dma_semaphore, #tpu.memory_space<semaphore_mem>>) {add = true}
      %add3A_450 = arith.constant 5 : i32
      %add3A_451 = arith.addi %mul3A_369, %add3A_450 : i32
      %dma_wait3A_452 = arith.constant 0 : i32
      %dma_wait3A_453 = tpu.memref_slice %arg6[%add3A_451, %dma_wait3A_452] : memref<79x128xi32, #tpu.memory_space<vmem>> -> memref<1x128xi32, #tpu.memory_space<vmem>>
      %dma_wait3A_454 = tpu.memref_squeeze %dma_wait3A_453 : memref<1x128xi32, #tpu.memory_space<vmem>> -> memref<128xi32, #tpu.memory_space<vmem>>
      %dma_wait3A_455 = arith.constant 0 : i32
      %dma_wait3A_456 = arith.constant 0 : i32
      %dma_wait3A_457 = tpu.memref_slice %arg2[%dma_wait3A_455, %dma_wait3A_456] : memref<10000x64xf32, #tpu.memory_space<hbm>> -> memref<10000x64xf32, #tpu.memory_space<hbm>>
      tpu.wait_indirect_dma semaphore(%arg19 : memref<!tpu.dma_semaphore, #tpu.memory_space<semaphore_mem>>) src(%dma_wait3A_457 : memref<10000x64xf32, #tpu.memory_space<hbm>>) dst(%arg13 : memref<128x64xf32, #tpu.memory_space<vmem>>)
      %add3A_458 = arith.constant 5 : i32
      %add3A_459 = arith.addi %mul3A_369, %add3A_458 : i32
      %dma_start3A_460 = arith.constant 0 : i32
      %dma_start3A_461 = tpu.memref_slice %arg7[%add3A_459, %dma_start3A_460] : memref<79x128xi32, #tpu.memory_space<vmem>> -> memref<1x128xi32, #tpu.memory_space<vmem>>
      %dma_start3A_462 = tpu.memref_squeeze %dma_start3A_461 : memref<1x128xi32, #tpu.memory_space<vmem>> -> memref<128xi32, #tpu.memory_space<vmem>>
      %dma_start3A_463 = arith.constant 0 : i32
      %dma_start3A_464 = arith.constant 0 : i32
      %dma_start3A_465 = tpu.memref_slice %arg5[%dma_start3A_463, %dma_start3A_464] : memref<10240x64xf32, #tpu.memory_space<vmem_shared>> -> memref<10240x64xf32, #tpu.memory_space<vmem_shared>>
      tpu.enqueue_indirect_dma source(%arg13 : memref<128x64xf32, #tpu.memory_space<vmem>>) target(%dma_start3A_465 : memref<10240x64xf32, #tpu.memory_space<vmem_shared>>) offsets(%dma_start3A_462 : memref<128xi32, #tpu.memory_space<vmem>>) semaphore(%arg25 : memref<!tpu.dma_semaphore, #tpu.memory_space<semaphore_mem>>) {add = true}
      %dma_wait3A_466 = arith.constant 0 : i32
      %dma_wait3A_467 = tpu.memref_slice %arg7[%add3A_379, %dma_wait3A_466] : memref<79x128xi32, #tpu.memory_space<vmem>> -> memref<1x128xi32, #tpu.memory_space<vmem>>
      %dma_wait3A_468 = tpu.memref_squeeze %dma_wait3A_467 : memref<1x128xi32, #tpu.memory_space<vmem>> -> memref<128xi32, #tpu.memory_space<vmem>>
      %dma_wait3A_469 = arith.constant 0 : i32
      %dma_wait3A_470 = arith.constant 0 : i32
      %dma_wait3A_471 = tpu.memref_slice %arg5[%dma_wait3A_469, %dma_wait3A_470] : memref<10240x64xf32, #tpu.memory_space<vmem_shared>> -> memref<10240x64xf32, #tpu.memory_space<vmem_shared>>
      tpu.wait_indirect_dma semaphore(%arg20 : memref<!tpu.dma_semaphore, #tpu.memory_space<semaphore_mem>>) src(%arg8 : memref<128x64xf32, #tpu.memory_space<vmem>>) dst(%dma_wait3A_471 : memref<10240x64xf32, #tpu.memory_space<vmem_shared>>)
      %add3A_472 = arith.constant 6 : i32
      %add3A_473 = arith.addi %mul3A_369, %add3A_472 : i32
      %add3A_474 = arith.constant 0 : i32
      %add3A_475 = arith.addi %add3A_473, %add3A_474 : i32
      %lt3A_476 = arith.cmpi slt, %add3A_475, %sub3A_47 : i32
      %convert_element_type3A_477 = arith.extui %lt3A_476 : i1 to i32
      %cond3A_478 = arith.constant 0 : i32
      %cond3A_479 = arith.cmpi ne, %convert_element_type3A_477, %cond3A_478 : i32
      scf.if %cond3A_479 {
        %add3A_551 = arith.constant 6 : i32
        %add3A_552 = arith.addi %mul3A_369, %add3A_551 : i32
        %add3A_553 = arith.constant 0 : i32
        %add3A_554 = arith.addi %add3A_552, %add3A_553 : i32
        %dma_start3A_555 = arith.constant 0 : i32
        %dma_start3A_556 = tpu.memref_slice %arg6[%add3A_554, %dma_start3A_555] : memref<79x128xi32, #tpu.memory_space<vmem>> -> memref<1x128xi32, #tpu.memory_space<vmem>>
        %dma_start3A_557 = tpu.memref_squeeze %dma_start3A_556 : memref<1x128xi32, #tpu.memory_space<vmem>> -> memref<128xi32, #tpu.memory_space<vmem>>
        %dma_start3A_558 = arith.constant 0 : i32
        %dma_start3A_559 = arith.constant 0 : i32
        %dma_start3A_560 = tpu.memref_slice %arg2[%dma_start3A_558, %dma_start3A_559] : memref<10000x64xf32, #tpu.memory_space<hbm>> -> memref<10000x64xf32, #tpu.memory_space<hbm>>
        tpu.enqueue_indirect_dma source(%dma_start3A_560 : memref<10000x64xf32, #tpu.memory_space<hbm>>) target(%arg8 : memref<128x64xf32, #tpu.memory_space<vmem>>) offsets(%dma_start3A_557 : memref<128xi32, #tpu.memory_space<vmem>>) semaphore(%arg14 : memref<!tpu.dma_semaphore, #tpu.memory_space<semaphore_mem>>)
      } else {
      }
      %dma_wait3A_480 = arith.constant 0 : i32
      %dma_wait3A_481 = tpu.memref_slice %arg7[%add3A_395, %dma_wait3A_480] : memref<79x128xi32, #tpu.memory_space<vmem>> -> memref<1x128xi32, #tpu.memory_space<vmem>>
      %dma_wait3A_482 = tpu.memref_squeeze %dma_wait3A_481 : memref<1x128xi32, #tpu.memory_space<vmem>> -> memref<128xi32, #tpu.memory_space<vmem>>
      %dma_wait3A_483 = arith.constant 0 : i32
      %dma_wait3A_484 = arith.constant 0 : i32
      %dma_wait3A_485 = tpu.memref_slice %arg5[%dma_wait3A_483, %dma_wait3A_484] : memref<10240x64xf32, #tpu.memory_space<vmem_shared>> -> memref<10240x64xf32, #tpu.memory_space<vmem_shared>>
      tpu.wait_indirect_dma semaphore(%arg21 : memref<!tpu.dma_semaphore, #tpu.memory_space<semaphore_mem>>) src(%arg9 : memref<128x64xf32, #tpu.memory_space<vmem>>) dst(%dma_wait3A_485 : memref<10240x64xf32, #tpu.memory_space<vmem_shared>>)
      %add3A_486 = arith.constant 6 : i32
      %add3A_487 = arith.addi %mul3A_369, %add3A_486 : i32
      %add3A_488 = arith.constant 1 : i32
      %add3A_489 = arith.addi %add3A_487, %add3A_488 : i32
      %lt3A_490 = arith.cmpi slt, %add3A_489, %sub3A_47 : i32
      %convert_element_type3A_491 = arith.extui %lt3A_490 : i1 to i32
      %cond3A_492 = arith.constant 0 : i32
      %cond3A_493 = arith.cmpi ne, %convert_element_type3A_491, %cond3A_492 : i32
      scf.if %cond3A_493 {
        %add3A_551 = arith.constant 6 : i32
        %add3A_552 = arith.addi %mul3A_369, %add3A_551 : i32
        %add3A_553 = arith.constant 1 : i32
        %add3A_554 = arith.addi %add3A_552, %add3A_553 : i32
        %dma_start3A_555 = arith.constant 0 : i32
        %dma_start3A_556 = tpu.memref_slice %arg6[%add3A_554, %dma_start3A_555] : memref<79x128xi32, #tpu.memory_space<vmem>> -> memref<1x128xi32, #tpu.memory_space<vmem>>
        %dma_start3A_557 = tpu.memref_squeeze %dma_start3A_556 : memref<1x128xi32, #tpu.memory_space<vmem>> -> memref<128xi32, #tpu.memory_space<vmem>>
        %dma_start3A_558 = arith.constant 0 : i32
        %dma_start3A_559 = arith.constant 0 : i32
        %dma_start3A_560 = tpu.memref_slice %arg2[%dma_start3A_558, %dma_start3A_559] : memref<10000x64xf32, #tpu.memory_space<hbm>> -> memref<10000x64xf32, #tpu.memory_space<hbm>>
        tpu.enqueue_indirect_dma source(%dma_start3A_560 : memref<10000x64xf32, #tpu.memory_space<hbm>>) target(%arg9 : memref<128x64xf32, #tpu.memory_space<vmem>>) offsets(%dma_start3A_557 : memref<128xi32, #tpu.memory_space<vmem>>) semaphore(%arg15 : memref<!tpu.dma_semaphore, #tpu.memory_space<semaphore_mem>>)
      } else {
      }
      %dma_wait3A_494 = arith.constant 0 : i32
      %dma_wait3A_495 = tpu.memref_slice %arg7[%add3A_411, %dma_wait3A_494] : memref<79x128xi32, #tpu.memory_space<vmem>> -> memref<1x128xi32, #tpu.memory_space<vmem>>
      %dma_wait3A_496 = tpu.memref_squeeze %dma_wait3A_495 : memref<1x128xi32, #tpu.memory_space<vmem>> -> memref<128xi32, #tpu.memory_space<vmem>>
      %dma_wait3A_497 = arith.constant 0 : i32
      %dma_wait3A_498 = arith.constant 0 : i32
      %dma_wait3A_499 = tpu.memref_slice %arg5[%dma_wait3A_497, %dma_wait3A_498] : memref<10240x64xf32, #tpu.memory_space<vmem_shared>> -> memref<10240x64xf32, #tpu.memory_space<vmem_shared>>
      tpu.wait_indirect_dma semaphore(%arg22 : memref<!tpu.dma_semaphore, #tpu.memory_space<semaphore_mem>>) src(%arg10 : memref<128x64xf32, #tpu.memory_space<vmem>>) dst(%dma_wait3A_499 : memref<10240x64xf32, #tpu.memory_space<vmem_shared>>)
      %add3A_500 = arith.constant 6 : i32
      %add3A_501 = arith.addi %mul3A_369, %add3A_500 : i32
      %add3A_502 = arith.constant 2 : i32
      %add3A_503 = arith.addi %add3A_501, %add3A_502 : i32
      %lt3A_504 = arith.cmpi slt, %add3A_503, %sub3A_47 : i32
      %convert_element_type3A_505 = arith.extui %lt3A_504 : i1 to i32
      %cond3A_506 = arith.constant 0 : i32
      %cond3A_507 = arith.cmpi ne, %convert_element_type3A_505, %cond3A_506 : i32
      scf.if %cond3A_507 {
        %add3A_551 = arith.constant 6 : i32
        %add3A_552 = arith.addi %mul3A_369, %add3A_551 : i32
        %add3A_553 = arith.constant 2 : i32
        %add3A_554 = arith.addi %add3A_552, %add3A_553 : i32
        %dma_start3A_555 = arith.constant 0 : i32
        %dma_start3A_556 = tpu.memref_slice %arg6[%add3A_554, %dma_start3A_555] : memref<79x128xi32, #tpu.memory_space<vmem>> -> memref<1x128xi32, #tpu.memory_space<vmem>>
        %dma_start3A_557 = tpu.memref_squeeze %dma_start3A_556 : memref<1x128xi32, #tpu.memory_space<vmem>> -> memref<128xi32, #tpu.memory_space<vmem>>
        %dma_start3A_558 = arith.constant 0 : i32
        %dma_start3A_559 = arith.constant 0 : i32
        %dma_start3A_560 = tpu.memref_slice %arg2[%dma_start3A_558, %dma_start3A_559] : memref<10000x64xf32, #tpu.memory_space<hbm>> -> memref<10000x64xf32, #tpu.memory_space<hbm>>
        tpu.enqueue_indirect_dma source(%dma_start3A_560 : memref<10000x64xf32, #tpu.memory_space<hbm>>) target(%arg10 : memref<128x64xf32, #tpu.memory_space<vmem>>) offsets(%dma_start3A_557 : memref<128xi32, #tpu.memory_space<vmem>>) semaphore(%arg16 : memref<!tpu.dma_semaphore, #tpu.memory_space<semaphore_mem>>)
      } else {
      }
      %dma_wait3A_508 = arith.constant 0 : i32
      %dma_wait3A_509 = tpu.memref_slice %arg7[%add3A_427, %dma_wait3A_508] : memref<79x128xi32, #tpu.memory_space<vmem>> -> memref<1x128xi32, #tpu.memory_space<vmem>>
      %dma_wait3A_510 = tpu.memref_squeeze %dma_wait3A_509 : memref<1x128xi32, #tpu.memory_space<vmem>> -> memref<128xi32, #tpu.memory_space<vmem>>
      %dma_wait3A_511 = arith.constant 0 : i32
      %dma_wait3A_512 = arith.constant 0 : i32
      %dma_wait3A_513 = tpu.memref_slice %arg5[%dma_wait3A_511, %dma_wait3A_512] : memref<10240x64xf32, #tpu.memory_space<vmem_shared>> -> memref<10240x64xf32, #tpu.memory_space<vmem_shared>>
      tpu.wait_indirect_dma semaphore(%arg23 : memref<!tpu.dma_semaphore, #tpu.memory_space<semaphore_mem>>) src(%arg11 : memref<128x64xf32, #tpu.memory_space<vmem>>) dst(%dma_wait3A_513 : memref<10240x64xf32, #tpu.memory_space<vmem_shared>>)
      %add3A_514 = arith.constant 6 : i32
      %add3A_515 = arith.addi %mul3A_369, %add3A_514 : i32
      %add3A_516 = arith.constant 3 : i32
      %add3A_517 = arith.addi %add3A_515, %add3A_516 : i32
      %lt3A_518 = arith.cmpi slt, %add3A_517, %sub3A_47 : i32
      %convert_element_type3A_519 = arith.extui %lt3A_518 : i1 to i32
      %cond3A_520 = arith.constant 0 : i32
      %cond3A_521 = arith.cmpi ne, %convert_element_type3A_519, %cond3A_520 : i32
      scf.if %cond3A_521 {
        %add3A_551 = arith.constant 6 : i32
        %add3A_552 = arith.addi %mul3A_369, %add3A_551 : i32
        %add3A_553 = arith.constant 3 : i32
        %add3A_554 = arith.addi %add3A_552, %add3A_553 : i32
        %dma_start3A_555 = arith.constant 0 : i32
        %dma_start3A_556 = tpu.memref_slice %arg6[%add3A_554, %dma_start3A_555] : memref<79x128xi32, #tpu.memory_space<vmem>> -> memref<1x128xi32, #tpu.memory_space<vmem>>
        %dma_start3A_557 = tpu.memref_squeeze %dma_start3A_556 : memref<1x128xi32, #tpu.memory_space<vmem>> -> memref<128xi32, #tpu.memory_space<vmem>>
        %dma_start3A_558 = arith.constant 0 : i32
        %dma_start3A_559 = arith.constant 0 : i32
        %dma_start3A_560 = tpu.memref_slice %arg2[%dma_start3A_558, %dma_start3A_559] : memref<10000x64xf32, #tpu.memory_space<hbm>> -> memref<10000x64xf32, #tpu.memory_space<hbm>>
        tpu.enqueue_indirect_dma source(%dma_start3A_560 : memref<10000x64xf32, #tpu.memory_space<hbm>>) target(%arg11 : memref<128x64xf32, #tpu.memory_space<vmem>>) offsets(%dma_start3A_557 : memref<128xi32, #tpu.memory_space<vmem>>) semaphore(%arg17 : memref<!tpu.dma_semaphore, #tpu.memory_space<semaphore_mem>>)
      } else {
      }
      %dma_wait3A_522 = arith.constant 0 : i32
      %dma_wait3A_523 = tpu.memref_slice %arg7[%add3A_443, %dma_wait3A_522] : memref<79x128xi32, #tpu.memory_space<vmem>> -> memref<1x128xi32, #tpu.memory_space<vmem>>
      %dma_wait3A_524 = tpu.memref_squeeze %dma_wait3A_523 : memref<1x128xi32, #tpu.memory_space<vmem>> -> memref<128xi32, #tpu.memory_space<vmem>>
      %dma_wait3A_525 = arith.constant 0 : i32
      %dma_wait3A_526 = arith.constant 0 : i32
      %dma_wait3A_527 = tpu.memref_slice %arg5[%dma_wait3A_525, %dma_wait3A_526] : memref<10240x64xf32, #tpu.memory_space<vmem_shared>> -> memref<10240x64xf32, #tpu.memory_space<vmem_shared>>
      tpu.wait_indirect_dma semaphore(%arg24 : memref<!tpu.dma_semaphore, #tpu.memory_space<semaphore_mem>>) src(%arg12 : memref<128x64xf32, #tpu.memory_space<vmem>>) dst(%dma_wait3A_527 : memref<10240x64xf32, #tpu.memory_space<vmem_shared>>)
      %add3A_528 = arith.constant 6 : i32
      %add3A_529 = arith.addi %mul3A_369, %add3A_528 : i32
      %add3A_530 = arith.constant 4 : i32
      %add3A_531 = arith.addi %add3A_529, %add3A_530 : i32
      %lt3A_532 = arith.cmpi slt, %add3A_531, %sub3A_47 : i32
      %convert_element_type3A_533 = arith.extui %lt3A_532 : i1 to i32
      %cond3A_534 = arith.constant 0 : i32
      %cond3A_535 = arith.cmpi ne, %convert_element_type3A_533, %cond3A_534 : i32
      scf.if %cond3A_535 {
        %add3A_551 = arith.constant 6 : i32
        %add3A_552 = arith.addi %mul3A_369, %add3A_551 : i32
        %add3A_553 = arith.constant 4 : i32
        %add3A_554 = arith.addi %add3A_552, %add3A_553 : i32
        %dma_start3A_555 = arith.constant 0 : i32
        %dma_start3A_556 = tpu.memref_slice %arg6[%add3A_554, %dma_start3A_555] : memref<79x128xi32, #tpu.memory_space<vmem>> -> memref<1x128xi32, #tpu.memory_space<vmem>>
        %dma_start3A_557 = tpu.memref_squeeze %dma_start3A_556 : memref<1x128xi32, #tpu.memory_space<vmem>> -> memref<128xi32, #tpu.memory_space<vmem>>
        %dma_start3A_558 = arith.constant 0 : i32
        %dma_start3A_559 = arith.constant 0 : i32
        %dma_start3A_560 = tpu.memref_slice %arg2[%dma_start3A_558, %dma_start3A_559] : memref<10000x64xf32, #tpu.memory_space<hbm>> -> memref<10000x64xf32, #tpu.memory_space<hbm>>
        tpu.enqueue_indirect_dma source(%dma_start3A_560 : memref<10000x64xf32, #tpu.memory_space<hbm>>) target(%arg12 : memref<128x64xf32, #tpu.memory_space<vmem>>) offsets(%dma_start3A_557 : memref<128xi32, #tpu.memory_space<vmem>>) semaphore(%arg18 : memref<!tpu.dma_semaphore, #tpu.memory_space<semaphore_mem>>)
      } else {
      }
      %dma_wait3A_536 = arith.constant 0 : i32
      %dma_wait3A_537 = tpu.memref_slice %arg7[%add3A_459, %dma_wait3A_536] : memref<79x128xi32, #tpu.memory_space<vmem>> -> memref<1x128xi32, #tpu.memory_space<vmem>>
      %dma_wait3A_538 = tpu.memref_squeeze %dma_wait3A_537 : memref<1x128xi32, #tpu.memory_space<vmem>> -> memref<128xi32, #tpu.memory_space<vmem>>
      %dma_wait3A_539 = arith.constant 0 : i32
      %dma_wait3A_540 = arith.constant 0 : i32
      %dma_wait3A_541 = tpu.memref_slice %arg5[%dma_wait3A_539, %dma_wait3A_540] : memref<10240x64xf32, #tpu.memory_space<vmem_shared>> -> memref<10240x64xf32, #tpu.memory_space<vmem_shared>>
      tpu.wait_indirect_dma semaphore(%arg25 : memref<!tpu.dma_semaphore, #tpu.memory_space<semaphore_mem>>) src(%arg13 : memref<128x64xf32, #tpu.memory_space<vmem>>) dst(%dma_wait3A_541 : memref<10240x64xf32, #tpu.memory_space<vmem_shared>>)
      %add3A_542 = arith.constant 6 : i32
      %add3A_543 = arith.addi %mul3A_369, %add3A_542 : i32
      %add3A_544 = arith.constant 5 : i32
      %add3A_545 = arith.addi %add3A_543, %add3A_544 : i32
      %lt3A_546 = arith.cmpi slt, %add3A_545, %sub3A_47 : i32
      %convert_element_type3A_547 = arith.extui %lt3A_546 : i1 to i32
      %cond3A_548 = arith.constant 0 : i32
      %cond3A_549 = arith.cmpi ne, %convert_element_type3A_547, %cond3A_548 : i32
      scf.if %cond3A_549 {
        %add3A_551 = arith.constant 6 : i32
        %add3A_552 = arith.addi %mul3A_369, %add3A_551 : i32
        %add3A_553 = arith.constant 5 : i32
        %add3A_554 = arith.addi %add3A_552, %add3A_553 : i32
        %dma_start3A_555 = arith.constant 0 : i32
        %dma_start3A_556 = tpu.memref_slice %arg6[%add3A_554, %dma_start3A_555] : memref<79x128xi32, #tpu.memory_space<vmem>> -> memref<1x128xi32, #tpu.memory_space<vmem>>
        %dma_start3A_557 = tpu.memref_squeeze %dma_start3A_556 : memref<1x128xi32, #tpu.memory_space<vmem>> -> memref<128xi32, #tpu.memory_space<vmem>>
        %dma_start3A_558 = arith.constant 0 : i32
        %dma_start3A_559 = arith.constant 0 : i32
        %dma_start3A_560 = tpu.memref_slice %arg2[%dma_start3A_558, %dma_start3A_559] : memref<10000x64xf32, #tpu.memory_space<hbm>> -> memref<10000x64xf32, #tpu.memory_space<hbm>>
        tpu.enqueue_indirect_dma source(%dma_start3A_560 : memref<10000x64xf32, #tpu.memory_space<hbm>>) target(%arg13 : memref<128x64xf32, #tpu.memory_space<vmem>>) offsets(%dma_start3A_557 : memref<128xi32, #tpu.memory_space<vmem>>) semaphore(%arg19 : memref<!tpu.dma_semaphore, #tpu.memory_space<semaphore_mem>>)
      } else {
      }
      %while3A_550 = arith.constant 0 : i32
      scf.yield %while3A_550 : i32
    }
    %mul3A_221 = arith.constant 6 : i32
    %mul3A_222 = arith.muli %select_n3A_209, %mul3A_221 : i32
    %add3A_223 = arith.constant 0 : i32
    %add3A_224 = arith.addi %mul3A_222, %add3A_223 : i32
    %lt3A = arith.cmpi slt, %add3A_224, %sub3A_47 : i32
    %convert_element_type3A = arith.extui %lt3A : i1 to i32
    %cond3A = arith.constant 0 : i32
    %cond3A_225 = arith.cmpi ne, %convert_element_type3A, %cond3A : i32
    scf.if %cond3A_225 {
      %add3A_366 = arith.constant 0 : i32
      %add3A_367 = arith.addi %mul3A_222, %add3A_366 : i32
      %dma_wait3A_368 = arith.constant 0 : i32
      %dma_wait3A_369 = tpu.memref_slice %arg6[%add3A_367, %dma_wait3A_368] : memref<79x128xi32, #tpu.memory_space<vmem>> -> memref<1x128xi32, #tpu.memory_space<vmem>>
      %dma_wait3A_370 = tpu.memref_squeeze %dma_wait3A_369 : memref<1x128xi32, #tpu.memory_space<vmem>> -> memref<128xi32, #tpu.memory_space<vmem>>
      %dma_wait3A_371 = arith.constant 0 : i32
      %dma_wait3A_372 = arith.constant 0 : i32
      %dma_wait3A_373 = tpu.memref_slice %arg2[%dma_wait3A_371, %dma_wait3A_372] : memref<10000x64xf32, #tpu.memory_space<hbm>> -> memref<10000x64xf32, #tpu.memory_space<hbm>>
      tpu.wait_indirect_dma semaphore(%arg14 : memref<!tpu.dma_semaphore, #tpu.memory_space<semaphore_mem>>) src(%dma_wait3A_373 : memref<10000x64xf32, #tpu.memory_space<hbm>>) dst(%arg8 : memref<128x64xf32, #tpu.memory_space<vmem>>)
      %add3A_374 = arith.constant 0 : i32
      %add3A_375 = arith.addi %mul3A_222, %add3A_374 : i32
      "tpu.region"() ({
        %run_scoped3A = tpu.sem_alloc : memref<!tpu.dma_semaphore, #tpu.memory_space<semaphore_mem>>
        %dma_start3A_376 = arith.constant 0 : i32
        %dma_start3A_377 = tpu.memref_slice %arg7[%add3A_375, %dma_start3A_376] : memref<79x128xi32, #tpu.memory_space<vmem>> -> memref<1x128xi32, #tpu.memory_space<vmem>>
        %dma_start3A_378 = tpu.memref_squeeze %dma_start3A_377 : memref<1x128xi32, #tpu.memory_space<vmem>> -> memref<128xi32, #tpu.memory_space<vmem>>
        %dma_start3A_379 = arith.constant 0 : i32
        %dma_start3A_380 = arith.constant 0 : i32
        %dma_start3A_381 = tpu.memref_slice %arg5[%dma_start3A_379, %dma_start3A_380] : memref<10240x64xf32, #tpu.memory_space<vmem_shared>> -> memref<10240x64xf32, #tpu.memory_space<vmem_shared>>
        tpu.enqueue_indirect_dma source(%arg8 : memref<128x64xf32, #tpu.memory_space<vmem>>) target(%dma_start3A_381 : memref<10240x64xf32, #tpu.memory_space<vmem_shared>>) offsets(%dma_start3A_378 : memref<128xi32, #tpu.memory_space<vmem>>) semaphore(%run_scoped3A : memref<!tpu.dma_semaphore, #tpu.memory_space<semaphore_mem>>) {add = true}
        %dma_wait3A_382 = arith.constant 0 : i32
        %dma_wait3A_383 = tpu.memref_slice %arg7[%add3A_375, %dma_wait3A_382] : memref<79x128xi32, #tpu.memory_space<vmem>> -> memref<1x128xi32, #tpu.memory_space<vmem>>
        %dma_wait3A_384 = tpu.memref_squeeze %dma_wait3A_383 : memref<1x128xi32, #tpu.memory_space<vmem>> -> memref<128xi32, #tpu.memory_space<vmem>>
        %dma_wait3A_385 = arith.constant 0 : i32
        %dma_wait3A_386 = arith.constant 0 : i32
        %dma_wait3A_387 = tpu.memref_slice %arg5[%dma_wait3A_385, %dma_wait3A_386] : memref<10240x64xf32, #tpu.memory_space<vmem_shared>> -> memref<10240x64xf32, #tpu.memory_space<vmem_shared>>
        tpu.wait_indirect_dma semaphore(%run_scoped3A : memref<!tpu.dma_semaphore, #tpu.memory_space<semaphore_mem>>) src(%arg8 : memref<128x64xf32, #tpu.memory_space<vmem>>) dst(%dma_wait3A_387 : memref<10240x64xf32, #tpu.memory_space<vmem_shared>>)
        tpu.yield
      }) : () -> ()
    } else {
    }
    %add3A_226 = arith.constant 1 : i32
    %add3A_227 = arith.addi %mul3A_222, %add3A_226 : i32
    %lt3A_228 = arith.cmpi slt, %add3A_227, %sub3A_47 : i32
    %convert_element_type3A_229 = arith.extui %lt3A_228 : i1 to i32
    %cond3A_230 = arith.constant 0 : i32
    %cond3A_231 = arith.cmpi ne, %convert_element_type3A_229, %cond3A_230 : i32
    scf.if %cond3A_231 {
      %add3A_366 = arith.constant 1 : i32
      %add3A_367 = arith.addi %mul3A_222, %add3A_366 : i32
      %dma_wait3A_368 = arith.constant 0 : i32
      %dma_wait3A_369 = tpu.memref_slice %arg6[%add3A_367, %dma_wait3A_368] : memref<79x128xi32, #tpu.memory_space<vmem>> -> memref<1x128xi32, #tpu.memory_space<vmem>>
      %dma_wait3A_370 = tpu.memref_squeeze %dma_wait3A_369 : memref<1x128xi32, #tpu.memory_space<vmem>> -> memref<128xi32, #tpu.memory_space<vmem>>
      %dma_wait3A_371 = arith.constant 0 : i32
      %dma_wait3A_372 = arith.constant 0 : i32
      %dma_wait3A_373 = tpu.memref_slice %arg2[%dma_wait3A_371, %dma_wait3A_372] : memref<10000x64xf32, #tpu.memory_space<hbm>> -> memref<10000x64xf32, #tpu.memory_space<hbm>>
      tpu.wait_indirect_dma semaphore(%arg15 : memref<!tpu.dma_semaphore, #tpu.memory_space<semaphore_mem>>) src(%dma_wait3A_373 : memref<10000x64xf32, #tpu.memory_space<hbm>>) dst(%arg9 : memref<128x64xf32, #tpu.memory_space<vmem>>)
      %add3A_374 = arith.constant 1 : i32
      %add3A_375 = arith.addi %mul3A_222, %add3A_374 : i32
      "tpu.region"() ({
        %run_scoped3A = tpu.sem_alloc : memref<!tpu.dma_semaphore, #tpu.memory_space<semaphore_mem>>
        %dma_start3A_376 = arith.constant 0 : i32
        %dma_start3A_377 = tpu.memref_slice %arg7[%add3A_375, %dma_start3A_376] : memref<79x128xi32, #tpu.memory_space<vmem>> -> memref<1x128xi32, #tpu.memory_space<vmem>>
        %dma_start3A_378 = tpu.memref_squeeze %dma_start3A_377 : memref<1x128xi32, #tpu.memory_space<vmem>> -> memref<128xi32, #tpu.memory_space<vmem>>
        %dma_start3A_379 = arith.constant 0 : i32
        %dma_start3A_380 = arith.constant 0 : i32
        %dma_start3A_381 = tpu.memref_slice %arg5[%dma_start3A_379, %dma_start3A_380] : memref<10240x64xf32, #tpu.memory_space<vmem_shared>> -> memref<10240x64xf32, #tpu.memory_space<vmem_shared>>
        tpu.enqueue_indirect_dma source(%arg9 : memref<128x64xf32, #tpu.memory_space<vmem>>) target(%dma_start3A_381 : memref<10240x64xf32, #tpu.memory_space<vmem_shared>>) offsets(%dma_start3A_378 : memref<128xi32, #tpu.memory_space<vmem>>) semaphore(%run_scoped3A : memref<!tpu.dma_semaphore, #tpu.memory_space<semaphore_mem>>) {add = true}
        %dma_wait3A_382 = arith.constant 0 : i32
        %dma_wait3A_383 = tpu.memref_slice %arg7[%add3A_375, %dma_wait3A_382] : memref<79x128xi32, #tpu.memory_space<vmem>> -> memref<1x128xi32, #tpu.memory_space<vmem>>
        %dma_wait3A_384 = tpu.memref_squeeze %dma_wait3A_383 : memref<1x128xi32, #tpu.memory_space<vmem>> -> memref<128xi32, #tpu.memory_space<vmem>>
        %dma_wait3A_385 = arith.constant 0 : i32
        %dma_wait3A_386 = arith.constant 0 : i32
        %dma_wait3A_387 = tpu.memref_slice %arg5[%dma_wait3A_385, %dma_wait3A_386] : memref<10240x64xf32, #tpu.memory_space<vmem_shared>> -> memref<10240x64xf32, #tpu.memory_space<vmem_shared>>
        tpu.wait_indirect_dma semaphore(%run_scoped3A : memref<!tpu.dma_semaphore, #tpu.memory_space<semaphore_mem>>) src(%arg9 : memref<128x64xf32, #tpu.memory_space<vmem>>) dst(%dma_wait3A_387 : memref<10240x64xf32, #tpu.memory_space<vmem_shared>>)
        tpu.yield
      }) : () -> ()
    } else {
    }
    %add3A_232 = arith.constant 2 : i32
    %add3A_233 = arith.addi %mul3A_222, %add3A_232 : i32
    %lt3A_234 = arith.cmpi slt, %add3A_233, %sub3A_47 : i32
    %convert_element_type3A_235 = arith.extui %lt3A_234 : i1 to i32
    %cond3A_236 = arith.constant 0 : i32
    %cond3A_237 = arith.cmpi ne, %convert_element_type3A_235, %cond3A_236 : i32
    scf.if %cond3A_237 {
      %add3A_366 = arith.constant 2 : i32
      %add3A_367 = arith.addi %mul3A_222, %add3A_366 : i32
      %dma_wait3A_368 = arith.constant 0 : i32
      %dma_wait3A_369 = tpu.memref_slice %arg6[%add3A_367, %dma_wait3A_368] : memref<79x128xi32, #tpu.memory_space<vmem>> -> memref<1x128xi32, #tpu.memory_space<vmem>>
      %dma_wait3A_370 = tpu.memref_squeeze %dma_wait3A_369 : memref<1x128xi32, #tpu.memory_space<vmem>> -> memref<128xi32, #tpu.memory_space<vmem>>
      %dma_wait3A_371 = arith.constant 0 : i32
      %dma_wait3A_372 = arith.constant 0 : i32
      %dma_wait3A_373 = tpu.memref_slice %arg2[%dma_wait3A_371, %dma_wait3A_372] : memref<10000x64xf32, #tpu.memory_space<hbm>> -> memref<10000x64xf32, #tpu.memory_space<hbm>>
      tpu.wait_indirect_dma semaphore(%arg16 : memref<!tpu.dma_semaphore, #tpu.memory_space<semaphore_mem>>) src(%dma_wait3A_373 : memref<10000x64xf32, #tpu.memory_space<hbm>>) dst(%arg10 : memref<128x64xf32, #tpu.memory_space<vmem>>)
      %add3A_374 = arith.constant 2 : i32
      %add3A_375 = arith.addi %mul3A_222, %add3A_374 : i32
      "tpu.region"() ({
        %run_scoped3A = tpu.sem_alloc : memref<!tpu.dma_semaphore, #tpu.memory_space<semaphore_mem>>
        %dma_start3A_376 = arith.constant 0 : i32
        %dma_start3A_377 = tpu.memref_slice %arg7[%add3A_375, %dma_start3A_376] : memref<79x128xi32, #tpu.memory_space<vmem>> -> memref<1x128xi32, #tpu.memory_space<vmem>>
        %dma_start3A_378 = tpu.memref_squeeze %dma_start3A_377 : memref<1x128xi32, #tpu.memory_space<vmem>> -> memref<128xi32, #tpu.memory_space<vmem>>
        %dma_start3A_379 = arith.constant 0 : i32
        %dma_start3A_380 = arith.constant 0 : i32
        %dma_start3A_381 = tpu.memref_slice %arg5[%dma_start3A_379, %dma_start3A_380] : memref<10240x64xf32, #tpu.memory_space<vmem_shared>> -> memref<10240x64xf32, #tpu.memory_space<vmem_shared>>
        tpu.enqueue_indirect_dma source(%arg10 : memref<128x64xf32, #tpu.memory_space<vmem>>) target(%dma_start3A_381 : memref<10240x64xf32, #tpu.memory_space<vmem_shared>>) offsets(%dma_start3A_378 : memref<128xi32, #tpu.memory_space<vmem>>) semaphore(%run_scoped3A : memref<!tpu.dma_semaphore, #tpu.memory_space<semaphore_mem>>) {add = true}
        %dma_wait3A_382 = arith.constant 0 : i32
        %dma_wait3A_383 = tpu.memref_slice %arg7[%add3A_375, %dma_wait3A_382] : memref<79x128xi32, #tpu.memory_space<vmem>> -> memref<1x128xi32, #tpu.memory_space<vmem>>
        %dma_wait3A_384 = tpu.memref_squeeze %dma_wait3A_383 : memref<1x128xi32, #tpu.memory_space<vmem>> -> memref<128xi32, #tpu.memory_space<vmem>>
        %dma_wait3A_385 = arith.constant 0 : i32
        %dma_wait3A_386 = arith.constant 0 : i32
        %dma_wait3A_387 = tpu.memref_slice %arg5[%dma_wait3A_385, %dma_wait3A_386] : memref<10240x64xf32, #tpu.memory_space<vmem_shared>> -> memref<10240x64xf32, #tpu.memory_space<vmem_shared>>
        tpu.wait_indirect_dma semaphore(%run_scoped3A : memref<!tpu.dma_semaphore, #tpu.memory_space<semaphore_mem>>) src(%arg10 : memref<128x64xf32, #tpu.memory_space<vmem>>) dst(%dma_wait3A_387 : memref<10240x64xf32, #tpu.memory_space<vmem_shared>>)
        tpu.yield
      }) : () -> ()
    } else {
    }
    %add3A_238 = arith.constant 3 : i32
    %add3A_239 = arith.addi %mul3A_222, %add3A_238 : i32
    %lt3A_240 = arith.cmpi slt, %add3A_239, %sub3A_47 : i32
    %convert_element_type3A_241 = arith.extui %lt3A_240 : i1 to i32
    %cond3A_242 = arith.constant 0 : i32
    %cond3A_243 = arith.cmpi ne, %convert_element_type3A_241, %cond3A_242 : i32
    scf.if %cond3A_243 {
      %add3A_366 = arith.constant 3 : i32
      %add3A_367 = arith.addi %mul3A_222, %add3A_366 : i32
      %dma_wait3A_368 = arith.constant 0 : i32
      %dma_wait3A_369 = tpu.memref_slice %arg6[%add3A_367, %dma_wait3A_368] : memref<79x128xi32, #tpu.memory_space<vmem>> -> memref<1x128xi32, #tpu.memory_space<vmem>>
      %dma_wait3A_370 = tpu.memref_squeeze %dma_wait3A_369 : memref<1x128xi32, #tpu.memory_space<vmem>> -> memref<128xi32, #tpu.memory_space<vmem>>
      %dma_wait3A_371 = arith.constant 0 : i32
      %dma_wait3A_372 = arith.constant 0 : i32
      %dma_wait3A_373 = tpu.memref_slice %arg2[%dma_wait3A_371, %dma_wait3A_372] : memref<10000x64xf32, #tpu.memory_space<hbm>> -> memref<10000x64xf32, #tpu.memory_space<hbm>>
      tpu.wait_indirect_dma semaphore(%arg17 : memref<!tpu.dma_semaphore, #tpu.memory_space<semaphore_mem>>) src(%dma_wait3A_373 : memref<10000x64xf32, #tpu.memory_space<hbm>>) dst(%arg11 : memref<128x64xf32, #tpu.memory_space<vmem>>)
      %add3A_374 = arith.constant 3 : i32
      %add3A_375 = arith.addi %mul3A_222, %add3A_374 : i32
      "tpu.region"() ({
        %run_scoped3A = tpu.sem_alloc : memref<!tpu.dma_semaphore, #tpu.memory_space<semaphore_mem>>
        %dma_start3A_376 = arith.constant 0 : i32
        %dma_start3A_377 = tpu.memref_slice %arg7[%add3A_375, %dma_start3A_376] : memref<79x128xi32, #tpu.memory_space<vmem>> -> memref<1x128xi32, #tpu.memory_space<vmem>>
        %dma_start3A_378 = tpu.memref_squeeze %dma_start3A_377 : memref<1x128xi32, #tpu.memory_space<vmem>> -> memref<128xi32, #tpu.memory_space<vmem>>
        %dma_start3A_379 = arith.constant 0 : i32
        %dma_start3A_380 = arith.constant 0 : i32
        %dma_start3A_381 = tpu.memref_slice %arg5[%dma_start3A_379, %dma_start3A_380] : memref<10240x64xf32, #tpu.memory_space<vmem_shared>> -> memref<10240x64xf32, #tpu.memory_space<vmem_shared>>
        tpu.enqueue_indirect_dma source(%arg11 : memref<128x64xf32, #tpu.memory_space<vmem>>) target(%dma_start3A_381 : memref<10240x64xf32, #tpu.memory_space<vmem_shared>>) offsets(%dma_start3A_378 : memref<128xi32, #tpu.memory_space<vmem>>) semaphore(%run_scoped3A : memref<!tpu.dma_semaphore, #tpu.memory_space<semaphore_mem>>) {add = true}
        %dma_wait3A_382 = arith.constant 0 : i32
        %dma_wait3A_383 = tpu.memref_slice %arg7[%add3A_375, %dma_wait3A_382] : memref<79x128xi32, #tpu.memory_space<vmem>> -> memref<1x128xi32, #tpu.memory_space<vmem>>
        %dma_wait3A_384 = tpu.memref_squeeze %dma_wait3A_383 : memref<1x128xi32, #tpu.memory_space<vmem>> -> memref<128xi32, #tpu.memory_space<vmem>>
        %dma_wait3A_385 = arith.constant 0 : i32
        %dma_wait3A_386 = arith.constant 0 : i32
        %dma_wait3A_387 = tpu.memref_slice %arg5[%dma_wait3A_385, %dma_wait3A_386] : memref<10240x64xf32, #tpu.memory_space<vmem_shared>> -> memref<10240x64xf32, #tpu.memory_space<vmem_shared>>
        tpu.wait_indirect_dma semaphore(%run_scoped3A : memref<!tpu.dma_semaphore, #tpu.memory_space<semaphore_mem>>) src(%arg11 : memref<128x64xf32, #tpu.memory_space<vmem>>) dst(%dma_wait3A_387 : memref<10240x64xf32, #tpu.memory_space<vmem_shared>>)
        tpu.yield
      }) : () -> ()
    } else {
    }
    %add3A_244 = arith.constant 4 : i32
    %add3A_245 = arith.addi %mul3A_222, %add3A_244 : i32
    %lt3A_246 = arith.cmpi slt, %add3A_245, %sub3A_47 : i32
    %convert_element_type3A_247 = arith.extui %lt3A_246 : i1 to i32
    %cond3A_248 = arith.constant 0 : i32
    %cond3A_249 = arith.cmpi ne, %convert_element_type3A_247, %cond3A_248 : i32
    scf.if %cond3A_249 {
      %add3A_366 = arith.constant 4 : i32
      %add3A_367 = arith.addi %mul3A_222, %add3A_366 : i32
      %dma_wait3A_368 = arith.constant 0 : i32
      %dma_wait3A_369 = tpu.memref_slice %arg6[%add3A_367, %dma_wait3A_368] : memref<79x128xi32, #tpu.memory_space<vmem>> -> memref<1x128xi32, #tpu.memory_space<vmem>>
      %dma_wait3A_370 = tpu.memref_squeeze %dma_wait3A_369 : memref<1x128xi32, #tpu.memory_space<vmem>> -> memref<128xi32, #tpu.memory_space<vmem>>
      %dma_wait3A_371 = arith.constant 0 : i32
      %dma_wait3A_372 = arith.constant 0 : i32
      %dma_wait3A_373 = tpu.memref_slice %arg2[%dma_wait3A_371, %dma_wait3A_372] : memref<10000x64xf32, #tpu.memory_space<hbm>> -> memref<10000x64xf32, #tpu.memory_space<hbm>>
      tpu.wait_indirect_dma semaphore(%arg18 : memref<!tpu.dma_semaphore, #tpu.memory_space<semaphore_mem>>) src(%dma_wait3A_373 : memref<10000x64xf32, #tpu.memory_space<hbm>>) dst(%arg12 : memref<128x64xf32, #tpu.memory_space<vmem>>)
      %add3A_374 = arith.constant 4 : i32
      %add3A_375 = arith.addi %mul3A_222, %add3A_374 : i32
      "tpu.region"() ({
        %run_scoped3A = tpu.sem_alloc : memref<!tpu.dma_semaphore, #tpu.memory_space<semaphore_mem>>
        %dma_start3A_376 = arith.constant 0 : i32
        %dma_start3A_377 = tpu.memref_slice %arg7[%add3A_375, %dma_start3A_376] : memref<79x128xi32, #tpu.memory_space<vmem>> -> memref<1x128xi32, #tpu.memory_space<vmem>>
        %dma_start3A_378 = tpu.memref_squeeze %dma_start3A_377 : memref<1x128xi32, #tpu.memory_space<vmem>> -> memref<128xi32, #tpu.memory_space<vmem>>
        %dma_start3A_379 = arith.constant 0 : i32
        %dma_start3A_380 = arith.constant 0 : i32
        %dma_start3A_381 = tpu.memref_slice %arg5[%dma_start3A_379, %dma_start3A_380] : memref<10240x64xf32, #tpu.memory_space<vmem_shared>> -> memref<10240x64xf32, #tpu.memory_space<vmem_shared>>
        tpu.enqueue_indirect_dma source(%arg12 : memref<128x64xf32, #tpu.memory_space<vmem>>) target(%dma_start3A_381 : memref<10240x64xf32, #tpu.memory_space<vmem_shared>>) offsets(%dma_start3A_378 : memref<128xi32, #tpu.memory_space<vmem>>) semaphore(%run_scoped3A : memref<!tpu.dma_semaphore, #tpu.memory_space<semaphore_mem>>) {add = true}
        %dma_wait3A_382 = arith.constant 0 : i32
        %dma_wait3A_383 = tpu.memref_slice %arg7[%add3A_375, %dma_wait3A_382] : memref<79x128xi32, #tpu.memory_space<vmem>> -> memref<1x128xi32, #tpu.memory_space<vmem>>
        %dma_wait3A_384 = tpu.memref_squeeze %dma_wait3A_383 : memref<1x128xi32, #tpu.memory_space<vmem>> -> memref<128xi32, #tpu.memory_space<vmem>>
        %dma_wait3A_385 = arith.constant 0 : i32
        %dma_wait3A_386 = arith.constant 0 : i32
        %dma_wait3A_387 = tpu.memref_slice %arg5[%dma_wait3A_385, %dma_wait3A_386] : memref<10240x64xf32, #tpu.memory_space<vmem_shared>> -> memref<10240x64xf32, #tpu.memory_space<vmem_shared>>
        tpu.wait_indirect_dma semaphore(%run_scoped3A : memref<!tpu.dma_semaphore, #tpu.memory_space<semaphore_mem>>) src(%arg12 : memref<128x64xf32, #tpu.memory_space<vmem>>) dst(%dma_wait3A_387 : memref<10240x64xf32, #tpu.memory_space<vmem_shared>>)
        tpu.yield
      }) : () -> ()
    } else {
    }
    %add3A_250 = arith.constant 5 : i32
    %add3A_251 = arith.addi %mul3A_222, %add3A_250 : i32
    %lt3A_252 = arith.cmpi slt, %add3A_251, %sub3A_47 : i32
    %convert_element_type3A_253 = arith.extui %lt3A_252 : i1 to i32
    %cond3A_254 = arith.constant 0 : i32
    %cond3A_255 = arith.cmpi ne, %convert_element_type3A_253, %cond3A_254 : i32
    scf.if %cond3A_255 {
      %add3A_366 = arith.constant 5 : i32
      %add3A_367 = arith.addi %mul3A_222, %add3A_366 : i32
      %dma_wait3A_368 = arith.constant 0 : i32
      %dma_wait3A_369 = tpu.memref_slice %arg6[%add3A_367, %dma_wait3A_368] : memref<79x128xi32, #tpu.memory_space<vmem>> -> memref<1x128xi32, #tpu.memory_space<vmem>>
      %dma_wait3A_370 = tpu.memref_squeeze %dma_wait3A_369 : memref<1x128xi32, #tpu.memory_space<vmem>> -> memref<128xi32, #tpu.memory_space<vmem>>
      %dma_wait3A_371 = arith.constant 0 : i32
      %dma_wait3A_372 = arith.constant 0 : i32
      %dma_wait3A_373 = tpu.memref_slice %arg2[%dma_wait3A_371, %dma_wait3A_372] : memref<10000x64xf32, #tpu.memory_space<hbm>> -> memref<10000x64xf32, #tpu.memory_space<hbm>>
      tpu.wait_indirect_dma semaphore(%arg19 : memref<!tpu.dma_semaphore, #tpu.memory_space<semaphore_mem>>) src(%dma_wait3A_373 : memref<10000x64xf32, #tpu.memory_space<hbm>>) dst(%arg13 : memref<128x64xf32, #tpu.memory_space<vmem>>)
      %add3A_374 = arith.constant 5 : i32
      %add3A_375 = arith.addi %mul3A_222, %add3A_374 : i32
      "tpu.region"() ({
        %run_scoped3A = tpu.sem_alloc : memref<!tpu.dma_semaphore, #tpu.memory_space<semaphore_mem>>
        %dma_start3A_376 = arith.constant 0 : i32
        %dma_start3A_377 = tpu.memref_slice %arg7[%add3A_375, %dma_start3A_376] : memref<79x128xi32, #tpu.memory_space<vmem>> -> memref<1x128xi32, #tpu.memory_space<vmem>>
        %dma_start3A_378 = tpu.memref_squeeze %dma_start3A_377 : memref<1x128xi32, #tpu.memory_space<vmem>> -> memref<128xi32, #tpu.memory_space<vmem>>
        %dma_start3A_379 = arith.constant 0 : i32
        %dma_start3A_380 = arith.constant 0 : i32
        %dma_start3A_381 = tpu.memref_slice %arg5[%dma_start3A_379, %dma_start3A_380] : memref<10240x64xf32, #tpu.memory_space<vmem_shared>> -> memref<10240x64xf32, #tpu.memory_space<vmem_shared>>
        tpu.enqueue_indirect_dma source(%arg13 : memref<128x64xf32, #tpu.memory_space<vmem>>) target(%dma_start3A_381 : memref<10240x64xf32, #tpu.memory_space<vmem_shared>>) offsets(%dma_start3A_378 : memref<128xi32, #tpu.memory_space<vmem>>) semaphore(%run_scoped3A : memref<!tpu.dma_semaphore, #tpu.memory_space<semaphore_mem>>) {add = true}
        %dma_wait3A_382 = arith.constant 0 : i32
        %dma_wait3A_383 = tpu.memref_slice %arg7[%add3A_375, %dma_wait3A_382] : memref<79x128xi32, #tpu.memory_space<vmem>> -> memref<1x128xi32, #tpu.memory_space<vmem>>
        %dma_wait3A_384 = tpu.memref_squeeze %dma_wait3A_383 : memref<1x128xi32, #tpu.memory_space<vmem>> -> memref<128xi32, #tpu.memory_space<vmem>>
        %dma_wait3A_385 = arith.constant 0 : i32
        %dma_wait3A_386 = arith.constant 0 : i32
        %dma_wait3A_387 = tpu.memref_slice %arg5[%dma_wait3A_385, %dma_wait3A_386] : memref<10240x64xf32, #tpu.memory_space<vmem_shared>> -> memref<10240x64xf32, #tpu.memory_space<vmem_shared>>
        tpu.wait_indirect_dma semaphore(%run_scoped3A : memref<!tpu.dma_semaphore, #tpu.memory_space<semaphore_mem>>) src(%arg13 : memref<128x64xf32, #tpu.memory_space<vmem>>) dst(%dma_wait3A_387 : memref<10240x64xf32, #tpu.memory_space<vmem_shared>>)
        tpu.yield
      }) : () -> ()
    } else {
    }
    %barrier3A_256 = arith.constant 0 : index
    tpu.barrier barrier_id(%barrier3A_256)
    %mul3A_257 = arith.constant 640 : i32
    %mul3A_258 = arith.muli %arg1, %mul3A_257 : i32
    %add3A_259 = arith.constant 0 : i32
    %add3A_260 = arith.addi %mul3A_258, %add3A_259 : i32
    %multiple_of3A_261 = tpu.assume_multiple %add3A_260, 128 : i32
    %dma_start3A_262 = arith.constant 0 : i32
    %dma_start3A_263 = tpu.memref_slice %arg5[%multiple_of3A_261, %dma_start3A_262] : memref<10240x64xf32, #tpu.memory_space<vmem_shared>> -> memref<128x64xf32, #tpu.memory_space<vmem_shared>>
    %dma_start3A_264 = arith.constant 0 : i32
    %dma_start3A_265 = tpu.memref_slice %arg5[%multiple_of3A_261, %dma_start3A_264] : memref<10240x64xf32, #tpu.memory_space<vmem_shared>> -> memref<128x64xf32, #tpu.memory_space<vmem_shared>>
    tpu.enqueue_dma source(%dma_start3A_265 : memref<128x64xf32, #tpu.memory_space<vmem_shared>>) target(%arg8 : memref<128x64xf32, #tpu.memory_space<vmem>>) target_semaphore(%arg14 : memref<!tpu.dma_semaphore, #tpu.memory_space<semaphore_mem>>)
    %dma_wait3A_266 = arith.constant 0 : i32
    %dma_wait3A_267 = tpu.memref_slice %arg5[%multiple_of3A_261, %dma_wait3A_266] : memref<10240x64xf32, #tpu.memory_space<vmem_shared>> -> memref<128x64xf32, #tpu.memory_space<vmem_shared>>
    %dma_wait3A_268 = arith.constant 0 : i32
    %dma_wait3A_269 = tpu.memref_slice %arg5[%multiple_of3A_261, %dma_wait3A_268] : memref<10240x64xf32, #tpu.memory_space<vmem_shared>> -> memref<128x64xf32, #tpu.memory_space<vmem_shared>>
    tpu.wait_dma2 semaphore(%arg14 : memref<!tpu.dma_semaphore, #tpu.memory_space<semaphore_mem>>) src(%dma_wait3A_269 : memref<128x64xf32, #tpu.memory_space<vmem_shared>>) dst(%arg8 : memref<128x64xf32, #tpu.memory_space<vmem>>)
    %gt3A = arith.constant 0 : i32
    %gt3A_270 = arith.cmpi sgt, %arg0, %gt3A : i32
    %select_n3A_271 = arith.constant 0 : i32
    %select_n3A_272 = arith.constant 64 : i32
    %select_n3A_273 = arith.select %gt3A_270, %select_n3A_272, %select_n3A_271 : i32
    %dma_start3A_274 = tpu.memref_slice %arg4[%multiple_of3A_261, %select_n3A_273] : memref<10240x128xf32, #tpu.memory_space<hbm>> -> memref<128x64xf32, #tpu.memory_space<hbm>>
    %dma_start3A_275 = tpu.memref_slice %arg4[%multiple_of3A_261, %select_n3A_273] : memref<10240x128xf32, #tpu.memory_space<hbm>> -> memref<128x64xf32, #tpu.memory_space<hbm>>
    tpu.enqueue_dma source(%arg8 : memref<128x64xf32, #tpu.memory_space<vmem>>) target(%dma_start3A_275 : memref<128x64xf32, #tpu.memory_space<hbm>>) target_semaphore(%arg20 : memref<!tpu.dma_semaphore, #tpu.memory_space<semaphore_mem>>)
    %mul3A_276 = arith.constant 640 : i32
    %mul3A_277 = arith.muli %arg1, %mul3A_276 : i32
    %add3A_278 = arith.constant 128 : i32
    %add3A_279 = arith.addi %mul3A_277, %add3A_278 : i32
    %multiple_of3A_280 = tpu.assume_multiple %add3A_279, 128 : i32
    %dma_start3A_281 = arith.constant 0 : i32
    %dma_start3A_282 = tpu.memref_slice %arg5[%multiple_of3A_280, %dma_start3A_281] : memref<10240x64xf32, #tpu.memory_space<vmem_shared>> -> memref<128x64xf32, #tpu.memory_space<vmem_shared>>
    %dma_start3A_283 = arith.constant 0 : i32
    %dma_start3A_284 = tpu.memref_slice %arg5[%multiple_of3A_280, %dma_start3A_283] : memref<10240x64xf32, #tpu.memory_space<vmem_shared>> -> memref<128x64xf32, #tpu.memory_space<vmem_shared>>
    tpu.enqueue_dma source(%dma_start3A_284 : memref<128x64xf32, #tpu.memory_space<vmem_shared>>) target(%arg9 : memref<128x64xf32, #tpu.memory_space<vmem>>) target_semaphore(%arg15 : memref<!tpu.dma_semaphore, #tpu.memory_space<semaphore_mem>>)
    %dma_wait3A_285 = arith.constant 0 : i32
    %dma_wait3A_286 = tpu.memref_slice %arg5[%multiple_of3A_280, %dma_wait3A_285] : memref<10240x64xf32, #tpu.memory_space<vmem_shared>> -> memref<128x64xf32, #tpu.memory_space<vmem_shared>>
    %dma_wait3A_287 = arith.constant 0 : i32
    %dma_wait3A_288 = tpu.memref_slice %arg5[%multiple_of3A_280, %dma_wait3A_287] : memref<10240x64xf32, #tpu.memory_space<vmem_shared>> -> memref<128x64xf32, #tpu.memory_space<vmem_shared>>
    tpu.wait_dma2 semaphore(%arg15 : memref<!tpu.dma_semaphore, #tpu.memory_space<semaphore_mem>>) src(%dma_wait3A_288 : memref<128x64xf32, #tpu.memory_space<vmem_shared>>) dst(%arg9 : memref<128x64xf32, #tpu.memory_space<vmem>>)
    %gt3A_289 = arith.constant 0 : i32
    %gt3A_290 = arith.cmpi sgt, %arg0, %gt3A_289 : i32
    %select_n3A_291 = arith.constant 0 : i32
    %select_n3A_292 = arith.constant 64 : i32
    %select_n3A_293 = arith.select %gt3A_290, %select_n3A_292, %select_n3A_291 : i32
    %dma_start3A_294 = tpu.memref_slice %arg4[%multiple_of3A_280, %select_n3A_293] : memref<10240x128xf32, #tpu.memory_space<hbm>> -> memref<128x64xf32, #tpu.memory_space<hbm>>
    %dma_start3A_295 = tpu.memref_slice %arg4[%multiple_of3A_280, %select_n3A_293] : memref<10240x128xf32, #tpu.memory_space<hbm>> -> memref<128x64xf32, #tpu.memory_space<hbm>>
    tpu.enqueue_dma source(%arg9 : memref<128x64xf32, #tpu.memory_space<vmem>>) target(%dma_start3A_295 : memref<128x64xf32, #tpu.memory_space<hbm>>) target_semaphore(%arg21 : memref<!tpu.dma_semaphore, #tpu.memory_space<semaphore_mem>>)
    %mul3A_296 = arith.constant 640 : i32
    %mul3A_297 = arith.muli %arg1, %mul3A_296 : i32
    %add3A_298 = arith.constant 256 : i32
    %add3A_299 = arith.addi %mul3A_297, %add3A_298 : i32
    %multiple_of3A_300 = tpu.assume_multiple %add3A_299, 128 : i32
    %dma_start3A_301 = arith.constant 0 : i32
    %dma_start3A_302 = tpu.memref_slice %arg5[%multiple_of3A_300, %dma_start3A_301] : memref<10240x64xf32, #tpu.memory_space<vmem_shared>> -> memref<128x64xf32, #tpu.memory_space<vmem_shared>>
    %dma_start3A_303 = arith.constant 0 : i32
    %dma_start3A_304 = tpu.memref_slice %arg5[%multiple_of3A_300, %dma_start3A_303] : memref<10240x64xf32, #tpu.memory_space<vmem_shared>> -> memref<128x64xf32, #tpu.memory_space<vmem_shared>>
    tpu.enqueue_dma source(%dma_start3A_304 : memref<128x64xf32, #tpu.memory_space<vmem_shared>>) target(%arg10 : memref<128x64xf32, #tpu.memory_space<vmem>>) target_semaphore(%arg16 : memref<!tpu.dma_semaphore, #tpu.memory_space<semaphore_mem>>)
    %dma_wait3A_305 = arith.constant 0 : i32
    %dma_wait3A_306 = tpu.memref_slice %arg5[%multiple_of3A_300, %dma_wait3A_305] : memref<10240x64xf32, #tpu.memory_space<vmem_shared>> -> memref<128x64xf32, #tpu.memory_space<vmem_shared>>
    %dma_wait3A_307 = arith.constant 0 : i32
    %dma_wait3A_308 = tpu.memref_slice %arg5[%multiple_of3A_300, %dma_wait3A_307] : memref<10240x64xf32, #tpu.memory_space<vmem_shared>> -> memref<128x64xf32, #tpu.memory_space<vmem_shared>>
    tpu.wait_dma2 semaphore(%arg16 : memref<!tpu.dma_semaphore, #tpu.memory_space<semaphore_mem>>) src(%dma_wait3A_308 : memref<128x64xf32, #tpu.memory_space<vmem_shared>>) dst(%arg10 : memref<128x64xf32, #tpu.memory_space<vmem>>)
    %gt3A_309 = arith.constant 0 : i32
    %gt3A_310 = arith.cmpi sgt, %arg0, %gt3A_309 : i32
    %select_n3A_311 = arith.constant 0 : i32
    %select_n3A_312 = arith.constant 64 : i32
    %select_n3A_313 = arith.select %gt3A_310, %select_n3A_312, %select_n3A_311 : i32
    %dma_start3A_314 = tpu.memref_slice %arg4[%multiple_of3A_300, %select_n3A_313] : memref<10240x128xf32, #tpu.memory_space<hbm>> -> memref<128x64xf32, #tpu.memory_space<hbm>>
    %dma_start3A_315 = tpu.memref_slice %arg4[%multiple_of3A_300, %select_n3A_313] : memref<10240x128xf32, #tpu.memory_space<hbm>> -> memref<128x64xf32, #tpu.memory_space<hbm>>
    tpu.enqueue_dma source(%arg10 : memref<128x64xf32, #tpu.memory_space<vmem>>) target(%dma_start3A_315 : memref<128x64xf32, #tpu.memory_space<hbm>>) target_semaphore(%arg22 : memref<!tpu.dma_semaphore, #tpu.memory_space<semaphore_mem>>)
    %mul3A_316 = arith.constant 640 : i32
    %mul3A_317 = arith.muli %arg1, %mul3A_316 : i32
    %add3A_318 = arith.constant 384 : i32
    %add3A_319 = arith.addi %mul3A_317, %add3A_318 : i32
    %multiple_of3A_320 = tpu.assume_multiple %add3A_319, 128 : i32
    %dma_start3A_321 = arith.constant 0 : i32
    %dma_start3A_322 = tpu.memref_slice %arg5[%multiple_of3A_320, %dma_start3A_321] : memref<10240x64xf32, #tpu.memory_space<vmem_shared>> -> memref<128x64xf32, #tpu.memory_space<vmem_shared>>
    %dma_start3A_323 = arith.constant 0 : i32
    %dma_start3A_324 = tpu.memref_slice %arg5[%multiple_of3A_320, %dma_start3A_323] : memref<10240x64xf32, #tpu.memory_space<vmem_shared>> -> memref<128x64xf32, #tpu.memory_space<vmem_shared>>
    tpu.enqueue_dma source(%dma_start3A_324 : memref<128x64xf32, #tpu.memory_space<vmem_shared>>) target(%arg11 : memref<128x64xf32, #tpu.memory_space<vmem>>) target_semaphore(%arg17 : memref<!tpu.dma_semaphore, #tpu.memory_space<semaphore_mem>>)
    %dma_wait3A_325 = arith.constant 0 : i32
    %dma_wait3A_326 = tpu.memref_slice %arg5[%multiple_of3A_320, %dma_wait3A_325] : memref<10240x64xf32, #tpu.memory_space<vmem_shared>> -> memref<128x64xf32, #tpu.memory_space<vmem_shared>>
    %dma_wait3A_327 = arith.constant 0 : i32
    %dma_wait3A_328 = tpu.memref_slice %arg5[%multiple_of3A_320, %dma_wait3A_327] : memref<10240x64xf32, #tpu.memory_space<vmem_shared>> -> memref<128x64xf32, #tpu.memory_space<vmem_shared>>
    tpu.wait_dma2 semaphore(%arg17 : memref<!tpu.dma_semaphore, #tpu.memory_space<semaphore_mem>>) src(%dma_wait3A_328 : memref<128x64xf32, #tpu.memory_space<vmem_shared>>) dst(%arg11 : memref<128x64xf32, #tpu.memory_space<vmem>>)
    %gt3A_329 = arith.constant 0 : i32
    %gt3A_330 = arith.cmpi sgt, %arg0, %gt3A_329 : i32
    %select_n3A_331 = arith.constant 0 : i32
    %select_n3A_332 = arith.constant 64 : i32
    %select_n3A_333 = arith.select %gt3A_330, %select_n3A_332, %select_n3A_331 : i32
    %dma_start3A_334 = tpu.memref_slice %arg4[%multiple_of3A_320, %select_n3A_333] : memref<10240x128xf32, #tpu.memory_space<hbm>> -> memref<128x64xf32, #tpu.memory_space<hbm>>
    %dma_start3A_335 = tpu.memref_slice %arg4[%multiple_of3A_320, %select_n3A_333] : memref<10240x128xf32, #tpu.memory_space<hbm>> -> memref<128x64xf32, #tpu.memory_space<hbm>>
    tpu.enqueue_dma source(%arg11 : memref<128x64xf32, #tpu.memory_space<vmem>>) target(%dma_start3A_335 : memref<128x64xf32, #tpu.memory_space<hbm>>) target_semaphore(%arg23 : memref<!tpu.dma_semaphore, #tpu.memory_space<semaphore_mem>>)
    %mul3A_336 = arith.constant 640 : i32
    %mul3A_337 = arith.muli %arg1, %mul3A_336 : i32
    %add3A_338 = arith.constant 512 : i32
    %add3A_339 = arith.addi %mul3A_337, %add3A_338 : i32
    %multiple_of3A_340 = tpu.assume_multiple %add3A_339, 128 : i32
    %dma_start3A_341 = arith.constant 0 : i32
    %dma_start3A_342 = tpu.memref_slice %arg5[%multiple_of3A_340, %dma_start3A_341] : memref<10240x64xf32, #tpu.memory_space<vmem_shared>> -> memref<128x64xf32, #tpu.memory_space<vmem_shared>>
    %dma_start3A_343 = arith.constant 0 : i32
    %dma_start3A_344 = tpu.memref_slice %arg5[%multiple_of3A_340, %dma_start3A_343] : memref<10240x64xf32, #tpu.memory_space<vmem_shared>> -> memref<128x64xf32, #tpu.memory_space<vmem_shared>>
    tpu.enqueue_dma source(%dma_start3A_344 : memref<128x64xf32, #tpu.memory_space<vmem_shared>>) target(%arg12 : memref<128x64xf32, #tpu.memory_space<vmem>>) target_semaphore(%arg18 : memref<!tpu.dma_semaphore, #tpu.memory_space<semaphore_mem>>)
    %dma_wait3A_345 = arith.constant 0 : i32
    %dma_wait3A_346 = tpu.memref_slice %arg5[%multiple_of3A_340, %dma_wait3A_345] : memref<10240x64xf32, #tpu.memory_space<vmem_shared>> -> memref<128x64xf32, #tpu.memory_space<vmem_shared>>
    %dma_wait3A_347 = arith.constant 0 : i32
    %dma_wait3A_348 = tpu.memref_slice %arg5[%multiple_of3A_340, %dma_wait3A_347] : memref<10240x64xf32, #tpu.memory_space<vmem_shared>> -> memref<128x64xf32, #tpu.memory_space<vmem_shared>>
    tpu.wait_dma2 semaphore(%arg18 : memref<!tpu.dma_semaphore, #tpu.memory_space<semaphore_mem>>) src(%dma_wait3A_348 : memref<128x64xf32, #tpu.memory_space<vmem_shared>>) dst(%arg12 : memref<128x64xf32, #tpu.memory_space<vmem>>)
    %gt3A_349 = arith.constant 0 : i32
    %gt3A_350 = arith.cmpi sgt, %arg0, %gt3A_349 : i32
    %select_n3A_351 = arith.constant 0 : i32
    %select_n3A_352 = arith.constant 64 : i32
    %select_n3A_353 = arith.select %gt3A_350, %select_n3A_352, %select_n3A_351 : i32
    %dma_start3A_354 = tpu.memref_slice %arg4[%multiple_of3A_340, %select_n3A_353] : memref<10240x128xf32, #tpu.memory_space<hbm>> -> memref<128x64xf32, #tpu.memory_space<hbm>>
    %dma_start3A_355 = tpu.memref_slice %arg4[%multiple_of3A_340, %select_n3A_353] : memref<10240x128xf32, #tpu.memory_space<hbm>> -> memref<128x64xf32, #tpu.memory_space<hbm>>
    tpu.enqueue_dma source(%arg12 : memref<128x64xf32, #tpu.memory_space<vmem>>) target(%dma_start3A_355 : memref<128x64xf32, #tpu.memory_space<hbm>>) target_semaphore(%arg24 : memref<!tpu.dma_semaphore, #tpu.memory_space<semaphore_mem>>)
    %dma_wait3A_356 = tpu.memref_slice %arg4[%multiple_of3A_261, %select_n3A_273] : memref<10240x128xf32, #tpu.memory_space<hbm>> -> memref<128x64xf32, #tpu.memory_space<hbm>>
    %dma_wait3A_357 = tpu.memref_slice %arg4[%multiple_of3A_261, %select_n3A_273] : memref<10240x128xf32, #tpu.memory_space<hbm>> -> memref<128x64xf32, #tpu.memory_space<hbm>>
    tpu.wait_dma2 semaphore(%arg20 : memref<!tpu.dma_semaphore, #tpu.memory_space<semaphore_mem>>) src(%arg8 : memref<128x64xf32, #tpu.memory_space<vmem>>) dst(%dma_wait3A_357 : memref<128x64xf32, #tpu.memory_space<hbm>>)
    %dma_wait3A_358 = tpu.memref_slice %arg4[%multiple_of3A_280, %select_n3A_293] : memref<10240x128xf32, #tpu.memory_space<hbm>> -> memref<128x64xf32, #tpu.memory_space<hbm>>
    %dma_wait3A_359 = tpu.memref_slice %arg4[%multiple_of3A_280, %select_n3A_293] : memref<10240x128xf32, #tpu.memory_space<hbm>> -> memref<128x64xf32, #tpu.memory_space<hbm>>
    tpu.wait_dma2 semaphore(%arg21 : memref<!tpu.dma_semaphore, #tpu.memory_space<semaphore_mem>>) src(%arg9 : memref<128x64xf32, #tpu.memory_space<vmem>>) dst(%dma_wait3A_359 : memref<128x64xf32, #tpu.memory_space<hbm>>)
    %dma_wait3A_360 = tpu.memref_slice %arg4[%multiple_of3A_300, %select_n3A_313] : memref<10240x128xf32, #tpu.memory_space<hbm>> -> memref<128x64xf32, #tpu.memory_space<hbm>>
    %dma_wait3A_361 = tpu.memref_slice %arg4[%multiple_of3A_300, %select_n3A_313] : memref<10240x128xf32, #tpu.memory_space<hbm>> -> memref<128x64xf32, #tpu.memory_space<hbm>>
    tpu.wait_dma2 semaphore(%arg22 : memref<!tpu.dma_semaphore, #tpu.memory_space<semaphore_mem>>) src(%arg10 : memref<128x64xf32, #tpu.memory_space<vmem>>) dst(%dma_wait3A_361 : memref<128x64xf32, #tpu.memory_space<hbm>>)
    %dma_wait3A_362 = tpu.memref_slice %arg4[%multiple_of3A_320, %select_n3A_333] : memref<10240x128xf32, #tpu.memory_space<hbm>> -> memref<128x64xf32, #tpu.memory_space<hbm>>
    %dma_wait3A_363 = tpu.memref_slice %arg4[%multiple_of3A_320, %select_n3A_333] : memref<10240x128xf32, #tpu.memory_space<hbm>> -> memref<128x64xf32, #tpu.memory_space<hbm>>
    tpu.wait_dma2 semaphore(%arg23 : memref<!tpu.dma_semaphore, #tpu.memory_space<semaphore_mem>>) src(%arg11 : memref<128x64xf32, #tpu.memory_space<vmem>>) dst(%dma_wait3A_363 : memref<128x64xf32, #tpu.memory_space<hbm>>)
    %dma_wait3A_364 = tpu.memref_slice %arg4[%multiple_of3A_340, %select_n3A_353] : memref<10240x128xf32, #tpu.memory_space<hbm>> -> memref<128x64xf32, #tpu.memory_space<hbm>>
    %dma_wait3A_365 = tpu.memref_slice %arg4[%multiple_of3A_340, %select_n3A_353] : memref<10240x128xf32, #tpu.memory_space<hbm>> -> memref<128x64xf32, #tpu.memory_space<hbm>>
    tpu.wait_dma2 semaphore(%arg24 : memref<!tpu.dma_semaphore, #tpu.memory_space<semaphore_mem>>) src(%arg12 : memref<128x64xf32, #tpu.memory_space<vmem>>) dst(%dma_wait3A_365 : memref<128x64xf32, #tpu.memory_space<hbm>>)
    return
  }
}

#map = affine_map<(d0, d1) -> (0, 0)>
#map1 = affine_map<(d0, d1) -> (0, 0, 0)>
module attributes {stable_mosaic.version = 14 : i64} {
  func.func @seg(%arg0: i32, %arg1: i32, %arg2: memref<10000x64xf32, #tpu.memory_space<hbm>>, %arg3: memref<2x2500x128xi32, #tpu.memory_space<hbm>>, %arg4: memref<10240x128xf32, #tpu.memory_space<hbm>>, %arg5: memref<10240x64xf32, #tpu.memory_space<vmem_shared>>, %arg6: memref<79x128xi32, #tpu.memory_space<vmem>>, %arg7: memref<79x128xi32, #tpu.memory_space<vmem>>, %arg8: memref<128x64xf32, #tpu.memory_space<vmem>>, %arg9: memref<128x64xf32, #tpu.memory_space<vmem>>, %arg10: memref<128x64xf32, #tpu.memory_space<vmem>>, %arg11: memref<128x64xf32, #tpu.memory_space<vmem>>, %arg12: memref<128x64xf32, #tpu.memory_space<vmem>>, %arg13: memref<128x64xf32, #tpu.memory_space<vmem>>, %arg14: memref<!tpu.dma_semaphore, #tpu.memory_space<semaphore_mem>>, %arg15: memref<!tpu.dma_semaphore, #tpu.memory_space<semaphore_mem>>, %arg16: memref<!tpu.dma_semaphore, #tpu.memory_space<semaphore_mem>>, %arg17: memref<!tpu.dma_semaphore, #tpu.memory_space<semaphore_mem>>, %arg18: memref<!tpu.dma_semaphore, #tpu.memory_space<semaphore_mem>>, %arg19: memref<!tpu.dma_semaphore, #tpu.memory_space<semaphore_mem>>, %arg20: memref<!tpu.dma_semaphore, #tpu.memory_space<semaphore_mem>>, %arg21: memref<!tpu.dma_semaphore, #tpu.memory_space<semaphore_mem>>, %arg22: memref<!tpu.dma_semaphore, #tpu.memory_space<semaphore_mem>>, %arg23: memref<!tpu.dma_semaphore, #tpu.memory_space<semaphore_mem>>, %arg24: memref<!tpu.dma_semaphore, #tpu.memory_space<semaphore_mem>>, %arg25: memref<!tpu.dma_semaphore, #tpu.memory_space<semaphore_mem>>) attributes {dimension_semantics = [#tpu.dimension_semantics<core_parallel>, #tpu.dimension_semantics<subcore_parallel>], iteration_bounds = array<i64: 2, 16>, scalar_prefetch = 0 : i64, scratch_operands = 21 : i64, tpu.core_type = #tpu.core_type<sc_vector_subcore>, window_params = [{transform_indices = #map}, {transform_indices = #map1}, {transform_indices = #map}]} {
    %mul3A = arith.constant 2 : i32
    %mul3A_0 = arith.muli %arg1, %mul3A : i32
    %add3A = arith.addi %mul3A_0, %arg0 : i32
    %mul3A_1 = arith.constant 2500 : i32
    %mul3A_2 = arith.muli %add3A, %mul3A_1 : i32
    %jit3A = arith.constant 32 : i32
    %div3A = arith.divsi %mul3A_2, %jit3A : i32
    %sign3A = arith.constant 0 : i32
    %sign3A_3 = arith.cmpi sgt, %mul3A_2, %sign3A : i32
    %sign3A_4 = arith.extui %sign3A_3 : i1 to i32
    %sign3A_5 = arith.constant 0 : i32
    %sign3A_6 = arith.cmpi slt, %mul3A_2, %sign3A_5 : i32
    %sign3A_7 = arith.extui %sign3A_6 : i1 to i32
    %sign3A_8 = arith.subi %sign3A_4, %sign3A_7 : i32
    %sign3A_9 = arith.constant 0 : i32
    %sign3A_10 = arith.cmpi sgt, %jit3A, %sign3A_9 : i32
    %sign3A_11 = arith.extui %sign3A_10 : i1 to i32
    %sign3A_12 = arith.constant 0 : i32
    %sign3A_13 = arith.cmpi slt, %jit3A, %sign3A_12 : i32
    %sign3A_14 = arith.extui %sign3A_13 : i1 to i32
    %sign3A_15 = arith.subi %sign3A_11, %sign3A_14 : i32
    %ne3A = arith.cmpi ne, %sign3A_8, %sign3A_15 : i32
    %rem3A = arith.remsi %mul3A_2, %jit3A : i32
    %ne3A_16 = arith.constant 0 : i32
    %ne3A_17 = arith.cmpi ne, %rem3A, %ne3A_16 : i32
    %and3A = arith.andi %ne3A, %ne3A_17 : i1
    %sub3A = arith.constant 1 : i32
    %sub3A_18 = arith.subi %div3A, %sub3A : i32
    %select_n3A = arith.select %and3A, %sub3A_18, %div3A : i32
    %add3A_19 = arith.constant 1 : i32
    %add3A_20 = arith.addi %add3A, %add3A_19 : i32
    %mul3A_21 = arith.constant 2500 : i32
    %mul3A_22 = arith.muli %add3A_20, %mul3A_21 : i32
    %jit3A_23 = arith.constant 32 : i32
    %div3A_24 = arith.divsi %mul3A_22, %jit3A_23 : i32
    %sign3A_25 = arith.constant 0 : i32
    %sign3A_26 = arith.cmpi sgt, %mul3A_22, %sign3A_25 : i32
    %sign3A_27 = arith.extui %sign3A_26 : i1 to i32
    %sign3A_28 = arith.constant 0 : i32
    %sign3A_29 = arith.cmpi slt, %mul3A_22, %sign3A_28 : i32
    %sign3A_30 = arith.extui %sign3A_29 : i1 to i32
    %sign3A_31 = arith.subi %sign3A_27, %sign3A_30 : i32
    %sign3A_32 = arith.constant 0 : i32
    %sign3A_33 = arith.cmpi sgt, %jit3A_23, %sign3A_32 : i32
    %sign3A_34 = arith.extui %sign3A_33 : i1 to i32
    %sign3A_35 = arith.constant 0 : i32
    %sign3A_36 = arith.cmpi slt, %jit3A_23, %sign3A_35 : i32
    %sign3A_37 = arith.extui %sign3A_36 : i1 to i32
    %sign3A_38 = arith.subi %sign3A_34, %sign3A_37 : i32
    %ne3A_39 = arith.cmpi ne, %sign3A_31, %sign3A_38 : i32
    %rem3A_40 = arith.remsi %mul3A_22, %jit3A_23 : i32
    %ne3A_41 = arith.constant 0 : i32
    %ne3A_42 = arith.cmpi ne, %rem3A_40, %ne3A_41 : i32
    %and3A_43 = arith.andi %ne3A_39, %ne3A_42 : i1
    %sub3A_44 = arith.constant 1 : i32
    %sub3A_45 = arith.subi %div3A_24, %sub3A_44 : i32
    %select_n3A_46 = arith.select %and3A_43, %sub3A_45, %div3A_24 : i32
    %sub3A_47 = arith.subi %select_n3A_46, %select_n3A : i32
    %dma_start3A = arith.constant 0 : i32
    %dma_start3A_48 = arith.constant 0 : i32
    %dma_start3A_49 = tpu.memref_slice %arg3[%dma_start3A, %select_n3A, %dma_start3A_48] : memref<2x2500x128xi32, #tpu.memory_space<hbm>> -> memref<1x79x128xi32, #tpu.memory_space<hbm>>
    %dma_start3A_50 = tpu.memref_squeeze %dma_start3A_49 : memref<1x79x128xi32, #tpu.memory_space<hbm>> -> memref<79x128xi32, #tpu.memory_space<hbm>>
    %dma_start3A_51 = arith.constant 0 : i32
    %dma_start3A_52 = tpu.memref_slice %arg3[%dma_start3A, %select_n3A, %dma_start3A_51] : memref<2x2500x128xi32, #tpu.memory_space<hbm>> -> memref<1x79x128xi32, #tpu.memory_space<hbm>>
    %dma_start3A_53 = tpu.memref_squeeze %dma_start3A_52 : memref<1x79x128xi32, #tpu.memory_space<hbm>> -> memref<79x128xi32, #tpu.memory_space<hbm>>
    tpu.enqueue_dma source(%dma_start3A_53 : memref<79x128xi32, #tpu.memory_space<hbm>>) target(%arg6 : memref<79x128xi32, #tpu.memory_space<vmem>>) target_semaphore(%arg14 : memref<!tpu.dma_semaphore, #tpu.memory_space<semaphore_mem>>)
    %dma_start3A_54 = arith.constant 1 : i32
    %dma_start3A_55 = arith.constant 0 : i32
    %dma_start3A_56 = tpu.memref_slice %arg3[%dma_start3A_54, %select_n3A, %dma_start3A_55] : memref<2x2500x128xi32, #tpu.memory_space<hbm>> -> memref<1x79x128xi32, #tpu.memory_space<hbm>>
    %dma_start3A_57 = tpu.memref_squeeze %dma_start3A_56 : memref<1x79x128xi32, #tpu.memory_space<hbm>> -> memref<79x128xi32, #tpu.memory_space<hbm>>
    %dma_start3A_58 = arith.constant 0 : i32
    %dma_start3A_59 = tpu.memref_slice %arg3[%dma_start3A_54, %select_n3A, %dma_start3A_58] : memref<2x2500x128xi32, #tpu.memory_space<hbm>> -> memref<1x79x128xi32, #tpu.memory_space<hbm>>
    %dma_start3A_60 = tpu.memref_squeeze %dma_start3A_59 : memref<1x79x128xi32, #tpu.memory_space<hbm>> -> memref<79x128xi32, #tpu.memory_space<hbm>>
    tpu.enqueue_dma source(%dma_start3A_60 : memref<79x128xi32, #tpu.memory_space<hbm>>) target(%arg7 : memref<79x128xi32, #tpu.memory_space<vmem>>) target_semaphore(%arg15 : memref<!tpu.dma_semaphore, #tpu.memory_space<semaphore_mem>>)
    %scan3A = arith.constant 0 : i32
    %scan3A_61 = arith.constant 0 : i32
    %scan3A_62 = arith.constant 128 : i32
    %scan3A_63 = arith.addi %scan3A_61, %scan3A_62 : i32
    %scan3A_64 = arith.constant 1 : i32
    %scan3A_65 = scf.for %scan3A_366 = %scan3A_61 to %scan3A_63 step %scan3A_64 iter_args(%scan3A_367 = %scan3A) -> (i32)  : i32 {
      %scan3A_368 = arith.constant 0 : i32
      %scan3A_369 = arith.constant 0 : i32
      %scan3A_370 = arith.constant 4 : i32
      %scan3A_371 = arith.addi %scan3A_369, %scan3A_370 : i32
      %scan3A_372 = arith.constant 1 : i32
      %scan3A_373 = scf.for %scan3A_375 = %scan3A_369 to %scan3A_371 step %scan3A_372 iter_args(%scan3A_376 = %scan3A_368) -> (i32)  : i32 {
        %broadcast_in_dim3A = arith.constant 0.000000e+00 : f32
        %broadcast_in_dim3A_377 = vector.broadcast %broadcast_in_dim3A : f32 to vector<16xf32>
        %mul3A_378 = arith.constant 16 : i32
        %mul3A_379 = arith.muli %scan3A_375, %mul3A_378 : i32
        %swap3A = arith.index_cast %scan3A_366 : i32 to index
        %swap3A_380 = arith.index_cast %mul3A_379 : i32 to index
        %swap3A_381 = tpu.vector_load %arg8[%swap3A, %swap3A_380] {strides = array<i32>} : memref<128x64xf32, #tpu.memory_space<vmem>>, vector<1x16xf32>,
        %swap3A_382 = vector.shape_cast %swap3A_381 : vector<1x16xf32> to vector<16xf32>
        %swap3A_383 = vector.shape_cast %broadcast_in_dim3A_377 : vector<16xf32> to vector<1x16xf32>
        tpu.vector_store %arg8[%swap3A, %swap3A_380], %swap3A_383 {strides = array<i32>} : memref<128x64xf32, #tpu.memory_space<vmem>>, vector<1x16xf32>,
        %scan3A_384 = arith.constant 0 : i32
        scf.yield %scan3A_384 : i32
      }
      %scan3A_374 = arith.constant 4 : i32
      scf.yield %scan3A_373 : i32
    }
    %scan3A_66 = arith.constant 128 : i32
    %mul3A_67 = arith.constant 640 : i32
    %mul3A_68 = arith.muli %arg1, %mul3A_67 : i32
    %add3A_69 = arith.constant 0 : i32
    %add3A_70 = arith.addi %mul3A_68, %add3A_69 : i32
    %multiple_of3A = tpu.assume_multiple %add3A_70, 128 : i32
    %dma_start3A_71 = arith.constant 0 : i32
    %dma_start3A_72 = tpu.memref_slice %arg5[%multiple_of3A, %dma_start3A_71] : memref<10240x64xf32, #tpu.memory_space<vmem_shared>> -> memref<128x64xf32, #tpu.memory_space<vmem_shared>>
    %dma_start3A_73 = arith.constant 0 : i32
    %dma_start3A_74 = tpu.memref_slice %arg5[%multiple_of3A, %dma_start3A_73] : memref<10240x64xf32, #tpu.memory_space<vmem_shared>> -> memref<128x64xf32, #tpu.memory_space<vmem_shared>>
    tpu.enqueue_dma source(%arg8 : memref<128x64xf32, #tpu.memory_space<vmem>>) target(%dma_start3A_74 : memref<128x64xf32, #tpu.memory_space<vmem_shared>>) target_semaphore(%arg20 : memref<!tpu.dma_semaphore, #tpu.memory_space<semaphore_mem>>)
    %mul3A_75 = arith.constant 640 : i32
    %mul3A_76 = arith.muli %arg1, %mul3A_75 : i32
    %add3A_77 = arith.constant 128 : i32
    %add3A_78 = arith.addi %mul3A_76, %add3A_77 : i32
    %multiple_of3A_79 = tpu.assume_multiple %add3A_78, 128 : i32
    %dma_start3A_80 = arith.constant 0 : i32
    %dma_start3A_81 = tpu.memref_slice %arg5[%multiple_of3A_79, %dma_start3A_80] : memref<10240x64xf32, #tpu.memory_space<vmem_shared>> -> memref<128x64xf32, #tpu.memory_space<vmem_shared>>
    %dma_start3A_82 = arith.constant 0 : i32
    %dma_start3A_83 = tpu.memref_slice %arg5[%multiple_of3A_79, %dma_start3A_82] : memref<10240x64xf32, #tpu.memory_space<vmem_shared>> -> memref<128x64xf32, #tpu.memory_space<vmem_shared>>
    tpu.enqueue_dma source(%arg8 : memref<128x64xf32, #tpu.memory_space<vmem>>) target(%dma_start3A_83 : memref<128x64xf32, #tpu.memory_space<vmem_shared>>) target_semaphore(%arg21 : memref<!tpu.dma_semaphore, #tpu.memory_space<semaphore_mem>>)
    %mul3A_84 = arith.constant 640 : i32
    %mul3A_85 = arith.muli %arg1, %mul3A_84 : i32
    %add3A_86 = arith.constant 256 : i32
    %add3A_87 = arith.addi %mul3A_85, %add3A_86 : i32
    %multiple_of3A_88 = tpu.assume_multiple %add3A_87, 128 : i32
    %dma_start3A_89 = arith.constant 0 : i32
    %dma_start3A_90 = tpu.memref_slice %arg5[%multiple_of3A_88, %dma_start3A_89] : memref<10240x64xf32, #tpu.memory_space<vmem_shared>> -> memref<128x64xf32, #tpu.memory_space<vmem_shared>>
    %dma_start3A_91 = arith.constant 0 : i32
    %dma_start3A_92 = tpu.memref_slice %arg5[%multiple_of3A_88, %dma_start3A_91] : memref<10240x64xf32, #tpu.memory_space<vmem_shared>> -> memref<128x64xf32, #tpu.memory_space<vmem_shared>>
    tpu.enqueue_dma source(%arg8 : memref<128x64xf32, #tpu.memory_space<vmem>>) target(%dma_start3A_92 : memref<128x64xf32, #tpu.memory_space<vmem_shared>>) target_semaphore(%arg22 : memref<!tpu.dma_semaphore, #tpu.memory_space<semaphore_mem>>)
    %mul3A_93 = arith.constant 640 : i32
    %mul3A_94 = arith.muli %arg1, %mul3A_93 : i32
    %add3A_95 = arith.constant 384 : i32
    %add3A_96 = arith.addi %mul3A_94, %add3A_95 : i32
    %multiple_of3A_97 = tpu.assume_multiple %add3A_96, 128 : i32
    %dma_start3A_98 = arith.constant 0 : i32
    %dma_start3A_99 = tpu.memref_slice %arg5[%multiple_of3A_97, %dma_start3A_98] : memref<10240x64xf32, #tpu.memory_space<vmem_shared>> -> memref<128x64xf32, #tpu.memory_space<vmem_shared>>
    %dma_start3A_100 = arith.constant 0 : i32
    %dma_start3A_101 = tpu.memref_slice %arg5[%multiple_of3A_97, %dma_start3A_100] : memref<10240x64xf32, #tpu.memory_space<vmem_shared>> -> memref<128x64xf32, #tpu.memory_space<vmem_shared>>
    tpu.enqueue_dma source(%arg8 : memref<128x64xf32, #tpu.memory_space<vmem>>) target(%dma_start3A_101 : memref<128x64xf32, #tpu.memory_space<vmem_shared>>) target_semaphore(%arg23 : memref<!tpu.dma_semaphore, #tpu.memory_space<semaphore_mem>>)
    %mul3A_102 = arith.constant 640 : i32
    %mul3A_103 = arith.muli %arg1, %mul3A_102 : i32
    %add3A_104 = arith.constant 512 : i32
    %add3A_105 = arith.addi %mul3A_103, %add3A_104 : i32
    %multiple_of3A_106 = tpu.assume_multiple %add3A_105, 128 : i32
    %dma_start3A_107 = arith.constant 0 : i32
    %dma_start3A_108 = tpu.memref_slice %arg5[%multiple_of3A_106, %dma_start3A_107] : memref<10240x64xf32, #tpu.memory_space<vmem_shared>> -> memref<128x64xf32, #tpu.memory_space<vmem_shared>>
    %dma_start3A_109 = arith.constant 0 : i32
    %dma_start3A_110 = tpu.memref_slice %arg5[%multiple_of3A_106, %dma_start3A_109] : memref<10240x64xf32, #tpu.memory_space<vmem_shared>> -> memref<128x64xf32, #tpu.memory_space<vmem_shared>>
    tpu.enqueue_dma source(%arg8 : memref<128x64xf32, #tpu.memory_space<vmem>>) target(%dma_start3A_110 : memref<128x64xf32, #tpu.memory_space<vmem_shared>>) target_semaphore(%arg24 : memref<!tpu.dma_semaphore, #tpu.memory_space<semaphore_mem>>)
    %dma_wait3A = arith.constant 0 : i32
    %dma_wait3A_111 = tpu.memref_slice %arg5[%multiple_of3A, %dma_wait3A] : memref<10240x64xf32, #tpu.memory_space<vmem_shared>> -> memref<128x64xf32, #tpu.memory_space<vmem_shared>>
    %dma_wait3A_112 = arith.constant 0 : i32
    %dma_wait3A_113 = tpu.memref_slice %arg5[%multiple_of3A, %dma_wait3A_112] : memref<10240x64xf32, #tpu.memory_space<vmem_shared>> -> memref<128x64xf32, #tpu.memory_space<vmem_shared>>
    tpu.wait_dma2 semaphore(%arg20 : memref<!tpu.dma_semaphore, #tpu.memory_space<semaphore_mem>>) src(%arg8 : memref<128x64xf32, #tpu.memory_space<vmem>>) dst(%dma_wait3A_113 : memref<128x64xf32, #tpu.memory_space<vmem_shared>>)
    %dma_wait3A_114 = arith.constant 0 : i32
    %dma_wait3A_115 = tpu.memref_slice %arg5[%multiple_of3A_79, %dma_wait3A_114] : memref<10240x64xf32, #tpu.memory_space<vmem_shared>> -> memref<128x64xf32, #tpu.memory_space<vmem_shared>>
    %dma_wait3A_116 = arith.constant 0 : i32
    %dma_wait3A_117 = tpu.memref_slice %arg5[%multiple_of3A_79, %dma_wait3A_116] : memref<10240x64xf32, #tpu.memory_space<vmem_shared>> -> memref<128x64xf32, #tpu.memory_space<vmem_shared>>
    tpu.wait_dma2 semaphore(%arg21 : memref<!tpu.dma_semaphore, #tpu.memory_space<semaphore_mem>>) src(%arg8 : memref<128x64xf32, #tpu.memory_space<vmem>>) dst(%dma_wait3A_117 : memref<128x64xf32, #tpu.memory_space<vmem_shared>>)
    %dma_wait3A_118 = arith.constant 0 : i32
    %dma_wait3A_119 = tpu.memref_slice %arg5[%multiple_of3A_88, %dma_wait3A_118] : memref<10240x64xf32, #tpu.memory_space<vmem_shared>> -> memref<128x64xf32, #tpu.memory_space<vmem_shared>>
    %dma_wait3A_120 = arith.constant 0 : i32
    %dma_wait3A_121 = tpu.memref_slice %arg5[%multiple_of3A_88, %dma_wait3A_120] : memref<10240x64xf32, #tpu.memory_space<vmem_shared>> -> memref<128x64xf32, #tpu.memory_space<vmem_shared>>
    tpu.wait_dma2 semaphore(%arg22 : memref<!tpu.dma_semaphore, #tpu.memory_space<semaphore_mem>>) src(%arg8 : memref<128x64xf32, #tpu.memory_space<vmem>>) dst(%dma_wait3A_121 : memref<128x64xf32, #tpu.memory_space<vmem_shared>>)
    %dma_wait3A_122 = arith.constant 0 : i32
    %dma_wait3A_123 = tpu.memref_slice %arg5[%multiple_of3A_97, %dma_wait3A_122] : memref<10240x64xf32, #tpu.memory_space<vmem_shared>> -> memref<128x64xf32, #tpu.memory_space<vmem_shared>>
    %dma_wait3A_124 = arith.constant 0 : i32
    %dma_wait3A_125 = tpu.memref_slice %arg5[%multiple_of3A_97, %dma_wait3A_124] : memref<10240x64xf32, #tpu.memory_space<vmem_shared>> -> memref<128x64xf32, #tpu.memory_space<vmem_shared>>
    tpu.wait_dma2 semaphore(%arg23 : memref<!tpu.dma_semaphore, #tpu.memory_space<semaphore_mem>>) src(%arg8 : memref<128x64xf32, #tpu.memory_space<vmem>>) dst(%dma_wait3A_125 : memref<128x64xf32, #tpu.memory_space<vmem_shared>>)
    %dma_wait3A_126 = arith.constant 0 : i32
    %dma_wait3A_127 = tpu.memref_slice %arg5[%multiple_of3A_106, %dma_wait3A_126] : memref<10240x64xf32, #tpu.memory_space<vmem_shared>> -> memref<128x64xf32, #tpu.memory_space<vmem_shared>>
    %dma_wait3A_128 = arith.constant 0 : i32
    %dma_wait3A_129 = tpu.memref_slice %arg5[%multiple_of3A_106, %dma_wait3A_128] : memref<10240x64xf32, #tpu.memory_space<vmem_shared>> -> memref<128x64xf32, #tpu.memory_space<vmem_shared>>
    tpu.wait_dma2 semaphore(%arg24 : memref<!tpu.dma_semaphore, #tpu.memory_space<semaphore_mem>>) src(%arg8 : memref<128x64xf32, #tpu.memory_space<vmem>>) dst(%dma_wait3A_129 : memref<128x64xf32, #tpu.memory_space<vmem_shared>>)
    %dma_wait3A_130 = arith.constant 0 : i32
    %dma_wait3A_131 = arith.constant 0 : i32
    %dma_wait3A_132 = tpu.memref_slice %arg3[%dma_wait3A_130, %select_n3A, %dma_wait3A_131] : memref<2x2500x128xi32, #tpu.memory_space<hbm>> -> memref<1x79x128xi32, #tpu.memory_space<hbm>>
    %dma_wait3A_133 = tpu.memref_squeeze %dma_wait3A_132 : memref<1x79x128xi32, #tpu.memory_space<hbm>> -> memref<79x128xi32, #tpu.memory_space<hbm>>
    %dma_wait3A_134 = arith.constant 0 : i32
    %dma_wait3A_135 = tpu.memref_slice %arg3[%dma_wait3A_130, %select_n3A, %dma_wait3A_134] : memref<2x2500x128xi32, #tpu.memory_space<hbm>> -> memref<1x79x128xi32, #tpu.memory_space<hbm>>
    %dma_wait3A_136 = tpu.memref_squeeze %dma_wait3A_135 : memref<1x79x128xi32, #tpu.memory_space<hbm>> -> memref<79x128xi32, #tpu.memory_space<hbm>>
    tpu.wait_dma2 semaphore(%arg14 : memref<!tpu.dma_semaphore, #tpu.memory_space<semaphore_mem>>) src(%dma_wait3A_136 : memref<79x128xi32, #tpu.memory_space<hbm>>) dst(%arg6 : memref<79x128xi32, #tpu.memory_space<vmem>>)
    %dma_wait3A_137 = arith.constant 1 : i32
    %dma_wait3A_138 = arith.constant 0 : i32
    %dma_wait3A_139 = tpu.memref_slice %arg3[%dma_wait3A_137, %select_n3A, %dma_wait3A_138] : memref<2x2500x128xi32, #tpu.memory_space<hbm>> -> memref<1x79x128xi32, #tpu.memory_space<hbm>>
    %dma_wait3A_140 = tpu.memref_squeeze %dma_wait3A_139 : memref<1x79x128xi32, #tpu.memory_space<hbm>> -> memref<79x128xi32, #tpu.memory_space<hbm>>
    %dma_wait3A_141 = arith.constant 0 : i32
    %dma_wait3A_142 = tpu.memref_slice %arg3[%dma_wait3A_137, %select_n3A, %dma_wait3A_141] : memref<2x2500x128xi32, #tpu.memory_space<hbm>> -> memref<1x79x128xi32, #tpu.memory_space<hbm>>
    %dma_wait3A_143 = tpu.memref_squeeze %dma_wait3A_142 : memref<1x79x128xi32, #tpu.memory_space<hbm>> -> memref<79x128xi32, #tpu.memory_space<hbm>>
    tpu.wait_dma2 semaphore(%arg15 : memref<!tpu.dma_semaphore, #tpu.memory_space<semaphore_mem>>) src(%dma_wait3A_143 : memref<79x128xi32, #tpu.memory_space<hbm>>) dst(%arg7 : memref<79x128xi32, #tpu.memory_space<vmem>>)
    %barrier3A = arith.constant 0 : index
    tpu.barrier barrier_id(%barrier3A)
    %dma_start3A_144 = arith.constant 0 : i32
    %dma_start3A_145 = arith.constant 0 : i32
    %dma_start3A_146 = tpu.memref_slice %arg6[%dma_start3A_144, %dma_start3A_145] : memref<79x128xi32, #tpu.memory_space<vmem>> -> memref<1x128xi32, #tpu.memory_space<vmem>>
    %dma_start3A_147 = tpu.memref_squeeze %dma_start3A_146 : memref<1x128xi32, #tpu.memory_space<vmem>> -> memref<128xi32, #tpu.memory_space<vmem>>
    %dma_start3A_148 = arith.constant 0 : i32
    %dma_start3A_149 = arith.constant 0 : i32
    %dma_start3A_150 = tpu.memref_slice %arg2[%dma_start3A_148, %dma_start3A_149] : memref<10000x64xf32, #tpu.memory_space<hbm>> -> memref<10000x64xf32, #tpu.memory_space<hbm>>
    tpu.enqueue_indirect_dma source(%dma_start3A_150 : memref<10000x64xf32, #tpu.memory_space<hbm>>) target(%arg8 : memref<128x64xf32, #tpu.memory_space<vmem>>) offsets(%dma_start3A_147 : memref<128xi32, #tpu.memory_space<vmem>>) semaphore(%arg14 : memref<!tpu.dma_semaphore, #tpu.memory_space<semaphore_mem>>)
    %dma_start3A_151 = arith.constant 1 : i32
    %dma_start3A_152 = arith.constant 0 : i32
    %dma_start3A_153 = tpu.memref_slice %arg6[%dma_start3A_151, %dma_start3A_152] : memref<79x128xi32, #tpu.memory_space<vmem>> -> memref<1x128xi32, #tpu.memory_space<vmem>>
    %dma_start3A_154 = tpu.memref_squeeze %dma_start3A_153 : memref<1x128xi32, #tpu.memory_space<vmem>> -> memref<128xi32, #tpu.memory_space<vmem>>
    %dma_start3A_155 = arith.constant 0 : i32
    %dma_start3A_156 = arith.constant 0 : i32
    %dma_start3A_157 = tpu.memref_slice %arg2[%dma_start3A_155, %dma_start3A_156] : memref<10000x64xf32, #tpu.memory_space<hbm>> -> memref<10000x64xf32, #tpu.memory_space<hbm>>
    tpu.enqueue_indirect_dma source(%dma_start3A_157 : memref<10000x64xf32, #tpu.memory_space<hbm>>) target(%arg9 : memref<128x64xf32, #tpu.memory_space<vmem>>) offsets(%dma_start3A_154 : memref<128xi32, #tpu.memory_space<vmem>>) semaphore(%arg15 : memref<!tpu.dma_semaphore, #tpu.memory_space<semaphore_mem>>)
    %dma_start3A_158 = arith.constant 2 : i32
    %dma_start3A_159 = arith.constant 0 : i32
    %dma_start3A_160 = tpu.memref_slice %arg6[%dma_start3A_158, %dma_start3A_159] : memref<79x128xi32, #tpu.memory_space<vmem>> -> memref<1x128xi32, #tpu.memory_space<vmem>>
    %dma_start3A_161 = tpu.memref_squeeze %dma_start3A_160 : memref<1x128xi32, #tpu.memory_space<vmem>> -> memref<128xi32, #tpu.memory_space<vmem>>
    %dma_start3A_162 = arith.constant 0 : i32
    %dma_start3A_163 = arith.constant 0 : i32
    %dma_start3A_164 = tpu.memref_slice %arg2[%dma_start3A_162, %dma_start3A_163] : memref<10000x64xf32, #tpu.memory_space<hbm>> -> memref<10000x64xf32, #tpu.memory_space<hbm>>
    tpu.enqueue_indirect_dma source(%dma_start3A_164 : memref<10000x64xf32, #tpu.memory_space<hbm>>) target(%arg10 : memref<128x64xf32, #tpu.memory_space<vmem>>) offsets(%dma_start3A_161 : memref<128xi32, #tpu.memory_space<vmem>>) semaphore(%arg16 : memref<!tpu.dma_semaphore, #tpu.memory_space<semaphore_mem>>)
    %dma_start3A_165 = arith.constant 3 : i32
    %dma_start3A_166 = arith.constant 0 : i32
    %dma_start3A_167 = tpu.memref_slice %arg6[%dma_start3A_165, %dma_start3A_166] : memref<79x128xi32, #tpu.memory_space<vmem>> -> memref<1x128xi32, #tpu.memory_space<vmem>>
    %dma_start3A_168 = tpu.memref_squeeze %dma_start3A_167 : memref<1x128xi32, #tpu.memory_space<vmem>> -> memref<128xi32, #tpu.memory_space<vmem>>
    %dma_start3A_169 = arith.constant 0 : i32
    %dma_start3A_170 = arith.constant 0 : i32
    %dma_start3A_171 = tpu.memref_slice %arg2[%dma_start3A_169, %dma_start3A_170] : memref<10000x64xf32, #tpu.memory_space<hbm>> -> memref<10000x64xf32, #tpu.memory_space<hbm>>
    tpu.enqueue_indirect_dma source(%dma_start3A_171 : memref<10000x64xf32, #tpu.memory_space<hbm>>) target(%arg11 : memref<128x64xf32, #tpu.memory_space<vmem>>) offsets(%dma_start3A_168 : memref<128xi32, #tpu.memory_space<vmem>>) semaphore(%arg17 : memref<!tpu.dma_semaphore, #tpu.memory_space<semaphore_mem>>)
    %dma_start3A_172 = arith.constant 4 : i32
    %dma_start3A_173 = arith.constant 0 : i32
    %dma_start3A_174 = tpu.memref_slice %arg6[%dma_start3A_172, %dma_start3A_173] : memref<79x128xi32, #tpu.memory_space<vmem>> -> memref<1x128xi32, #tpu.memory_space<vmem>>
    %dma_start3A_175 = tpu.memref_squeeze %dma_start3A_174 : memref<1x128xi32, #tpu.memory_space<vmem>> -> memref<128xi32, #tpu.memory_space<vmem>>
    %dma_start3A_176 = arith.constant 0 : i32
    %dma_start3A_177 = arith.constant 0 : i32
    %dma_start3A_178 = tpu.memref_slice %arg2[%dma_start3A_176, %dma_start3A_177] : memref<10000x64xf32, #tpu.memory_space<hbm>> -> memref<10000x64xf32, #tpu.memory_space<hbm>>
    tpu.enqueue_indirect_dma source(%dma_start3A_178 : memref<10000x64xf32, #tpu.memory_space<hbm>>) target(%arg12 : memref<128x64xf32, #tpu.memory_space<vmem>>) offsets(%dma_start3A_175 : memref<128xi32, #tpu.memory_space<vmem>>) semaphore(%arg18 : memref<!tpu.dma_semaphore, #tpu.memory_space<semaphore_mem>>)
    %dma_start3A_179 = arith.constant 5 : i32
    %dma_start3A_180 = arith.constant 0 : i32
    %dma_start3A_181 = tpu.memref_slice %arg6[%dma_start3A_179, %dma_start3A_180] : memref<79x128xi32, #tpu.memory_space<vmem>> -> memref<1x128xi32, #tpu.memory_space<vmem>>
    %dma_start3A_182 = tpu.memref_squeeze %dma_start3A_181 : memref<1x128xi32, #tpu.memory_space<vmem>> -> memref<128xi32, #tpu.memory_space<vmem>>
    %dma_start3A_183 = arith.constant 0 : i32
    %dma_start3A_184 = arith.constant 0 : i32
    %dma_start3A_185 = tpu.memref_slice %arg2[%dma_start3A_183, %dma_start3A_184] : memref<10000x64xf32, #tpu.memory_space<hbm>> -> memref<10000x64xf32, #tpu.memory_space<hbm>>
    tpu.enqueue_indirect_dma source(%dma_start3A_185 : memref<10000x64xf32, #tpu.memory_space<hbm>>) target(%arg13 : memref<128x64xf32, #tpu.memory_space<vmem>>) offsets(%dma_start3A_182 : memref<128xi32, #tpu.memory_space<vmem>>) semaphore(%arg19 : memref<!tpu.dma_semaphore, #tpu.memory_space<semaphore_mem>>)
    %jit3A_186 = arith.constant 6 : i32
    %div3A_187 = arith.divsi %sub3A_47, %jit3A_186 : i32
    %sign3A_188 = arith.constant 0 : i32
    %sign3A_189 = arith.cmpi sgt, %sub3A_47, %sign3A_188 : i32
    %sign3A_190 = arith.extui %sign3A_189 : i1 to i32
    %sign3A_191 = arith.constant 0 : i32
    %sign3A_192 = arith.cmpi slt, %sub3A_47, %sign3A_191 : i32
    %sign3A_193 = arith.extui %sign3A_192 : i1 to i32
    %sign3A_194 = arith.subi %sign3A_190, %sign3A_193 : i32
    %sign3A_195 = arith.constant 0 : i32
    %sign3A_196 = arith.cmpi sgt, %jit3A_186, %sign3A_195 : i32
    %sign3A_197 = arith.extui %sign3A_196 : i1 to i32
    %sign3A_198 = arith.constant 0 : i32
    %sign3A_199 = arith.cmpi slt, %jit3A_186, %sign3A_198 : i32
    %sign3A_200 = arith.extui %sign3A_199 : i1 to i32
    %sign3A_201 = arith.subi %sign3A_197, %sign3A_200 : i32
    %ne3A_202 = arith.cmpi ne, %sign3A_194, %sign3A_201 : i32
    %rem3A_203 = arith.remsi %sub3A_47, %jit3A_186 : i32
    %ne3A_204 = arith.constant 0 : i32
    %ne3A_205 = arith.cmpi ne, %rem3A_203, %ne3A_204 : i32
    %and3A_206 = arith.andi %ne3A_202, %ne3A_205 : i1
    %sub3A_207 = arith.constant 1 : i32
    %sub3A_208 = arith.subi %div3A_187, %sub3A_207 : i32
    %select_n3A_209 = arith.select %and3A_206, %sub3A_208, %div3A_187 : i32
    %while3A = arith.constant 0 : i32
    %while3A_210 = arith.constant 0 : i32
    %while3A_211 = arith.subi %select_n3A_209, %while3A : i32
    %while3A_212 = arith.addi %while3A, %while3A_211 : i32
    %while3A_213 = arith.constant 1 : i32
    %while3A_214 = arith.divsi %while3A_211, %while3A_213 : i32
    %while3A_215 = arith.muli %while3A_214, %while3A_213 : i32
    %while3A_216 = arith.addi %while3A, %while3A_215 : i32
    %while3A_217 = arith.constant 1 : i32
    %while3A_218 = scf.for %while3A_366 = %while3A to %while3A_216 step %while3A_217 iter_args(%while3A_367 = %while3A_210) -> (i32)  : i32 {
      %mul3A_368 = arith.constant 6 : i32
      %mul3A_369 = arith.muli %mul3A_368, %while3A_366 : i32
      %add3A_370 = arith.constant 0 : i32
      %add3A_371 = arith.addi %mul3A_369, %add3A_370 : i32
      %dma_wait3A_372 = arith.constant 0 : i32
      %dma_wait3A_373 = tpu.memref_slice %arg6[%add3A_371, %dma_wait3A_372] : memref<79x128xi32, #tpu.memory_space<vmem>> -> memref<1x128xi32, #tpu.memory_space<vmem>>
      %dma_wait3A_374 = tpu.memref_squeeze %dma_wait3A_373 : memref<1x128xi32, #tpu.memory_space<vmem>> -> memref<128xi32, #tpu.memory_space<vmem>>
      %dma_wait3A_375 = arith.constant 0 : i32
      %dma_wait3A_376 = arith.constant 0 : i32
      %dma_wait3A_377 = tpu.memref_slice %arg2[%dma_wait3A_375, %dma_wait3A_376] : memref<10000x64xf32, #tpu.memory_space<hbm>> -> memref<10000x64xf32, #tpu.memory_space<hbm>>
      tpu.wait_indirect_dma semaphore(%arg14 : memref<!tpu.dma_semaphore, #tpu.memory_space<semaphore_mem>>) src(%dma_wait3A_377 : memref<10000x64xf32, #tpu.memory_space<hbm>>) dst(%arg8 : memref<128x64xf32, #tpu.memory_space<vmem>>)
      %add3A_378 = arith.constant 0 : i32
      %add3A_379 = arith.addi %mul3A_369, %add3A_378 : i32
      %dma_start3A_380 = arith.constant 0 : i32
      %dma_start3A_381 = tpu.memref_slice %arg7[%add3A_379, %dma_start3A_380] : memref<79x128xi32, #tpu.memory_space<vmem>> -> memref<1x128xi32, #tpu.memory_space<vmem>>
      %dma_start3A_382 = tpu.memref_squeeze %dma_start3A_381 : memref<1x128xi32, #tpu.memory_space<vmem>> -> memref<128xi32, #tpu.memory_space<vmem>>
      %dma_start3A_383 = arith.constant 0 : i32
      %dma_start3A_384 = arith.constant 0 : i32
      %dma_start3A_385 = tpu.memref_slice %arg5[%dma_start3A_383, %dma_start3A_384] : memref<10240x64xf32, #tpu.memory_space<vmem_shared>> -> memref<10240x64xf32, #tpu.memory_space<vmem_shared>>
      tpu.enqueue_indirect_dma source(%arg8 : memref<128x64xf32, #tpu.memory_space<vmem>>) target(%dma_start3A_385 : memref<10240x64xf32, #tpu.memory_space<vmem_shared>>) offsets(%dma_start3A_382 : memref<128xi32, #tpu.memory_space<vmem>>) semaphore(%arg20 : memref<!tpu.dma_semaphore, #tpu.memory_space<semaphore_mem>>) {add = true}
      %add3A_386 = arith.constant 1 : i32
      %add3A_387 = arith.addi %mul3A_369, %add3A_386 : i32
      %dma_wait3A_388 = arith.constant 0 : i32
      %dma_wait3A_389 = tpu.memref_slice %arg6[%add3A_387, %dma_wait3A_388] : memref<79x128xi32, #tpu.memory_space<vmem>> -> memref<1x128xi32, #tpu.memory_space<vmem>>
      %dma_wait3A_390 = tpu.memref_squeeze %dma_wait3A_389 : memref<1x128xi32, #tpu.memory_space<vmem>> -> memref<128xi32, #tpu.memory_space<vmem>>
      %dma_wait3A_391 = arith.constant 0 : i32
      %dma_wait3A_392 = arith.constant 0 : i32
      %dma_wait3A_393 = tpu.memref_slice %arg2[%dma_wait3A_391, %dma_wait3A_392] : memref<10000x64xf32, #tpu.memory_space<hbm>> -> memref<10000x64xf32, #tpu.memory_space<hbm>>
      tpu.wait_indirect_dma semaphore(%arg15 : memref<!tpu.dma_semaphore, #tpu.memory_space<semaphore_mem>>) src(%dma_wait3A_393 : memref<10000x64xf32, #tpu.memory_space<hbm>>) dst(%arg9 : memref<128x64xf32, #tpu.memory_space<vmem>>)
      %add3A_394 = arith.constant 1 : i32
      %add3A_395 = arith.addi %mul3A_369, %add3A_394 : i32
      %dma_start3A_396 = arith.constant 0 : i32
      %dma_start3A_397 = tpu.memref_slice %arg7[%add3A_395, %dma_start3A_396] : memref<79x128xi32, #tpu.memory_space<vmem>> -> memref<1x128xi32, #tpu.memory_space<vmem>>
      %dma_start3A_398 = tpu.memref_squeeze %dma_start3A_397 : memref<1x128xi32, #tpu.memory_space<vmem>> -> memref<128xi32, #tpu.memory_space<vmem>>
      %dma_start3A_399 = arith.constant 0 : i32
      %dma_start3A_400 = arith.constant 0 : i32
      %dma_start3A_401 = tpu.memref_slice %arg5[%dma_start3A_399, %dma_start3A_400] : memref<10240x64xf32, #tpu.memory_space<vmem_shared>> -> memref<10240x64xf32, #tpu.memory_space<vmem_shared>>
      tpu.enqueue_indirect_dma source(%arg9 : memref<128x64xf32, #tpu.memory_space<vmem>>) target(%dma_start3A_401 : memref<10240x64xf32, #tpu.memory_space<vmem_shared>>) offsets(%dma_start3A_398 : memref<128xi32, #tpu.memory_space<vmem>>) semaphore(%arg21 : memref<!tpu.dma_semaphore, #tpu.memory_space<semaphore_mem>>) {add = true}
      %add3A_402 = arith.constant 2 : i32
      %add3A_403 = arith.addi %mul3A_369, %add3A_402 : i32
      %dma_wait3A_404 = arith.constant 0 : i32
      %dma_wait3A_405 = tpu.memref_slice %arg6[%add3A_403, %dma_wait3A_404] : memref<79x128xi32, #tpu.memory_space<vmem>> -> memref<1x128xi32, #tpu.memory_space<vmem>>
      %dma_wait3A_406 = tpu.memref_squeeze %dma_wait3A_405 : memref<1x128xi32, #tpu.memory_space<vmem>> -> memref<128xi32, #tpu.memory_space<vmem>>
      %dma_wait3A_407 = arith.constant 0 : i32
      %dma_wait3A_408 = arith.constant 0 : i32
      %dma_wait3A_409 = tpu.memref_slice %arg2[%dma_wait3A_407, %dma_wait3A_408] : memref<10000x64xf32, #tpu.memory_space<hbm>> -> memref<10000x64xf32, #tpu.memory_space<hbm>>
      tpu.wait_indirect_dma semaphore(%arg16 : memref<!tpu.dma_semaphore, #tpu.memory_space<semaphore_mem>>) src(%dma_wait3A_409 : memref<10000x64xf32, #tpu.memory_space<hbm>>) dst(%arg10 : memref<128x64xf32, #tpu.memory_space<vmem>>)
      %add3A_410 = arith.constant 2 : i32
      %add3A_411 = arith.addi %mul3A_369, %add3A_410 : i32
      %dma_start3A_412 = arith.constant 0 : i32
      %dma_start3A_413 = tpu.memref_slice %arg7[%add3A_411, %dma_start3A_412] : memref<79x128xi32, #tpu.memory_space<vmem>> -> memref<1x128xi32, #tpu.memory_space<vmem>>
      %dma_start3A_414 = tpu.memref_squeeze %dma_start3A_413 : memref<1x128xi32, #tpu.memory_space<vmem>> -> memref<128xi32, #tpu.memory_space<vmem>>
      %dma_start3A_415 = arith.constant 0 : i32
      %dma_start3A_416 = arith.constant 0 : i32
      %dma_start3A_417 = tpu.memref_slice %arg5[%dma_start3A_415, %dma_start3A_416] : memref<10240x64xf32, #tpu.memory_space<vmem_shared>> -> memref<10240x64xf32, #tpu.memory_space<vmem_shared>>
      tpu.enqueue_indirect_dma source(%arg10 : memref<128x64xf32, #tpu.memory_space<vmem>>) target(%dma_start3A_417 : memref<10240x64xf32, #tpu.memory_space<vmem_shared>>) offsets(%dma_start3A_414 : memref<128xi32, #tpu.memory_space<vmem>>) semaphore(%arg22 : memref<!tpu.dma_semaphore, #tpu.memory_space<semaphore_mem>>) {add = true}
      %add3A_418 = arith.constant 3 : i32
      %add3A_419 = arith.addi %mul3A_369, %add3A_418 : i32
      %dma_wait3A_420 = arith.constant 0 : i32
      %dma_wait3A_421 = tpu.memref_slice %arg6[%add3A_419, %dma_wait3A_420] : memref<79x128xi32, #tpu.memory_space<vmem>> -> memref<1x128xi32, #tpu.memory_space<vmem>>
      %dma_wait3A_422 = tpu.memref_squeeze %dma_wait3A_421 : memref<1x128xi32, #tpu.memory_space<vmem>> -> memref<128xi32, #tpu.memory_space<vmem>>
      %dma_wait3A_423 = arith.constant 0 : i32
      %dma_wait3A_424 = arith.constant 0 : i32
      %dma_wait3A_425 = tpu.memref_slice %arg2[%dma_wait3A_423, %dma_wait3A_424] : memref<10000x64xf32, #tpu.memory_space<hbm>> -> memref<10000x64xf32, #tpu.memory_space<hbm>>
      tpu.wait_indirect_dma semaphore(%arg17 : memref<!tpu.dma_semaphore, #tpu.memory_space<semaphore_mem>>) src(%dma_wait3A_425 : memref<10000x64xf32, #tpu.memory_space<hbm>>) dst(%arg11 : memref<128x64xf32, #tpu.memory_space<vmem>>)
      %add3A_426 = arith.constant 3 : i32
      %add3A_427 = arith.addi %mul3A_369, %add3A_426 : i32
      %dma_start3A_428 = arith.constant 0 : i32
      %dma_start3A_429 = tpu.memref_slice %arg7[%add3A_427, %dma_start3A_428] : memref<79x128xi32, #tpu.memory_space<vmem>> -> memref<1x128xi32, #tpu.memory_space<vmem>>
      %dma_start3A_430 = tpu.memref_squeeze %dma_start3A_429 : memref<1x128xi32, #tpu.memory_space<vmem>> -> memref<128xi32, #tpu.memory_space<vmem>>
      %dma_start3A_431 = arith.constant 0 : i32
      %dma_start3A_432 = arith.constant 0 : i32
      %dma_start3A_433 = tpu.memref_slice %arg5[%dma_start3A_431, %dma_start3A_432] : memref<10240x64xf32, #tpu.memory_space<vmem_shared>> -> memref<10240x64xf32, #tpu.memory_space<vmem_shared>>
      tpu.enqueue_indirect_dma source(%arg11 : memref<128x64xf32, #tpu.memory_space<vmem>>) target(%dma_start3A_433 : memref<10240x64xf32, #tpu.memory_space<vmem_shared>>) offsets(%dma_start3A_430 : memref<128xi32, #tpu.memory_space<vmem>>) semaphore(%arg23 : memref<!tpu.dma_semaphore, #tpu.memory_space<semaphore_mem>>) {add = true}
      %add3A_434 = arith.constant 4 : i32
      %add3A_435 = arith.addi %mul3A_369, %add3A_434 : i32
      %dma_wait3A_436 = arith.constant 0 : i32
      %dma_wait3A_437 = tpu.memref_slice %arg6[%add3A_435, %dma_wait3A_436] : memref<79x128xi32, #tpu.memory_space<vmem>> -> memref<1x128xi32, #tpu.memory_space<vmem>>
      %dma_wait3A_438 = tpu.memref_squeeze %dma_wait3A_437 : memref<1x128xi32, #tpu.memory_space<vmem>> -> memref<128xi32, #tpu.memory_space<vmem>>
      %dma_wait3A_439 = arith.constant 0 : i32
      %dma_wait3A_440 = arith.constant 0 : i32
      %dma_wait3A_441 = tpu.memref_slice %arg2[%dma_wait3A_439, %dma_wait3A_440] : memref<10000x64xf32, #tpu.memory_space<hbm>> -> memref<10000x64xf32, #tpu.memory_space<hbm>>
      tpu.wait_indirect_dma semaphore(%arg18 : memref<!tpu.dma_semaphore, #tpu.memory_space<semaphore_mem>>) src(%dma_wait3A_441 : memref<10000x64xf32, #tpu.memory_space<hbm>>) dst(%arg12 : memref<128x64xf32, #tpu.memory_space<vmem>>)
      %add3A_442 = arith.constant 4 : i32
      %add3A_443 = arith.addi %mul3A_369, %add3A_442 : i32
      %dma_start3A_444 = arith.constant 0 : i32
      %dma_start3A_445 = tpu.memref_slice %arg7[%add3A_443, %dma_start3A_444] : memref<79x128xi32, #tpu.memory_space<vmem>> -> memref<1x128xi32, #tpu.memory_space<vmem>>
      %dma_start3A_446 = tpu.memref_squeeze %dma_start3A_445 : memref<1x128xi32, #tpu.memory_space<vmem>> -> memref<128xi32, #tpu.memory_space<vmem>>
      %dma_start3A_447 = arith.constant 0 : i32
      %dma_start3A_448 = arith.constant 0 : i32
      %dma_start3A_449 = tpu.memref_slice %arg5[%dma_start3A_447, %dma_start3A_448] : memref<10240x64xf32, #tpu.memory_space<vmem_shared>> -> memref<10240x64xf32, #tpu.memory_space<vmem_shared>>
      tpu.enqueue_indirect_dma source(%arg12 : memref<128x64xf32, #tpu.memory_space<vmem>>) target(%dma_start3A_449 : memref<10240x64xf32, #tpu.memory_space<vmem_shared>>) offsets(%dma_start3A_446 : memref<128xi32, #tpu.memory_space<vmem>>) semaphore(%arg24 : memref<!tpu.dma_semaphore, #tpu.memory_space<semaphore_mem>>) {add = true}
      %add3A_450 = arith.constant 5 : i32
      %add3A_451 = arith.addi %mul3A_369, %add3A_450 : i32
      %dma_wait3A_452 = arith.constant 0 : i32
      %dma_wait3A_453 = tpu.memref_slice %arg6[%add3A_451, %dma_wait3A_452] : memref<79x128xi32, #tpu.memory_space<vmem>> -> memref<1x128xi32, #tpu.memory_space<vmem>>
      %dma_wait3A_454 = tpu.memref_squeeze %dma_wait3A_453 : memref<1x128xi32, #tpu.memory_space<vmem>> -> memref<128xi32, #tpu.memory_space<vmem>>
      %dma_wait3A_455 = arith.constant 0 : i32
      %dma_wait3A_456 = arith.constant 0 : i32
      %dma_wait3A_457 = tpu.memref_slice %arg2[%dma_wait3A_455, %dma_wait3A_456] : memref<10000x64xf32, #tpu.memory_space<hbm>> -> memref<10000x64xf32, #tpu.memory_space<hbm>>
      tpu.wait_indirect_dma semaphore(%arg19 : memref<!tpu.dma_semaphore, #tpu.memory_space<semaphore_mem>>) src(%dma_wait3A_457 : memref<10000x64xf32, #tpu.memory_space<hbm>>) dst(%arg13 : memref<128x64xf32, #tpu.memory_space<vmem>>)
      %add3A_458 = arith.constant 5 : i32
      %add3A_459 = arith.addi %mul3A_369, %add3A_458 : i32
      %dma_start3A_460 = arith.constant 0 : i32
      %dma_start3A_461 = tpu.memref_slice %arg7[%add3A_459, %dma_start3A_460] : memref<79x128xi32, #tpu.memory_space<vmem>> -> memref<1x128xi32, #tpu.memory_space<vmem>>
      %dma_start3A_462 = tpu.memref_squeeze %dma_start3A_461 : memref<1x128xi32, #tpu.memory_space<vmem>> -> memref<128xi32, #tpu.memory_space<vmem>>
      %dma_start3A_463 = arith.constant 0 : i32
      %dma_start3A_464 = arith.constant 0 : i32
      %dma_start3A_465 = tpu.memref_slice %arg5[%dma_start3A_463, %dma_start3A_464] : memref<10240x64xf32, #tpu.memory_space<vmem_shared>> -> memref<10240x64xf32, #tpu.memory_space<vmem_shared>>
      tpu.enqueue_indirect_dma source(%arg13 : memref<128x64xf32, #tpu.memory_space<vmem>>) target(%dma_start3A_465 : memref<10240x64xf32, #tpu.memory_space<vmem_shared>>) offsets(%dma_start3A_462 : memref<128xi32, #tpu.memory_space<vmem>>) semaphore(%arg25 : memref<!tpu.dma_semaphore, #tpu.memory_space<semaphore_mem>>) {add = true}
      %dma_wait3A_466 = arith.constant 0 : i32
      %dma_wait3A_467 = tpu.memref_slice %arg7[%add3A_379, %dma_wait3A_466] : memref<79x128xi32, #tpu.memory_space<vmem>> -> memref<1x128xi32, #tpu.memory_space<vmem>>
      %dma_wait3A_468 = tpu.memref_squeeze %dma_wait3A_467 : memref<1x128xi32, #tpu.memory_space<vmem>> -> memref<128xi32, #tpu.memory_space<vmem>>
      %dma_wait3A_469 = arith.constant 0 : i32
      %dma_wait3A_470 = arith.constant 0 : i32
      %dma_wait3A_471 = tpu.memref_slice %arg5[%dma_wait3A_469, %dma_wait3A_470] : memref<10240x64xf32, #tpu.memory_space<vmem_shared>> -> memref<10240x64xf32, #tpu.memory_space<vmem_shared>>
      tpu.wait_indirect_dma semaphore(%arg20 : memref<!tpu.dma_semaphore, #tpu.memory_space<semaphore_mem>>) src(%arg8 : memref<128x64xf32, #tpu.memory_space<vmem>>) dst(%dma_wait3A_471 : memref<10240x64xf32, #tpu.memory_space<vmem_shared>>)
      %add3A_472 = arith.constant 6 : i32
      %add3A_473 = arith.addi %mul3A_369, %add3A_472 : i32
      %add3A_474 = arith.constant 0 : i32
      %add3A_475 = arith.addi %add3A_473, %add3A_474 : i32
      %lt3A_476 = arith.cmpi slt, %add3A_475, %sub3A_47 : i32
      %convert_element_type3A_477 = arith.extui %lt3A_476 : i1 to i32
      %cond3A_478 = arith.constant 0 : i32
      %cond3A_479 = arith.cmpi ne, %convert_element_type3A_477, %cond3A_478 : i32
      scf.if %cond3A_479 {
        %add3A_551 = arith.constant 6 : i32
        %add3A_552 = arith.addi %mul3A_369, %add3A_551 : i32
        %add3A_553 = arith.constant 0 : i32
        %add3A_554 = arith.addi %add3A_552, %add3A_553 : i32
        %dma_start3A_555 = arith.constant 0 : i32
        %dma_start3A_556 = tpu.memref_slice %arg6[%add3A_554, %dma_start3A_555] : memref<79x128xi32, #tpu.memory_space<vmem>> -> memref<1x128xi32, #tpu.memory_space<vmem>>
        %dma_start3A_557 = tpu.memref_squeeze %dma_start3A_556 : memref<1x128xi32, #tpu.memory_space<vmem>> -> memref<128xi32, #tpu.memory_space<vmem>>
        %dma_start3A_558 = arith.constant 0 : i32
        %dma_start3A_559 = arith.constant 0 : i32
        %dma_start3A_560 = tpu.memref_slice %arg2[%dma_start3A_558, %dma_start3A_559] : memref<10000x64xf32, #tpu.memory_space<hbm>> -> memref<10000x64xf32, #tpu.memory_space<hbm>>
        tpu.enqueue_indirect_dma source(%dma_start3A_560 : memref<10000x64xf32, #tpu.memory_space<hbm>>) target(%arg8 : memref<128x64xf32, #tpu.memory_space<vmem>>) offsets(%dma_start3A_557 : memref<128xi32, #tpu.memory_space<vmem>>) semaphore(%arg14 : memref<!tpu.dma_semaphore, #tpu.memory_space<semaphore_mem>>)
      } else {
      }
      %dma_wait3A_480 = arith.constant 0 : i32
      %dma_wait3A_481 = tpu.memref_slice %arg7[%add3A_395, %dma_wait3A_480] : memref<79x128xi32, #tpu.memory_space<vmem>> -> memref<1x128xi32, #tpu.memory_space<vmem>>
      %dma_wait3A_482 = tpu.memref_squeeze %dma_wait3A_481 : memref<1x128xi32, #tpu.memory_space<vmem>> -> memref<128xi32, #tpu.memory_space<vmem>>
      %dma_wait3A_483 = arith.constant 0 : i32
      %dma_wait3A_484 = arith.constant 0 : i32
      %dma_wait3A_485 = tpu.memref_slice %arg5[%dma_wait3A_483, %dma_wait3A_484] : memref<10240x64xf32, #tpu.memory_space<vmem_shared>> -> memref<10240x64xf32, #tpu.memory_space<vmem_shared>>
      tpu.wait_indirect_dma semaphore(%arg21 : memref<!tpu.dma_semaphore, #tpu.memory_space<semaphore_mem>>) src(%arg9 : memref<128x64xf32, #tpu.memory_space<vmem>>) dst(%dma_wait3A_485 : memref<10240x64xf32, #tpu.memory_space<vmem_shared>>)
      %add3A_486 = arith.constant 6 : i32
      %add3A_487 = arith.addi %mul3A_369, %add3A_486 : i32
      %add3A_488 = arith.constant 1 : i32
      %add3A_489 = arith.addi %add3A_487, %add3A_488 : i32
      %lt3A_490 = arith.cmpi slt, %add3A_489, %sub3A_47 : i32
      %convert_element_type3A_491 = arith.extui %lt3A_490 : i1 to i32
      %cond3A_492 = arith.constant 0 : i32
      %cond3A_493 = arith.cmpi ne, %convert_element_type3A_491, %cond3A_492 : i32
      scf.if %cond3A_493 {
        %add3A_551 = arith.constant 6 : i32
        %add3A_552 = arith.addi %mul3A_369, %add3A_551 : i32
        %add3A_553 = arith.constant 1 : i32
        %add3A_554 = arith.addi %add3A_552, %add3A_553 : i32
        %dma_start3A_555 = arith.constant 0 : i32
        %dma_start3A_556 = tpu.memref_slice %arg6[%add3A_554, %dma_start3A_555] : memref<79x128xi32, #tpu.memory_space<vmem>> -> memref<1x128xi32, #tpu.memory_space<vmem>>
        %dma_start3A_557 = tpu.memref_squeeze %dma_start3A_556 : memref<1x128xi32, #tpu.memory_space<vmem>> -> memref<128xi32, #tpu.memory_space<vmem>>
        %dma_start3A_558 = arith.constant 0 : i32
        %dma_start3A_559 = arith.constant 0 : i32
        %dma_start3A_560 = tpu.memref_slice %arg2[%dma_start3A_558, %dma_start3A_559] : memref<10000x64xf32, #tpu.memory_space<hbm>> -> memref<10000x64xf32, #tpu.memory_space<hbm>>
        tpu.enqueue_indirect_dma source(%dma_start3A_560 : memref<10000x64xf32, #tpu.memory_space<hbm>>) target(%arg9 : memref<128x64xf32, #tpu.memory_space<vmem>>) offsets(%dma_start3A_557 : memref<128xi32, #tpu.memory_space<vmem>>) semaphore(%arg15 : memref<!tpu.dma_semaphore, #tpu.memory_space<semaphore_mem>>)
      } else {
      }
      %dma_wait3A_494 = arith.constant 0 : i32
      %dma_wait3A_495 = tpu.memref_slice %arg7[%add3A_411, %dma_wait3A_494] : memref<79x128xi32, #tpu.memory_space<vmem>> -> memref<1x128xi32, #tpu.memory_space<vmem>>
      %dma_wait3A_496 = tpu.memref_squeeze %dma_wait3A_495 : memref<1x128xi32, #tpu.memory_space<vmem>> -> memref<128xi32, #tpu.memory_space<vmem>>
      %dma_wait3A_497 = arith.constant 0 : i32
      %dma_wait3A_498 = arith.constant 0 : i32
      %dma_wait3A_499 = tpu.memref_slice %arg5[%dma_wait3A_497, %dma_wait3A_498] : memref<10240x64xf32, #tpu.memory_space<vmem_shared>> -> memref<10240x64xf32, #tpu.memory_space<vmem_shared>>
      tpu.wait_indirect_dma semaphore(%arg22 : memref<!tpu.dma_semaphore, #tpu.memory_space<semaphore_mem>>) src(%arg10 : memref<128x64xf32, #tpu.memory_space<vmem>>) dst(%dma_wait3A_499 : memref<10240x64xf32, #tpu.memory_space<vmem_shared>>)
      %add3A_500 = arith.constant 6 : i32
      %add3A_501 = arith.addi %mul3A_369, %add3A_500 : i32
      %add3A_502 = arith.constant 2 : i32
      %add3A_503 = arith.addi %add3A_501, %add3A_502 : i32
      %lt3A_504 = arith.cmpi slt, %add3A_503, %sub3A_47 : i32
      %convert_element_type3A_505 = arith.extui %lt3A_504 : i1 to i32
      %cond3A_506 = arith.constant 0 : i32
      %cond3A_507 = arith.cmpi ne, %convert_element_type3A_505, %cond3A_506 : i32
      scf.if %cond3A_507 {
        %add3A_551 = arith.constant 6 : i32
        %add3A_552 = arith.addi %mul3A_369, %add3A_551 : i32
        %add3A_553 = arith.constant 2 : i32
        %add3A_554 = arith.addi %add3A_552, %add3A_553 : i32
        %dma_start3A_555 = arith.constant 0 : i32
        %dma_start3A_556 = tpu.memref_slice %arg6[%add3A_554, %dma_start3A_555] : memref<79x128xi32, #tpu.memory_space<vmem>> -> memref<1x128xi32, #tpu.memory_space<vmem>>
        %dma_start3A_557 = tpu.memref_squeeze %dma_start3A_556 : memref<1x128xi32, #tpu.memory_space<vmem>> -> memref<128xi32, #tpu.memory_space<vmem>>
        %dma_start3A_558 = arith.constant 0 : i32
        %dma_start3A_559 = arith.constant 0 : i32
        %dma_start3A_560 = tpu.memref_slice %arg2[%dma_start3A_558, %dma_start3A_559] : memref<10000x64xf32, #tpu.memory_space<hbm>> -> memref<10000x64xf32, #tpu.memory_space<hbm>>
        tpu.enqueue_indirect_dma source(%dma_start3A_560 : memref<10000x64xf32, #tpu.memory_space<hbm>>) target(%arg10 : memref<128x64xf32, #tpu.memory_space<vmem>>) offsets(%dma_start3A_557 : memref<128xi32, #tpu.memory_space<vmem>>) semaphore(%arg16 : memref<!tpu.dma_semaphore, #tpu.memory_space<semaphore_mem>>)
      } else {
      }
      %dma_wait3A_508 = arith.constant 0 : i32
      %dma_wait3A_509 = tpu.memref_slice %arg7[%add3A_427, %dma_wait3A_508] : memref<79x128xi32, #tpu.memory_space<vmem>> -> memref<1x128xi32, #tpu.memory_space<vmem>>
      %dma_wait3A_510 = tpu.memref_squeeze %dma_wait3A_509 : memref<1x128xi32, #tpu.memory_space<vmem>> -> memref<128xi32, #tpu.memory_space<vmem>>
      %dma_wait3A_511 = arith.constant 0 : i32
      %dma_wait3A_512 = arith.constant 0 : i32
      %dma_wait3A_513 = tpu.memref_slice %arg5[%dma_wait3A_511, %dma_wait3A_512] : memref<10240x64xf32, #tpu.memory_space<vmem_shared>> -> memref<10240x64xf32, #tpu.memory_space<vmem_shared>>
      tpu.wait_indirect_dma semaphore(%arg23 : memref<!tpu.dma_semaphore, #tpu.memory_space<semaphore_mem>>) src(%arg11 : memref<128x64xf32, #tpu.memory_space<vmem>>) dst(%dma_wait3A_513 : memref<10240x64xf32, #tpu.memory_space<vmem_shared>>)
      %add3A_514 = arith.constant 6 : i32
      %add3A_515 = arith.addi %mul3A_369, %add3A_514 : i32
      %add3A_516 = arith.constant 3 : i32
      %add3A_517 = arith.addi %add3A_515, %add3A_516 : i32
      %lt3A_518 = arith.cmpi slt, %add3A_517, %sub3A_47 : i32
      %convert_element_type3A_519 = arith.extui %lt3A_518 : i1 to i32
      %cond3A_520 = arith.constant 0 : i32
      %cond3A_521 = arith.cmpi ne, %convert_element_type3A_519, %cond3A_520 : i32
      scf.if %cond3A_521 {
        %add3A_551 = arith.constant 6 : i32
        %add3A_552 = arith.addi %mul3A_369, %add3A_551 : i32
        %add3A_553 = arith.constant 3 : i32
        %add3A_554 = arith.addi %add3A_552, %add3A_553 : i32
        %dma_start3A_555 = arith.constant 0 : i32
        %dma_start3A_556 = tpu.memref_slice %arg6[%add3A_554, %dma_start3A_555] : memref<79x128xi32, #tpu.memory_space<vmem>> -> memref<1x128xi32, #tpu.memory_space<vmem>>
        %dma_start3A_557 = tpu.memref_squeeze %dma_start3A_556 : memref<1x128xi32, #tpu.memory_space<vmem>> -> memref<128xi32, #tpu.memory_space<vmem>>
        %dma_start3A_558 = arith.constant 0 : i32
        %dma_start3A_559 = arith.constant 0 : i32
        %dma_start3A_560 = tpu.memref_slice %arg2[%dma_start3A_558, %dma_start3A_559] : memref<10000x64xf32, #tpu.memory_space<hbm>> -> memref<10000x64xf32, #tpu.memory_space<hbm>>
        tpu.enqueue_indirect_dma source(%dma_start3A_560 : memref<10000x64xf32, #tpu.memory_space<hbm>>) target(%arg11 : memref<128x64xf32, #tpu.memory_space<vmem>>) offsets(%dma_start3A_557 : memref<128xi32, #tpu.memory_space<vmem>>) semaphore(%arg17 : memref<!tpu.dma_semaphore, #tpu.memory_space<semaphore_mem>>)
      } else {
      }
      %dma_wait3A_522 = arith.constant 0 : i32
      %dma_wait3A_523 = tpu.memref_slice %arg7[%add3A_443, %dma_wait3A_522] : memref<79x128xi32, #tpu.memory_space<vmem>> -> memref<1x128xi32, #tpu.memory_space<vmem>>
      %dma_wait3A_524 = tpu.memref_squeeze %dma_wait3A_523 : memref<1x128xi32, #tpu.memory_space<vmem>> -> memref<128xi32, #tpu.memory_space<vmem>>
      %dma_wait3A_525 = arith.constant 0 : i32
      %dma_wait3A_526 = arith.constant 0 : i32
      %dma_wait3A_527 = tpu.memref_slice %arg5[%dma_wait3A_525, %dma_wait3A_526] : memref<10240x64xf32, #tpu.memory_space<vmem_shared>> -> memref<10240x64xf32, #tpu.memory_space<vmem_shared>>
      tpu.wait_indirect_dma semaphore(%arg24 : memref<!tpu.dma_semaphore, #tpu.memory_space<semaphore_mem>>) src(%arg12 : memref<128x64xf32, #tpu.memory_space<vmem>>) dst(%dma_wait3A_527 : memref<10240x64xf32, #tpu.memory_space<vmem_shared>>)
      %add3A_528 = arith.constant 6 : i32
      %add3A_529 = arith.addi %mul3A_369, %add3A_528 : i32
      %add3A_530 = arith.constant 4 : i32
      %add3A_531 = arith.addi %add3A_529, %add3A_530 : i32
      %lt3A_532 = arith.cmpi slt, %add3A_531, %sub3A_47 : i32
      %convert_element_type3A_533 = arith.extui %lt3A_532 : i1 to i32
      %cond3A_534 = arith.constant 0 : i32
      %cond3A_535 = arith.cmpi ne, %convert_element_type3A_533, %cond3A_534 : i32
      scf.if %cond3A_535 {
        %add3A_551 = arith.constant 6 : i32
        %add3A_552 = arith.addi %mul3A_369, %add3A_551 : i32
        %add3A_553 = arith.constant 4 : i32
        %add3A_554 = arith.addi %add3A_552, %add3A_553 : i32
        %dma_start3A_555 = arith.constant 0 : i32
        %dma_start3A_556 = tpu.memref_slice %arg6[%add3A_554, %dma_start3A_555] : memref<79x128xi32, #tpu.memory_space<vmem>> -> memref<1x128xi32, #tpu.memory_space<vmem>>
        %dma_start3A_557 = tpu.memref_squeeze %dma_start3A_556 : memref<1x128xi32, #tpu.memory_space<vmem>> -> memref<128xi32, #tpu.memory_space<vmem>>
        %dma_start3A_558 = arith.constant 0 : i32
        %dma_start3A_559 = arith.constant 0 : i32
        %dma_start3A_560 = tpu.memref_slice %arg2[%dma_start3A_558, %dma_start3A_559] : memref<10000x64xf32, #tpu.memory_space<hbm>> -> memref<10000x64xf32, #tpu.memory_space<hbm>>
        tpu.enqueue_indirect_dma source(%dma_start3A_560 : memref<10000x64xf32, #tpu.memory_space<hbm>>) target(%arg12 : memref<128x64xf32, #tpu.memory_space<vmem>>) offsets(%dma_start3A_557 : memref<128xi32, #tpu.memory_space<vmem>>) semaphore(%arg18 : memref<!tpu.dma_semaphore, #tpu.memory_space<semaphore_mem>>)
      } else {
      }
      %dma_wait3A_536 = arith.constant 0 : i32
      %dma_wait3A_537 = tpu.memref_slice %arg7[%add3A_459, %dma_wait3A_536] : memref<79x128xi32, #tpu.memory_space<vmem>> -> memref<1x128xi32, #tpu.memory_space<vmem>>
      %dma_wait3A_538 = tpu.memref_squeeze %dma_wait3A_537 : memref<1x128xi32, #tpu.memory_space<vmem>> -> memref<128xi32, #tpu.memory_space<vmem>>
      %dma_wait3A_539 = arith.constant 0 : i32
      %dma_wait3A_540 = arith.constant 0 : i32
      %dma_wait3A_541 = tpu.memref_slice %arg5[%dma_wait3A_539, %dma_wait3A_540] : memref<10240x64xf32, #tpu.memory_space<vmem_shared>> -> memref<10240x64xf32, #tpu.memory_space<vmem_shared>>
      tpu.wait_indirect_dma semaphore(%arg25 : memref<!tpu.dma_semaphore, #tpu.memory_space<semaphore_mem>>) src(%arg13 : memref<128x64xf32, #tpu.memory_space<vmem>>) dst(%dma_wait3A_541 : memref<10240x64xf32, #tpu.memory_space<vmem_shared>>)
      %add3A_542 = arith.constant 6 : i32
      %add3A_543 = arith.addi %mul3A_369, %add3A_542 : i32
      %add3A_544 = arith.constant 5 : i32
      %add3A_545 = arith.addi %add3A_543, %add3A_544 : i32
      %lt3A_546 = arith.cmpi slt, %add3A_545, %sub3A_47 : i32
      %convert_element_type3A_547 = arith.extui %lt3A_546 : i1 to i32
      %cond3A_548 = arith.constant 0 : i32
      %cond3A_549 = arith.cmpi ne, %convert_element_type3A_547, %cond3A_548 : i32
      scf.if %cond3A_549 {
        %add3A_551 = arith.constant 6 : i32
        %add3A_552 = arith.addi %mul3A_369, %add3A_551 : i32
        %add3A_553 = arith.constant 5 : i32
        %add3A_554 = arith.addi %add3A_552, %add3A_553 : i32
        %dma_start3A_555 = arith.constant 0 : i32
        %dma_start3A_556 = tpu.memref_slice %arg6[%add3A_554, %dma_start3A_555] : memref<79x128xi32, #tpu.memory_space<vmem>> -> memref<1x128xi32, #tpu.memory_space<vmem>>
        %dma_start3A_557 = tpu.memref_squeeze %dma_start3A_556 : memref<1x128xi32, #tpu.memory_space<vmem>> -> memref<128xi32, #tpu.memory_space<vmem>>
        %dma_start3A_558 = arith.constant 0 : i32
        %dma_start3A_559 = arith.constant 0 : i32
        %dma_start3A_560 = tpu.memref_slice %arg2[%dma_start3A_558, %dma_start3A_559] : memref<10000x64xf32, #tpu.memory_space<hbm>> -> memref<10000x64xf32, #tpu.memory_space<hbm>>
        tpu.enqueue_indirect_dma source(%dma_start3A_560 : memref<10000x64xf32, #tpu.memory_space<hbm>>) target(%arg13 : memref<128x64xf32, #tpu.memory_space<vmem>>) offsets(%dma_start3A_557 : memref<128xi32, #tpu.memory_space<vmem>>) semaphore(%arg19 : memref<!tpu.dma_semaphore, #tpu.memory_space<semaphore_mem>>)
      } else {
      }
      %while3A_550 = arith.constant 0 : i32
      scf.yield %while3A_550 : i32
    }
    %while3A_219 = arith.constant 1 : i32
    %while3A_220 = scf.for %while3A_366 = %while3A_216 to %while3A_212 step %while3A_219 iter_args(%while3A_367 = %while3A_218) -> (i32)  : i32 {
      %mul3A_368 = arith.constant 6 : i32
      %mul3A_369 = arith.muli %mul3A_368, %while3A_366 : i32
      %add3A_370 = arith.constant 0 : i32
      %add3A_371 = arith.addi %mul3A_369, %add3A_370 : i32
      %dma_wait3A_372 = arith.constant 0 : i32
      %dma_wait3A_373 = tpu.memref_slice %arg6[%add3A_371, %dma_wait3A_372] : memref<79x128xi32, #tpu.memory_space<vmem>> -> memref<1x128xi32, #tpu.memory_space<vmem>>
      %dma_wait3A_374 = tpu.memref_squeeze %dma_wait3A_373 : memref<1x128xi32, #tpu.memory_space<vmem>> -> memref<128xi32, #tpu.memory_space<vmem>>
      %dma_wait3A_375 = arith.constant 0 : i32
      %dma_wait3A_376 = arith.constant 0 : i32
      %dma_wait3A_377 = tpu.memref_slice %arg2[%dma_wait3A_375, %dma_wait3A_376] : memref<10000x64xf32, #tpu.memory_space<hbm>> -> memref<10000x64xf32, #tpu.memory_space<hbm>>
      tpu.wait_indirect_dma semaphore(%arg14 : memref<!tpu.dma_semaphore, #tpu.memory_space<semaphore_mem>>) src(%dma_wait3A_377 : memref<10000x64xf32, #tpu.memory_space<hbm>>) dst(%arg8 : memref<128x64xf32, #tpu.memory_space<vmem>>)
      %add3A_378 = arith.constant 0 : i32
      %add3A_379 = arith.addi %mul3A_369, %add3A_378 : i32
      %dma_start3A_380 = arith.constant 0 : i32
      %dma_start3A_381 = tpu.memref_slice %arg7[%add3A_379, %dma_start3A_380] : memref<79x128xi32, #tpu.memory_space<vmem>> -> memref<1x128xi32, #tpu.memory_space<vmem>>
      %dma_start3A_382 = tpu.memref_squeeze %dma_start3A_381 : memref<1x128xi32, #tpu.memory_space<vmem>> -> memref<128xi32, #tpu.memory_space<vmem>>
      %dma_start3A_383 = arith.constant 0 : i32
      %dma_start3A_384 = arith.constant 0 : i32
      %dma_start3A_385 = tpu.memref_slice %arg5[%dma_start3A_383, %dma_start3A_384] : memref<10240x64xf32, #tpu.memory_space<vmem_shared>> -> memref<10240x64xf32, #tpu.memory_space<vmem_shared>>
      tpu.enqueue_indirect_dma source(%arg8 : memref<128x64xf32, #tpu.memory_space<vmem>>) target(%dma_start3A_385 : memref<10240x64xf32, #tpu.memory_space<vmem_shared>>) offsets(%dma_start3A_382 : memref<128xi32, #tpu.memory_space<vmem>>) semaphore(%arg20 : memref<!tpu.dma_semaphore, #tpu.memory_space<semaphore_mem>>) {add = true}
      %add3A_386 = arith.constant 1 : i32
      %add3A_387 = arith.addi %mul3A_369, %add3A_386 : i32
      %dma_wait3A_388 = arith.constant 0 : i32
      %dma_wait3A_389 = tpu.memref_slice %arg6[%add3A_387, %dma_wait3A_388] : memref<79x128xi32, #tpu.memory_space<vmem>> -> memref<1x128xi32, #tpu.memory_space<vmem>>
      %dma_wait3A_390 = tpu.memref_squeeze %dma_wait3A_389 : memref<1x128xi32, #tpu.memory_space<vmem>> -> memref<128xi32, #tpu.memory_space<vmem>>
      %dma_wait3A_391 = arith.constant 0 : i32
      %dma_wait3A_392 = arith.constant 0 : i32
      %dma_wait3A_393 = tpu.memref_slice %arg2[%dma_wait3A_391, %dma_wait3A_392] : memref<10000x64xf32, #tpu.memory_space<hbm>> -> memref<10000x64xf32, #tpu.memory_space<hbm>>
      tpu.wait_indirect_dma semaphore(%arg15 : memref<!tpu.dma_semaphore, #tpu.memory_space<semaphore_mem>>) src(%dma_wait3A_393 : memref<10000x64xf32, #tpu.memory_space<hbm>>) dst(%arg9 : memref<128x64xf32, #tpu.memory_space<vmem>>)
      %add3A_394 = arith.constant 1 : i32
      %add3A_395 = arith.addi %mul3A_369, %add3A_394 : i32
      %dma_start3A_396 = arith.constant 0 : i32
      %dma_start3A_397 = tpu.memref_slice %arg7[%add3A_395, %dma_start3A_396] : memref<79x128xi32, #tpu.memory_space<vmem>> -> memref<1x128xi32, #tpu.memory_space<vmem>>
      %dma_start3A_398 = tpu.memref_squeeze %dma_start3A_397 : memref<1x128xi32, #tpu.memory_space<vmem>> -> memref<128xi32, #tpu.memory_space<vmem>>
      %dma_start3A_399 = arith.constant 0 : i32
      %dma_start3A_400 = arith.constant 0 : i32
      %dma_start3A_401 = tpu.memref_slice %arg5[%dma_start3A_399, %dma_start3A_400] : memref<10240x64xf32, #tpu.memory_space<vmem_shared>> -> memref<10240x64xf32, #tpu.memory_space<vmem_shared>>
      tpu.enqueue_indirect_dma source(%arg9 : memref<128x64xf32, #tpu.memory_space<vmem>>) target(%dma_start3A_401 : memref<10240x64xf32, #tpu.memory_space<vmem_shared>>) offsets(%dma_start3A_398 : memref<128xi32, #tpu.memory_space<vmem>>) semaphore(%arg21 : memref<!tpu.dma_semaphore, #tpu.memory_space<semaphore_mem>>) {add = true}
      %add3A_402 = arith.constant 2 : i32
      %add3A_403 = arith.addi %mul3A_369, %add3A_402 : i32
      %dma_wait3A_404 = arith.constant 0 : i32
      %dma_wait3A_405 = tpu.memref_slice %arg6[%add3A_403, %dma_wait3A_404] : memref<79x128xi32, #tpu.memory_space<vmem>> -> memref<1x128xi32, #tpu.memory_space<vmem>>
      %dma_wait3A_406 = tpu.memref_squeeze %dma_wait3A_405 : memref<1x128xi32, #tpu.memory_space<vmem>> -> memref<128xi32, #tpu.memory_space<vmem>>
      %dma_wait3A_407 = arith.constant 0 : i32
      %dma_wait3A_408 = arith.constant 0 : i32
      %dma_wait3A_409 = tpu.memref_slice %arg2[%dma_wait3A_407, %dma_wait3A_408] : memref<10000x64xf32, #tpu.memory_space<hbm>> -> memref<10000x64xf32, #tpu.memory_space<hbm>>
      tpu.wait_indirect_dma semaphore(%arg16 : memref<!tpu.dma_semaphore, #tpu.memory_space<semaphore_mem>>) src(%dma_wait3A_409 : memref<10000x64xf32, #tpu.memory_space<hbm>>) dst(%arg10 : memref<128x64xf32, #tpu.memory_space<vmem>>)
      %add3A_410 = arith.constant 2 : i32
      %add3A_411 = arith.addi %mul3A_369, %add3A_410 : i32
      %dma_start3A_412 = arith.constant 0 : i32
      %dma_start3A_413 = tpu.memref_slice %arg7[%add3A_411, %dma_start3A_412] : memref<79x128xi32, #tpu.memory_space<vmem>> -> memref<1x128xi32, #tpu.memory_space<vmem>>
      %dma_start3A_414 = tpu.memref_squeeze %dma_start3A_413 : memref<1x128xi32, #tpu.memory_space<vmem>> -> memref<128xi32, #tpu.memory_space<vmem>>
      %dma_start3A_415 = arith.constant 0 : i32
      %dma_start3A_416 = arith.constant 0 : i32
      %dma_start3A_417 = tpu.memref_slice %arg5[%dma_start3A_415, %dma_start3A_416] : memref<10240x64xf32, #tpu.memory_space<vmem_shared>> -> memref<10240x64xf32, #tpu.memory_space<vmem_shared>>
      tpu.enqueue_indirect_dma source(%arg10 : memref<128x64xf32, #tpu.memory_space<vmem>>) target(%dma_start3A_417 : memref<10240x64xf32, #tpu.memory_space<vmem_shared>>) offsets(%dma_start3A_414 : memref<128xi32, #tpu.memory_space<vmem>>) semaphore(%arg22 : memref<!tpu.dma_semaphore, #tpu.memory_space<semaphore_mem>>) {add = true}
      %add3A_418 = arith.constant 3 : i32
      %add3A_419 = arith.addi %mul3A_369, %add3A_418 : i32
      %dma_wait3A_420 = arith.constant 0 : i32
      %dma_wait3A_421 = tpu.memref_slice %arg6[%add3A_419, %dma_wait3A_420] : memref<79x128xi32, #tpu.memory_space<vmem>> -> memref<1x128xi32, #tpu.memory_space<vmem>>
      %dma_wait3A_422 = tpu.memref_squeeze %dma_wait3A_421 : memref<1x128xi32, #tpu.memory_space<vmem>> -> memref<128xi32, #tpu.memory_space<vmem>>
      %dma_wait3A_423 = arith.constant 0 : i32
      %dma_wait3A_424 = arith.constant 0 : i32
      %dma_wait3A_425 = tpu.memref_slice %arg2[%dma_wait3A_423, %dma_wait3A_424] : memref<10000x64xf32, #tpu.memory_space<hbm>> -> memref<10000x64xf32, #tpu.memory_space<hbm>>
      tpu.wait_indirect_dma semaphore(%arg17 : memref<!tpu.dma_semaphore, #tpu.memory_space<semaphore_mem>>) src(%dma_wait3A_425 : memref<10000x64xf32, #tpu.memory_space<hbm>>) dst(%arg11 : memref<128x64xf32, #tpu.memory_space<vmem>>)
      %add3A_426 = arith.constant 3 : i32
      %add3A_427 = arith.addi %mul3A_369, %add3A_426 : i32
      %dma_start3A_428 = arith.constant 0 : i32
      %dma_start3A_429 = tpu.memref_slice %arg7[%add3A_427, %dma_start3A_428] : memref<79x128xi32, #tpu.memory_space<vmem>> -> memref<1x128xi32, #tpu.memory_space<vmem>>
      %dma_start3A_430 = tpu.memref_squeeze %dma_start3A_429 : memref<1x128xi32, #tpu.memory_space<vmem>> -> memref<128xi32, #tpu.memory_space<vmem>>
      %dma_start3A_431 = arith.constant 0 : i32
      %dma_start3A_432 = arith.constant 0 : i32
      %dma_start3A_433 = tpu.memref_slice %arg5[%dma_start3A_431, %dma_start3A_432] : memref<10240x64xf32, #tpu.memory_space<vmem_shared>> -> memref<10240x64xf32, #tpu.memory_space<vmem_shared>>
      tpu.enqueue_indirect_dma source(%arg11 : memref<128x64xf32, #tpu.memory_space<vmem>>) target(%dma_start3A_433 : memref<10240x64xf32, #tpu.memory_space<vmem_shared>>) offsets(%dma_start3A_430 : memref<128xi32, #tpu.memory_space<vmem>>) semaphore(%arg23 : memref<!tpu.dma_semaphore, #tpu.memory_space<semaphore_mem>>) {add = true}
      %add3A_434 = arith.constant 4 : i32
      %add3A_435 = arith.addi %mul3A_369, %add3A_434 : i32
      %dma_wait3A_436 = arith.constant 0 : i32
      %dma_wait3A_437 = tpu.memref_slice %arg6[%add3A_435, %dma_wait3A_436] : memref<79x128xi32, #tpu.memory_space<vmem>> -> memref<1x128xi32, #tpu.memory_space<vmem>>
      %dma_wait3A_438 = tpu.memref_squeeze %dma_wait3A_437 : memref<1x128xi32, #tpu.memory_space<vmem>> -> memref<128xi32, #tpu.memory_space<vmem>>
      %dma_wait3A_439 = arith.constant 0 : i32
      %dma_wait3A_440 = arith.constant 0 : i32
      %dma_wait3A_441 = tpu.memref_slice %arg2[%dma_wait3A_439, %dma_wait3A_440] : memref<10000x64xf32, #tpu.memory_space<hbm>> -> memref<10000x64xf32, #tpu.memory_space<hbm>>
      tpu.wait_indirect_dma semaphore(%arg18 : memref<!tpu.dma_semaphore, #tpu.memory_space<semaphore_mem>>) src(%dma_wait3A_441 : memref<10000x64xf32, #tpu.memory_space<hbm>>) dst(%arg12 : memref<128x64xf32, #tpu.memory_space<vmem>>)
      %add3A_442 = arith.constant 4 : i32
      %add3A_443 = arith.addi %mul3A_369, %add3A_442 : i32
      %dma_start3A_444 = arith.constant 0 : i32
      %dma_start3A_445 = tpu.memref_slice %arg7[%add3A_443, %dma_start3A_444] : memref<79x128xi32, #tpu.memory_space<vmem>> -> memref<1x128xi32, #tpu.memory_space<vmem>>
      %dma_start3A_446 = tpu.memref_squeeze %dma_start3A_445 : memref<1x128xi32, #tpu.memory_space<vmem>> -> memref<128xi32, #tpu.memory_space<vmem>>
      %dma_start3A_447 = arith.constant 0 : i32
      %dma_start3A_448 = arith.constant 0 : i32
      %dma_start3A_449 = tpu.memref_slice %arg5[%dma_start3A_447, %dma_start3A_448] : memref<10240x64xf32, #tpu.memory_space<vmem_shared>> -> memref<10240x64xf32, #tpu.memory_space<vmem_shared>>
      tpu.enqueue_indirect_dma source(%arg12 : memref<128x64xf32, #tpu.memory_space<vmem>>) target(%dma_start3A_449 : memref<10240x64xf32, #tpu.memory_space<vmem_shared>>) offsets(%dma_start3A_446 : memref<128xi32, #tpu.memory_space<vmem>>) semaphore(%arg24 : memref<!tpu.dma_semaphore, #tpu.memory_space<semaphore_mem>>) {add = true}
      %add3A_450 = arith.constant 5 : i32
      %add3A_451 = arith.addi %mul3A_369, %add3A_450 : i32
      %dma_wait3A_452 = arith.constant 0 : i32
      %dma_wait3A_453 = tpu.memref_slice %arg6[%add3A_451, %dma_wait3A_452] : memref<79x128xi32, #tpu.memory_space<vmem>> -> memref<1x128xi32, #tpu.memory_space<vmem>>
      %dma_wait3A_454 = tpu.memref_squeeze %dma_wait3A_453 : memref<1x128xi32, #tpu.memory_space<vmem>> -> memref<128xi32, #tpu.memory_space<vmem>>
      %dma_wait3A_455 = arith.constant 0 : i32
      %dma_wait3A_456 = arith.constant 0 : i32
      %dma_wait3A_457 = tpu.memref_slice %arg2[%dma_wait3A_455, %dma_wait3A_456] : memref<10000x64xf32, #tpu.memory_space<hbm>> -> memref<10000x64xf32, #tpu.memory_space<hbm>>
      tpu.wait_indirect_dma semaphore(%arg19 : memref<!tpu.dma_semaphore, #tpu.memory_space<semaphore_mem>>) src(%dma_wait3A_457 : memref<10000x64xf32, #tpu.memory_space<hbm>>) dst(%arg13 : memref<128x64xf32, #tpu.memory_space<vmem>>)
      %add3A_458 = arith.constant 5 : i32
      %add3A_459 = arith.addi %mul3A_369, %add3A_458 : i32
      %dma_start3A_460 = arith.constant 0 : i32
      %dma_start3A_461 = tpu.memref_slice %arg7[%add3A_459, %dma_start3A_460] : memref<79x128xi32, #tpu.memory_space<vmem>> -> memref<1x128xi32, #tpu.memory_space<vmem>>
      %dma_start3A_462 = tpu.memref_squeeze %dma_start3A_461 : memref<1x128xi32, #tpu.memory_space<vmem>> -> memref<128xi32, #tpu.memory_space<vmem>>
      %dma_start3A_463 = arith.constant 0 : i32
      %dma_start3A_464 = arith.constant 0 : i32
      %dma_start3A_465 = tpu.memref_slice %arg5[%dma_start3A_463, %dma_start3A_464] : memref<10240x64xf32, #tpu.memory_space<vmem_shared>> -> memref<10240x64xf32, #tpu.memory_space<vmem_shared>>
      tpu.enqueue_indirect_dma source(%arg13 : memref<128x64xf32, #tpu.memory_space<vmem>>) target(%dma_start3A_465 : memref<10240x64xf32, #tpu.memory_space<vmem_shared>>) offsets(%dma_start3A_462 : memref<128xi32, #tpu.memory_space<vmem>>) semaphore(%arg25 : memref<!tpu.dma_semaphore, #tpu.memory_space<semaphore_mem>>) {add = true}
      %dma_wait3A_466 = arith.constant 0 : i32
      %dma_wait3A_467 = tpu.memref_slice %arg7[%add3A_379, %dma_wait3A_466] : memref<79x128xi32, #tpu.memory_space<vmem>> -> memref<1x128xi32, #tpu.memory_space<vmem>>
      %dma_wait3A_468 = tpu.memref_squeeze %dma_wait3A_467 : memref<1x128xi32, #tpu.memory_space<vmem>> -> memref<128xi32, #tpu.memory_space<vmem>>
      %dma_wait3A_469 = arith.constant 0 : i32
      %dma_wait3A_470 = arith.constant 0 : i32
      %dma_wait3A_471 = tpu.memref_slice %arg5[%dma_wait3A_469, %dma_wait3A_470] : memref<10240x64xf32, #tpu.memory_space<vmem_shared>> -> memref<10240x64xf32, #tpu.memory_space<vmem_shared>>
      tpu.wait_indirect_dma semaphore(%arg20 : memref<!tpu.dma_semaphore, #tpu.memory_space<semaphore_mem>>) src(%arg8 : memref<128x64xf32, #tpu.memory_space<vmem>>) dst(%dma_wait3A_471 : memref<10240x64xf32, #tpu.memory_space<vmem_shared>>)
      %add3A_472 = arith.constant 6 : i32
      %add3A_473 = arith.addi %mul3A_369, %add3A_472 : i32
      %add3A_474 = arith.constant 0 : i32
      %add3A_475 = arith.addi %add3A_473, %add3A_474 : i32
      %lt3A_476 = arith.cmpi slt, %add3A_475, %sub3A_47 : i32
      %convert_element_type3A_477 = arith.extui %lt3A_476 : i1 to i32
      %cond3A_478 = arith.constant 0 : i32
      %cond3A_479 = arith.cmpi ne, %convert_element_type3A_477, %cond3A_478 : i32
      scf.if %cond3A_479 {
        %add3A_551 = arith.constant 6 : i32
        %add3A_552 = arith.addi %mul3A_369, %add3A_551 : i32
        %add3A_553 = arith.constant 0 : i32
        %add3A_554 = arith.addi %add3A_552, %add3A_553 : i32
        %dma_start3A_555 = arith.constant 0 : i32
        %dma_start3A_556 = tpu.memref_slice %arg6[%add3A_554, %dma_start3A_555] : memref<79x128xi32, #tpu.memory_space<vmem>> -> memref<1x128xi32, #tpu.memory_space<vmem>>
        %dma_start3A_557 = tpu.memref_squeeze %dma_start3A_556 : memref<1x128xi32, #tpu.memory_space<vmem>> -> memref<128xi32, #tpu.memory_space<vmem>>
        %dma_start3A_558 = arith.constant 0 : i32
        %dma_start3A_559 = arith.constant 0 : i32
        %dma_start3A_560 = tpu.memref_slice %arg2[%dma_start3A_558, %dma_start3A_559] : memref<10000x64xf32, #tpu.memory_space<hbm>> -> memref<10000x64xf32, #tpu.memory_space<hbm>>
        tpu.enqueue_indirect_dma source(%dma_start3A_560 : memref<10000x64xf32, #tpu.memory_space<hbm>>) target(%arg8 : memref<128x64xf32, #tpu.memory_space<vmem>>) offsets(%dma_start3A_557 : memref<128xi32, #tpu.memory_space<vmem>>) semaphore(%arg14 : memref<!tpu.dma_semaphore, #tpu.memory_space<semaphore_mem>>)
      } else {
      }
      %dma_wait3A_480 = arith.constant 0 : i32
      %dma_wait3A_481 = tpu.memref_slice %arg7[%add3A_395, %dma_wait3A_480] : memref<79x128xi32, #tpu.memory_space<vmem>> -> memref<1x128xi32, #tpu.memory_space<vmem>>
      %dma_wait3A_482 = tpu.memref_squeeze %dma_wait3A_481 : memref<1x128xi32, #tpu.memory_space<vmem>> -> memref<128xi32, #tpu.memory_space<vmem>>
      %dma_wait3A_483 = arith.constant 0 : i32
      %dma_wait3A_484 = arith.constant 0 : i32
      %dma_wait3A_485 = tpu.memref_slice %arg5[%dma_wait3A_483, %dma_wait3A_484] : memref<10240x64xf32, #tpu.memory_space<vmem_shared>> -> memref<10240x64xf32, #tpu.memory_space<vmem_shared>>
      tpu.wait_indirect_dma semaphore(%arg21 : memref<!tpu.dma_semaphore, #tpu.memory_space<semaphore_mem>>) src(%arg9 : memref<128x64xf32, #tpu.memory_space<vmem>>) dst(%dma_wait3A_485 : memref<10240x64xf32, #tpu.memory_space<vmem_shared>>)
      %add3A_486 = arith.constant 6 : i32
      %add3A_487 = arith.addi %mul3A_369, %add3A_486 : i32
      %add3A_488 = arith.constant 1 : i32
      %add3A_489 = arith.addi %add3A_487, %add3A_488 : i32
      %lt3A_490 = arith.cmpi slt, %add3A_489, %sub3A_47 : i32
      %convert_element_type3A_491 = arith.extui %lt3A_490 : i1 to i32
      %cond3A_492 = arith.constant 0 : i32
      %cond3A_493 = arith.cmpi ne, %convert_element_type3A_491, %cond3A_492 : i32
      scf.if %cond3A_493 {
        %add3A_551 = arith.constant 6 : i32
        %add3A_552 = arith.addi %mul3A_369, %add3A_551 : i32
        %add3A_553 = arith.constant 1 : i32
        %add3A_554 = arith.addi %add3A_552, %add3A_553 : i32
        %dma_start3A_555 = arith.constant 0 : i32
        %dma_start3A_556 = tpu.memref_slice %arg6[%add3A_554, %dma_start3A_555] : memref<79x128xi32, #tpu.memory_space<vmem>> -> memref<1x128xi32, #tpu.memory_space<vmem>>
        %dma_start3A_557 = tpu.memref_squeeze %dma_start3A_556 : memref<1x128xi32, #tpu.memory_space<vmem>> -> memref<128xi32, #tpu.memory_space<vmem>>
        %dma_start3A_558 = arith.constant 0 : i32
        %dma_start3A_559 = arith.constant 0 : i32
        %dma_start3A_560 = tpu.memref_slice %arg2[%dma_start3A_558, %dma_start3A_559] : memref<10000x64xf32, #tpu.memory_space<hbm>> -> memref<10000x64xf32, #tpu.memory_space<hbm>>
        tpu.enqueue_indirect_dma source(%dma_start3A_560 : memref<10000x64xf32, #tpu.memory_space<hbm>>) target(%arg9 : memref<128x64xf32, #tpu.memory_space<vmem>>) offsets(%dma_start3A_557 : memref<128xi32, #tpu.memory_space<vmem>>) semaphore(%arg15 : memref<!tpu.dma_semaphore, #tpu.memory_space<semaphore_mem>>)
      } else {
      }
      %dma_wait3A_494 = arith.constant 0 : i32
      %dma_wait3A_495 = tpu.memref_slice %arg7[%add3A_411, %dma_wait3A_494] : memref<79x128xi32, #tpu.memory_space<vmem>> -> memref<1x128xi32, #tpu.memory_space<vmem>>
      %dma_wait3A_496 = tpu.memref_squeeze %dma_wait3A_495 : memref<1x128xi32, #tpu.memory_space<vmem>> -> memref<128xi32, #tpu.memory_space<vmem>>
      %dma_wait3A_497 = arith.constant 0 : i32
      %dma_wait3A_498 = arith.constant 0 : i32
      %dma_wait3A_499 = tpu.memref_slice %arg5[%dma_wait3A_497, %dma_wait3A_498] : memref<10240x64xf32, #tpu.memory_space<vmem_shared>> -> memref<10240x64xf32, #tpu.memory_space<vmem_shared>>
      tpu.wait_indirect_dma semaphore(%arg22 : memref<!tpu.dma_semaphore, #tpu.memory_space<semaphore_mem>>) src(%arg10 : memref<128x64xf32, #tpu.memory_space<vmem>>) dst(%dma_wait3A_499 : memref<10240x64xf32, #tpu.memory_space<vmem_shared>>)
      %add3A_500 = arith.constant 6 : i32
      %add3A_501 = arith.addi %mul3A_369, %add3A_500 : i32
      %add3A_502 = arith.constant 2 : i32
      %add3A_503 = arith.addi %add3A_501, %add3A_502 : i32
      %lt3A_504 = arith.cmpi slt, %add3A_503, %sub3A_47 : i32
      %convert_element_type3A_505 = arith.extui %lt3A_504 : i1 to i32
      %cond3A_506 = arith.constant 0 : i32
      %cond3A_507 = arith.cmpi ne, %convert_element_type3A_505, %cond3A_506 : i32
      scf.if %cond3A_507 {
        %add3A_551 = arith.constant 6 : i32
        %add3A_552 = arith.addi %mul3A_369, %add3A_551 : i32
        %add3A_553 = arith.constant 2 : i32
        %add3A_554 = arith.addi %add3A_552, %add3A_553 : i32
        %dma_start3A_555 = arith.constant 0 : i32
        %dma_start3A_556 = tpu.memref_slice %arg6[%add3A_554, %dma_start3A_555] : memref<79x128xi32, #tpu.memory_space<vmem>> -> memref<1x128xi32, #tpu.memory_space<vmem>>
        %dma_start3A_557 = tpu.memref_squeeze %dma_start3A_556 : memref<1x128xi32, #tpu.memory_space<vmem>> -> memref<128xi32, #tpu.memory_space<vmem>>
        %dma_start3A_558 = arith.constant 0 : i32
        %dma_start3A_559 = arith.constant 0 : i32
        %dma_start3A_560 = tpu.memref_slice %arg2[%dma_start3A_558, %dma_start3A_559] : memref<10000x64xf32, #tpu.memory_space<hbm>> -> memref<10000x64xf32, #tpu.memory_space<hbm>>
        tpu.enqueue_indirect_dma source(%dma_start3A_560 : memref<10000x64xf32, #tpu.memory_space<hbm>>) target(%arg10 : memref<128x64xf32, #tpu.memory_space<vmem>>) offsets(%dma_start3A_557 : memref<128xi32, #tpu.memory_space<vmem>>) semaphore(%arg16 : memref<!tpu.dma_semaphore, #tpu.memory_space<semaphore_mem>>)
      } else {
      }
      %dma_wait3A_508 = arith.constant 0 : i32
      %dma_wait3A_509 = tpu.memref_slice %arg7[%add3A_427, %dma_wait3A_508] : memref<79x128xi32, #tpu.memory_space<vmem>> -> memref<1x128xi32, #tpu.memory_space<vmem>>
      %dma_wait3A_510 = tpu.memref_squeeze %dma_wait3A_509 : memref<1x128xi32, #tpu.memory_space<vmem>> -> memref<128xi32, #tpu.memory_space<vmem>>
      %dma_wait3A_511 = arith.constant 0 : i32
      %dma_wait3A_512 = arith.constant 0 : i32
      %dma_wait3A_513 = tpu.memref_slice %arg5[%dma_wait3A_511, %dma_wait3A_512] : memref<10240x64xf32, #tpu.memory_space<vmem_shared>> -> memref<10240x64xf32, #tpu.memory_space<vmem_shared>>
      tpu.wait_indirect_dma semaphore(%arg23 : memref<!tpu.dma_semaphore, #tpu.memory_space<semaphore_mem>>) src(%arg11 : memref<128x64xf32, #tpu.memory_space<vmem>>) dst(%dma_wait3A_513 : memref<10240x64xf32, #tpu.memory_space<vmem_shared>>)
      %add3A_514 = arith.constant 6 : i32
      %add3A_515 = arith.addi %mul3A_369, %add3A_514 : i32
      %add3A_516 = arith.constant 3 : i32
      %add3A_517 = arith.addi %add3A_515, %add3A_516 : i32
      %lt3A_518 = arith.cmpi slt, %add3A_517, %sub3A_47 : i32
      %convert_element_type3A_519 = arith.extui %lt3A_518 : i1 to i32
      %cond3A_520 = arith.constant 0 : i32
      %cond3A_521 = arith.cmpi ne, %convert_element_type3A_519, %cond3A_520 : i32
      scf.if %cond3A_521 {
        %add3A_551 = arith.constant 6 : i32
        %add3A_552 = arith.addi %mul3A_369, %add3A_551 : i32
        %add3A_553 = arith.constant 3 : i32
        %add3A_554 = arith.addi %add3A_552, %add3A_553 : i32
        %dma_start3A_555 = arith.constant 0 : i32
        %dma_start3A_556 = tpu.memref_slice %arg6[%add3A_554, %dma_start3A_555] : memref<79x128xi32, #tpu.memory_space<vmem>> -> memref<1x128xi32, #tpu.memory_space<vmem>>
        %dma_start3A_557 = tpu.memref_squeeze %dma_start3A_556 : memref<1x128xi32, #tpu.memory_space<vmem>> -> memref<128xi32, #tpu.memory_space<vmem>>
        %dma_start3A_558 = arith.constant 0 : i32
        %dma_start3A_559 = arith.constant 0 : i32
        %dma_start3A_560 = tpu.memref_slice %arg2[%dma_start3A_558, %dma_start3A_559] : memref<10000x64xf32, #tpu.memory_space<hbm>> -> memref<10000x64xf32, #tpu.memory_space<hbm>>
        tpu.enqueue_indirect_dma source(%dma_start3A_560 : memref<10000x64xf32, #tpu.memory_space<hbm>>) target(%arg11 : memref<128x64xf32, #tpu.memory_space<vmem>>) offsets(%dma_start3A_557 : memref<128xi32, #tpu.memory_space<vmem>>) semaphore(%arg17 : memref<!tpu.dma_semaphore, #tpu.memory_space<semaphore_mem>>)
      } else {
      }
      %dma_wait3A_522 = arith.constant 0 : i32
      %dma_wait3A_523 = tpu.memref_slice %arg7[%add3A_443, %dma_wait3A_522] : memref<79x128xi32, #tpu.memory_space<vmem>> -> memref<1x128xi32, #tpu.memory_space<vmem>>
      %dma_wait3A_524 = tpu.memref_squeeze %dma_wait3A_523 : memref<1x128xi32, #tpu.memory_space<vmem>> -> memref<128xi32, #tpu.memory_space<vmem>>
      %dma_wait3A_525 = arith.constant 0 : i32
      %dma_wait3A_526 = arith.constant 0 : i32
      %dma_wait3A_527 = tpu.memref_slice %arg5[%dma_wait3A_525, %dma_wait3A_526] : memref<10240x64xf32, #tpu.memory_space<vmem_shared>> -> memref<10240x64xf32, #tpu.memory_space<vmem_shared>>
      tpu.wait_indirect_dma semaphore(%arg24 : memref<!tpu.dma_semaphore, #tpu.memory_space<semaphore_mem>>) src(%arg12 : memref<128x64xf32, #tpu.memory_space<vmem>>) dst(%dma_wait3A_527 : memref<10240x64xf32, #tpu.memory_space<vmem_shared>>)
      %add3A_528 = arith.constant 6 : i32
      %add3A_529 = arith.addi %mul3A_369, %add3A_528 : i32
      %add3A_530 = arith.constant 4 : i32
      %add3A_531 = arith.addi %add3A_529, %add3A_530 : i32
      %lt3A_532 = arith.cmpi slt, %add3A_531, %sub3A_47 : i32
      %convert_element_type3A_533 = arith.extui %lt3A_532 : i1 to i32
      %cond3A_534 = arith.constant 0 : i32
      %cond3A_535 = arith.cmpi ne, %convert_element_type3A_533, %cond3A_534 : i32
      scf.if %cond3A_535 {
        %add3A_551 = arith.constant 6 : i32
        %add3A_552 = arith.addi %mul3A_369, %add3A_551 : i32
        %add3A_553 = arith.constant 4 : i32
        %add3A_554 = arith.addi %add3A_552, %add3A_553 : i32
        %dma_start3A_555 = arith.constant 0 : i32
        %dma_start3A_556 = tpu.memref_slice %arg6[%add3A_554, %dma_start3A_555] : memref<79x128xi32, #tpu.memory_space<vmem>> -> memref<1x128xi32, #tpu.memory_space<vmem>>
        %dma_start3A_557 = tpu.memref_squeeze %dma_start3A_556 : memref<1x128xi32, #tpu.memory_space<vmem>> -> memref<128xi32, #tpu.memory_space<vmem>>
        %dma_start3A_558 = arith.constant 0 : i32
        %dma_start3A_559 = arith.constant 0 : i32
        %dma_start3A_560 = tpu.memref_slice %arg2[%dma_start3A_558, %dma_start3A_559] : memref<10000x64xf32, #tpu.memory_space<hbm>> -> memref<10000x64xf32, #tpu.memory_space<hbm>>
        tpu.enqueue_indirect_dma source(%dma_start3A_560 : memref<10000x64xf32, #tpu.memory_space<hbm>>) target(%arg12 : memref<128x64xf32, #tpu.memory_space<vmem>>) offsets(%dma_start3A_557 : memref<128xi32, #tpu.memory_space<vmem>>) semaphore(%arg18 : memref<!tpu.dma_semaphore, #tpu.memory_space<semaphore_mem>>)
      } else {
      }
      %dma_wait3A_536 = arith.constant 0 : i32
      %dma_wait3A_537 = tpu.memref_slice %arg7[%add3A_459, %dma_wait3A_536] : memref<79x128xi32, #tpu.memory_space<vmem>> -> memref<1x128xi32, #tpu.memory_space<vmem>>
      %dma_wait3A_538 = tpu.memref_squeeze %dma_wait3A_537 : memref<1x128xi32, #tpu.memory_space<vmem>> -> memref<128xi32, #tpu.memory_space<vmem>>
      %dma_wait3A_539 = arith.constant 0 : i32
      %dma_wait3A_540 = arith.constant 0 : i32
      %dma_wait3A_541 = tpu.memref_slice %arg5[%dma_wait3A_539, %dma_wait3A_540] : memref<10240x64xf32, #tpu.memory_space<vmem_shared>> -> memref<10240x64xf32, #tpu.memory_space<vmem_shared>>
      tpu.wait_indirect_dma semaphore(%arg25 : memref<!tpu.dma_semaphore, #tpu.memory_space<semaphore_mem>>) src(%arg13 : memref<128x64xf32, #tpu.memory_space<vmem>>) dst(%dma_wait3A_541 : memref<10240x64xf32, #tpu.memory_space<vmem_shared>>)
      %add3A_542 = arith.constant 6 : i32
      %add3A_543 = arith.addi %mul3A_369, %add3A_542 : i32
      %add3A_544 = arith.constant 5 : i32
      %add3A_545 = arith.addi %add3A_543, %add3A_544 : i32
      %lt3A_546 = arith.cmpi slt, %add3A_545, %sub3A_47 : i32
      %convert_element_type3A_547 = arith.extui %lt3A_546 : i1 to i32
      %cond3A_548 = arith.constant 0 : i32
      %cond3A_549 = arith.cmpi ne, %convert_element_type3A_547, %cond3A_548 : i32
      scf.if %cond3A_549 {
        %add3A_551 = arith.constant 6 : i32
        %add3A_552 = arith.addi %mul3A_369, %add3A_551 : i32
        %add3A_553 = arith.constant 5 : i32
        %add3A_554 = arith.addi %add3A_552, %add3A_553 : i32
        %dma_start3A_555 = arith.constant 0 : i32
        %dma_start3A_556 = tpu.memref_slice %arg6[%add3A_554, %dma_start3A_555] : memref<79x128xi32, #tpu.memory_space<vmem>> -> memref<1x128xi32, #tpu.memory_space<vmem>>
        %dma_start3A_557 = tpu.memref_squeeze %dma_start3A_556 : memref<1x128xi32, #tpu.memory_space<vmem>> -> memref<128xi32, #tpu.memory_space<vmem>>
        %dma_start3A_558 = arith.constant 0 : i32
        %dma_start3A_559 = arith.constant 0 : i32
        %dma_start3A_560 = tpu.memref_slice %arg2[%dma_start3A_558, %dma_start3A_559] : memref<10000x64xf32, #tpu.memory_space<hbm>> -> memref<10000x64xf32, #tpu.memory_space<hbm>>
        tpu.enqueue_indirect_dma source(%dma_start3A_560 : memref<10000x64xf32, #tpu.memory_space<hbm>>) target(%arg13 : memref<128x64xf32, #tpu.memory_space<vmem>>) offsets(%dma_start3A_557 : memref<128xi32, #tpu.memory_space<vmem>>) semaphore(%arg19 : memref<!tpu.dma_semaphore, #tpu.memory_space<semaphore_mem>>)
      } else {
      }
      %while3A_550 = arith.constant 0 : i32
      scf.yield %while3A_550 : i32
    }
    %mul3A_221 = arith.constant 6 : i32
    %mul3A_222 = arith.muli %select_n3A_209, %mul3A_221 : i32
    %add3A_223 = arith.constant 0 : i32
    %add3A_224 = arith.addi %mul3A_222, %add3A_223 : i32
    %lt3A = arith.cmpi slt, %add3A_224, %sub3A_47 : i32
    %convert_element_type3A = arith.extui %lt3A : i1 to i32
    %cond3A = arith.constant 0 : i32
    %cond3A_225 = arith.cmpi ne, %convert_element_type3A, %cond3A : i32
    scf.if %cond3A_225 {
      %add3A_366 = arith.constant 0 : i32
      %add3A_367 = arith.addi %mul3A_222, %add3A_366 : i32
      %dma_wait3A_368 = arith.constant 0 : i32
      %dma_wait3A_369 = tpu.memref_slice %arg6[%add3A_367, %dma_wait3A_368] : memref<79x128xi32, #tpu.memory_space<vmem>> -> memref<1x128xi32, #tpu.memory_space<vmem>>
      %dma_wait3A_370 = tpu.memref_squeeze %dma_wait3A_369 : memref<1x128xi32, #tpu.memory_space<vmem>> -> memref<128xi32, #tpu.memory_space<vmem>>
      %dma_wait3A_371 = arith.constant 0 : i32
      %dma_wait3A_372 = arith.constant 0 : i32
      %dma_wait3A_373 = tpu.memref_slice %arg2[%dma_wait3A_371, %dma_wait3A_372] : memref<10000x64xf32, #tpu.memory_space<hbm>> -> memref<10000x64xf32, #tpu.memory_space<hbm>>
      tpu.wait_indirect_dma semaphore(%arg14 : memref<!tpu.dma_semaphore, #tpu.memory_space<semaphore_mem>>) src(%dma_wait3A_373 : memref<10000x64xf32, #tpu.memory_space<hbm>>) dst(%arg8 : memref<128x64xf32, #tpu.memory_space<vmem>>)
      %add3A_374 = arith.constant 0 : i32
      %add3A_375 = arith.addi %mul3A_222, %add3A_374 : i32
      "tpu.region"() ({
        %run_scoped3A = tpu.sem_alloc : memref<!tpu.dma_semaphore, #tpu.memory_space<semaphore_mem>>
        %dma_start3A_376 = arith.constant 0 : i32
        %dma_start3A_377 = tpu.memref_slice %arg7[%add3A_375, %dma_start3A_376] : memref<79x128xi32, #tpu.memory_space<vmem>> -> memref<1x128xi32, #tpu.memory_space<vmem>>
        %dma_start3A_378 = tpu.memref_squeeze %dma_start3A_377 : memref<1x128xi32, #tpu.memory_space<vmem>> -> memref<128xi32, #tpu.memory_space<vmem>>
        %dma_start3A_379 = arith.constant 0 : i32
        %dma_start3A_380 = arith.constant 0 : i32
        %dma_start3A_381 = tpu.memref_slice %arg5[%dma_start3A_379, %dma_start3A_380] : memref<10240x64xf32, #tpu.memory_space<vmem_shared>> -> memref<10240x64xf32, #tpu.memory_space<vmem_shared>>
        tpu.enqueue_indirect_dma source(%arg8 : memref<128x64xf32, #tpu.memory_space<vmem>>) target(%dma_start3A_381 : memref<10240x64xf32, #tpu.memory_space<vmem_shared>>) offsets(%dma_start3A_378 : memref<128xi32, #tpu.memory_space<vmem>>) semaphore(%run_scoped3A : memref<!tpu.dma_semaphore, #tpu.memory_space<semaphore_mem>>) {add = true}
        %dma_wait3A_382 = arith.constant 0 : i32
        %dma_wait3A_383 = tpu.memref_slice %arg7[%add3A_375, %dma_wait3A_382] : memref<79x128xi32, #tpu.memory_space<vmem>> -> memref<1x128xi32, #tpu.memory_space<vmem>>
        %dma_wait3A_384 = tpu.memref_squeeze %dma_wait3A_383 : memref<1x128xi32, #tpu.memory_space<vmem>> -> memref<128xi32, #tpu.memory_space<vmem>>
        %dma_wait3A_385 = arith.constant 0 : i32
        %dma_wait3A_386 = arith.constant 0 : i32
        %dma_wait3A_387 = tpu.memref_slice %arg5[%dma_wait3A_385, %dma_wait3A_386] : memref<10240x64xf32, #tpu.memory_space<vmem_shared>> -> memref<10240x64xf32, #tpu.memory_space<vmem_shared>>
        tpu.wait_indirect_dma semaphore(%run_scoped3A : memref<!tpu.dma_semaphore, #tpu.memory_space<semaphore_mem>>) src(%arg8 : memref<128x64xf32, #tpu.memory_space<vmem>>) dst(%dma_wait3A_387 : memref<10240x64xf32, #tpu.memory_space<vmem_shared>>)
        tpu.yield
      }) : () -> ()
    } else {
    }
    %add3A_226 = arith.constant 1 : i32
    %add3A_227 = arith.addi %mul3A_222, %add3A_226 : i32
    %lt3A_228 = arith.cmpi slt, %add3A_227, %sub3A_47 : i32
    %convert_element_type3A_229 = arith.extui %lt3A_228 : i1 to i32
    %cond3A_230 = arith.constant 0 : i32
    %cond3A_231 = arith.cmpi ne, %convert_element_type3A_229, %cond3A_230 : i32
    scf.if %cond3A_231 {
      %add3A_366 = arith.constant 1 : i32
      %add3A_367 = arith.addi %mul3A_222, %add3A_366 : i32
      %dma_wait3A_368 = arith.constant 0 : i32
      %dma_wait3A_369 = tpu.memref_slice %arg6[%add3A_367, %dma_wait3A_368] : memref<79x128xi32, #tpu.memory_space<vmem>> -> memref<1x128xi32, #tpu.memory_space<vmem>>
      %dma_wait3A_370 = tpu.memref_squeeze %dma_wait3A_369 : memref<1x128xi32, #tpu.memory_space<vmem>> -> memref<128xi32, #tpu.memory_space<vmem>>
      %dma_wait3A_371 = arith.constant 0 : i32
      %dma_wait3A_372 = arith.constant 0 : i32
      %dma_wait3A_373 = tpu.memref_slice %arg2[%dma_wait3A_371, %dma_wait3A_372] : memref<10000x64xf32, #tpu.memory_space<hbm>> -> memref<10000x64xf32, #tpu.memory_space<hbm>>
      tpu.wait_indirect_dma semaphore(%arg15 : memref<!tpu.dma_semaphore, #tpu.memory_space<semaphore_mem>>) src(%dma_wait3A_373 : memref<10000x64xf32, #tpu.memory_space<hbm>>) dst(%arg9 : memref<128x64xf32, #tpu.memory_space<vmem>>)
      %add3A_374 = arith.constant 1 : i32
      %add3A_375 = arith.addi %mul3A_222, %add3A_374 : i32
      "tpu.region"() ({
        %run_scoped3A = tpu.sem_alloc : memref<!tpu.dma_semaphore, #tpu.memory_space<semaphore_mem>>
        %dma_start3A_376 = arith.constant 0 : i32
        %dma_start3A_377 = tpu.memref_slice %arg7[%add3A_375, %dma_start3A_376] : memref<79x128xi32, #tpu.memory_space<vmem>> -> memref<1x128xi32, #tpu.memory_space<vmem>>
        %dma_start3A_378 = tpu.memref_squeeze %dma_start3A_377 : memref<1x128xi32, #tpu.memory_space<vmem>> -> memref<128xi32, #tpu.memory_space<vmem>>
        %dma_start3A_379 = arith.constant 0 : i32
        %dma_start3A_380 = arith.constant 0 : i32
        %dma_start3A_381 = tpu.memref_slice %arg5[%dma_start3A_379, %dma_start3A_380] : memref<10240x64xf32, #tpu.memory_space<vmem_shared>> -> memref<10240x64xf32, #tpu.memory_space<vmem_shared>>
        tpu.enqueue_indirect_dma source(%arg9 : memref<128x64xf32, #tpu.memory_space<vmem>>) target(%dma_start3A_381 : memref<10240x64xf32, #tpu.memory_space<vmem_shared>>) offsets(%dma_start3A_378 : memref<128xi32, #tpu.memory_space<vmem>>) semaphore(%run_scoped3A : memref<!tpu.dma_semaphore, #tpu.memory_space<semaphore_mem>>) {add = true}
        %dma_wait3A_382 = arith.constant 0 : i32
        %dma_wait3A_383 = tpu.memref_slice %arg7[%add3A_375, %dma_wait3A_382] : memref<79x128xi32, #tpu.memory_space<vmem>> -> memref<1x128xi32, #tpu.memory_space<vmem>>
        %dma_wait3A_384 = tpu.memref_squeeze %dma_wait3A_383 : memref<1x128xi32, #tpu.memory_space<vmem>> -> memref<128xi32, #tpu.memory_space<vmem>>
        %dma_wait3A_385 = arith.constant 0 : i32
        %dma_wait3A_386 = arith.constant 0 : i32
        %dma_wait3A_387 = tpu.memref_slice %arg5[%dma_wait3A_385, %dma_wait3A_386] : memref<10240x64xf32, #tpu.memory_space<vmem_shared>> -> memref<10240x64xf32, #tpu.memory_space<vmem_shared>>
        tpu.wait_indirect_dma semaphore(%run_scoped3A : memref<!tpu.dma_semaphore, #tpu.memory_space<semaphore_mem>>) src(%arg9 : memref<128x64xf32, #tpu.memory_space<vmem>>) dst(%dma_wait3A_387 : memref<10240x64xf32, #tpu.memory_space<vmem_shared>>)
        tpu.yield
      }) : () -> ()
    } else {
    }
    %add3A_232 = arith.constant 2 : i32
    %add3A_233 = arith.addi %mul3A_222, %add3A_232 : i32
    %lt3A_234 = arith.cmpi slt, %add3A_233, %sub3A_47 : i32
    %convert_element_type3A_235 = arith.extui %lt3A_234 : i1 to i32
    %cond3A_236 = arith.constant 0 : i32
    %cond3A_237 = arith.cmpi ne, %convert_element_type3A_235, %cond3A_236 : i32
    scf.if %cond3A_237 {
      %add3A_366 = arith.constant 2 : i32
      %add3A_367 = arith.addi %mul3A_222, %add3A_366 : i32
      %dma_wait3A_368 = arith.constant 0 : i32
      %dma_wait3A_369 = tpu.memref_slice %arg6[%add3A_367, %dma_wait3A_368] : memref<79x128xi32, #tpu.memory_space<vmem>> -> memref<1x128xi32, #tpu.memory_space<vmem>>
      %dma_wait3A_370 = tpu.memref_squeeze %dma_wait3A_369 : memref<1x128xi32, #tpu.memory_space<vmem>> -> memref<128xi32, #tpu.memory_space<vmem>>
      %dma_wait3A_371 = arith.constant 0 : i32
      %dma_wait3A_372 = arith.constant 0 : i32
      %dma_wait3A_373 = tpu.memref_slice %arg2[%dma_wait3A_371, %dma_wait3A_372] : memref<10000x64xf32, #tpu.memory_space<hbm>> -> memref<10000x64xf32, #tpu.memory_space<hbm>>
      tpu.wait_indirect_dma semaphore(%arg16 : memref<!tpu.dma_semaphore, #tpu.memory_space<semaphore_mem>>) src(%dma_wait3A_373 : memref<10000x64xf32, #tpu.memory_space<hbm>>) dst(%arg10 : memref<128x64xf32, #tpu.memory_space<vmem>>)
      %add3A_374 = arith.constant 2 : i32
      %add3A_375 = arith.addi %mul3A_222, %add3A_374 : i32
      "tpu.region"() ({
        %run_scoped3A = tpu.sem_alloc : memref<!tpu.dma_semaphore, #tpu.memory_space<semaphore_mem>>
        %dma_start3A_376 = arith.constant 0 : i32
        %dma_start3A_377 = tpu.memref_slice %arg7[%add3A_375, %dma_start3A_376] : memref<79x128xi32, #tpu.memory_space<vmem>> -> memref<1x128xi32, #tpu.memory_space<vmem>>
        %dma_start3A_378 = tpu.memref_squeeze %dma_start3A_377 : memref<1x128xi32, #tpu.memory_space<vmem>> -> memref<128xi32, #tpu.memory_space<vmem>>
        %dma_start3A_379 = arith.constant 0 : i32
        %dma_start3A_380 = arith.constant 0 : i32
        %dma_start3A_381 = tpu.memref_slice %arg5[%dma_start3A_379, %dma_start3A_380] : memref<10240x64xf32, #tpu.memory_space<vmem_shared>> -> memref<10240x64xf32, #tpu.memory_space<vmem_shared>>
        tpu.enqueue_indirect_dma source(%arg10 : memref<128x64xf32, #tpu.memory_space<vmem>>) target(%dma_start3A_381 : memref<10240x64xf32, #tpu.memory_space<vmem_shared>>) offsets(%dma_start3A_378 : memref<128xi32, #tpu.memory_space<vmem>>) semaphore(%run_scoped3A : memref<!tpu.dma_semaphore, #tpu.memory_space<semaphore_mem>>) {add = true}
        %dma_wait3A_382 = arith.constant 0 : i32
        %dma_wait3A_383 = tpu.memref_slice %arg7[%add3A_375, %dma_wait3A_382] : memref<79x128xi32, #tpu.memory_space<vmem>> -> memref<1x128xi32, #tpu.memory_space<vmem>>
        %dma_wait3A_384 = tpu.memref_squeeze %dma_wait3A_383 : memref<1x128xi32, #tpu.memory_space<vmem>> -> memref<128xi32, #tpu.memory_space<vmem>>
        %dma_wait3A_385 = arith.constant 0 : i32
        %dma_wait3A_386 = arith.constant 0 : i32
        %dma_wait3A_387 = tpu.memref_slice %arg5[%dma_wait3A_385, %dma_wait3A_386] : memref<10240x64xf32, #tpu.memory_space<vmem_shared>> -> memref<10240x64xf32, #tpu.memory_space<vmem_shared>>
        tpu.wait_indirect_dma semaphore(%run_scoped3A : memref<!tpu.dma_semaphore, #tpu.memory_space<semaphore_mem>>) src(%arg10 : memref<128x64xf32, #tpu.memory_space<vmem>>) dst(%dma_wait3A_387 : memref<10240x64xf32, #tpu.memory_space<vmem_shared>>)
        tpu.yield
      }) : () -> ()
    } else {
    }
    %add3A_238 = arith.constant 3 : i32
    %add3A_239 = arith.addi %mul3A_222, %add3A_238 : i32
    %lt3A_240 = arith.cmpi slt, %add3A_239, %sub3A_47 : i32
    %convert_element_type3A_241 = arith.extui %lt3A_240 : i1 to i32
    %cond3A_242 = arith.constant 0 : i32
    %cond3A_243 = arith.cmpi ne, %convert_element_type3A_241, %cond3A_242 : i32
    scf.if %cond3A_243 {
      %add3A_366 = arith.constant 3 : i32
      %add3A_367 = arith.addi %mul3A_222, %add3A_366 : i32
      %dma_wait3A_368 = arith.constant 0 : i32
      %dma_wait3A_369 = tpu.memref_slice %arg6[%add3A_367, %dma_wait3A_368] : memref<79x128xi32, #tpu.memory_space<vmem>> -> memref<1x128xi32, #tpu.memory_space<vmem>>
      %dma_wait3A_370 = tpu.memref_squeeze %dma_wait3A_369 : memref<1x128xi32, #tpu.memory_space<vmem>> -> memref<128xi32, #tpu.memory_space<vmem>>
      %dma_wait3A_371 = arith.constant 0 : i32
      %dma_wait3A_372 = arith.constant 0 : i32
      %dma_wait3A_373 = tpu.memref_slice %arg2[%dma_wait3A_371, %dma_wait3A_372] : memref<10000x64xf32, #tpu.memory_space<hbm>> -> memref<10000x64xf32, #tpu.memory_space<hbm>>
      tpu.wait_indirect_dma semaphore(%arg17 : memref<!tpu.dma_semaphore, #tpu.memory_space<semaphore_mem>>) src(%dma_wait3A_373 : memref<10000x64xf32, #tpu.memory_space<hbm>>) dst(%arg11 : memref<128x64xf32, #tpu.memory_space<vmem>>)
      %add3A_374 = arith.constant 3 : i32
      %add3A_375 = arith.addi %mul3A_222, %add3A_374 : i32
      "tpu.region"() ({
        %run_scoped3A = tpu.sem_alloc : memref<!tpu.dma_semaphore, #tpu.memory_space<semaphore_mem>>
        %dma_start3A_376 = arith.constant 0 : i32
        %dma_start3A_377 = tpu.memref_slice %arg7[%add3A_375, %dma_start3A_376] : memref<79x128xi32, #tpu.memory_space<vmem>> -> memref<1x128xi32, #tpu.memory_space<vmem>>
        %dma_start3A_378 = tpu.memref_squeeze %dma_start3A_377 : memref<1x128xi32, #tpu.memory_space<vmem>> -> memref<128xi32, #tpu.memory_space<vmem>>
        %dma_start3A_379 = arith.constant 0 : i32
        %dma_start3A_380 = arith.constant 0 : i32
        %dma_start3A_381 = tpu.memref_slice %arg5[%dma_start3A_379, %dma_start3A_380] : memref<10240x64xf32, #tpu.memory_space<vmem_shared>> -> memref<10240x64xf32, #tpu.memory_space<vmem_shared>>
        tpu.enqueue_indirect_dma source(%arg11 : memref<128x64xf32, #tpu.memory_space<vmem>>) target(%dma_start3A_381 : memref<10240x64xf32, #tpu.memory_space<vmem_shared>>) offsets(%dma_start3A_378 : memref<128xi32, #tpu.memory_space<vmem>>) semaphore(%run_scoped3A : memref<!tpu.dma_semaphore, #tpu.memory_space<semaphore_mem>>) {add = true}
        %dma_wait3A_382 = arith.constant 0 : i32
        %dma_wait3A_383 = tpu.memref_slice %arg7[%add3A_375, %dma_wait3A_382] : memref<79x128xi32, #tpu.memory_space<vmem>> -> memref<1x128xi32, #tpu.memory_space<vmem>>
        %dma_wait3A_384 = tpu.memref_squeeze %dma_wait3A_383 : memref<1x128xi32, #tpu.memory_space<vmem>> -> memref<128xi32, #tpu.memory_space<vmem>>
        %dma_wait3A_385 = arith.constant 0 : i32
        %dma_wait3A_386 = arith.constant 0 : i32
        %dma_wait3A_387 = tpu.memref_slice %arg5[%dma_wait3A_385, %dma_wait3A_386] : memref<10240x64xf32, #tpu.memory_space<vmem_shared>> -> memref<10240x64xf32, #tpu.memory_space<vmem_shared>>
        tpu.wait_indirect_dma semaphore(%run_scoped3A : memref<!tpu.dma_semaphore, #tpu.memory_space<semaphore_mem>>) src(%arg11 : memref<128x64xf32, #tpu.memory_space<vmem>>) dst(%dma_wait3A_387 : memref<10240x64xf32, #tpu.memory_space<vmem_shared>>)
        tpu.yield
      }) : () -> ()
    } else {
    }
    %add3A_244 = arith.constant 4 : i32
    %add3A_245 = arith.addi %mul3A_222, %add3A_244 : i32
    %lt3A_246 = arith.cmpi slt, %add3A_245, %sub3A_47 : i32
    %convert_element_type3A_247 = arith.extui %lt3A_246 : i1 to i32
    %cond3A_248 = arith.constant 0 : i32
    %cond3A_249 = arith.cmpi ne, %convert_element_type3A_247, %cond3A_248 : i32
    scf.if %cond3A_249 {
      %add3A_366 = arith.constant 4 : i32
      %add3A_367 = arith.addi %mul3A_222, %add3A_366 : i32
      %dma_wait3A_368 = arith.constant 0 : i32
      %dma_wait3A_369 = tpu.memref_slice %arg6[%add3A_367, %dma_wait3A_368] : memref<79x128xi32, #tpu.memory_space<vmem>> -> memref<1x128xi32, #tpu.memory_space<vmem>>
      %dma_wait3A_370 = tpu.memref_squeeze %dma_wait3A_369 : memref<1x128xi32, #tpu.memory_space<vmem>> -> memref<128xi32, #tpu.memory_space<vmem>>
      %dma_wait3A_371 = arith.constant 0 : i32
      %dma_wait3A_372 = arith.constant 0 : i32
      %dma_wait3A_373 = tpu.memref_slice %arg2[%dma_wait3A_371, %dma_wait3A_372] : memref<10000x64xf32, #tpu.memory_space<hbm>> -> memref<10000x64xf32, #tpu.memory_space<hbm>>
      tpu.wait_indirect_dma semaphore(%arg18 : memref<!tpu.dma_semaphore, #tpu.memory_space<semaphore_mem>>) src(%dma_wait3A_373 : memref<10000x64xf32, #tpu.memory_space<hbm>>) dst(%arg12 : memref<128x64xf32, #tpu.memory_space<vmem>>)
      %add3A_374 = arith.constant 4 : i32
      %add3A_375 = arith.addi %mul3A_222, %add3A_374 : i32
      "tpu.region"() ({
        %run_scoped3A = tpu.sem_alloc : memref<!tpu.dma_semaphore, #tpu.memory_space<semaphore_mem>>
        %dma_start3A_376 = arith.constant 0 : i32
        %dma_start3A_377 = tpu.memref_slice %arg7[%add3A_375, %dma_start3A_376] : memref<79x128xi32, #tpu.memory_space<vmem>> -> memref<1x128xi32, #tpu.memory_space<vmem>>
        %dma_start3A_378 = tpu.memref_squeeze %dma_start3A_377 : memref<1x128xi32, #tpu.memory_space<vmem>> -> memref<128xi32, #tpu.memory_space<vmem>>
        %dma_start3A_379 = arith.constant 0 : i32
        %dma_start3A_380 = arith.constant 0 : i32
        %dma_start3A_381 = tpu.memref_slice %arg5[%dma_start3A_379, %dma_start3A_380] : memref<10240x64xf32, #tpu.memory_space<vmem_shared>> -> memref<10240x64xf32, #tpu.memory_space<vmem_shared>>
        tpu.enqueue_indirect_dma source(%arg12 : memref<128x64xf32, #tpu.memory_space<vmem>>) target(%dma_start3A_381 : memref<10240x64xf32, #tpu.memory_space<vmem_shared>>) offsets(%dma_start3A_378 : memref<128xi32, #tpu.memory_space<vmem>>) semaphore(%run_scoped3A : memref<!tpu.dma_semaphore, #tpu.memory_space<semaphore_mem>>) {add = true}
        %dma_wait3A_382 = arith.constant 0 : i32
        %dma_wait3A_383 = tpu.memref_slice %arg7[%add3A_375, %dma_wait3A_382] : memref<79x128xi32, #tpu.memory_space<vmem>> -> memref<1x128xi32, #tpu.memory_space<vmem>>
        %dma_wait3A_384 = tpu.memref_squeeze %dma_wait3A_383 : memref<1x128xi32, #tpu.memory_space<vmem>> -> memref<128xi32, #tpu.memory_space<vmem>>
        %dma_wait3A_385 = arith.constant 0 : i32
        %dma_wait3A_386 = arith.constant 0 : i32
        %dma_wait3A_387 = tpu.memref_slice %arg5[%dma_wait3A_385, %dma_wait3A_386] : memref<10240x64xf32, #tpu.memory_space<vmem_shared>> -> memref<10240x64xf32, #tpu.memory_space<vmem_shared>>
        tpu.wait_indirect_dma semaphore(%run_scoped3A : memref<!tpu.dma_semaphore, #tpu.memory_space<semaphore_mem>>) src(%arg12 : memref<128x64xf32, #tpu.memory_space<vmem>>) dst(%dma_wait3A_387 : memref<10240x64xf32, #tpu.memory_space<vmem_shared>>)
        tpu.yield
      }) : () -> ()
    } else {
    }
    %add3A_250 = arith.constant 5 : i32
    %add3A_251 = arith.addi %mul3A_222, %add3A_250 : i32
    %lt3A_252 = arith.cmpi slt, %add3A_251, %sub3A_47 : i32
    %convert_element_type3A_253 = arith.extui %lt3A_252 : i1 to i32
    %cond3A_254 = arith.constant 0 : i32
    %cond3A_255 = arith.cmpi ne, %convert_element_type3A_253, %cond3A_254 : i32
    scf.if %cond3A_255 {
      %add3A_366 = arith.constant 5 : i32
      %add3A_367 = arith.addi %mul3A_222, %add3A_366 : i32
      %dma_wait3A_368 = arith.constant 0 : i32
      %dma_wait3A_369 = tpu.memref_slice %arg6[%add3A_367, %dma_wait3A_368] : memref<79x128xi32, #tpu.memory_space<vmem>> -> memref<1x128xi32, #tpu.memory_space<vmem>>
      %dma_wait3A_370 = tpu.memref_squeeze %dma_wait3A_369 : memref<1x128xi32, #tpu.memory_space<vmem>> -> memref<128xi32, #tpu.memory_space<vmem>>
      %dma_wait3A_371 = arith.constant 0 : i32
      %dma_wait3A_372 = arith.constant 0 : i32
      %dma_wait3A_373 = tpu.memref_slice %arg2[%dma_wait3A_371, %dma_wait3A_372] : memref<10000x64xf32, #tpu.memory_space<hbm>> -> memref<10000x64xf32, #tpu.memory_space<hbm>>
      tpu.wait_indirect_dma semaphore(%arg19 : memref<!tpu.dma_semaphore, #tpu.memory_space<semaphore_mem>>) src(%dma_wait3A_373 : memref<10000x64xf32, #tpu.memory_space<hbm>>) dst(%arg13 : memref<128x64xf32, #tpu.memory_space<vmem>>)
      %add3A_374 = arith.constant 5 : i32
      %add3A_375 = arith.addi %mul3A_222, %add3A_374 : i32
      "tpu.region"() ({
        %run_scoped3A = tpu.sem_alloc : memref<!tpu.dma_semaphore, #tpu.memory_space<semaphore_mem>>
        %dma_start3A_376 = arith.constant 0 : i32
        %dma_start3A_377 = tpu.memref_slice %arg7[%add3A_375, %dma_start3A_376] : memref<79x128xi32, #tpu.memory_space<vmem>> -> memref<1x128xi32, #tpu.memory_space<vmem>>
        %dma_start3A_378 = tpu.memref_squeeze %dma_start3A_377 : memref<1x128xi32, #tpu.memory_space<vmem>> -> memref<128xi32, #tpu.memory_space<vmem>>
        %dma_start3A_379 = arith.constant 0 : i32
        %dma_start3A_380 = arith.constant 0 : i32
        %dma_start3A_381 = tpu.memref_slice %arg5[%dma_start3A_379, %dma_start3A_380] : memref<10240x64xf32, #tpu.memory_space<vmem_shared>> -> memref<10240x64xf32, #tpu.memory_space<vmem_shared>>
        tpu.enqueue_indirect_dma source(%arg13 : memref<128x64xf32, #tpu.memory_space<vmem>>) target(%dma_start3A_381 : memref<10240x64xf32, #tpu.memory_space<vmem_shared>>) offsets(%dma_start3A_378 : memref<128xi32, #tpu.memory_space<vmem>>) semaphore(%run_scoped3A : memref<!tpu.dma_semaphore, #tpu.memory_space<semaphore_mem>>) {add = true}
        %dma_wait3A_382 = arith.constant 0 : i32
        %dma_wait3A_383 = tpu.memref_slice %arg7[%add3A_375, %dma_wait3A_382] : memref<79x128xi32, #tpu.memory_space<vmem>> -> memref<1x128xi32, #tpu.memory_space<vmem>>
        %dma_wait3A_384 = tpu.memref_squeeze %dma_wait3A_383 : memref<1x128xi32, #tpu.memory_space<vmem>> -> memref<128xi32, #tpu.memory_space<vmem>>
        %dma_wait3A_385 = arith.constant 0 : i32
        %dma_wait3A_386 = arith.constant 0 : i32
        %dma_wait3A_387 = tpu.memref_slice %arg5[%dma_wait3A_385, %dma_wait3A_386] : memref<10240x64xf32, #tpu.memory_space<vmem_shared>> -> memref<10240x64xf32, #tpu.memory_space<vmem_shared>>
        tpu.wait_indirect_dma semaphore(%run_scoped3A : memref<!tpu.dma_semaphore, #tpu.memory_space<semaphore_mem>>) src(%arg13 : memref<128x64xf32, #tpu.memory_space<vmem>>) dst(%dma_wait3A_387 : memref<10240x64xf32, #tpu.memory_space<vmem_shared>>)
        tpu.yield
      }) : () -> ()
    } else {
    }
    %barrier3A_256 = arith.constant 0 : index
    tpu.barrier barrier_id(%barrier3A_256)
    %mul3A_257 = arith.constant 640 : i32
    %mul3A_258 = arith.muli %arg1, %mul3A_257 : i32
    %add3A_259 = arith.constant 0 : i32
    %add3A_260 = arith.addi %mul3A_258, %add3A_259 : i32
    %multiple_of3A_261 = tpu.assume_multiple %add3A_260, 128 : i32
    %dma_start3A_262 = arith.constant 0 : i32
    %dma_start3A_263 = tpu.memref_slice %arg5[%multiple_of3A_261, %dma_start3A_262] : memref<10240x64xf32, #tpu.memory_space<vmem_shared>> -> memref<128x64xf32, #tpu.memory_space<vmem_shared>>
    %dma_start3A_264 = arith.constant 0 : i32
    %dma_start3A_265 = tpu.memref_slice %arg5[%multiple_of3A_261, %dma_start3A_264] : memref<10240x64xf32, #tpu.memory_space<vmem_shared>> -> memref<128x64xf32, #tpu.memory_space<vmem_shared>>
    tpu.enqueue_dma source(%dma_start3A_265 : memref<128x64xf32, #tpu.memory_space<vmem_shared>>) target(%arg8 : memref<128x64xf32, #tpu.memory_space<vmem>>) target_semaphore(%arg14 : memref<!tpu.dma_semaphore, #tpu.memory_space<semaphore_mem>>)
    %dma_wait3A_266 = arith.constant 0 : i32
    %dma_wait3A_267 = tpu.memref_slice %arg5[%multiple_of3A_261, %dma_wait3A_266] : memref<10240x64xf32, #tpu.memory_space<vmem_shared>> -> memref<128x64xf32, #tpu.memory_space<vmem_shared>>
    %dma_wait3A_268 = arith.constant 0 : i32
    %dma_wait3A_269 = tpu.memref_slice %arg5[%multiple_of3A_261, %dma_wait3A_268] : memref<10240x64xf32, #tpu.memory_space<vmem_shared>> -> memref<128x64xf32, #tpu.memory_space<vmem_shared>>
    tpu.wait_dma2 semaphore(%arg14 : memref<!tpu.dma_semaphore, #tpu.memory_space<semaphore_mem>>) src(%dma_wait3A_269 : memref<128x64xf32, #tpu.memory_space<vmem_shared>>) dst(%arg8 : memref<128x64xf32, #tpu.memory_space<vmem>>)
    %gt3A = arith.constant 0 : i32
    %gt3A_270 = arith.cmpi sgt, %arg0, %gt3A : i32
    %select_n3A_271 = arith.constant 0 : i32
    %select_n3A_272 = arith.constant 64 : i32
    %select_n3A_273 = arith.select %gt3A_270, %select_n3A_272, %select_n3A_271 : i32
    %dma_start3A_274 = tpu.memref_slice %arg4[%multiple_of3A_261, %select_n3A_273] : memref<10240x128xf32, #tpu.memory_space<hbm>> -> memref<128x64xf32, #tpu.memory_space<hbm>>
    %dma_start3A_275 = tpu.memref_slice %arg4[%multiple_of3A_261, %select_n3A_273] : memref<10240x128xf32, #tpu.memory_space<hbm>> -> memref<128x64xf32, #tpu.memory_space<hbm>>
    tpu.enqueue_dma source(%arg8 : memref<128x64xf32, #tpu.memory_space<vmem>>) target(%dma_start3A_275 : memref<128x64xf32, #tpu.memory_space<hbm>>) target_semaphore(%arg20 : memref<!tpu.dma_semaphore, #tpu.memory_space<semaphore_mem>>)
    %mul3A_276 = arith.constant 640 : i32
    %mul3A_277 = arith.muli %arg1, %mul3A_276 : i32
    %add3A_278 = arith.constant 128 : i32
    %add3A_279 = arith.addi %mul3A_277, %add3A_278 : i32
    %multiple_of3A_280 = tpu.assume_multiple %add3A_279, 128 : i32
    %dma_start3A_281 = arith.constant 0 : i32
    %dma_start3A_282 = tpu.memref_slice %arg5[%multiple_of3A_280, %dma_start3A_281] : memref<10240x64xf32, #tpu.memory_space<vmem_shared>> -> memref<128x64xf32, #tpu.memory_space<vmem_shared>>
    %dma_start3A_283 = arith.constant 0 : i32
    %dma_start3A_284 = tpu.memref_slice %arg5[%multiple_of3A_280, %dma_start3A_283] : memref<10240x64xf32, #tpu.memory_space<vmem_shared>> -> memref<128x64xf32, #tpu.memory_space<vmem_shared>>
    tpu.enqueue_dma source(%dma_start3A_284 : memref<128x64xf32, #tpu.memory_space<vmem_shared>>) target(%arg9 : memref<128x64xf32, #tpu.memory_space<vmem>>) target_semaphore(%arg15 : memref<!tpu.dma_semaphore, #tpu.memory_space<semaphore_mem>>)
    %dma_wait3A_285 = arith.constant 0 : i32
    %dma_wait3A_286 = tpu.memref_slice %arg5[%multiple_of3A_280, %dma_wait3A_285] : memref<10240x64xf32, #tpu.memory_space<vmem_shared>> -> memref<128x64xf32, #tpu.memory_space<vmem_shared>>
    %dma_wait3A_287 = arith.constant 0 : i32
    %dma_wait3A_288 = tpu.memref_slice %arg5[%multiple_of3A_280, %dma_wait3A_287] : memref<10240x64xf32, #tpu.memory_space<vmem_shared>> -> memref<128x64xf32, #tpu.memory_space<vmem_shared>>
    tpu.wait_dma2 semaphore(%arg15 : memref<!tpu.dma_semaphore, #tpu.memory_space<semaphore_mem>>) src(%dma_wait3A_288 : memref<128x64xf32, #tpu.memory_space<vmem_shared>>) dst(%arg9 : memref<128x64xf32, #tpu.memory_space<vmem>>)
    %gt3A_289 = arith.constant 0 : i32
    %gt3A_290 = arith.cmpi sgt, %arg0, %gt3A_289 : i32
    %select_n3A_291 = arith.constant 0 : i32
    %select_n3A_292 = arith.constant 64 : i32
    %select_n3A_293 = arith.select %gt3A_290, %select_n3A_292, %select_n3A_291 : i32
    %dma_start3A_294 = tpu.memref_slice %arg4[%multiple_of3A_280, %select_n3A_293] : memref<10240x128xf32, #tpu.memory_space<hbm>> -> memref<128x64xf32, #tpu.memory_space<hbm>>
    %dma_start3A_295 = tpu.memref_slice %arg4[%multiple_of3A_280, %select_n3A_293] : memref<10240x128xf32, #tpu.memory_space<hbm>> -> memref<128x64xf32, #tpu.memory_space<hbm>>
    tpu.enqueue_dma source(%arg9 : memref<128x64xf32, #tpu.memory_space<vmem>>) target(%dma_start3A_295 : memref<128x64xf32, #tpu.memory_space<hbm>>) target_semaphore(%arg21 : memref<!tpu.dma_semaphore, #tpu.memory_space<semaphore_mem>>)
    %mul3A_296 = arith.constant 640 : i32
    %mul3A_297 = arith.muli %arg1, %mul3A_296 : i32
    %add3A_298 = arith.constant 256 : i32
    %add3A_299 = arith.addi %mul3A_297, %add3A_298 : i32
    %multiple_of3A_300 = tpu.assume_multiple %add3A_299, 128 : i32
    %dma_start3A_301 = arith.constant 0 : i32
    %dma_start3A_302 = tpu.memref_slice %arg5[%multiple_of3A_300, %dma_start3A_301] : memref<10240x64xf32, #tpu.memory_space<vmem_shared>> -> memref<128x64xf32, #tpu.memory_space<vmem_shared>>
    %dma_start3A_303 = arith.constant 0 : i32
    %dma_start3A_304 = tpu.memref_slice %arg5[%multiple_of3A_300, %dma_start3A_303] : memref<10240x64xf32, #tpu.memory_space<vmem_shared>> -> memref<128x64xf32, #tpu.memory_space<vmem_shared>>
    tpu.enqueue_dma source(%dma_start3A_304 : memref<128x64xf32, #tpu.memory_space<vmem_shared>>) target(%arg10 : memref<128x64xf32, #tpu.memory_space<vmem>>) target_semaphore(%arg16 : memref<!tpu.dma_semaphore, #tpu.memory_space<semaphore_mem>>)
    %dma_wait3A_305 = arith.constant 0 : i32
    %dma_wait3A_306 = tpu.memref_slice %arg5[%multiple_of3A_300, %dma_wait3A_305] : memref<10240x64xf32, #tpu.memory_space<vmem_shared>> -> memref<128x64xf32, #tpu.memory_space<vmem_shared>>
    %dma_wait3A_307 = arith.constant 0 : i32
    %dma_wait3A_308 = tpu.memref_slice %arg5[%multiple_of3A_300, %dma_wait3A_307] : memref<10240x64xf32, #tpu.memory_space<vmem_shared>> -> memref<128x64xf32, #tpu.memory_space<vmem_shared>>
    tpu.wait_dma2 semaphore(%arg16 : memref<!tpu.dma_semaphore, #tpu.memory_space<semaphore_mem>>) src(%dma_wait3A_308 : memref<128x64xf32, #tpu.memory_space<vmem_shared>>) dst(%arg10 : memref<128x64xf32, #tpu.memory_space<vmem>>)
    %gt3A_309 = arith.constant 0 : i32
    %gt3A_310 = arith.cmpi sgt, %arg0, %gt3A_309 : i32
    %select_n3A_311 = arith.constant 0 : i32
    %select_n3A_312 = arith.constant 64 : i32
    %select_n3A_313 = arith.select %gt3A_310, %select_n3A_312, %select_n3A_311 : i32
    %dma_start3A_314 = tpu.memref_slice %arg4[%multiple_of3A_300, %select_n3A_313] : memref<10240x128xf32, #tpu.memory_space<hbm>> -> memref<128x64xf32, #tpu.memory_space<hbm>>
    %dma_start3A_315 = tpu.memref_slice %arg4[%multiple_of3A_300, %select_n3A_313] : memref<10240x128xf32, #tpu.memory_space<hbm>> -> memref<128x64xf32, #tpu.memory_space<hbm>>
    tpu.enqueue_dma source(%arg10 : memref<128x64xf32, #tpu.memory_space<vmem>>) target(%dma_start3A_315 : memref<128x64xf32, #tpu.memory_space<hbm>>) target_semaphore(%arg22 : memref<!tpu.dma_semaphore, #tpu.memory_space<semaphore_mem>>)
    %mul3A_316 = arith.constant 640 : i32
    %mul3A_317 = arith.muli %arg1, %mul3A_316 : i32
    %add3A_318 = arith.constant 384 : i32
    %add3A_319 = arith.addi %mul3A_317, %add3A_318 : i32
    %multiple_of3A_320 = tpu.assume_multiple %add3A_319, 128 : i32
    %dma_start3A_321 = arith.constant 0 : i32
    %dma_start3A_322 = tpu.memref_slice %arg5[%multiple_of3A_320, %dma_start3A_321] : memref<10240x64xf32, #tpu.memory_space<vmem_shared>> -> memref<128x64xf32, #tpu.memory_space<vmem_shared>>
    %dma_start3A_323 = arith.constant 0 : i32
    %dma_start3A_324 = tpu.memref_slice %arg5[%multiple_of3A_320, %dma_start3A_323] : memref<10240x64xf32, #tpu.memory_space<vmem_shared>> -> memref<128x64xf32, #tpu.memory_space<vmem_shared>>
    tpu.enqueue_dma source(%dma_start3A_324 : memref<128x64xf32, #tpu.memory_space<vmem_shared>>) target(%arg11 : memref<128x64xf32, #tpu.memory_space<vmem>>) target_semaphore(%arg17 : memref<!tpu.dma_semaphore, #tpu.memory_space<semaphore_mem>>)
    %dma_wait3A_325 = arith.constant 0 : i32
    %dma_wait3A_326 = tpu.memref_slice %arg5[%multiple_of3A_320, %dma_wait3A_325] : memref<10240x64xf32, #tpu.memory_space<vmem_shared>> -> memref<128x64xf32, #tpu.memory_space<vmem_shared>>
    %dma_wait3A_327 = arith.constant 0 : i32
    %dma_wait3A_328 = tpu.memref_slice %arg5[%multiple_of3A_320, %dma_wait3A_327] : memref<10240x64xf32, #tpu.memory_space<vmem_shared>> -> memref<128x64xf32, #tpu.memory_space<vmem_shared>>
    tpu.wait_dma2 semaphore(%arg17 : memref<!tpu.dma_semaphore, #tpu.memory_space<semaphore_mem>>) src(%dma_wait3A_328 : memref<128x64xf32, #tpu.memory_space<vmem_shared>>) dst(%arg11 : memref<128x64xf32, #tpu.memory_space<vmem>>)
    %gt3A_329 = arith.constant 0 : i32
    %gt3A_330 = arith.cmpi sgt, %arg0, %gt3A_329 : i32
    %select_n3A_331 = arith.constant 0 : i32
    %select_n3A_332 = arith.constant 64 : i32
    %select_n3A_333 = arith.select %gt3A_330, %select_n3A_332, %select_n3A_331 : i32
    %dma_start3A_334 = tpu.memref_slice %arg4[%multiple_of3A_320, %select_n3A_333] : memref<10240x128xf32, #tpu.memory_space<hbm>> -> memref<128x64xf32, #tpu.memory_space<hbm>>
    %dma_start3A_335 = tpu.memref_slice %arg4[%multiple_of3A_320, %select_n3A_333] : memref<10240x128xf32, #tpu.memory_space<hbm>> -> memref<128x64xf32, #tpu.memory_space<hbm>>
    tpu.enqueue_dma source(%arg11 : memref<128x64xf32, #tpu.memory_space<vmem>>) target(%dma_start3A_335 : memref<128x64xf32, #tpu.memory_space<hbm>>) target_semaphore(%arg23 : memref<!tpu.dma_semaphore, #tpu.memory_space<semaphore_mem>>)
    %mul3A_336 = arith.constant 640 : i32
    %mul3A_337 = arith.muli %arg1, %mul3A_336 : i32
    %add3A_338 = arith.constant 512 : i32
    %add3A_339 = arith.addi %mul3A_337, %add3A_338 : i32
    %multiple_of3A_340 = tpu.assume_multiple %add3A_339, 128 : i32
    %dma_start3A_341 = arith.constant 0 : i32
    %dma_start3A_342 = tpu.memref_slice %arg5[%multiple_of3A_340, %dma_start3A_341] : memref<10240x64xf32, #tpu.memory_space<vmem_shared>> -> memref<128x64xf32, #tpu.memory_space<vmem_shared>>
    %dma_start3A_343 = arith.constant 0 : i32
    %dma_start3A_344 = tpu.memref_slice %arg5[%multiple_of3A_340, %dma_start3A_343] : memref<10240x64xf32, #tpu.memory_space<vmem_shared>> -> memref<128x64xf32, #tpu.memory_space<vmem_shared>>
    tpu.enqueue_dma source(%dma_start3A_344 : memref<128x64xf32, #tpu.memory_space<vmem_shared>>) target(%arg12 : memref<128x64xf32, #tpu.memory_space<vmem>>) target_semaphore(%arg18 : memref<!tpu.dma_semaphore, #tpu.memory_space<semaphore_mem>>)
    %dma_wait3A_345 = arith.constant 0 : i32
    %dma_wait3A_346 = tpu.memref_slice %arg5[%multiple_of3A_340, %dma_wait3A_345] : memref<10240x64xf32, #tpu.memory_space<vmem_shared>> -> memref<128x64xf32, #tpu.memory_space<vmem_shared>>
    %dma_wait3A_347 = arith.constant 0 : i32
    %dma_wait3A_348 = tpu.memref_slice %arg5[%multiple_of3A_340, %dma_wait3A_347] : memref<10240x64xf32, #tpu.memory_space<vmem_shared>> -> memref<128x64xf32, #tpu.memory_space<vmem_shared>>
    tpu.wait_dma2 semaphore(%arg18 : memref<!tpu.dma_semaphore, #tpu.memory_space<semaphore_mem>>) src(%dma_wait3A_348 : memref<128x64xf32, #tpu.memory_space<vmem_shared>>) dst(%arg12 : memref<128x64xf32, #tpu.memory_space<vmem>>)
    %gt3A_349 = arith.constant 0 : i32
    %gt3A_350 = arith.cmpi sgt, %arg0, %gt3A_349 : i32
    %select_n3A_351 = arith.constant 0 : i32
    %select_n3A_352 = arith.constant 64 : i32
    %select_n3A_353 = arith.select %gt3A_350, %select_n3A_352, %select_n3A_351 : i32
    %dma_start3A_354 = tpu.memref_slice %arg4[%multiple_of3A_340, %select_n3A_353] : memref<10240x128xf32, #tpu.memory_space<hbm>> -> memref<128x64xf32, #tpu.memory_space<hbm>>
    %dma_start3A_355 = tpu.memref_slice %arg4[%multiple_of3A_340, %select_n3A_353] : memref<10240x128xf32, #tpu.memory_space<hbm>> -> memref<128x64xf32, #tpu.memory_space<hbm>>
    tpu.enqueue_dma source(%arg12 : memref<128x64xf32, #tpu.memory_space<vmem>>) target(%dma_start3A_355 : memref<128x64xf32, #tpu.memory_space<hbm>>) target_semaphore(%arg24 : memref<!tpu.dma_semaphore, #tpu.memory_space<semaphore_mem>>)
    %dma_wait3A_356 = tpu.memref_slice %arg4[%multiple_of3A_261, %select_n3A_273] : memref<10240x128xf32, #tpu.memory_space<hbm>> -> memref<128x64xf32, #tpu.memory_space<hbm>>
    %dma_wait3A_357 = tpu.memref_slice %arg4[%multiple_of3A_261, %select_n3A_273] : memref<10240x128xf32, #tpu.memory_space<hbm>> -> memref<128x64xf32, #tpu.memory_space<hbm>>
    tpu.wait_dma2 semaphore(%arg20 : memref<!tpu.dma_semaphore, #tpu.memory_space<semaphore_mem>>) src(%arg8 : memref<128x64xf32, #tpu.memory_space<vmem>>) dst(%dma_wait3A_357 : memref<128x64xf32, #tpu.memory_space<hbm>>)
    %dma_wait3A_358 = tpu.memref_slice %arg4[%multiple_of3A_280, %select_n3A_293] : memref<10240x128xf32, #tpu.memory_space<hbm>> -> memref<128x64xf32, #tpu.memory_space<hbm>>
    %dma_wait3A_359 = tpu.memref_slice %arg4[%multiple_of3A_280, %select_n3A_293] : memref<10240x128xf32, #tpu.memory_space<hbm>> -> memref<128x64xf32, #tpu.memory_space<hbm>>
    tpu.wait_dma2 semaphore(%arg21 : memref<!tpu.dma_semaphore, #tpu.memory_space<semaphore_mem>>) src(%arg9 : memref<128x64xf32, #tpu.memory_space<vmem>>) dst(%dma_wait3A_359 : memref<128x64xf32, #tpu.memory_space<hbm>>)
    %dma_wait3A_360 = tpu.memref_slice %arg4[%multiple_of3A_300, %select_n3A_313] : memref<10240x128xf32, #tpu.memory_space<hbm>> -> memref<128x64xf32, #tpu.memory_space<hbm>>
    %dma_wait3A_361 = tpu.memref_slice %arg4[%multiple_of3A_300, %select_n3A_313] : memref<10240x128xf32, #tpu.memory_space<hbm>> -> memref<128x64xf32, #tpu.memory_space<hbm>>
    tpu.wait_dma2 semaphore(%arg22 : memref<!tpu.dma_semaphore, #tpu.memory_space<semaphore_mem>>) src(%arg10 : memref<128x64xf32, #tpu.memory_space<vmem>>) dst(%dma_wait3A_361 : memref<128x64xf32, #tpu.memory_space<hbm>>)
    %dma_wait3A_362 = tpu.memref_slice %arg4[%multiple_of3A_320, %select_n3A_333] : memref<10240x128xf32, #tpu.memory_space<hbm>> -> memref<128x64xf32, #tpu.memory_space<hbm>>
    %dma_wait3A_363 = tpu.memref_slice %arg4[%multiple_of3A_320, %select_n3A_333] : memref<10240x128xf32, #tpu.memory_space<hbm>> -> memref<128x64xf32, #tpu.memory_space<hbm>>
    tpu.wait_dma2 semaphore(%arg23 : memref<!tpu.dma_semaphore, #tpu.memory_space<semaphore_mem>>) src(%arg11 : memref<128x64xf32, #tpu.memory_space<vmem>>) dst(%dma_wait3A_363 : memref<128x64xf32, #tpu.memory_space<hbm>>)
    %dma_wait3A_364 = tpu.memref_slice %arg4[%multiple_of3A_340, %select_n3A_353] : memref<10240x128xf32, #tpu.memory_space<hbm>> -> memref<128x64xf32, #tpu.memory_space<hbm>>
    %dma_wait3A_365 = tpu.memref_slice %arg4[%multiple_of3A_340, %select_n3A_353] : memref<10240x128xf32, #tpu.memory_space<hbm>> -> memref<128x64xf32, #tpu.memory_space<hbm>>
    tpu.wait_dma2 semaphore(%arg24 : memref<!tpu.dma_semaphore, #tpu.memory_space<semaphore_mem>>) src(%arg12 : memref<128x64xf32, #tpu.memory_space<vmem>>) dst(%dma_wait3A_365 : memref<128x64xf32, #tpu.memory_space<hbm>>)
    return
  }
}

module attributes {stable_mosaic.version = 14 : i64} {
  func.func @_tc0(%arg0: memref<10000x128xf32, #tpu.memory_space<vmem>>, %arg1: memref<128x64xf32, #tpu.memory_space<vmem>>, %arg2: memref<128x64xf32, #tpu.memory_space<vmem>>, %arg3: memref<1x64xf32, #tpu.memory_space<vmem>>, %arg4: memref<10000x80xf32, #tpu.memory_space<vmem>>, %arg5: memref<10000x64xf32, #tpu.memory_space<vmem>>) attributes {dimension_semantics = [], scalar_prefetch = 0 : i64, scratch_operands = 0 : i64, tpu.core_type = #tpu.core_type<tc>} {
    %get3A = arith.constant 0 : index
    %get3A_0 = arith.constant 0 : index
    %get3A_1 = vector.load %arg0[%get3A, %get3A_0] : memref<10000x128xf32, #tpu.memory_space<vmem>>, vector<10000x128xf32>
    %get3A_2 = arith.constant 0 : index
    %get3A_3 = arith.constant 0 : index
    %get3A_4 = vector.load %arg1[%get3A_2, %get3A_3] : memref<128x64xf32, #tpu.memory_space<vmem>>, vector<128x64xf32>
    %dot_general3A = arith.constant dense<0.000000e+00> : vector<10000x64xf32>
    %dot_general3A_5 = tpu.matmul %get3A_1, %get3A_4, %dot_general3A {dimension_numbers = #tpu.dot_dimension_numbers<[1], [0], [0], [1], [0, 0, 1, 1], [], []>, transpose_lhs_hint = false} : vector<10000x128xf32>, vector<128x64xf32>, vector<10000x64xf32> -> vector<10000x64xf32>
    %broadcast_in_dim3A = arith.constant 1.000000e+00 : f32
    %broadcast_in_dim3A_6 = vector.broadcast %broadcast_in_dim3A : f32 to vector<10000x16xf32>
    %concatenate3A = tpu.concatenate %dot_general3A_5, %broadcast_in_dim3A_6 in 1 : vector<10000x64xf32>, vector<10000x16xf32> -> vector<10000x80xf32>
    %swap3A = arith.constant 0 : index
    %swap3A_7 = arith.constant 0 : index
    %swap3A_8 = vector.load %arg4[%swap3A, %swap3A_7] : memref<10000x80xf32, #tpu.memory_space<vmem>>, vector<10000x80xf32>
    tpu.vector_store %arg4[%swap3A, %swap3A_7], %concatenate3A {strides = array<i32>} : memref<10000x80xf32, #tpu.memory_space<vmem>>, vector<10000x80xf32>,
    %get3A_9 = arith.constant 0 : index
    %get3A_10 = arith.constant 0 : index
    %get3A_11 = vector.load %arg2[%get3A_9, %get3A_10] : memref<128x64xf32, #tpu.memory_space<vmem>>, vector<128x64xf32>
    %dot_general3A_12 = arith.constant dense<0.000000e+00> : vector<10000x64xf32>
    %dot_general3A_13 = tpu.matmul %get3A_1, %get3A_11, %dot_general3A_12 {dimension_numbers = #tpu.dot_dimension_numbers<[1], [0], [0], [1], [0, 0, 1, 1], [], []>, transpose_lhs_hint = false} : vector<10000x128xf32>, vector<128x64xf32>, vector<10000x64xf32> -> vector<10000x64xf32>
    %get3A_14 = arith.constant 0 : index
    %get3A_15 = arith.constant 0 : index
    %get3A_16 = vector.load %arg3[%get3A_14, %get3A_15] : memref<1x64xf32, #tpu.memory_space<vmem>>, vector<1x64xf32>
    %add3A = vector.broadcast %get3A_16 : vector<1x64xf32> to vector<10000x64xf32>
    %add3A_17 = arith.addf %dot_general3A_13, %add3A : vector<10000x64xf32>
    %swap3A_18 = arith.constant 0 : index
    %swap3A_19 = arith.constant 0 : index
    %swap3A_20 = vector.load %arg5[%swap3A_18, %swap3A_19] : memref<10000x64xf32, #tpu.memory_space<vmem>>, vector<10000x64xf32>
    tpu.vector_store %arg5[%swap3A_18, %swap3A_19], %add3A_17 {strides = array<i32>} : memref<10000x64xf32, #tpu.memory_space<vmem>>, vector<10000x64xf32>,
    return
  }
}

module attributes {stable_mosaic.version = 14 : i64} {
  func.func @_tc1(%arg0: memref<20480x128xf32, #tpu.memory_space<vmem>>, %arg1: memref<10000x64xf32, #tpu.memory_space<vmem>>, %arg2: memref<1x64xf32, #tpu.memory_space<vmem>>, %arg3: memref<1x64xf32, #tpu.memory_space<vmem>>, %arg4: memref<64x64xf32, #tpu.memory_space<vmem>>, %arg5: memref<64x64xf32, #tpu.memory_space<vmem>>, %arg6: memref<1x64xf32, #tpu.memory_space<vmem>>, %arg7: memref<10000x64xf32, #tpu.memory_space<vmem>>, %arg8: memref<10000x64xf32, #tpu.memory_space<vmem>>, %arg9: memref<10000x1xf32, #tpu.memory_space<vmem>>) attributes {dimension_semantics = [], scalar_prefetch = 0 : i64, scratch_operands = 0 : i64, tpu.core_type = #tpu.core_type<tc>} {
    %get3A = arith.constant 0 : index
    %get3A_0 = arith.constant 0 : index
    %get3A_1 = vector.load %arg0[%get3A, %get3A_0] : memref<20480x128xf32, #tpu.memory_space<vmem>>, vector<20480x128xf32>
    %slice3A = vector.extract_strided_slice %get3A_1 {offsets = [0, 0], sizes = [10240, 128], strides = [1, 1]} : vector<20480x128xf32> to vector<10240x128xf32>
    %slice3A_2 = vector.extract_strided_slice %get3A_1 {offsets = [10240, 0], sizes = [10240, 128], strides = [1, 1]} : vector<20480x128xf32> to vector<10240x128xf32>
    %add3A = arith.addf %slice3A, %slice3A_2 : vector<10240x128xf32>
    %slice3A_3 = vector.extract_strided_slice %add3A {offsets = [0, 0], sizes = [10000, 64], strides = [1, 1]} : vector<10240x128xf32> to vector<10000x64xf32>
    %slice3A_4 = vector.extract_strided_slice %add3A {offsets = [0, 64], sizes = [10000, 1], strides = [1, 1]} : vector<10240x128xf32> to vector<10000x1xf32>
    %max3A = arith.constant 1.000000e+00 : f32
    %max3A_5 = vector.broadcast %max3A : f32 to vector<10000x1xf32>
    %max3A_6 = arith.maximumf %slice3A_4, %max3A_5 : vector<10000x1xf32>
    %div3A = arith.constant 1.000000e+00 : f32
    %div3A_7 = vector.broadcast %div3A : f32 to vector<10000x1xf32>
    %div3A_8 = arith.divf %div3A_7, %max3A_6 : vector<10000x1xf32>
    %mul3A = vector.broadcast %div3A_8 : vector<10000x1xf32> to vector<10000x64xf32>
    %mul3A_9 = arith.mulf %slice3A_3, %mul3A : vector<10000x64xf32>
    %get3A_10 = arith.constant 0 : index
    %get3A_11 = arith.constant 0 : index
    %get3A_12 = vector.load %arg1[%get3A_10, %get3A_11] : memref<10000x64xf32, #tpu.memory_space<vmem>>, vector<10000x64xf32>
    %add3A_13 = arith.addf %mul3A_9, %get3A_12 : vector<10000x64xf32>
    %get3A_14 = arith.constant 0 : index
    %get3A_15 = arith.constant 0 : index
    %get3A_16 = vector.load %arg2[%get3A_14, %get3A_15] : memref<1x64xf32, #tpu.memory_space<vmem>>, vector<1x64xf32>
    %get3A_17 = arith.constant 0 : index
    %get3A_18 = arith.constant 0 : index
    %get3A_19 = vector.load %arg3[%get3A_17, %get3A_18] : memref<1x64xf32, #tpu.memory_space<vmem>>, vector<1x64xf32>
    %reduce_sum3A = arith.constant dense<0.000000e+00> : vector<64xf32>
    %reduce_sum3A_20 = vector.multi_reduction <add>, %add3A_13, %reduce_sum3A [0] : vector<10000x64xf32> to vector<64xf32>
    %broadcast_in_dim3A = vector.shape_cast %reduce_sum3A_20 : vector<64xf32> to vector<1x64xf32>
    %div3A_21 = arith.constant 1.000000e+04 : f32
    %div3A_22 = vector.broadcast %div3A_21 : f32 to vector<1x64xf32>
    %div3A_23 = arith.divf %broadcast_in_dim3A, %div3A_22 : vector<1x64xf32>
    %sub3A = vector.broadcast %div3A_23 : vector<1x64xf32> to vector<10000x64xf32>
    %sub3A_24 = arith.subf %add3A_13, %sub3A : vector<10000x64xf32>
    %mul3A_25 = arith.mulf %sub3A_24, %sub3A_24 : vector<10000x64xf32>
    %reduce_sum3A_26 = arith.constant dense<0.000000e+00> : vector<64xf32>
    %reduce_sum3A_27 = vector.multi_reduction <add>, %mul3A_25, %reduce_sum3A_26 [0] : vector<10000x64xf32> to vector<64xf32>
    %broadcast_in_dim3A_28 = vector.shape_cast %reduce_sum3A_27 : vector<64xf32> to vector<1x64xf32>
    %div3A_29 = arith.constant 1.000000e+04 : f32
    %div3A_30 = vector.broadcast %div3A_29 : f32 to vector<1x64xf32>
    %div3A_31 = arith.divf %broadcast_in_dim3A_28, %div3A_30 : vector<1x64xf32>
    %add3A_32 = arith.constant 9.99999974E-6 : f32
    %add3A_33 = vector.broadcast %add3A_32 : f32 to vector<1x64xf32>
    %add3A_34 = arith.addf %div3A_31, %add3A_33 : vector<1x64xf32>
    %rsqrt3A = math.rsqrt %add3A_34 : vector<1x64xf32>
    %mul3A_35 = vector.broadcast %rsqrt3A : vector<1x64xf32> to vector<10000x64xf32>
    %mul3A_36 = arith.mulf %sub3A_24, %mul3A_35 : vector<10000x64xf32>
    %mul3A_37 = vector.broadcast %get3A_16 : vector<1x64xf32> to vector<10000x64xf32>
    %mul3A_38 = arith.mulf %mul3A_36, %mul3A_37 : vector<10000x64xf32>
    %add3A_39 = vector.broadcast %get3A_19 : vector<1x64xf32> to vector<10000x64xf32>
    %add3A_40 = arith.addf %mul3A_38, %add3A_39 : vector<10000x64xf32>
    %max3A_41 = arith.constant 0.000000e+00 : f32
    %max3A_42 = vector.broadcast %max3A_41 : f32 to vector<10000x64xf32>
    %max3A_43 = arith.maximumf %add3A_40, %max3A_42 : vector<10000x64xf32>
    %get3A_44 = arith.constant 0 : index
    %get3A_45 = arith.constant 0 : index
    %get3A_46 = vector.load %arg4[%get3A_44, %get3A_45] : memref<64x64xf32, #tpu.memory_space<vmem>>, vector<64x64xf32>
    %dot_general3A = arith.constant dense<0.000000e+00> : vector<10000x64xf32>
    %dot_general3A_47 = tpu.matmul %max3A_43, %get3A_46, %dot_general3A {dimension_numbers = #tpu.dot_dimension_numbers<[1], [0], [0], [1], [0, 0, 1, 1], [], []>, transpose_lhs_hint = false} : vector<10000x64xf32>, vector<64x64xf32>, vector<10000x64xf32> -> vector<10000x64xf32>
    %swap3A = arith.constant 0 : index
    %swap3A_48 = arith.constant 0 : index
    %swap3A_49 = vector.load %arg7[%swap3A, %swap3A_48] : memref<10000x64xf32, #tpu.memory_space<vmem>>, vector<10000x64xf32>
    tpu.vector_store %arg7[%swap3A, %swap3A_48], %dot_general3A_47 {strides = array<i32>} : memref<10000x64xf32, #tpu.memory_space<vmem>>, vector<10000x64xf32>,
    %get3A_50 = arith.constant 0 : index
    %get3A_51 = arith.constant 0 : index
    %get3A_52 = vector.load %arg5[%get3A_50, %get3A_51] : memref<64x64xf32, #tpu.memory_space<vmem>>, vector<64x64xf32>
    %dot_general3A_53 = arith.constant dense<0.000000e+00> : vector<10000x64xf32>
    %dot_general3A_54 = tpu.matmul %max3A_43, %get3A_52, %dot_general3A_53 {dimension_numbers = #tpu.dot_dimension_numbers<[1], [0], [0], [1], [0, 0, 1, 1], [], []>, transpose_lhs_hint = false} : vector<10000x64xf32>, vector<64x64xf32>, vector<10000x64xf32> -> vector<10000x64xf32>
    %get3A_55 = arith.constant 0 : index
    %get3A_56 = arith.constant 0 : index
    %get3A_57 = vector.load %arg6[%get3A_55, %get3A_56] : memref<1x64xf32, #tpu.memory_space<vmem>>, vector<1x64xf32>
    %add3A_58 = vector.broadcast %get3A_57 : vector<1x64xf32> to vector<10000x64xf32>
    %add3A_59 = arith.addf %dot_general3A_54, %add3A_58 : vector<10000x64xf32>
    %swap3A_60 = arith.constant 0 : index
    %swap3A_61 = arith.constant 0 : index
    %swap3A_62 = vector.load %arg8[%swap3A_60, %swap3A_61] : memref<10000x64xf32, #tpu.memory_space<vmem>>, vector<10000x64xf32>
    tpu.vector_store %arg8[%swap3A_60, %swap3A_61], %add3A_59 {strides = array<i32>} : memref<10000x64xf32, #tpu.memory_space<vmem>>, vector<10000x64xf32>,
    %swap3A_63 = arith.constant 0 : index
    %swap3A_64 = arith.constant 0 : index
    %swap3A_65 = vector.load %arg9[%swap3A_63, %swap3A_64] : memref<10000x1xf32, #tpu.memory_space<vmem>>, vector<10000x1xf32>
    tpu.vector_store %arg9[%swap3A_63, %swap3A_64], %div3A_8 {strides = array<i32>} : memref<10000x1xf32, #tpu.memory_space<vmem>>, vector<10000x1xf32>,
    return
  }
}

module attributes {stable_mosaic.version = 14 : i64} {
  func.func @_tc2(%arg0: memref<10240x128xf32, #tpu.memory_space<vmem>>, %arg1: memref<10000x1xf32, #tpu.memory_space<vmem>>, %arg2: memref<10000x64xf32, #tpu.memory_space<vmem>>, %arg3: memref<1x64xf32, #tpu.memory_space<vmem>>, %arg4: memref<1x64xf32, #tpu.memory_space<vmem>>, %arg5: memref<64x64xf32, #tpu.memory_space<vmem>>, %arg6: memref<64x64xf32, #tpu.memory_space<vmem>>, %arg7: memref<1x64xf32, #tpu.memory_space<vmem>>, %arg8: memref<10000x64xf32, #tpu.memory_space<vmem>>, %arg9: memref<10000x64xf32, #tpu.memory_space<vmem>>) attributes {dimension_semantics = [], scalar_prefetch = 0 : i64, scratch_operands = 0 : i64, tpu.core_type = #tpu.core_type<tc>} {
    %get3A = arith.constant 0 : index
    %get3A_0 = arith.constant 0 : index
    %get3A_1 = vector.load %arg0[%get3A, %get3A_0] : memref<10240x128xf32, #tpu.memory_space<vmem>>, vector<10240x128xf32>
    %slice3A = vector.extract_strided_slice %get3A_1 {offsets = [0, 0], sizes = [10000, 64], strides = [1, 1]} : vector<10240x128xf32> to vector<10000x64xf32>
    %slice3A_2 = vector.extract_strided_slice %get3A_1 {offsets = [0, 64], sizes = [10000, 64], strides = [1, 1]} : vector<10240x128xf32> to vector<10000x64xf32>
    %add3A = arith.addf %slice3A, %slice3A_2 : vector<10000x64xf32>
    %get3A_3 = arith.constant 0 : index
    %get3A_4 = arith.constant 0 : index
    %get3A_5 = vector.load %arg1[%get3A_3, %get3A_4] : memref<10000x1xf32, #tpu.memory_space<vmem>>, vector<10000x1xf32>
    %mul3A = vector.broadcast %get3A_5 : vector<10000x1xf32> to vector<10000x64xf32>
    %mul3A_6 = arith.mulf %add3A, %mul3A : vector<10000x64xf32>
    %get3A_7 = arith.constant 0 : index
    %get3A_8 = arith.constant 0 : index
    %get3A_9 = vector.load %arg2[%get3A_7, %get3A_8] : memref<10000x64xf32, #tpu.memory_space<vmem>>, vector<10000x64xf32>
    %add3A_10 = arith.addf %mul3A_6, %get3A_9 : vector<10000x64xf32>
    %get3A_11 = arith.constant 0 : index
    %get3A_12 = arith.constant 0 : index
    %get3A_13 = vector.load %arg3[%get3A_11, %get3A_12] : memref<1x64xf32, #tpu.memory_space<vmem>>, vector<1x64xf32>
    %get3A_14 = arith.constant 0 : index
    %get3A_15 = arith.constant 0 : index
    %get3A_16 = vector.load %arg4[%get3A_14, %get3A_15] : memref<1x64xf32, #tpu.memory_space<vmem>>, vector<1x64xf32>
    %reduce_sum3A = arith.constant dense<0.000000e+00> : vector<64xf32>
    %reduce_sum3A_17 = vector.multi_reduction <add>, %add3A_10, %reduce_sum3A [0] : vector<10000x64xf32> to vector<64xf32>
    %broadcast_in_dim3A = vector.shape_cast %reduce_sum3A_17 : vector<64xf32> to vector<1x64xf32>
    %div3A = arith.constant 1.000000e+04 : f32
    %div3A_18 = vector.broadcast %div3A : f32 to vector<1x64xf32>
    %div3A_19 = arith.divf %broadcast_in_dim3A, %div3A_18 : vector<1x64xf32>
    %sub3A = vector.broadcast %div3A_19 : vector<1x64xf32> to vector<10000x64xf32>
    %sub3A_20 = arith.subf %add3A_10, %sub3A : vector<10000x64xf32>
    %mul3A_21 = arith.mulf %sub3A_20, %sub3A_20 : vector<10000x64xf32>
    %reduce_sum3A_22 = arith.constant dense<0.000000e+00> : vector<64xf32>
    %reduce_sum3A_23 = vector.multi_reduction <add>, %mul3A_21, %reduce_sum3A_22 [0] : vector<10000x64xf32> to vector<64xf32>
    %broadcast_in_dim3A_24 = vector.shape_cast %reduce_sum3A_23 : vector<64xf32> to vector<1x64xf32>
    %div3A_25 = arith.constant 1.000000e+04 : f32
    %div3A_26 = vector.broadcast %div3A_25 : f32 to vector<1x64xf32>
    %div3A_27 = arith.divf %broadcast_in_dim3A_24, %div3A_26 : vector<1x64xf32>
    %add3A_28 = arith.constant 9.99999974E-6 : f32
    %add3A_29 = vector.broadcast %add3A_28 : f32 to vector<1x64xf32>
    %add3A_30 = arith.addf %div3A_27, %add3A_29 : vector<1x64xf32>
    %rsqrt3A = math.rsqrt %add3A_30 : vector<1x64xf32>
    %mul3A_31 = vector.broadcast %rsqrt3A : vector<1x64xf32> to vector<10000x64xf32>
    %mul3A_32 = arith.mulf %sub3A_20, %mul3A_31 : vector<10000x64xf32>
    %mul3A_33 = vector.broadcast %get3A_13 : vector<1x64xf32> to vector<10000x64xf32>
    %mul3A_34 = arith.mulf %mul3A_32, %mul3A_33 : vector<10000x64xf32>
    %add3A_35 = vector.broadcast %get3A_16 : vector<1x64xf32> to vector<10000x64xf32>
    %add3A_36 = arith.addf %mul3A_34, %add3A_35 : vector<10000x64xf32>
    %max3A = arith.constant 0.000000e+00 : f32
    %max3A_37 = vector.broadcast %max3A : f32 to vector<10000x64xf32>
    %max3A_38 = arith.maximumf %add3A_36, %max3A_37 : vector<10000x64xf32>
    %get3A_39 = arith.constant 0 : index
    %get3A_40 = arith.constant 0 : index
    %get3A_41 = vector.load %arg5[%get3A_39, %get3A_40] : memref<64x64xf32, #tpu.memory_space<vmem>>, vector<64x64xf32>
    %dot_general3A = arith.constant dense<0.000000e+00> : vector<10000x64xf32>
    %dot_general3A_42 = tpu.matmul %max3A_38, %get3A_41, %dot_general3A {dimension_numbers = #tpu.dot_dimension_numbers<[1], [0], [0], [1], [0, 0, 1, 1], [], []>, transpose_lhs_hint = false} : vector<10000x64xf32>, vector<64x64xf32>, vector<10000x64xf32> -> vector<10000x64xf32>
    %swap3A = arith.constant 0 : index
    %swap3A_43 = arith.constant 0 : index
    %swap3A_44 = vector.load %arg8[%swap3A, %swap3A_43] : memref<10000x64xf32, #tpu.memory_space<vmem>>, vector<10000x64xf32>
    tpu.vector_store %arg8[%swap3A, %swap3A_43], %dot_general3A_42 {strides = array<i32>} : memref<10000x64xf32, #tpu.memory_space<vmem>>, vector<10000x64xf32>,
    %get3A_45 = arith.constant 0 : index
    %get3A_46 = arith.constant 0 : index
    %get3A_47 = vector.load %arg6[%get3A_45, %get3A_46] : memref<64x64xf32, #tpu.memory_space<vmem>>, vector<64x64xf32>
    %dot_general3A_48 = arith.constant dense<0.000000e+00> : vector<10000x64xf32>
    %dot_general3A_49 = tpu.matmul %max3A_38, %get3A_47, %dot_general3A_48 {dimension_numbers = #tpu.dot_dimension_numbers<[1], [0], [0], [1], [0, 0, 1, 1], [], []>, transpose_lhs_hint = false} : vector<10000x64xf32>, vector<64x64xf32>, vector<10000x64xf32> -> vector<10000x64xf32>
    %get3A_50 = arith.constant 0 : index
    %get3A_51 = arith.constant 0 : index
    %get3A_52 = vector.load %arg7[%get3A_50, %get3A_51] : memref<1x64xf32, #tpu.memory_space<vmem>>, vector<1x64xf32>
    %add3A_53 = vector.broadcast %get3A_52 : vector<1x64xf32> to vector<10000x64xf32>
    %add3A_54 = arith.addf %dot_general3A_49, %add3A_53 : vector<10000x64xf32>
    %swap3A_55 = arith.constant 0 : index
    %swap3A_56 = arith.constant 0 : index
    %swap3A_57 = vector.load %arg9[%swap3A_55, %swap3A_56] : memref<10000x64xf32, #tpu.memory_space<vmem>>, vector<10000x64xf32>
    tpu.vector_store %arg9[%swap3A_55, %swap3A_56], %add3A_54 {strides = array<i32>} : memref<10000x64xf32, #tpu.memory_space<vmem>>, vector<10000x64xf32>,
    return
  }
}

module attributes {stable_mosaic.version = 14 : i64} {
  func.func @_tc3(%arg0: memref<10240x128xf32, #tpu.memory_space<vmem>>, %arg1: memref<10000x1xf32, #tpu.memory_space<vmem>>, %arg2: memref<10000x64xf32, #tpu.memory_space<vmem>>, %arg3: memref<1x64xf32, #tpu.memory_space<vmem>>, %arg4: memref<1x64xf32, #tpu.memory_space<vmem>>, %arg5: memref<1x10000xi32, #tpu.memory_space<vmem>>, %arg6: memref<64x10xf32, #tpu.memory_space<vmem>>, %arg7: memref<1x10xf32, #tpu.memory_space<vmem>>, %arg8: memref<64x10xf32, #tpu.memory_space<vmem>>) attributes {dimension_semantics = [], scalar_prefetch = 0 : i64, scratch_operands = 0 : i64, tpu.core_type = #tpu.core_type<tc>} {
    %get3A = arith.constant 0 : index
    %get3A_0 = arith.constant 0 : index
    %get3A_1 = vector.load %arg0[%get3A, %get3A_0] : memref<10240x128xf32, #tpu.memory_space<vmem>>, vector<10240x128xf32>
    %slice3A = vector.extract_strided_slice %get3A_1 {offsets = [0, 0], sizes = [10000, 64], strides = [1, 1]} : vector<10240x128xf32> to vector<10000x64xf32>
    %slice3A_2 = vector.extract_strided_slice %get3A_1 {offsets = [0, 64], sizes = [10000, 64], strides = [1, 1]} : vector<10240x128xf32> to vector<10000x64xf32>
    %add3A = arith.addf %slice3A, %slice3A_2 : vector<10000x64xf32>
    %get3A_3 = arith.constant 0 : index
    %get3A_4 = arith.constant 0 : index
    %get3A_5 = vector.load %arg1[%get3A_3, %get3A_4] : memref<10000x1xf32, #tpu.memory_space<vmem>>, vector<10000x1xf32>
    %mul3A = vector.broadcast %get3A_5 : vector<10000x1xf32> to vector<10000x64xf32>
    %mul3A_6 = arith.mulf %add3A, %mul3A : vector<10000x64xf32>
    %get3A_7 = arith.constant 0 : index
    %get3A_8 = arith.constant 0 : index
    %get3A_9 = vector.load %arg2[%get3A_7, %get3A_8] : memref<10000x64xf32, #tpu.memory_space<vmem>>, vector<10000x64xf32>
    %add3A_10 = arith.addf %mul3A_6, %get3A_9 : vector<10000x64xf32>
    %get3A_11 = arith.constant 0 : index
    %get3A_12 = arith.constant 0 : index
    %get3A_13 = vector.load %arg3[%get3A_11, %get3A_12] : memref<1x64xf32, #tpu.memory_space<vmem>>, vector<1x64xf32>
    %get3A_14 = arith.constant 0 : index
    %get3A_15 = arith.constant 0 : index
    %get3A_16 = vector.load %arg4[%get3A_14, %get3A_15] : memref<1x64xf32, #tpu.memory_space<vmem>>, vector<1x64xf32>
    %reduce_sum3A = arith.constant dense<0.000000e+00> : vector<64xf32>
    %reduce_sum3A_17 = vector.multi_reduction <add>, %add3A_10, %reduce_sum3A [0] : vector<10000x64xf32> to vector<64xf32>
    %broadcast_in_dim3A = vector.shape_cast %reduce_sum3A_17 : vector<64xf32> to vector<1x64xf32>
    %div3A = arith.constant 1.000000e+04 : f32
    %div3A_18 = vector.broadcast %div3A : f32 to vector<1x64xf32>
    %div3A_19 = arith.divf %broadcast_in_dim3A, %div3A_18 : vector<1x64xf32>
    %sub3A = vector.broadcast %div3A_19 : vector<1x64xf32> to vector<10000x64xf32>
    %sub3A_20 = arith.subf %add3A_10, %sub3A : vector<10000x64xf32>
    %mul3A_21 = arith.mulf %sub3A_20, %sub3A_20 : vector<10000x64xf32>
    %reduce_sum3A_22 = arith.constant dense<0.000000e+00> : vector<64xf32>
    %reduce_sum3A_23 = vector.multi_reduction <add>, %mul3A_21, %reduce_sum3A_22 [0] : vector<10000x64xf32> to vector<64xf32>
    %broadcast_in_dim3A_24 = vector.shape_cast %reduce_sum3A_23 : vector<64xf32> to vector<1x64xf32>
    %div3A_25 = arith.constant 1.000000e+04 : f32
    %div3A_26 = vector.broadcast %div3A_25 : f32 to vector<1x64xf32>
    %div3A_27 = arith.divf %broadcast_in_dim3A_24, %div3A_26 : vector<1x64xf32>
    %add3A_28 = arith.constant 9.99999974E-6 : f32
    %add3A_29 = vector.broadcast %add3A_28 : f32 to vector<1x64xf32>
    %add3A_30 = arith.addf %div3A_27, %add3A_29 : vector<1x64xf32>
    %rsqrt3A = math.rsqrt %add3A_30 : vector<1x64xf32>
    %mul3A_31 = vector.broadcast %rsqrt3A : vector<1x64xf32> to vector<10000x64xf32>
    %mul3A_32 = arith.mulf %sub3A_20, %mul3A_31 : vector<10000x64xf32>
    %mul3A_33 = vector.broadcast %get3A_13 : vector<1x64xf32> to vector<10000x64xf32>
    %mul3A_34 = arith.mulf %mul3A_32, %mul3A_33 : vector<10000x64xf32>
    %add3A_35 = vector.broadcast %get3A_16 : vector<1x64xf32> to vector<10000x64xf32>
    %add3A_36 = arith.addf %mul3A_34, %add3A_35 : vector<10000x64xf32>
    %max3A = arith.constant 0.000000e+00 : f32
    %max3A_37 = vector.broadcast %max3A : f32 to vector<10000x64xf32>
    %max3A_38 = arith.maximumf %add3A_36, %max3A_37 : vector<10000x64xf32>
    %iota3A = tpu.iota {dimensions = array<i32: 0>} : vector<64x10000xi32>
    %get3A_39 = arith.constant 0 : index
    %get3A_40 = arith.constant 0 : index
    %get3A_41 = vector.load %arg5[%get3A_39, %get3A_40] : memref<1x10000xi32, #tpu.memory_space<vmem>>, vector<1x10000xi32>
    %eq3A = vector.broadcast %get3A_41 : vector<1x10000xi32> to vector<64x10000xi32>
    %eq3A_42 = arith.cmpi eq, %iota3A, %eq3A : vector<64x10000xi32>
    %convert_element_type3A = arith.extui %eq3A_42 : vector<64x10000xi1> to vector<64x10000xi32>
    %convert_element_type3A_43 = arith.sitofp %convert_element_type3A : vector<64x10000xi32> to vector<64x10000xf32>
    %dot_general3A = arith.constant dense<0.000000e+00> : vector<64x64xf32>
    %dot_general3A_44 = tpu.matmul %convert_element_type3A_43, %max3A_38, %dot_general3A {dimension_numbers = #tpu.dot_dimension_numbers<[1], [0], [0], [1], [0, 0, 1, 1], [], []>, transpose_lhs_hint = false} : vector<64x10000xf32>, vector<10000x64xf32>, vector<64x64xf32> -> vector<64x64xf32>
    %reduce_sum3A_45 = arith.constant dense<0.000000e+00> : vector<64xf32>
    %reduce_sum3A_46 = vector.multi_reduction <add>, %convert_element_type3A_43, %reduce_sum3A_45 [1] : vector<64x10000xf32> to vector<64xf32>
    %broadcast_in_dim3A_47 = vector.shape_cast %reduce_sum3A_46 : vector<64xf32> to vector<64x1xf32>
    %max3A_48 = arith.constant 1.000000e+00 : f32
    %max3A_49 = vector.broadcast %max3A_48 : f32 to vector<64x1xf32>
    %max3A_50 = arith.maximumf %broadcast_in_dim3A_47, %max3A_49 : vector<64x1xf32>
    %div3A_51 = vector.broadcast %max3A_50 : vector<64x1xf32> to vector<64x64xf32>
    %div3A_52 = arith.divf %dot_general3A_44, %div3A_51 : vector<64x64xf32>
    %get3A_53 = arith.constant 0 : index
    %get3A_54 = arith.constant 0 : index
    %get3A_55 = vector.load %arg6[%get3A_53, %get3A_54] : memref<64x10xf32, #tpu.memory_space<vmem>>, vector<64x10xf32>
    %dot_general3A_56 = arith.constant dense<0.000000e+00> : vector<64x10xf32>
    %dot_general3A_57 = tpu.matmul %div3A_52, %get3A_55, %dot_general3A_56 {dimension_numbers = #tpu.dot_dimension_numbers<[1], [0], [0], [1], [0, 0, 1, 1], [], []>, transpose_lhs_hint = false} : vector<64x64xf32>, vector<64x10xf32>, vector<64x10xf32> -> vector<64x10xf32>
    %get3A_58 = arith.constant 0 : index
    %get3A_59 = arith.constant 0 : index
    %get3A_60 = vector.load %arg7[%get3A_58, %get3A_59] : memref<1x10xf32, #tpu.memory_space<vmem>>, vector<1x10xf32>
    %add3A_61 = vector.broadcast %get3A_60 : vector<1x10xf32> to vector<64x10xf32>
    %add3A_62 = arith.addf %dot_general3A_57, %add3A_61 : vector<64x10xf32>
    %swap3A = arith.constant 0 : index
    %swap3A_63 = arith.constant 0 : index
    %swap3A_64 = vector.load %arg8[%swap3A, %swap3A_63] : memref<64x10xf32, #tpu.memory_space<vmem>>, vector<64x10xf32>
    tpu.vector_store %arg8[%swap3A, %swap3A_63], %add3A_62 {strides = array<i32>} : memref<64x10xf32, #tpu.memory_space<vmem>>, vector<64x10xf32>,
    return
  }
}

</mosaic_0001>

<sc_bundles>
// kernel: kernel.12.cloned.1.call-start
scs
__scs_entry_jumppad:
0x0: {  	(pc) =	sbr.rel $0x88, $3  }
0x1: {  	(tag) =	ssettag $0x0;
	lr =	simm.s32 $0x1  }
0x2: {  	[smem:$0x3F8D] =	sst lr;
	_ =	strace $0xD0000000  }
0x3: {  	_ = 	snop  }
0x4: {  	_ = 	snop  }
0x5: {  	_ = 	snop  }
0x6: {  	_ = 	snop  }
0x7: {  	_ = 	snop  }
__scs_overlays_trampoline_lowered:
0x8: {  	[smem:$0x3F9C] =	sst s0  }
0x9: {  	[smem:$0x3F9D] =	sst s1  }
0xa: {  	[smem:$0x3F9E] =	sst s2  }
0xb: {  	[smem:$0x3F9F] =	sst s3  }
0xc: {  	[smem:$0x3FA0] =	sst s4  }
0xd: {  	[smem:$0x3FA1] =	sst s5  }
0xe: {  	[smem:$0x3FA2] =	sst s6  }
0xf: {  	[smem:$0x3FA3] =	sst s7  }
0x10: {  	[smem:$0x3FA4] =	sst s8  }
0x11: {  	[smem:$0x3FA5] =	sst s9;
	s0 =	simm.s32 @!p0 $0x0  }
0x12: {  	s1 =	sld [smem:$0x3F8B];
	s0 =	simm.s32 @p0 $0x1  }
0x13: {  	[smem:$0x3FA6] =	sst s0;
	s0 =	simm.s32 @!p1 $0x0  }
0x14: {  	s2 =	sld [smem:$0x3F8A];
	s0 =	simm.s32 @p1 $0x1  }
0x15: {  	[smem:$0x3FA7] =	sst s0;
	s0 =	simm.s32 @!p2 $0x0  }
0x16: {  	s3 =	sld [smem:$0x3FDB];
	s0 =	simm.s32 @p2 $0x1  }
0x17: {  	s4 =	simm.s32 $0x1BF5;
	[smem:$0x3FA9] =	sst s0  }
0x18: {  	s0 =	sld [smem:$0x3F8C];
	_ =	swait.ge [sflag:s4], $0x0  }
0x19: {  	s7 =	sld [smem:$0x3F8D]  }
0x1a: {  	s8 =	sadd.s32 $0xFFFFE003, lr  }
0x1b: {  	s9 =	sadd.s32 $0xFFFFFEF7, lr;
	s5 =	simm.s32 $0xFFFFFFFF;
	p2 =	slt.u32 s8, $0xFFFFF086  }
0x1c: {  	p1 =	slt.u32 s9, $0xF7A;
	s5 =	simm.s32 @!p2 $0x0  }
0x1d: {  	s5 =	simm.s32 @p1 $0x1;
	p0 =	seq.s32 s7, s2  }
0x1e: {  	s7 =	smul.u32 @!p0 $0xF7A, s2;
	p2 =	seq.s32 @!p0 s5, $0x0  }
0x1f: {  	s9 =	smul.u32 $0xF7A, s1;
	s8 =	simm.s32 @!p0 $0x1BF5;
	p2 =	por !p2, p0  }
0x20: {  	[sflag:s8] =	ssyncset.s32 @!p0 $0xFFFFF086;
	s6 =	sadd.s32 @!p0 s3, s7;
	s7 =	simm.s32 @!p0 $0x108  }
0x21: {  	s3 =	sadd.s32 s3, s9;
	s6 =	sadd.s32 @!p0 $0x88, s6;
	s7 =	simm.s32 @p2 $0x1082  }
0x22: {  	[simem:s7], [sflag:s8] =	dma.local @!p0 [hbm:s6], $0xF7A  }
0x23: {  	s9 =	sor.u32 $0xD0000000, s2;
	s6 =	simm.s32 $0x108;
	_ =	swait.ge @!p0 [sflag:s8], $0x0  }
0x24: {  	s3 =	sadd.s32 $0x88, s3;
	s6 =	simm.s32 @!p1 $0x1082;
	[sflag:s4] =	ssyncset.s32 $0xFFFFF086  }
0x25: {  	[simem:s6], [sflag:s4] =	dma.local [hbm:s3], $0xF7A  }
0x26: {  	[smem:$0x3F8D] =	sst s1;
	(tag) =	ssettag s2;
	_ =	strace s9  }
0x27: {  	s1 =	sld [smem:$0x3F9D]  }
0x28: {  	s2 =	sld [smem:$0x3F9E]  }
0x29: {  	s4 =	sld [smem:$0x3FA0]  }
0x2a: {  	p0 =	seq.s32 s5, $0x0;
	s5 =	sld [smem:$0x3FA1]  }
0x2b: {  	s6 =	sld [smem:$0x3FA2]  }
0x2c: {  	s7 =	sld [smem:$0x3FA3]  }
0x2d: {  	s3 =	simm.s32 $0x108;
	s8 =	sld [smem:$0x3FA4]  }
0x2e: {  	s3 =	simm.s32 @!p0 $0x1082;
	s9 =	sld [smem:$0x3FA5]  }
0x2f: {  	lr =	sadd.s32 s0, s3;
	s0 =	sld [smem:$0x3F9C]  }
0x30: {  	s3 =	sld [smem:$0x3F9F]  }
0x31: {  	[smem:$0x3FA8] =	sst s10  }
0x32: {  	s10 =	sld [smem:$0x3FA6];
	_ =	sdelay $0x3  }
0x33: {  	p0 =	seq.s32 s10, $0x1;
	s10 =	sld [smem:$0x3FA8];
	_ =	sdelay $0x3  }
0x34: {  	[smem:$0x3FA8] =	sst s10  }
0x35: {  	s10 =	sld [smem:$0x3FA7];
	_ =	sdelay $0x3  }
0x36: {  	p1 =	seq.s32 s10, $0x1;
	s10 =	sld [smem:$0x3FA8];
	_ =	sdelay $0x3  }
0x37: {  	[smem:$0x3FA8] =	sst s10  }
0x38: {  	s10 =	sld [smem:$0x3FA9]  }
0x39: {  	_ = 	snop;
	(pc) =	sbr.ind lr, $3  }
0x3a: {  	_ = 	snop  }
0x3b: {  	_ = 	snop  }
0x3c: {  	p2 =	seq.s32 s10, $0x1;
	s10 =	sld [smem:$0x3FA8]  }
0x3d: {  	_ =	shalt  }
0x3e: {  	_ =	shalt  }
0x3f: {  	_ =	shalt  }
0x40: {  	_ =	shalt  }
0x41: {  	_ =	shalt  }
0x42: {  	_ =	shalt  }
0x43: {  	_ =	shalt  }
0x44: {  	_ =	shalt  }
0x45: {  	_ =	shalt  }
0x46: {  	_ =	shalt  }
0x47: {  	_ =	shalt  }
0x48: {  	_ =	shalt  }
0x49: {  	_ =	shalt  }
0x4a: {  	_ =	shalt  }
0x4b: {  	_ =	shalt  }
0x4c: {  	_ =	shalt  }
0x4d: {  	_ =	shalt  }
0x4e: {  	_ =	shalt  }
0x4f: {  	_ =	shalt  }
0x50: {  	_ =	shalt  }
0x51: {  	_ =	shalt  }
0x52: {  	_ =	shalt  }
0x53: {  	_ =	shalt  }
0x54: {  	_ =	shalt  }
0x55: {  	_ =	shalt  }
0x56: {  	_ =	shalt  }
0x57: {  	_ =	shalt  }
0x58: {  	_ =	shalt  }
0x59: {  	_ =	shalt  }
0x5a: {  	_ =	shalt  }
0x5b: {  	_ =	shalt  }
0x5c: {  	_ =	shalt  }
0x5d: {  	_ =	shalt  }
0x5e: {  	_ =	shalt  }
0x5f: {  	_ =	shalt  }
0x60: {  	_ =	shalt  }
0x61: {  	_ =	shalt  }
0x62: {  	_ =	shalt  }
0x63: {  	_ =	shalt  }
0x64: {  	_ =	shalt  }
0x65: {  	_ =	shalt  }
0x66: {  	_ =	shalt  }
0x67: {  	_ =	shalt  }
0x68: {  	_ =	shalt  }
0x69: {  	_ =	shalt  }
0x6a: {  	_ =	shalt  }
0x6b: {  	_ =	shalt  }
0x6c: {  	_ =	shalt  }
0x6d: {  	_ =	shalt  }
0x6e: {  	_ =	shalt  }
0x6f: {  	_ =	shalt  }
0x70: {  	_ =	shalt  }
0x71: {  	_ =	shalt  }
0x72: {  	_ =	shalt  }
0x73: {  	_ =	shalt  }
0x74: {  	_ =	shalt  }
0x75: {  	_ =	shalt  }
0x76: {  	_ =	shalt  }
0x77: {  	_ =	shalt  }
0x78: {  	_ =	shalt  }
0x79: {  	_ =	shalt  }
0x7a: {  	_ =	shalt  }
0x7b: {  	_ =	shalt  }
0x7c: {  	_ =	shalt  }
0x7d: {  	_ =	shalt  }
0x7e: {  	_ =	shalt  }
0x7f: {  	_ =	shalt  }
0x80: {  	_ =	shalt  }
0x81: {  	_ =	shalt  }
0x82: {  	_ =	shalt  }
0x83: {  	_ =	shalt  }
0x84: {  	_ =	shalt  }
0x85: {  	_ =	shalt  }
0x86: {  	_ =	shalt  }
0x87: {  	_ =	shalt  }
.Lfunc_end0:
.L_simem_size_0:
called_computation.1_lowered:
.L_overlay_start_0:
0x88: {  	s2 =	sld [smem:$0x3FD9]  }
0x89: {  	s3 =	sld [smem:$0x3FFE];
	_ =	sdelay $0x1  }
0x8a: {  	s1 =	srdreg.scid  }
0x8b: {  	s0 =	sand.u32 $0x1, s1  }
0x8c: {  	s16 =	sshll.u32 s0, $0xA;
	s2 =	sadd.s32 s3, s2  }
0x8d: {  	s2 =	sadd.s32 s2, s16  }
0x8e: {  	[smem:$0x3FB4] =	sst s2  }
0x8f: {  	_ = 	snop  }
0x90: {  	(tm) =	ssettm $0x1  }
0x91: {  	s17 =	sld [smem:$0x3FFB];
	_ =	sdelay $0x3  }
0x92: {  	_ =	strace s17  }
0x93: {  	s2 =	sld [smem:$0x3FFC];
	_ =	sdelay $0x3  }
0x94: {  	_ =	strace s2  }
0x95: {  	s2 =	sld [smem:$0x3FFD];
	_ =	sdelay $0x3  }
0x96: {  	_ =	strace s2  }
0x97: {  	_ =	strace $0x8FFFFFFF  }
0x98: {  	s18 =	sld [smem:$0x3FDB];
	_ =	sdelay $0x1  }
0x99: {  	s19 =	simm.s32 $_scs_section_size  }
0x9a: {  	s4 =	simm.s32 $_size__tile_overlayer_lowered;
	s5 =	simm.s32 $_tile_overlayer_lowered  }
0x9b: {  	s22 =	simm.s32 $0x1BFF;
	s21 =	sshll.u32 s5, $0x1;
	s2 =	sadd.s32 s19, s18  }
0x9c: {  	s6 =	simm.s32 $0x0;
	s20 =	sshll.u32 s4, $0x1;
	s4 =	sadd.s32 s21, s2  }
0x9d: {  	[timem:s6], [sflag:s22] =	dma.local [hbm:s4], s20  }
0x9e: {  	_ =	swait.ge [sflag:s22], s20  }
0x9f: {  	s3 =	ssub.s32 $0x0, s20;
	[sflag:s22] =	ssyncset.done $0x0  }
0xa0: {  	[sflag:s22] =	ssyncadd.s32 s3;
	_ =	sdelay $0x1  }
0xa1: {  	s23 =	simm.s32 $0x1B8B  }
0xa2: {  	_ =	swait.ge [sflag:s23], $0x1  }
0xa3: {  	[sflag:s23] =	ssyncset.done $0x0  }
0xa4: {  	s25 =	simm.s32 $0x1B8E;
	s24 =	sld [smem:$0x3FFE];
	[sflag:s23] =	ssyncadd.s32 $0xFFFFFFFF  }
0xa5: {  	s26 =	simm.s32 $execute0_lowered;
	[smem:$0x3FD2] =	sst s25  }
0xa6: {  	s4 =	sshll.u32 s26, $0x1;
	_ =	strace $0x80000049;
	[dreg:$0x1] =	wrdreg $0xFFFFFFFF  }
0xa7: {  	s28 =	simm.s32 $_size_execute0_lowered;
	s2 =	sadd.s32 s2, s4;
	[dreg:$0x0] =	wrdreg $0x0  }
0xa8: {  	s4 =	sshll.u32 s28, $0x1;
	[dreg:$0x2] =	wrdreg s2  }
0xa9: {  	[dreg:$0x3] =	wrdreg s4  }
0xaa: {  	[dreg:$0x4] =	wrdreg $0xC0  }
0xab: {  	_ =	task [dreg:s6], $0x5FFFF  }
0xac: {  	[dreg:$0x1] =	wrdreg $0xFFFFFFFF  }
0xad: {  	[dreg:$0x0] =	wrdreg $0x60  }
0xae: {  	[dreg:$0x2] =	wrdreg s24  }
0xaf: {  	[dreg:$0x3] =	wrdreg $0x0  }
0xb0: {  	[dreg:$0x4] =	wrdreg $0x9  }
0xb1: {  	_ =	task.clear_ibuf [dreg:s6], $0x5FFFF;
	_ =	strace $0x90000049  }
0xb2: {  	s29 =	simm.s32 $0x9;
	_ =	strace $0x8000004B  }
0xb3: {  	_ =	swait.ge [sflag:s29], $0x1  }
0xb4: {  	[sflag:s29] =	ssyncadd.s32 $0xFFFFFFFF  }
0xb5: {  	_ =	strace $0x9000004B  }
0xb6: {  	_ =	sfence  }
0xb7: {  	s30 =	sld [smem:$0x0];
	_ =	sdelay $0x2  }
0xb8: {  	s31 =	sshll.u32 s1, $0xD;
	s1 =	sshrl.u32 s1, $0x2  }
0xb9: {  	s3 =	sand.u32 $0x4000, s31;
	s1 =	sadd.s32 s1, s30  }
0xba: {  	s0 =	sor.u32 s3, s0;
	s1 =	sshll.u32 s1, $0x11  }
0xbb: {  	s0 =	sor.u32 s1, s0  }
0xbc: {  	s0 =	sadd.s32 $0x8F2B, s0  }
0xbd: {  	[sflag:s0] =	ssyncadd.remote.s32 $0x1  }
0xbe: {  	_ =	sfence.sel $0xFFFF  }
0xbf: {  	[dreg:$0x0] =	wrdreg $0xFFFFFFFF;
	(pc) =	sbr.abs _section_cstart, $3  }
0xc0: {  	[dreg:$0x1] =	wrdreg $0xFFFFFFFF  }
0xc1: {  	_ =	task.clear_ibuf [dreg:s6], $0x2FFFF;
	_ =	strace $0x9FFFFFFF  }
0xc2: {  	(tm) =	ssettm $0x7FFFFFFF  }
0xc3: {  	_ =	shalt  }
tec
execute0_lowered:
.L_overlay_start_1:
0x0: {  	(tag) =	ssettag $0x1  }
0x1: {  	s0 =	srdreg.scid  }
0x2: {  	s15 =	stileid.u32;
	s1 =	rddreg [dreg:$0x0]  }
0x3: {  	s2 =	rddreg [dreg:$0x1];
	s4 =	simm.s32 $0x0;
	s30 =	simm.s32 $0xEF00  }
0x4: {  	s31 =	simm.s32 $0x7;
	s29 =	simm.s32 $0xA;
	s28 =	simm.s32 $0xC  }
0x5: {  	s3 =	sand.u32 $0x1, s0;
	s14 =	sshll.u32 s15, $0x1;
	s18 =	smul.u32 $0x28000, s15  }
0x6: {  	[smem:$0x7FF] =	sst s4;
	s4 =	sadd.s32 $0x17400, s1;
	s19 =	smul.u32 $0x280, s15  }
0x7: {  	s0 =	sor.u32 s3, s14;
	_ =	strace $0x8000004A;
	s16 =	ssub.s32 $0x2, s3  }
0x8: {  	s3 =	sshll.u32 s3, $0x6;
	s0 =	smul.u32 $0x9C4, s0;
	s22 =	sadd.s32 $0x80, s19  }
0x9: {  	s8 =	sshrl.u32 s16, $0x1;
	s20 =	sshrl.u32 s18, $0x2;
	s12 =	sshll.u32 s22, $0x6  }
0xa: {  	s6 =	sshrl.u32 s0, $0x5;
	s9 =	sadd.s32 $0x9C4, s0;
	s0 =	ssub.s32 s16, s8  }
0xb: {  	s8 =	simm.s32 $0x1;
	s5 =	sshll.u32 s6, $0x4;
	s17 =	sshrl.u32 s9, $0x5  }
0xc: {  	s0 =	smax.u32 s0, $0x1;
	s7 =	sadd.s32 s5, s1;
	s1 =	sadd.s32 $0x2AE00, s1  }
0xd: {  	s5 =	ssub.s32 s17, s6;
	p0 =	sne.s32 s17, s6;
	[dreg:$0x16] =	wrdreg s0  }
0xe: {  	s10 =	sadd.s32 $0x3A00, s7;
	s7 =	sadd.s32 $0xD640, s7;
	s21 =	smul.u32 $0xFFFFAAAB, s5  }
0xf: {  	s11 =	sshll.u32 s5, $0x10;
	s14 =	sshra.s32 s5, $0x1F;
	[dreg:$0x3] =	wrdreg s10  }
0x10: {  	s8 =	simm.s32 @!p0 $0x0;
	[dreg:$0x4] =	wrdreg s7;
	s7 =	sadd.s32 s20, s2  }
0x11: {  	s11 =	sshra.s32 s11, $0x10;
	s8 =	sor.u32 s8, s14;
	s14 =	sadd.s32 $0x200, s19  }
0x12: {  	s20 =	smul.u32 $0x14000, s15;
	s15 =	simm.s32 $0x16F00;
	[dreg:$0x5] =	wrdreg s7  }
0x13: {  	s9 =	sadd.s32 $0x2AAA, s21;
	s11 =	smul.u32 $0x2AAB, s11;
	p6 =	sne.s32 s8, $0x1  }
0x14: {  	s18 =	sshll.u32 s14, $0x6;
	s7 =	sshll.u32 s22, $0x7;
	s23 =	sand.u32 $0xFFFE, s9  }
0x15: {  	s9 =	sshll.u32 s9, $0xF;
	s7 =	sor.u32 s3, s7;
	s6 =	sshrl.u32 s23, $0x1  }
0x16: {  	s24 =	sshrl.u32 s11, $0x1F;
	s11 =	sshrl.u32 s11, $0x10;
	s23 =	sadd.s32 s18, s2  }
0x17: {  	s7 =	sshrl.u32 s7, $0x3;
	s6 =	sor.u32 s9, s6;
	s25 =	sadd.s32 s24, s11  }
0x18: {  	s9 =	simm.s32 $0x1;
	s24 =	sadd.s32 s12, s2;
	s11 =	sor.u32 s3, s20  }
0x19: {  	s7 =	sadd.s32 s1, s7;
	[dreg:$0xa] =	wrdreg s23;
	s6 =	sand.u32 $0xFFFF, s6  }
0x1a: {  	s8 =	sshll.u32 s25, $0x10;
	s11 =	sshrl.u32 s11, $0x3;
	[dreg:$0xc] =	wrdreg s7  }
0x1b: {  	s7 =	simm.s32 $0x12F00;
	[dreg:$0x6] =	wrdreg s24;
	p1 =	sgt.u32 s6, $0x2AAA  }
0x1c: {  	s6 =	sadd.s32 $0x100, s19;
	s8 =	sshra.s32 s8, $0x10;
	s11 =	sadd.s32 s1, s11  }
0x1d: {  	p0 =	por !p1, !p6;
	s26 =	sshll.u32 s6, $0x6;
	s6 =	sshll.u32 s6, $0x7  }
0x1e: {  	[dreg:$0xb] =	wrdreg s11;
	p0 =	por !p0, !p0;
	s6 =	sor.u32 s3, s6  }
0x1f: {  	s13 =	sadd.s32 s26, s2;
	s9 =	simm.s32 @!p0 $0x0;
	s6 =	sshrl.u32 s6, $0x3  }
0x20: {  	s12 =	smov.u32 s13;
	s16 =	ssub.s32 s8, s9;
	s9 =	sadd.s32 $0x180, s19  }
0x21: {  	s6 =	sadd.s32 s1, s6;
	[dreg:$0x7] =	wrdreg s12;
	s10 =	smul.u32 $0x6, s16  }
0x22: {  	s17 =	sshll.u32 s9, $0x6;
	s19 =	smul.u32 $0xC00, s16;
	[dreg:$0xd] =	wrdreg s6  }
0x23: {  	s8 =	sshll.u32 s9, $0x7;
	s9 =	sshll.u32 s14, $0x7;
	[dreg:$0x8] =	wrdreg s16  }
0x24: {  	s25 =	sadd.s32 s17, s2;
	s8 =	sor.u32 s3, s8;
	s3 =	sor.u32 s3, s9  }
0x25: {  	s21 =	sor.u32 $0x1, s10;
	s26 =	sadd.s32 $0x2, s10;
	s8 =	sshrl.u32 s8, $0x3  }
0x26: {  	s3 =	sshrl.u32 s3, $0x3;
	s14 =	sshra.s32 s19, $0x2;
	s19 =	sadd.s32 $0x3, s10  }
0x27: {  	p3 =	sge.s32 s10, s5;
	[dreg:$0x9] =	wrdreg s25;
	s22 =	sshll.u32 s21, $0x9  }
0x28: {  	s6 =	sadd.s32 s1, s8;
	s1 =	sadd.s32 s1, s3;
	s11 =	sshll.u32 s26, $0x9  }
0x29: {  	s3 =	sadd.s32 $0xC780, s14;
	p0 =	sge.s32 s21, s5;
	p1 =	sge.s32 s26, s5  }
0x2a: {  	s20 =	sshll.u32 s19, $0x9;
	p2 =	sge.s32 s19, s5;
	s21 =	sadd.s32 $0x4, s10  }
0x2b: {  	s14 =	simm.s32 $0x14F00;
	s19 =	simm.s32 $0x5;
	[dreg:$0xe] =	wrdreg s6  }
0x2c: {  	[dreg:$0xf] =	wrdreg s1;
	s17 =	sshra.s32 s22, $0x2;
	s1 =	sshra.s32 s11, $0x2  }
0x2d: {  	[dreg:$0x10] =	wrdreg s3;
	s22 =	sadd.s32 $0x5, s10;
	p4 =	sge.s32 s21, s5  }
0x2e: {  	s3 =	sshra.s32 s20, $0x2;
	s11 =	simm.s32 $0x2;
	s20 =	simm.s32 $0x6  }
0x2f: {  	s18 =	sadd.s32 $0xC780, s17;
	s1 =	sadd.s32 $0xC780, s1;
	p5 =	sge.s32 s22, s5  }
0x30: {  	s6 =	sshll.u32 s22, $0x9;
	s3 =	sadd.s32 $0xC780, s3;
	[dreg:$0x11] =	wrdreg s18  }
0x31: {  	s17 =	simm.s32 $0x3;
	s22 =	simm.s32 $0x0;
	[dreg:$0x12] =	wrdreg s1  }
0x32: {  	s1 =	simm.s32 @!p0 $0x0;
	s6 =	sshra.s32 s6, $0x2;
	[dreg:$0x13] =	wrdreg s3  }
0x33: {  	s3 =	simm.s32 $0x80;
	s18 =	simm.s32 $0x4;
	s1 =	simm.s32 @p0 $0x1  }
0x34: {  	s26 =	sadd.s32 $0xC780, s6;
	p0 =	slt.s32 s16, $0x1;
	s6 =	simm.s32 $0x10F00  }
.Ltmp0:
0x35: {  	s16 =	simm.s32 $0x18F00;
	[smem:$0x7FC] =	sst s1;
	(pc) =	sbr.rel .LBB2_1-.Ltmp0, $4  }
0x36: {  	s1 =	sshll.u32 s21, $0x9;
	[dreg:$0x15] =	wrdreg s26;
	s0 =	simm.s32 @!p0 $0x0  }
0x37: {  	s26 =	simm.s32 $0x1;
	s1 =	sshra.s32 s1, $0x2;
	s0 =	simm.s32 @p0 $0x1  }
0x38: {  	s21 =	simm.s32 $0xB;
	s1 =	sadd.s32 $0xC780, s1;
	[smem:$0x7FD] =	sst s0  }
0x39: {  	v0 =	vimm.f32 $0.0e+00;
	s0 =	simm.s32 $0x9;
	[dreg:$0x14] =	wrdreg s1;
	s1 =	simm.s32 $0x8  }
.LBB2_6:
0x3a: {  	[tilespmem:s9], [sflag:$0x6] =	stream.indirect.gather @!p0 [hbm4b:s4+s12], $0x40, s10, s12, $0xb8;
	[tilespmem:$0x1AF00] =	vst v63  }
0x3b: {  	s13 =	rddreg [dreg:$0x5]  }
0x3c: {  	s24 =	rddreg [dreg:$0x6]  }
0x3d: {  	s12 =	rddreg [dreg:$0x7]  }
0x3e: {  	s25 =	rddreg [dreg:$0x9]  }
0x3f: {  	s22 =	rddreg [dreg:$0x17]  }
.LBB2_7:
0x40: {  	s8 =	simm.s32 @!p3 $0x1  }
0x41: {  	_ =	swait.ge @!p3 [sflag:s8], $0x2000  }
0x42: {  	s9 =	simm.s32 @!p3 $0xEF00;
	[sflag:s8] =	ssyncset.done @!p3 $0x0  }
0x43: {  	s10 =	rddreg [dreg:$0x10];
	[sflag:s8] =	ssyncadd.s32 @!p3 $0xFFFFE000;
	s8 =	simm.s32 @!p3 $0x80  }
0x44: {  	[spmem:s2] =	stream.indirect.scatter.add.f32 @!p3 [tilespmem:s9], [sflag:$0xD], $0x40, s10, s8, $0xb8;
	[tilespmem:$0x1AF00] =	vst v63  }
0x45: {  	s8 =	simm.s32 @!p3 $0xD  }
0x46: {  	_ =	swait.ge @!p3 [sflag:s8], $0x2000  }
0x47: {  	s9 =	sld [smem:$0x7FC];
	_ =	sdelay $0x2  }
0x48: {  	[sflag:s8] =	ssyncset.done @!p3 $0x0;
	p0 =	seq.s32 s9, $0x1  }
0x49: {  	[sflag:s8] =	ssyncadd.s32 @!p3 $0xFFFFE000;
	s8 =	simm.s32 @!p0 $0x2  }
0x4a: {  	_ =	swait.ge @!p0 [sflag:s8], $0x2000  }
0x4b: {  	s9 =	simm.s32 @!p0 $0x10F00;
	[sflag:s8] =	ssyncset.done @!p0 $0x0  }
0x4c: {  	s10 =	rddreg [dreg:$0x11];
	[sflag:s8] =	ssyncadd.s32 @!p0 $0xFFFFE000;
	s8 =	simm.s32 @!p0 $0x80  }
0x4d: {  	[spmem:s2] =	stream.indirect.scatter.add.f32 @!p0 [tilespmem:s9], [sflag:$0xD], $0x40, s10, s8, $0xb8;
	[tilespmem:$0x1AF00] =	vst v63  }
0x4e: {  	s8 =	simm.s32 @!p0 $0xD  }
0x4f: {  	_ =	swait.ge @!p0 [sflag:s8], $0x2000  }
0x50: {  	[sflag:s8] =	ssyncset.done @!p0 $0x0  }
0x51: {  	[sflag:s8] =	ssyncadd.s32 @!p0 $0xFFFFE000;
	s8 =	simm.s32 @!p1 $0x3  }
0x52: {  	_ =	swait.ge @!p1 [sflag:s8], $0x2000  }
0x53: {  	s9 =	simm.s32 @!p1 $0x12F00;
	[sflag:s8] =	ssyncset.done @!p1 $0x0  }
0x54: {  	s10 =	rddreg [dreg:$0x12];
	[sflag:s8] =	ssyncadd.s32 @!p1 $0xFFFFE000;
	s8 =	simm.s32 @!p1 $0x80  }
0x55: {  	[spmem:s2] =	stream.indirect.scatter.add.f32 @!p1 [tilespmem:s9], [sflag:$0xD], $0x40, s10, s8, $0xb8;
	[tilespmem:$0x1AF00] =	vst v63  }
0x56: {  	s8 =	simm.s32 @!p1 $0xD  }
0x57: {  	_ =	swait.ge @!p1 [sflag:s8], $0x2000  }
0x58: {  	[sflag:s8] =	ssyncset.done @!p1 $0x0  }
0x59: {  	[sflag:s8] =	ssyncadd.s32 @!p1 $0xFFFFE000;
	s8 =	simm.s32 @!p2 $0x4  }
0x5a: {  	_ =	swait.ge @!p2 [sflag:s8], $0x2000  }
0x5b: {  	s9 =	simm.s32 @!p2 $0x14F00;
	[sflag:s8] =	ssyncset.done @!p2 $0x0  }
0x5c: {  	s10 =	rddreg [dreg:$0x13];
	[sflag:s8] =	ssyncadd.s32 @!p2 $0xFFFFE000;
	s8 =	simm.s32 @!p2 $0x80  }
0x5d: {  	[spmem:s2] =	stream.indirect.scatter.add.f32 @!p2 [tilespmem:s9], [sflag:$0xD], $0x40, s10, s8, $0xb8;
	[tilespmem:$0x1AF00] =	vst v63  }
0x5e: {  	s8 =	simm.s32 @!p2 $0xD  }
0x5f: {  	_ =	swait.ge @!p2 [sflag:s8], $0x2000  }
0x60: {  	[sflag:s8] =	ssyncset.done @!p2 $0x0  }
0x61: {  	[sflag:s8] =	ssyncadd.s32 @!p2 $0xFFFFE000;
	s8 =	simm.s32 @!p4 $0x5  }
0x62: {  	_ =	swait.ge @!p4 [sflag:s8], $0x2000  }
0x63: {  	s9 =	simm.s32 @!p4 $0x16F00;
	[sflag:s8] =	ssyncset.done @!p4 $0x0  }
0x64: {  	s10 =	rddreg [dreg:$0x14];
	[sflag:s8] =	ssyncadd.s32 @!p4 $0xFFFFE000;
	s8 =	simm.s32 @!p4 $0x80  }
0x65: {  	[spmem:s2] =	stream.indirect.scatter.add.f32 @!p4 [tilespmem:s9], [sflag:$0xD], $0x40, s10, s8, $0xb8;
	[tilespmem:$0x1AF00] =	vst v63  }
0x66: {  	s8 =	simm.s32 @!p4 $0xD  }
0x67: {  	_ =	swait.ge @!p4 [sflag:s8], $0x2000  }
0x68: {  	[sflag:s8] =	ssyncset.done @!p4 $0x0  }
0x69: {  	[sflag:s8] =	ssyncadd.s32 @!p4 $0xFFFFE000;
	s8 =	simm.s32 @!p5 $0x6  }
0x6a: {  	_ =	swait.ge @!p5 [sflag:s8], $0x2000  }
0x6b: {  	s9 =	simm.s32 @!p5 $0x18F00;
	[sflag:s8] =	ssyncset.done @!p5 $0x0  }
0x6c: {  	s10 =	rddreg [dreg:$0x15];
	[sflag:s8] =	ssyncadd.s32 @!p5 $0xFFFFE000;
	s8 =	simm.s32 @!p5 $0x80  }
0x6d: {  	[spmem:s2] =	stream.indirect.scatter.add.f32 @!p5 [tilespmem:s9], [sflag:$0xD], $0x40, s10, s8, $0xb8;
	[tilespmem:$0x1AF00] =	vst v63  }
0x6e: {  	s8 =	simm.s32 @!p5 $0xD  }
0x6f: {  	_ =	swait.ge @!p5 [sflag:s8], $0x2000  }
0x70: {  	[sflag:s8] =	ssyncset.done @!p5 $0x0  }
0x71: {  	[sflag:s8] =	ssyncadd.s32 @!p5 $0xFFFFE000  }
0x72: {  	[bflag:$0x0] =	sbarrier.arrive $0xFFFF  }
0x73: {  	[tilespmem:s30], [sflag:$0x1] =	stream.linear.gather [spmem:s13], $0x2000, $0x38;
	[tilespmem:$0x1AF00] =	vst v63  }
0x74: {  	_ =	swait.ge [sflag:s26], $0x2000  }
0x75: {  	[sflag:s26] =	ssyncset.done $0x0  }
0x76: {  	s9 =	simm.s32 $0x40;
	s10 =	rddreg [dreg:$0xb];
	[sflag:s26] =	ssyncadd.s32 $0xFFFFE000  }
0x77: {  	[hbm4b:s10+s9] =	stream.strided.scatter [tilespmem:s30], [sflag:$0x7], $0x2000, s3, s9, $0x38;
	[tilespmem:$0x1AF00] =	vst v63  }
0x78: {  	s23 =	smov.u32 s25  }
0x79: {  	[tilespmem:s6], [sflag:$0x2] =	stream.linear.gather [spmem:s24], $0x2000, $0x38;
	[tilespmem:$0x1AF00] =	vst v63  }
0x7a: {  	s25 =	smov.u32 s23;
	s23 =	rddreg [dreg:$0xa];
	_ =	swait.ge [sflag:s11], $0x2000  }
0x7b: {  	[sflag:s11] =	ssyncset.done $0x0  }
0x7c: {  	s13 =	rddreg [dreg:$0xc];
	[sflag:s11] =	ssyncadd.s32 $0xFFFFE000  }
0x7d: {  	[hbm4b:s13+s9] =	stream.strided.scatter [tilespmem:s6], [sflag:$0x8], $0x2000, s3, s9, $0x38;
	[tilespmem:$0x1AF00] =	vst v63  }
0x7e: {  	_ = 	snop  }
0x7f: {  	[tilespmem:s7], [sflag:$0x3] =	stream.linear.gather [spmem:s12], $0x2000, $0x38;
	[tilespmem:$0x1AF00] =	vst v63  }
0x80: {  	_ =	swait.ge [sflag:s17], $0x2000  }
0x81: {  	[sflag:s17] =	ssyncset.done $0x0  }
0x82: {  	s10 =	rddreg [dreg:$0xd];
	[sflag:s17] =	ssyncadd.s32 $0xFFFFE000  }
0x83: {  	[hbm4b:s10+s9] =	stream.strided.scatter [tilespmem:s7], [sflag:$0x9], $0x2000, s3, s9, $0x38;
	[tilespmem:$0x1AF00] =	vst v63  }
0x84: {  	_ = 	snop  }
0x85: {  	[tilespmem:s14], [sflag:$0x4] =	stream.linear.gather [spmem:s25], $0x2000, $0x38;
	[tilespmem:$0x1AF00] =	vst v63  }
0x86: {  	_ =	swait.ge [sflag:s18], $0x2000  }
0x87: {  	[sflag:s18] =	ssyncset.done $0x0  }
0x88: {  	s13 =	rddreg [dreg:$0xe];
	[sflag:s18] =	ssyncadd.s32 $0xFFFFE000  }
0x89: {  	[hbm4b:s13+s9] =	stream.strided.scatter [tilespmem:s14], [sflag:$0xA], $0x2000, s3, s9, $0x38;
	[tilespmem:$0x1AF00] =	vst v63  }
0x8a: {  	_ = 	snop  }
0x8b: {  	[tilespmem:s15], [sflag:$0x5] =	stream.linear.gather [spmem:s23], $0x2000, $0x38;
	[tilespmem:$0x1AF00] =	vst v63  }
0x8c: {  	_ =	swait.ge [sflag:s19], $0x2000  }
0x8d: {  	[sflag:s19] =	ssyncset.done $0x0  }
0x8e: {  	s10 =	rddreg [dreg:$0xf];
	[sflag:s19] =	ssyncadd.s32 $0xFFFFE000  }
0x8f: {  	[hbm4b:s10+s9] =	stream.strided.scatter [tilespmem:s15], [sflag:$0xB], $0x2000, s3, s9, $0x38;
	[tilespmem:$0x1AF00] =	vst v63  }
0x90: {  	_ =	swait.ge [sflag:s31], $0x2000  }
0x91: {  	[sflag:s31] =	ssyncset.done $0x0  }
0x92: {  	[sflag:s31] =	ssyncadd.s32 $0xFFFFE000  }
0x93: {  	_ =	swait.ge [sflag:s1], $0x2000  }
0x94: {  	[sflag:s1] =	ssyncset.done $0x0  }
0x95: {  	[sflag:s1] =	ssyncadd.s32 $0xFFFFE000  }
0x96: {  	_ =	swait.ge [sflag:s0], $0x2000  }
0x97: {  	[sflag:s0] =	ssyncset.done $0x0  }
0x98: {  	[sflag:s0] =	ssyncadd.s32 $0xFFFFE000  }
0x99: {  	_ =	swait.ge [sflag:s29], $0x2000  }
0x9a: {  	[sflag:s29] =	ssyncset.done $0x0  }
0x9b: {  	[sflag:s29] =	ssyncadd.s32 $0xFFFFE000  }
0x9c: {  	_ =	swait.ge [sflag:s21], $0x2000  }
0x9d: {  	s22 =	sadd.s32 $0x1, s22;
	s13 =	rddreg [dreg:$0x16]  }
0x9e: {  	p0 =	sne.s32 s22, s13  }
.Ltmp1:
0x9f: {  	_ = 	snop;
	(pc) =	sbr.rel @!p0 .LBB2_8-.Ltmp1, $3  }
0xa0: {  	_ =	sdelay $0x1  }
0xa1: {  	[sflag:s21] =	ssyncset.done $0x0  }
0xa2: {  	[sflag:s21] =	ssyncadd.s32 $0xFFFFE000  }
.LBB2_1:
0xa3: {  	[dreg:$0x17] =	wrdreg s22  }
0xa4: {  	s8 =	simm.s32 $0x0;
	s9 =	rddreg [dreg:$0x3];
	s10 =	simm.s32 $0xA000  }
0xa5: {  	[tilespmem:s10], [sflag:$0x1] =	stream.linear.gather [hbm4b:s9+s8], $0x2780, $0x38;
	[tilespmem:$0x1AF00] =	vst v63  }
0xa6: {  	s13 =	rddreg [dreg:$0x4];
	s22 =	simm.s32 $0xC780  }
0xa7: {  	[tilespmem:s22], [sflag:$0x2] =	stream.linear.gather [hbm4b:s13+s8], $0x2780, $0x38;
	[tilespmem:$0x1AF00] =	vst v63  }
0xa8: {  	s9 =	simm.s32 $0x100;
	s8 =	simm.s32 $0x0  }
.LBB2_2:
0xa9: {  	p0 =	sne.s32 s9, $0x7F00;
	[tilespmem:s8+$0xEF30] =	vst v0;
	s10 =	smov.u32 s9;
	s9 =	sadd.s32 $0x100, s9  }
.Ltmp2:
0xaa: {  	[tilespmem:s8+$0xEF20] =	vst v0;
	(pc) =	sbr.rel @p0 .LBB2_2-.Ltmp2, $3  }
0xab: {  	[tilespmem:s8+$0xEF00] =	vst v0  }
0xac: {  	[tilespmem:s8+$0xEF10] =	vst v0;
	_ =	sdelay $0x1  }
0xad: {  	s8 =	sshra.s32 s10, $0x2  }
0xae: {  	[tilespmem:s8+$0xEF30] =	vst v0  }
0xaf: {  	[tilespmem:s8+$0xEF20] =	vst v0  }
0xb0: {  	[tilespmem:s8+$0xEF00] =	vst v0  }
0xb1: {  	[tilespmem:s8+$0xEF10] =	vst v0;
	s13 =	rddreg [dreg:$0x5]  }
0xb2: {  	[spmem:s13] =	stream.linear.scatter [tilespmem:s30], [sflag:$0x7], $0x2000, $0x38;
	[tilespmem:$0x1AF00] =	vst v63  }
0xb3: {  	_ = 	snop  }
0xb4: {  	[spmem:s24] =	stream.linear.scatter [tilespmem:s30], [sflag:$0x8], $0x2000, $0x38;
	[tilespmem:$0x1AF00] =	vst v63  }
0xb5: {  	_ = 	snop  }
0xb6: {  	[spmem:s12] =	stream.linear.scatter [tilespmem:s30], [sflag:$0x9], $0x2000, $0x38;
	[tilespmem:$0x1AF00] =	vst v63  }
0xb7: {  	_ = 	snop  }
0xb8: {  	[spmem:s25] =	stream.linear.scatter [tilespmem:s30], [sflag:$0xA], $0x2000, $0x38;
	[tilespmem:$0x1AF00] =	vst v63  }
0xb9: {  	_ = 	snop  }
0xba: {  	[spmem:s23] =	stream.linear.scatter [tilespmem:s30], [sflag:$0xB], $0x2000, $0x38;
	[tilespmem:$0x1AF00] =	vst v63  }
0xbb: {  	_ =	swait.ge [sflag:s31], $0x2000  }
0xbc: {  	[sflag:s31] =	ssyncset.done $0x0  }
0xbd: {  	[sflag:s31] =	ssyncadd.s32 $0xFFFFE000  }
0xbe: {  	_ =	swait.ge [sflag:s1], $0x2000  }
0xbf: {  	[sflag:s1] =	ssyncset.done $0x0  }
0xc0: {  	[sflag:s1] =	ssyncadd.s32 $0xFFFFE000  }
0xc1: {  	_ =	swait.ge [sflag:s0], $0x2000  }
0xc2: {  	[sflag:s0] =	ssyncset.done $0x0  }
0xc3: {  	[sflag:s0] =	ssyncadd.s32 $0xFFFFE000  }
0xc4: {  	_ =	swait.ge [sflag:s29], $0x2000  }
0xc5: {  	[sflag:s29] =	ssyncset.done $0x0  }
0xc6: {  	s9 =	simm.s32 $0xB;
	[sflag:s29] =	ssyncadd.s32 $0xFFFFE000  }
0xc7: {  	_ =	swait.ge [sflag:s9], $0x2000  }
0xc8: {  	[sflag:s9] =	ssyncset.done $0x0  }
0xc9: {  	[sflag:s9] =	ssyncadd.s32 $0xFFFFE000  }
0xca: {  	_ =	swait.ge [sflag:s26], $0x2780  }
0xcb: {  	[sflag:s26] =	ssyncset.done $0x0  }
0xcc: {  	[sflag:s26] =	ssyncadd.s32 $0xFFFFD880  }
0xcd: {  	_ =	swait.ge [sflag:s11], $0x2780  }
0xce: {  	[sflag:s11] =	ssyncset.done $0x0  }
0xcf: {  	[sflag:s11] =	ssyncadd.s32 $0xFFFFD880  }
0xd0: {  	s10 =	simm.s32 $0xA000;
	[bflag:$0x0] =	sbarrier.arrive $0xFFFF  }
0xd1: {  	[tilespmem:s30], [sflag:$0x1] =	stream.indirect.gather [hbm4b:s4+s3], $0x40, s10, s3, $0xb8;
	[tilespmem:$0x1AF00] =	vst v63  }
0xd2: {  	s22 =	simm.s32 $0xA080  }
0xd3: {  	[tilespmem:s6], [sflag:$0x2] =	stream.indirect.gather [hbm4b:s4+s3], $0x40, s22, s3, $0xb8;
	[tilespmem:$0x1AF00] =	vst v63  }
0xd4: {  	s23 =	simm.s32 $0xA100  }
0xd5: {  	[tilespmem:s7], [sflag:$0x3] =	stream.indirect.gather [hbm4b:s4+s3], $0x40, s23, s3, $0xb8;
	[tilespmem:$0x1AF00] =	vst v63  }
0xd6: {  	s23 =	sld [smem:$0x7FD]  }
0xd7: {  	s9 =	simm.s32 $0xA180  }
0xd8: {  	[tilespmem:s14], [sflag:$0x4] =	stream.indirect.gather [hbm4b:s4+s3], $0x40, s9, s3, $0xb8;
	[tilespmem:$0x1AF00] =	vst v63  }
0xd9: {  	p0 =	seq.s32 s23, $0x1  }
.Ltmp3:
0xda: {  	s10 =	simm.s32 $0xA200;
	(pc) =	sbr.rel @p0 .LBB2_7-.Ltmp3, $4  }
0xdb: {  	[tilespmem:s15], [sflag:$0x5] =	stream.indirect.gather [hbm4b:s4+s3], $0x40, s10, s3, $0xb8;
	[tilespmem:$0x1AF00] =	vst v63  }
0xdc: {  	s22 =	simm.s32 $0xA280  }
0xdd: {  	[tilespmem:s16], [sflag:$0x6] =	stream.indirect.gather [hbm4b:s4+s3], $0x40, s22, s3, $0xb8;
	[tilespmem:$0x1AF00] =	vst v63  }
0xde: {  	s22 =	rddreg [dreg:$0x17]  }
0xdf: {  	_ =	swait.ge [sflag:s26], $0x2000  }
0xe0: {  	[sflag:s26] =	ssyncset.done $0x0  }
0xe1: {  	s8 =	simm.s32 $0xC780;
	[sflag:s26] =	ssyncadd.s32 $0xFFFFE000  }
0xe2: {  	[spmem:s2] =	stream.indirect.scatter.add.f32 [tilespmem:s30], [sflag:$0x7], $0x40, s8, s3, $0xb8;
	[tilespmem:$0x1AF00] =	vst v63  }
0xe3: {  	_ =	swait.ge [sflag:s11], $0x2000  }
0xe4: {  	[sflag:s11] =	ssyncset.done $0x0  }
0xe5: {  	s12 =	simm.s32 $0xC800;
	[sflag:s11] =	ssyncadd.s32 $0xFFFFE000  }
0xe6: {  	[spmem:s2] =	stream.indirect.scatter.add.f32 [tilespmem:s6], [sflag:$0x8], $0x40, s12, s3, $0xb8;
	[tilespmem:$0x1AF00] =	vst v63  }
0xe7: {  	_ =	swait.ge [sflag:s17], $0x2000  }
0xe8: {  	[sflag:s17] =	ssyncset.done $0x0  }
0xe9: {  	s13 =	simm.s32 $0xC880;
	[sflag:s17] =	ssyncadd.s32 $0xFFFFE000  }
0xea: {  	[spmem:s2] =	stream.indirect.scatter.add.f32 [tilespmem:s7], [sflag:$0x9], $0x40, s13, s3, $0xb8;
	[tilespmem:$0x1AF00] =	vst v63  }
0xeb: {  	_ =	swait.ge [sflag:s18], $0x2000  }
0xec: {  	[sflag:s18] =	ssyncset.done $0x0  }
0xed: {  	s22 =	simm.s32 $0xC900;
	[sflag:s18] =	ssyncadd.s32 $0xFFFFE000  }
0xee: {  	[spmem:s2] =	stream.indirect.scatter.add.f32 [tilespmem:s14], [sflag:$0xA], $0x40, s22, s3, $0xb8;
	[tilespmem:$0x1AF00] =	vst v63  }
0xef: {  	_ =	swait.ge [sflag:s19], $0x2000  }
0xf0: {  	[sflag:s19] =	ssyncset.done $0x0  }
0xf1: {  	s23 =	simm.s32 $0xC980;
	[sflag:s19] =	ssyncadd.s32 $0xFFFFE000  }
0xf2: {  	[spmem:s2] =	stream.indirect.scatter.add.f32 [tilespmem:s15], [sflag:$0xB], $0x40, s23, s3, $0xb8;
	[tilespmem:$0x1AF00] =	vst v63  }
0xf3: {  	_ =	swait.ge [sflag:s20], $0x2000  }
0xf4: {  	[sflag:s20] =	ssyncset.done $0x0  }
0xf5: {  	s24 =	simm.s32 $0xCA00;
	[sflag:s20] =	ssyncadd.s32 $0xFFFFE000  }
0xf6: {  	[spmem:s2] =	stream.indirect.scatter.add.f32 [tilespmem:s16], [sflag:$0xC], $0x40, s24, s3, $0xb8;
	[tilespmem:$0x1AF00] =	vst v63  }
0xf7: {  	p0 =	sle.s32 s5, $0x6;
	_ =	swait.ge [sflag:s31], $0x2000  }
0xf8: {  	s9 =	simm.s32 @!p0 $0xA300;
	[sflag:s31] =	ssyncset.done $0x0  }
0xf9: {  	s10 =	simm.s32 @!p0 $0x80;
	s8 =	simm.s32 @!p0 $0xEF00;
	[sflag:s31] =	ssyncadd.s32 $0xFFFFE000  }
0xfa: {  	[tilespmem:s8], [sflag:$0x1] =	stream.indirect.gather @!p0 [hbm4b:s4+s10], $0x40, s9, s10, $0xb8;
	[tilespmem:$0x1AF00] =	vst v63  }
0xfb: {  	p0 =	sle.s32 s5, $0x7;
	_ =	swait.ge [sflag:s1], $0x2000  }
0xfc: {  	s8 =	simm.s32 @!p0 $0x10F00;
	[sflag:s1] =	ssyncset.done $0x0  }
0xfd: {  	s9 =	simm.s32 @!p0 $0xA380;
	s10 =	simm.s32 @!p0 $0x80;
	[sflag:s1] =	ssyncadd.s32 $0xFFFFE000  }
0xfe: {  	[tilespmem:s8], [sflag:$0x2] =	stream.indirect.gather @!p0 [hbm4b:s4+s10], $0x40, s9, s10, $0xb8;
	[tilespmem:$0x1AF00] =	vst v63  }
0xff: {  	p0 =	sle.s32 s5, $0x8;
	_ =	swait.ge [sflag:s0], $0x2000  }
0x100: {  	s8 =	simm.s32 @!p0 $0x12F00;
	[sflag:s0] =	ssyncset.done $0x0  }
0x101: {  	s9 =	simm.s32 @!p0 $0xA400;
	s10 =	simm.s32 @!p0 $0x80;
	[sflag:s0] =	ssyncadd.s32 $0xFFFFE000  }
0x102: {  	[tilespmem:s8], [sflag:$0x3] =	stream.indirect.gather @!p0 [hbm4b:s4+s10], $0x40, s9, s10, $0xb8;
	[tilespmem:$0x1AF00] =	vst v63  }
0x103: {  	p0 =	sle.s32 s5, $0x9  }
0x104: {  	_ =	swait.ge [sflag:s29], $0x2000;
	s8 =	simm.s32 @!p0 $0x14F00  }
0x105: {  	s9 =	simm.s32 @!p0 $0xA480;
	[sflag:s29] =	ssyncset.done $0x0;
	s25 =	rddreg [dreg:$0x8]  }
0x106: {  	s10 =	simm.s32 @!p0 $0x80;
	[sflag:s29] =	ssyncadd.s32 $0xFFFFE000;
	s24 =	sadd.s32 $0xFFFFFFFF, s25  }
0x107: {  	[tilespmem:s8], [sflag:$0x4] =	stream.indirect.gather @!p0 [hbm4b:s4+s10], $0x40, s9, s10, $0xb8;
	[tilespmem:$0x1AF00] =	vst v63  }
0x108: {  	p0 =	sle.s32 s5, $0xA;
	p6 =	sne.s32 s24, $0x0;
	_ =	swait.ge [sflag:s21], $0x2000  }
0x109: {  	s8 =	simm.s32 @!p0 $0x16F00;
	s9 =	simm.s32 @!p0 $0xA500;
	[sflag:s21] =	ssyncset.done $0x0  }
.Ltmp4:
0x10a: {  	s10 =	simm.s32 @!p0 $0x80;
	[sflag:s21] =	ssyncadd.s32 $0xFFFFE000;
	(pc) =	sbr.rel @!p6 .LBB2_6-.Ltmp4, $4  }
0x10b: {  	[tilespmem:s8], [sflag:$0x5] =	stream.indirect.gather @!p0 [hbm4b:s4+s10], $0x40, s9, s10, $0xb8;
	[tilespmem:$0x1AF00] =	vst v63  }
0x10c: {  	s25 =	simm.s32 $0x11;
	p0 =	sle.s32 s5, $0xB;
	_ =	swait.ge [sflag:s28], $0x2000  }
0x10d: {  	s8 =	simm.s32 $0xC00;
	s9 =	simm.s32 @!p0 $0x18F00;
	[sflag:s28] =	ssyncset.done $0x0  }
0x10e: {  	s10 =	simm.s32 @!p0 $0xA580;
	s12 =	simm.s32 @!p0 $0x80;
	[sflag:s28] =	ssyncadd.s32 $0xFFFFE000  }
.LBB2_5:
0x10f: {  	[tilespmem:s9], [sflag:$0x6] =	stream.indirect.gather @!p0 [hbm4b:s4+s12], $0x40, s10, s12, $0xb8;
	[tilespmem:$0x1AF00] =	vst v63  }
0x110: {  	s24 =	sadd.s32 $0xFFFFFFFF, s24;
	s10 =	smov.u32 s25;
	s9 =	smov.u32 s8  }
0x111: {  	p6 =	sne.s32 s24, $0x0;
	_ =	swait.ge [sflag:s26], $0x2000  }
0x112: {  	s12 =	sshra.s32 s8, $0x2;
	[sflag:s26] =	ssyncset.done $0x0  }
0x113: {  	s13 =	sadd.s32 $0xC780, s12;
	[sflag:s26] =	ssyncadd.s32 $0xFFFFE000  }
0x114: {  	[spmem:s2] =	stream.indirect.scatter.add.f32 [tilespmem:s30], [sflag:$0x7], $0x40, s13, s3, $0xb8;
	[tilespmem:$0x1AF00] =	vst v63  }
0x115: {  	_ =	swait.ge [sflag:s11], $0x2000  }
0x116: {  	[sflag:s11] =	ssyncset.done $0x0  }
0x117: {  	s13 =	sadd.s32 $0xC800, s12;
	[sflag:s11] =	ssyncadd.s32 $0xFFFFE000  }
0x118: {  	[spmem:s2] =	stream.indirect.scatter.add.f32 [tilespmem:s6], [sflag:$0x8], $0x40, s13, s3, $0xb8;
	[tilespmem:$0x1AF00] =	vst v63  }
0x119: {  	_ =	swait.ge [sflag:s17], $0x2000  }
0x11a: {  	[sflag:s17] =	ssyncset.done $0x0  }
0x11b: {  	s13 =	sadd.s32 $0xC880, s12;
	[sflag:s17] =	ssyncadd.s32 $0xFFFFE000  }
0x11c: {  	[spmem:s2] =	stream.indirect.scatter.add.f32 [tilespmem:s7], [sflag:$0x9], $0x40, s13, s3, $0xb8;
	[tilespmem:$0x1AF00] =	vst v63  }
0x11d: {  	_ =	swait.ge [sflag:s18], $0x2000  }
0x11e: {  	[sflag:s18] =	ssyncset.done $0x0  }
0x11f: {  	s13 =	sadd.s32 $0xC900, s12;
	[sflag:s18] =	ssyncadd.s32 $0xFFFFE000  }
0x120: {  	[spmem:s2] =	stream.indirect.scatter.add.f32 [tilespmem:s14], [sflag:$0xA], $0x40, s13, s3, $0xb8;
	[tilespmem:$0x1AF00] =	vst v63  }
0x121: {  	_ =	swait.ge [sflag:s19], $0x2000  }
0x122: {  	[sflag:s19] =	ssyncset.done $0x0  }
0x123: {  	s13 =	sadd.s32 $0xC980, s12;
	[sflag:s19] =	ssyncadd.s32 $0xFFFFE000  }
0x124: {  	[spmem:s2] =	stream.indirect.scatter.add.f32 [tilespmem:s15], [sflag:$0xB], $0x40, s13, s3, $0xb8;
	[tilespmem:$0x1AF00] =	vst v63  }
0x125: {  	_ =	swait.ge [sflag:s20], $0x2000  }
0x126: {  	[sflag:s20] =	ssyncset.done $0x0  }
0x127: {  	s12 =	sadd.s32 $0xCA00, s12;
	s13 =	sadd.s32 $0xFFFFFFFB, s25;
	[sflag:s20] =	ssyncadd.s32 $0xFFFFE000  }
0x128: {  	[spmem:s2] =	stream.indirect.scatter.add.f32 [tilespmem:s16], [sflag:$0xC], $0x40, s12, s3, $0xb8;
	[tilespmem:$0x1AF00] =	vst v63  }
0x129: {  	p0 =	sge.s32 s13, s5;
	s12 =	sadd.s32 $0xFFFFFFFC, s25;
	_ =	swait.ge [sflag:s31], $0x2000  }
0x12a: {  	s13 =	sshra.s32 @!p0 s8, $0x2;
	s22 =	simm.s32 @!p0 $0xEF00;
	[sflag:s31] =	ssyncset.done $0x0  }
0x12b: {  	s23 =	simm.s32 @!p0 $0x80;
	s13 =	sadd.s32 @!p0 $0xA300, s13;
	[sflag:s31] =	ssyncadd.s32 $0xFFFFE000  }
0x12c: {  	[tilespmem:s22], [sflag:$0x1] =	stream.indirect.gather @!p0 [hbm4b:s4+s23], $0x40, s13, s23, $0xb8;
	[tilespmem:$0x1AF00] =	vst v63  }
0x12d: {  	p0 =	sge.s32 s12, s5;
	s12 =	sadd.s32 $0xFFFFFFFD, s25;
	_ =	swait.ge [sflag:s1], $0x2000  }
0x12e: {  	s13 =	sshra.s32 @!p0 s8, $0x2;
	s22 =	simm.s32 @!p0 $0x10F00;
	[sflag:s1] =	ssyncset.done $0x0  }
0x12f: {  	s23 =	simm.s32 @!p0 $0x80;
	s13 =	sadd.s32 @!p0 $0xA380, s13;
	[sflag:s1] =	ssyncadd.s32 $0xFFFFE000  }
0x130: {  	[tilespmem:s22], [sflag:$0x2] =	stream.indirect.gather @!p0 [hbm4b:s4+s23], $0x40, s13, s23, $0xb8;
	[tilespmem:$0x1AF00] =	vst v63  }
0x131: {  	p0 =	sge.s32 s12, s5;
	s12 =	sadd.s32 $0xFFFFFFFE, s25;
	_ =	swait.ge [sflag:s0], $0x2000  }
0x132: {  	s13 =	sshra.s32 @!p0 s8, $0x2;
	s22 =	simm.s32 @!p0 $0x12F00;
	[sflag:s0] =	ssyncset.done $0x0  }
0x133: {  	s23 =	simm.s32 @!p0 $0x80;
	s13 =	sadd.s32 @!p0 $0xA400, s13;
	[sflag:s0] =	ssyncadd.s32 $0xFFFFE000  }
0x134: {  	[tilespmem:s22], [sflag:$0x3] =	stream.indirect.gather @!p0 [hbm4b:s4+s23], $0x40, s13, s23, $0xb8;
	[tilespmem:$0x1AF00] =	vst v63  }
0x135: {  	p0 =	sge.s32 s12, s5;
	s12 =	sadd.s32 $0xFFFFFFFF, s25;
	_ =	swait.ge [sflag:s29], $0x2000  }
0x136: {  	s13 =	sshra.s32 @!p0 s8, $0x2;
	s22 =	simm.s32 @!p0 $0x14F00;
	[sflag:s29] =	ssyncset.done $0x0  }
0x137: {  	s23 =	simm.s32 @!p0 $0x80;
	s13 =	sadd.s32 @!p0 $0xA480, s13;
	[sflag:s29] =	ssyncadd.s32 $0xFFFFE000  }
0x138: {  	[tilespmem:s22], [sflag:$0x4] =	stream.indirect.gather @!p0 [hbm4b:s4+s23], $0x40, s13, s23, $0xb8;
	[tilespmem:$0x1AF00] =	vst v63  }
0x139: {  	p0 =	sge.s32 s12, s5  }
0x13a: {  	s25 =	sadd.s32 $0x6, s25;
	_ =	swait.ge [sflag:s21], $0x2000;
	s12 =	sshra.s32 @!p0 s8, $0x2  }
0x13b: {  	s13 =	simm.s32 @!p0 $0x16F00;
	s22 =	simm.s32 @!p0 $0x80;
	[sflag:s21] =	ssyncset.done $0x0  }
.Ltmp5:
0x13c: {  	s12 =	sadd.s32 @!p0 $0xA500, s12;
	[sflag:s21] =	ssyncadd.s32 $0xFFFFE000;
	(pc) =	sbr.rel @p6 .LBB2_5-.Ltmp5, $4  }
0x13d: {  	[tilespmem:s13], [sflag:$0x5] =	stream.indirect.gather @!p0 [hbm4b:s4+s22], $0x40, s12, s22, $0xb8;
	[tilespmem:$0x1AF00] =	vst v63  }
0x13e: {  	s8 =	sadd.s32 $0xC00, s8;
	p0 =	sge.s32 s10, s5;
	_ =	swait.ge [sflag:s28], $0x2000  }
0x13f: {  	s10 =	sshra.s32 @!p0 s9, $0x2;
	s9 =	simm.s32 @!p0 $0x18F00;
	[sflag:s28] =	ssyncset.done $0x0  }
0x140: {  	s12 =	simm.s32 @!p0 $0x80;
	s10 =	sadd.s32 @!p0 $0xA580, s10;
	[sflag:s28] =	ssyncadd.s32 $0xFFFFE000  }
.Ltmp6:
0x141: {  	_ = 	snop;
	(pc) =	sbr.rel .LBB2_6-.Ltmp6, $1  }
0x142: {  	_ =	sdelay $0x3  }
.LBB2_8:
0x143: {  	_ =	sfence.sel $0x180000  }
0x144: {  	[bflag:$0x0] =	sbarrier.arrive $0xFFFF  }
0x145: {  	_ =	strace $0x9000004A  }
0x146: {  	s0 =	stileid.u32;
	[bflag:$0x2] =	sbarrier.arrive $0xFFFF  }
0x147: {  	p0 =	sne.s32 s0, $0x0;
	s0 =	rddreg [dreg:$0x2]  }
0x148: {  	s0 =	sadd.s32 @!p0 $0x100000, s0  }
0x149: {  	[sflag:s0] =	ssyncadd.tile.s32 @!p0 $0x1;
	_ =	shalt  }
.Lfunc_end2:
_tile_overlayer_lowered:
.L_overlay_start_2:
0x14a: {  	(tag) =	ssettag $0x2  }
0x14b: {  	s0 =	rddreg [dreg:$0x0];
	s2 =	stileid.u32  }
0x14c: {  	s1 =	rddreg [dreg:$0x1];
	p0 =	sne.s32 s2, $0x0  }
0x14d: {  	s3 =	rddreg [dreg:$0x2];
	[bflag:$0x3] =	sbarrier.arrive $0xFFFF;
	s2 =	simm.s32 @!p0 $0x1C0D  }
0x14e: {  	[timem:s3], [sflag:s2] =	dma.local @!p0 [hbm:s0], s1  }
0x14f: {  	s0 =	simm.s32 @!p0 $0xD  }
0x150: {  	_ =	swait.ge @!p0 [sflag:s0], s1  }
0x151: {  	s1 =	ssub.s32 @!p0 $0x0, s1;
	[sflag:s0] =	ssyncset.done @!p0 $0x0  }
0x152: {  	[sflag:s0] =	ssyncadd.s32 @!p0 s1  }
0x153: {  	[bflag:$0x3] =	sbarrier.arrive $0xFFFF  }
0x154: {  	_ =	shalt  }

// kernel: kernel.15.cloned.1.call-start
scs
__scs_entry_jumppad:
0x0: {  	(pc) =	sbr.rel $0x88, $3  }
0x1: {  	(tag) =	ssettag $0x0;
	lr =	simm.s32 $0x1  }
0x2: {  	[smem:$0x3F8D] =	sst lr;
	_ =	strace $0xD0000000  }
0x3: {  	_ = 	snop  }
0x4: {  	_ = 	snop  }
0x5: {  	_ = 	snop  }
0x6: {  	_ = 	snop  }
0x7: {  	_ = 	snop  }
__scs_overlays_trampoline_lowered:
0x8: {  	[smem:$0x3F9C] =	sst s0  }
0x9: {  	[smem:$0x3F9D] =	sst s1  }
0xa: {  	[smem:$0x3F9E] =	sst s2  }
0xb: {  	[smem:$0x3F9F] =	sst s3  }
0xc: {  	[smem:$0x3FA0] =	sst s4  }
0xd: {  	[smem:$0x3FA1] =	sst s5  }
0xe: {  	[smem:$0x3FA2] =	sst s6  }
0xf: {  	[smem:$0x3FA3] =	sst s7  }
0x10: {  	[smem:$0x3FA4] =	sst s8  }
0x11: {  	[smem:$0x3FA5] =	sst s9;
	s0 =	simm.s32 @!p0 $0x0  }
0x12: {  	s1 =	sld [smem:$0x3F8B];
	s0 =	simm.s32 @p0 $0x1  }
0x13: {  	[smem:$0x3FA6] =	sst s0;
	s0 =	simm.s32 @!p1 $0x0  }
0x14: {  	s2 =	sld [smem:$0x3F8A];
	s0 =	simm.s32 @p1 $0x1  }
0x15: {  	[smem:$0x3FA7] =	sst s0;
	s0 =	simm.s32 @!p2 $0x0  }
0x16: {  	s3 =	sld [smem:$0x3FDB];
	s0 =	simm.s32 @p2 $0x1  }
0x17: {  	s4 =	simm.s32 $0x1BF5;
	[smem:$0x3FA9] =	sst s0  }
0x18: {  	s0 =	sld [smem:$0x3F8C];
	_ =	swait.ge [sflag:s4], $0x0  }
0x19: {  	s7 =	sld [smem:$0x3F8D]  }
0x1a: {  	s8 =	sadd.s32 $0xFFFFE003, lr  }
0x1b: {  	s9 =	sadd.s32 $0xFFFFFEF7, lr;
	s5 =	simm.s32 $0xFFFFFFFF;
	p2 =	slt.u32 s8, $0xFFFFF086  }
0x1c: {  	p1 =	slt.u32 s9, $0xF7A;
	s5 =	simm.s32 @!p2 $0x0  }
0x1d: {  	s5 =	simm.s32 @p1 $0x1;
	p0 =	seq.s32 s7, s2  }
0x1e: {  	s7 =	smul.u32 @!p0 $0xF7A, s2;
	p2 =	seq.s32 @!p0 s5, $0x0  }
0x1f: {  	s9 =	smul.u32 $0xF7A, s1;
	s8 =	simm.s32 @!p0 $0x1BF5;
	p2 =	por !p2, p0  }
0x20: {  	[sflag:s8] =	ssyncset.s32 @!p0 $0xFFFFF086;
	s6 =	sadd.s32 @!p0 s3, s7;
	s7 =	simm.s32 @!p0 $0x108  }
0x21: {  	s3 =	sadd.s32 s3, s9;
	s6 =	sadd.s32 @!p0 $0x88, s6;
	s7 =	simm.s32 @p2 $0x1082  }
0x22: {  	[simem:s7], [sflag:s8] =	dma.local @!p0 [hbm:s6], $0xF7A  }
0x23: {  	s9 =	sor.u32 $0xD0000000, s2;
	s6 =	simm.s32 $0x108;
	_ =	swait.ge @!p0 [sflag:s8], $0x0  }
0x24: {  	s3 =	sadd.s32 $0x88, s3;
	s6 =	simm.s32 @!p1 $0x1082;
	[sflag:s4] =	ssyncset.s32 $0xFFFFF086  }
0x25: {  	[simem:s6], [sflag:s4] =	dma.local [hbm:s3], $0xF7A  }
0x26: {  	[smem:$0x3F8D] =	sst s1;
	(tag) =	ssettag s2;
	_ =	strace s9  }
0x27: {  	s1 =	sld [smem:$0x3F9D]  }
0x28: {  	s2 =	sld [smem:$0x3F9E]  }
0x29: {  	s4 =	sld [smem:$0x3FA0]  }
0x2a: {  	p0 =	seq.s32 s5, $0x0;
	s5 =	sld [smem:$0x3FA1]  }
0x2b: {  	s6 =	sld [smem:$0x3FA2]  }
0x2c: {  	s7 =	sld [smem:$0x3FA3]  }
0x2d: {  	s3 =	simm.s32 $0x108;
	s8 =	sld [smem:$0x3FA4]  }
0x2e: {  	s3 =	simm.s32 @!p0 $0x1082;
	s9 =	sld [smem:$0x3FA5]  }
0x2f: {  	lr =	sadd.s32 s0, s3;
	s0 =	sld [smem:$0x3F9C]  }
0x30: {  	s3 =	sld [smem:$0x3F9F]  }
0x31: {  	[smem:$0x3FA8] =	sst s10  }
0x32: {  	s10 =	sld [smem:$0x3FA6];
	_ =	sdelay $0x3  }
0x33: {  	p0 =	seq.s32 s10, $0x1;
	s10 =	sld [smem:$0x3FA8];
	_ =	sdelay $0x3  }
0x34: {  	[smem:$0x3FA8] =	sst s10  }
0x35: {  	s10 =	sld [smem:$0x3FA7];
	_ =	sdelay $0x3  }
0x36: {  	p1 =	seq.s32 s10, $0x1;
	s10 =	sld [smem:$0x3FA8];
	_ =	sdelay $0x3  }
0x37: {  	[smem:$0x3FA8] =	sst s10  }
0x38: {  	s10 =	sld [smem:$0x3FA9]  }
0x39: {  	_ = 	snop;
	(pc) =	sbr.ind lr, $3  }
0x3a: {  	_ = 	snop  }
0x3b: {  	_ = 	snop  }
0x3c: {  	p2 =	seq.s32 s10, $0x1;
	s10 =	sld [smem:$0x3FA8]  }
0x3d: {  	_ =	shalt  }
0x3e: {  	_ =	shalt  }
0x3f: {  	_ =	shalt  }
0x40: {  	_ =	shalt  }
0x41: {  	_ =	shalt  }
0x42: {  	_ =	shalt  }
0x43: {  	_ =	shalt  }
0x44: {  	_ =	shalt  }
0x45: {  	_ =	shalt  }
0x46: {  	_ =	shalt  }
0x47: {  	_ =	shalt  }
0x48: {  	_ =	shalt  }
0x49: {  	_ =	shalt  }
0x4a: {  	_ =	shalt  }
0x4b: {  	_ =	shalt  }
0x4c: {  	_ =	shalt  }
0x4d: {  	_ =	shalt  }
0x4e: {  	_ =	shalt  }
0x4f: {  	_ =	shalt  }
0x50: {  	_ =	shalt  }
0x51: {  	_ =	shalt  }
0x52: {  	_ =	shalt  }
0x53: {  	_ =	shalt  }
0x54: {  	_ =	shalt  }
0x55: {  	_ =	shalt  }
0x56: {  	_ =	shalt  }
0x57: {  	_ =	shalt  }
0x58: {  	_ =	shalt  }
0x59: {  	_ =	shalt  }
0x5a: {  	_ =	shalt  }
0x5b: {  	_ =	shalt  }
0x5c: {  	_ =	shalt  }
0x5d: {  	_ =	shalt  }
0x5e: {  	_ =	shalt  }
0x5f: {  	_ =	shalt  }
0x60: {  	_ =	shalt  }
0x61: {  	_ =	shalt  }
0x62: {  	_ =	shalt  }
0x63: {  	_ =	shalt  }
0x64: {  	_ =	shalt  }
0x65: {  	_ =	shalt  }
0x66: {  	_ =	shalt  }
0x67: {  	_ =	shalt  }
0x68: {  	_ =	shalt  }
0x69: {  	_ =	shalt  }
0x6a: {  	_ =	shalt  }
0x6b: {  	_ =	shalt  }
0x6c: {  	_ =	shalt  }
0x6d: {  	_ =	shalt  }
0x6e: {  	_ =	shalt  }
0x6f: {  	_ =	shalt  }
0x70: {  	_ =	shalt  }
0x71: {  	_ =	shalt  }
0x72: {  	_ =	shalt  }
0x73: {  	_ =	shalt  }
0x74: {  	_ =	shalt  }
0x75: {  	_ =	shalt  }
0x76: {  	_ =	shalt  }
0x77: {  	_ =	shalt  }
0x78: {  	_ =	shalt  }
0x79: {  	_ =	shalt  }
0x7a: {  	_ =	shalt  }
0x7b: {  	_ =	shalt  }
0x7c: {  	_ =	shalt  }
0x7d: {  	_ =	shalt  }
0x7e: {  	_ =	shalt  }
0x7f: {  	_ =	shalt  }
0x80: {  	_ =	shalt  }
0x81: {  	_ =	shalt  }
0x82: {  	_ =	shalt  }
0x83: {  	_ =	shalt  }
0x84: {  	_ =	shalt  }
0x85: {  	_ =	shalt  }
0x86: {  	_ =	shalt  }
0x87: {  	_ =	shalt  }
.Lfunc_end0:
.L_simem_size_0:
called_computation.2_lowered:
.L_overlay_start_0:
0x88: {  	s2 =	sld [smem:$0x3FD9]  }
0x89: {  	s3 =	sld [smem:$0x3FFE];
	_ =	sdelay $0x1  }
0x8a: {  	s1 =	srdreg.scid  }
0x8b: {  	s0 =	sand.u32 $0x1, s1  }
0x8c: {  	s16 =	sshll.u32 s0, $0xA;
	s2 =	sadd.s32 s3, s2  }
0x8d: {  	s2 =	sadd.s32 s2, s16  }
0x8e: {  	[smem:$0x3FB4] =	sst s2  }
0x8f: {  	_ = 	snop  }
0x90: {  	(tm) =	ssettm $0x1  }
0x91: {  	s17 =	sld [smem:$0x3FFB];
	_ =	sdelay $0x3  }
0x92: {  	_ =	strace s17  }
0x93: {  	s2 =	sld [smem:$0x3FFC];
	_ =	sdelay $0x3  }
0x94: {  	_ =	strace s2  }
0x95: {  	s2 =	sld [smem:$0x3FFD];
	_ =	sdelay $0x3  }
0x96: {  	_ =	strace s2  }
0x97: {  	_ =	strace $0x8FFFFFFF  }
0x98: {  	s18 =	sld [smem:$0x3FDB];
	_ =	sdelay $0x1  }
0x99: {  	s19 =	simm.s32 $_scs_section_size  }
0x9a: {  	s4 =	simm.s32 $_size__tile_overlayer_lowered;
	s5 =	simm.s32 $_tile_overlayer_lowered  }
0x9b: {  	s22 =	simm.s32 $0x1BFF;
	s21 =	sshll.u32 s5, $0x1;
	s2 =	sadd.s32 s19, s18  }
0x9c: {  	s6 =	simm.s32 $0x0;
	s20 =	sshll.u32 s4, $0x1;
	s4 =	sadd.s32 s21, s2  }
0x9d: {  	[timem:s6], [sflag:s22] =	dma.local [hbm:s4], s20  }
0x9e: {  	_ =	swait.ge [sflag:s22], s20  }
0x9f: {  	s3 =	ssub.s32 $0x0, s20;
	[sflag:s22] =	ssyncset.done $0x0  }
0xa0: {  	[sflag:s22] =	ssyncadd.s32 s3;
	_ =	sdelay $0x1  }
0xa1: {  	s23 =	simm.s32 $0x1B8B  }
0xa2: {  	_ =	swait.ge [sflag:s23], $0x1  }
0xa3: {  	[sflag:s23] =	ssyncset.done $0x0  }
0xa4: {  	s25 =	simm.s32 $0x1B8E;
	s24 =	sld [smem:$0x3FFE];
	[sflag:s23] =	ssyncadd.s32 $0xFFFFFFFF  }
0xa5: {  	s26 =	simm.s32 $execute0_lowered;
	[smem:$0x3FD2] =	sst s25  }
0xa6: {  	s4 =	sshll.u32 s26, $0x1;
	_ =	strace $0x8000004C;
	[dreg:$0x1] =	wrdreg $0xFFFFFFFF  }
0xa7: {  	s28 =	simm.s32 $_size_execute0_lowered;
	s2 =	sadd.s32 s2, s4;
	[dreg:$0x0] =	wrdreg $0x0  }
0xa8: {  	s4 =	sshll.u32 s28, $0x1;
	[dreg:$0x2] =	wrdreg s2  }
0xa9: {  	[dreg:$0x3] =	wrdreg s4  }
0xaa: {  	[dreg:$0x4] =	wrdreg $0xC0  }
0xab: {  	_ =	task [dreg:s6], $0x5FFFF  }
0xac: {  	[dreg:$0x1] =	wrdreg $0xFFFFFFFF  }
0xad: {  	[dreg:$0x0] =	wrdreg $0x60  }
0xae: {  	[dreg:$0x2] =	wrdreg s24  }
0xaf: {  	[dreg:$0x3] =	wrdreg $0x0  }
0xb0: {  	[dreg:$0x4] =	wrdreg $0x9  }
0xb1: {  	_ =	task.clear_ibuf [dreg:s6], $0x5FFFF;
	_ =	strace $0x9000004C  }
0xb2: {  	s29 =	simm.s32 $0x9;
	_ =	strace $0x8000004E  }
0xb3: {  	_ =	swait.ge [sflag:s29], $0x1  }
0xb4: {  	[sflag:s29] =	ssyncadd.s32 $0xFFFFFFFF  }
0xb5: {  	_ =	strace $0x9000004E  }
0xb6: {  	_ =	sfence  }
0xb7: {  	s30 =	sld [smem:$0x0];
	_ =	sdelay $0x2  }
0xb8: {  	s31 =	sshll.u32 s1, $0xD;
	s1 =	sshrl.u32 s1, $0x2  }
0xb9: {  	s3 =	sand.u32 $0x4000, s31;
	s1 =	sadd.s32 s1, s30  }
0xba: {  	s0 =	sor.u32 s3, s0;
	s1 =	sshll.u32 s1, $0x11  }
0xbb: {  	s0 =	sor.u32 s1, s0  }
0xbc: {  	s0 =	sadd.s32 $0x8F2B, s0  }
0xbd: {  	[sflag:s0] =	ssyncadd.remote.s32 $0x1  }
0xbe: {  	_ =	sfence.sel $0xFFFF  }
0xbf: {  	[dreg:$0x0] =	wrdreg $0xFFFFFFFF;
	(pc) =	sbr.abs _section_cstart, $3  }
0xc0: {  	[dreg:$0x1] =	wrdreg $0xFFFFFFFF  }
0xc1: {  	_ =	task.clear_ibuf [dreg:s6], $0x2FFFF;
	_ =	strace $0x9FFFFFFF  }
0xc2: {  	(tm) =	ssettm $0x7FFFFFFF  }
0xc3: {  	_ =	shalt  }
tec
execute0_lowered:
.L_overlay_start_1:
0x0: {  	(tag) =	ssettag $0x1  }
0x1: {  	s0 =	srdreg.scid  }
0x2: {  	s15 =	stileid.u32;
	s1 =	rddreg [dreg:$0x0]  }
0x3: {  	s2 =	rddreg [dreg:$0x1];
	s4 =	simm.s32 $0x0;
	s30 =	simm.s32 $0xEF00  }
0x4: {  	s31 =	simm.s32 $0x7;
	s29 =	simm.s32 $0xA;
	s28 =	simm.s32 $0xC  }
0x5: {  	s3 =	sand.u32 $0x1, s0;
	s14 =	sshll.u32 s15, $0x1;
	s18 =	smul.u32 $0x28000, s15  }
0x6: {  	[smem:$0x7FF] =	sst s4;
	s4 =	sadd.s32 $0x17400, s1;
	s19 =	smul.u32 $0x280, s15  }
0x7: {  	s0 =	sor.u32 s3, s14;
	_ =	strace $0x8000004D;
	s16 =	ssub.s32 $0x2, s3  }
0x8: {  	s3 =	sshll.u32 s3, $0x6;
	s0 =	smul.u32 $0x9C4, s0;
	s22 =	sadd.s32 $0x80, s19  }
0x9: {  	s8 =	sshrl.u32 s16, $0x1;
	s20 =	sshrl.u32 s18, $0x2;
	s12 =	sshll.u32 s22, $0x6  }
0xa: {  	s6 =	sshrl.u32 s0, $0x5;
	s9 =	sadd.s32 $0x9C4, s0;
	s0 =	ssub.s32 s16, s8  }
0xb: {  	s8 =	simm.s32 $0x1;
	s5 =	sshll.u32 s6, $0x4;
	s17 =	sshrl.u32 s9, $0x5  }
0xc: {  	s0 =	smax.u32 s0, $0x1;
	s7 =	sadd.s32 s5, s1;
	s1 =	sadd.s32 $0x2AE00, s1  }
0xd: {  	s5 =	ssub.s32 s17, s6;
	p0 =	sne.s32 s17, s6;
	[dreg:$0x16] =	wrdreg s0  }
0xe: {  	s10 =	sadd.s32 $0x3A00, s7;
	s7 =	sadd.s32 $0xD640, s7;
	s21 =	smul.u32 $0xFFFFAAAB, s5  }
0xf: {  	s11 =	sshll.u32 s5, $0x10;
	s14 =	sshra.s32 s5, $0x1F;
	[dreg:$0x3] =	wrdreg s10  }
0x10: {  	s8 =	simm.s32 @!p0 $0x0;
	[dreg:$0x4] =	wrdreg s7;
	s7 =	sadd.s32 s20, s2  }
0x11: {  	s11 =	sshra.s32 s11, $0x10;
	s8 =	sor.u32 s8, s14;
	s14 =	sadd.s32 $0x200, s19  }
0x12: {  	s20 =	smul.u32 $0x14000, s15;
	s15 =	simm.s32 $0x16F00;
	[dreg:$0x5] =	wrdreg s7  }
0x13: {  	s9 =	sadd.s32 $0x2AAA, s21;
	s11 =	smul.u32 $0x2AAB, s11;
	p6 =	sne.s32 s8, $0x1  }
0x14: {  	s18 =	sshll.u32 s14, $0x6;
	s7 =	sshll.u32 s22, $0x7;
	s23 =	sand.u32 $0xFFFE, s9  }
0x15: {  	s9 =	sshll.u32 s9, $0xF;
	s7 =	sor.u32 s3, s7;
	s6 =	sshrl.u32 s23, $0x1  }
0x16: {  	s24 =	sshrl.u32 s11, $0x1F;
	s11 =	sshrl.u32 s11, $0x10;
	s23 =	sadd.s32 s18, s2  }
0x17: {  	s7 =	sshrl.u32 s7, $0x3;
	s6 =	sor.u32 s9, s6;
	s25 =	sadd.s32 s24, s11  }
0x18: {  	s9 =	simm.s32 $0x1;
	s24 =	sadd.s32 s12, s2;
	s11 =	sor.u32 s3, s20  }
0x19: {  	s7 =	sadd.s32 s1, s7;
	[dreg:$0xa] =	wrdreg s23;
	s6 =	sand.u32 $0xFFFF, s6  }
0x1a: {  	s8 =	sshll.u32 s25, $0x10;
	s11 =	sshrl.u32 s11, $0x3;
	[dreg:$0xc] =	wrdreg s7  }
0x1b: {  	s7 =	simm.s32 $0x12F00;
	[dreg:$0x6] =	wrdreg s24;
	p1 =	sgt.u32 s6, $0x2AAA  }
0x1c: {  	s6 =	sadd.s32 $0x100, s19;
	s8 =	sshra.s32 s8, $0x10;
	s11 =	sadd.s32 s1, s11  }
0x1d: {  	p0 =	por !p1, !p6;
	s26 =	sshll.u32 s6, $0x6;
	s6 =	sshll.u32 s6, $0x7  }
0x1e: {  	[dreg:$0xb] =	wrdreg s11;
	p0 =	por !p0, !p0;
	s6 =	sor.u32 s3, s6  }
0x1f: {  	s13 =	sadd.s32 s26, s2;
	s9 =	simm.s32 @!p0 $0x0;
	s6 =	sshrl.u32 s6, $0x3  }
0x20: {  	s12 =	smov.u32 s13;
	s16 =	ssub.s32 s8, s9;
	s9 =	sadd.s32 $0x180, s19  }
0x21: {  	s6 =	sadd.s32 s1, s6;
	[dreg:$0x7] =	wrdreg s12;
	s10 =	smul.u32 $0x6, s16  }
0x22: {  	s17 =	sshll.u32 s9, $0x6;
	s19 =	smul.u32 $0xC00, s16;
	[dreg:$0xd] =	wrdreg s6  }
0x23: {  	s8 =	sshll.u32 s9, $0x7;
	s9 =	sshll.u32 s14, $0x7;
	[dreg:$0x8] =	wrdreg s16  }
0x24: {  	s25 =	sadd.s32 s17, s2;
	s8 =	sor.u32 s3, s8;
	s3 =	sor.u32 s3, s9  }
0x25: {  	s21 =	sor.u32 $0x1, s10;
	s26 =	sadd.s32 $0x2, s10;
	s8 =	sshrl.u32 s8, $0x3  }
0x26: {  	s3 =	sshrl.u32 s3, $0x3;
	s14 =	sshra.s32 s19, $0x2;
	s19 =	sadd.s32 $0x3, s10  }
0x27: {  	p3 =	sge.s32 s10, s5;
	[dreg:$0x9] =	wrdreg s25;
	s22 =	sshll.u32 s21, $0x9  }
0x28: {  	s6 =	sadd.s32 s1, s8;
	s1 =	sadd.s32 s1, s3;
	s11 =	sshll.u32 s26, $0x9  }
0x29: {  	s3 =	sadd.s32 $0xC780, s14;
	p0 =	sge.s32 s21, s5;
	p1 =	sge.s32 s26, s5  }
0x2a: {  	s20 =	sshll.u32 s19, $0x9;
	p2 =	sge.s32 s19, s5;
	s21 =	sadd.s32 $0x4, s10  }
0x2b: {  	s14 =	simm.s32 $0x14F00;
	s19 =	simm.s32 $0x5;
	[dreg:$0xe] =	wrdreg s6  }
0x2c: {  	[dreg:$0xf] =	wrdreg s1;
	s17 =	sshra.s32 s22, $0x2;
	s1 =	sshra.s32 s11, $0x2  }
0x2d: {  	[dreg:$0x10] =	wrdreg s3;
	s22 =	sadd.s32 $0x5, s10;
	p4 =	sge.s32 s21, s5  }
0x2e: {  	s3 =	sshra.s32 s20, $0x2;
	s11 =	simm.s32 $0x2;
	s20 =	simm.s32 $0x6  }
0x2f: {  	s18 =	sadd.s32 $0xC780, s17;
	s1 =	sadd.s32 $0xC780, s1;
	p5 =	sge.s32 s22, s5  }
0x30: {  	s6 =	sshll.u32 s22, $0x9;
	s3 =	sadd.s32 $0xC780, s3;
	[dreg:$0x11] =	wrdreg s18  }
0x31: {  	s17 =	simm.s32 $0x3;
	s22 =	simm.s32 $0x0;
	[dreg:$0x12] =	wrdreg s1  }
0x32: {  	s1 =	simm.s32 @!p0 $0x0;
	s6 =	sshra.s32 s6, $0x2;
	[dreg:$0x13] =	wrdreg s3  }
0x33: {  	s3 =	simm.s32 $0x80;
	s18 =	simm.s32 $0x4;
	s1 =	simm.s32 @p0 $0x1  }
0x34: {  	s26 =	sadd.s32 $0xC780, s6;
	p0 =	slt.s32 s16, $0x1;
	s6 =	simm.s32 $0x10F00  }
.Ltmp0:
0x35: {  	s16 =	simm.s32 $0x18F00;
	[smem:$0x7FC] =	sst s1;
	(pc) =	sbr.rel .LBB2_1-.Ltmp0, $4  }
0x36: {  	s1 =	sshll.u32 s21, $0x9;
	[dreg:$0x15] =	wrdreg s26;
	s0 =	simm.s32 @!p0 $0x0  }
0x37: {  	s26 =	simm.s32 $0x1;
	s1 =	sshra.s32 s1, $0x2;
	s0 =	simm.s32 @p0 $0x1  }
0x38: {  	s21 =	simm.s32 $0xB;
	s1 =	sadd.s32 $0xC780, s1;
	[smem:$0x7FD] =	sst s0  }
0x39: {  	v0 =	vimm.f32 $0.0e+00;
	s0 =	simm.s32 $0x9;
	[dreg:$0x14] =	wrdreg s1;
	s1 =	simm.s32 $0x8  }
.LBB2_6:
0x3a: {  	[tilespmem:s9], [sflag:$0x6] =	stream.indirect.gather @!p0 [hbm4b:s4+s12], $0x40, s10, s12, $0xb8;
	[tilespmem:$0x1AF00] =	vst v63  }
0x3b: {  	s13 =	rddreg [dreg:$0x5]  }
0x3c: {  	s24 =	rddreg [dreg:$0x6]  }
0x3d: {  	s12 =	rddreg [dreg:$0x7]  }
0x3e: {  	s25 =	rddreg [dreg:$0x9]  }
0x3f: {  	s22 =	rddreg [dreg:$0x17]  }
.LBB2_7:
0x40: {  	s8 =	simm.s32 @!p3 $0x1  }
0x41: {  	_ =	swait.ge @!p3 [sflag:s8], $0x2000  }
0x42: {  	s9 =	simm.s32 @!p3 $0xEF00;
	[sflag:s8] =	ssyncset.done @!p3 $0x0  }
0x43: {  	s10 =	rddreg [dreg:$0x10];
	[sflag:s8] =	ssyncadd.s32 @!p3 $0xFFFFE000;
	s8 =	simm.s32 @!p3 $0x80  }
0x44: {  	[spmem:s2] =	stream.indirect.scatter.add.f32 @!p3 [tilespmem:s9], [sflag:$0xD], $0x40, s10, s8, $0xb8;
	[tilespmem:$0x1AF00] =	vst v63  }
0x45: {  	s8 =	simm.s32 @!p3 $0xD  }
0x46: {  	_ =	swait.ge @!p3 [sflag:s8], $0x2000  }
0x47: {  	s9 =	sld [smem:$0x7FC];
	_ =	sdelay $0x2  }
0x48: {  	[sflag:s8] =	ssyncset.done @!p3 $0x0;
	p0 =	seq.s32 s9, $0x1  }
0x49: {  	[sflag:s8] =	ssyncadd.s32 @!p3 $0xFFFFE000;
	s8 =	simm.s32 @!p0 $0x2  }
0x4a: {  	_ =	swait.ge @!p0 [sflag:s8], $0x2000  }
0x4b: {  	s9 =	simm.s32 @!p0 $0x10F00;
	[sflag:s8] =	ssyncset.done @!p0 $0x0  }
0x4c: {  	s10 =	rddreg [dreg:$0x11];
	[sflag:s8] =	ssyncadd.s32 @!p0 $0xFFFFE000;
	s8 =	simm.s32 @!p0 $0x80  }
0x4d: {  	[spmem:s2] =	stream.indirect.scatter.add.f32 @!p0 [tilespmem:s9], [sflag:$0xD], $0x40, s10, s8, $0xb8;
	[tilespmem:$0x1AF00] =	vst v63  }
0x4e: {  	s8 =	simm.s32 @!p0 $0xD  }
0x4f: {  	_ =	swait.ge @!p0 [sflag:s8], $0x2000  }
0x50: {  	[sflag:s8] =	ssyncset.done @!p0 $0x0  }
0x51: {  	[sflag:s8] =	ssyncadd.s32 @!p0 $0xFFFFE000;
	s8 =	simm.s32 @!p1 $0x3  }
0x52: {  	_ =	swait.ge @!p1 [sflag:s8], $0x2000  }
0x53: {  	s9 =	simm.s32 @!p1 $0x12F00;
	[sflag:s8] =	ssyncset.done @!p1 $0x0  }
0x54: {  	s10 =	rddreg [dreg:$0x12];
	[sflag:s8] =	ssyncadd.s32 @!p1 $0xFFFFE000;
	s8 =	simm.s32 @!p1 $0x80  }
0x55: {  	[spmem:s2] =	stream.indirect.scatter.add.f32 @!p1 [tilespmem:s9], [sflag:$0xD], $0x40, s10, s8, $0xb8;
	[tilespmem:$0x1AF00] =	vst v63  }
0x56: {  	s8 =	simm.s32 @!p1 $0xD  }
0x57: {  	_ =	swait.ge @!p1 [sflag:s8], $0x2000  }
0x58: {  	[sflag:s8] =	ssyncset.done @!p1 $0x0  }
0x59: {  	[sflag:s8] =	ssyncadd.s32 @!p1 $0xFFFFE000;
	s8 =	simm.s32 @!p2 $0x4  }
0x5a: {  	_ =	swait.ge @!p2 [sflag:s8], $0x2000  }
0x5b: {  	s9 =	simm.s32 @!p2 $0x14F00;
	[sflag:s8] =	ssyncset.done @!p2 $0x0  }
0x5c: {  	s10 =	rddreg [dreg:$0x13];
	[sflag:s8] =	ssyncadd.s32 @!p2 $0xFFFFE000;
	s8 =	simm.s32 @!p2 $0x80  }
0x5d: {  	[spmem:s2] =	stream.indirect.scatter.add.f32 @!p2 [tilespmem:s9], [sflag:$0xD], $0x40, s10, s8, $0xb8;
	[tilespmem:$0x1AF00] =	vst v63  }
0x5e: {  	s8 =	simm.s32 @!p2 $0xD  }
0x5f: {  	_ =	swait.ge @!p2 [sflag:s8], $0x2000  }
0x60: {  	[sflag:s8] =	ssyncset.done @!p2 $0x0  }
0x61: {  	[sflag:s8] =	ssyncadd.s32 @!p2 $0xFFFFE000;
	s8 =	simm.s32 @!p4 $0x5  }
0x62: {  	_ =	swait.ge @!p4 [sflag:s8], $0x2000  }
0x63: {  	s9 =	simm.s32 @!p4 $0x16F00;
	[sflag:s8] =	ssyncset.done @!p4 $0x0  }
0x64: {  	s10 =	rddreg [dreg:$0x14];
	[sflag:s8] =	ssyncadd.s32 @!p4 $0xFFFFE000;
	s8 =	simm.s32 @!p4 $0x80  }
0x65: {  	[spmem:s2] =	stream.indirect.scatter.add.f32 @!p4 [tilespmem:s9], [sflag:$0xD], $0x40, s10, s8, $0xb8;
	[tilespmem:$0x1AF00] =	vst v63  }
0x66: {  	s8 =	simm.s32 @!p4 $0xD  }
0x67: {  	_ =	swait.ge @!p4 [sflag:s8], $0x2000  }
0x68: {  	[sflag:s8] =	ssyncset.done @!p4 $0x0  }
0x69: {  	[sflag:s8] =	ssyncadd.s32 @!p4 $0xFFFFE000;
	s8 =	simm.s32 @!p5 $0x6  }
0x6a: {  	_ =	swait.ge @!p5 [sflag:s8], $0x2000  }
0x6b: {  	s9 =	simm.s32 @!p5 $0x18F00;
	[sflag:s8] =	ssyncset.done @!p5 $0x0  }
0x6c: {  	s10 =	rddreg [dreg:$0x15];
	[sflag:s8] =	ssyncadd.s32 @!p5 $0xFFFFE000;
	s8 =	simm.s32 @!p5 $0x80  }
0x6d: {  	[spmem:s2] =	stream.indirect.scatter.add.f32 @!p5 [tilespmem:s9], [sflag:$0xD], $0x40, s10, s8, $0xb8;
	[tilespmem:$0x1AF00] =	vst v63  }
0x6e: {  	s8 =	simm.s32 @!p5 $0xD  }
0x6f: {  	_ =	swait.ge @!p5 [sflag:s8], $0x2000  }
0x70: {  	[sflag:s8] =	ssyncset.done @!p5 $0x0  }
0x71: {  	[sflag:s8] =	ssyncadd.s32 @!p5 $0xFFFFE000  }
0x72: {  	[bflag:$0x0] =	sbarrier.arrive $0xFFFF  }
0x73: {  	[tilespmem:s30], [sflag:$0x1] =	stream.linear.gather [spmem:s13], $0x2000, $0x38;
	[tilespmem:$0x1AF00] =	vst v63  }
0x74: {  	_ =	swait.ge [sflag:s26], $0x2000  }
0x75: {  	[sflag:s26] =	ssyncset.done $0x0  }
0x76: {  	s9 =	simm.s32 $0x40;
	s10 =	rddreg [dreg:$0xb];
	[sflag:s26] =	ssyncadd.s32 $0xFFFFE000  }
0x77: {  	[hbm4b:s10+s9] =	stream.strided.scatter [tilespmem:s30], [sflag:$0x7], $0x2000, s3, s9, $0x38;
	[tilespmem:$0x1AF00] =	vst v63  }
0x78: {  	s23 =	smov.u32 s25  }
0x79: {  	[tilespmem:s6], [sflag:$0x2] =	stream.linear.gather [spmem:s24], $0x2000, $0x38;
	[tilespmem:$0x1AF00] =	vst v63  }
0x7a: {  	s25 =	smov.u32 s23;
	s23 =	rddreg [dreg:$0xa];
	_ =	swait.ge [sflag:s11], $0x2000  }
0x7b: {  	[sflag:s11] =	ssyncset.done $0x0  }
0x7c: {  	s13 =	rddreg [dreg:$0xc];
	[sflag:s11] =	ssyncadd.s32 $0xFFFFE000  }
0x7d: {  	[hbm4b:s13+s9] =	stream.strided.scatter [tilespmem:s6], [sflag:$0x8], $0x2000, s3, s9, $0x38;
	[tilespmem:$0x1AF00] =	vst v63  }
0x7e: {  	_ = 	snop  }
0x7f: {  	[tilespmem:s7], [sflag:$0x3] =	stream.linear.gather [spmem:s12], $0x2000, $0x38;
	[tilespmem:$0x1AF00] =	vst v63  }
0x80: {  	_ =	swait.ge [sflag:s17], $0x2000  }
0x81: {  	[sflag:s17] =	ssyncset.done $0x0  }
0x82: {  	s10 =	rddreg [dreg:$0xd];
	[sflag:s17] =	ssyncadd.s32 $0xFFFFE000  }
0x83: {  	[hbm4b:s10+s9] =	stream.strided.scatter [tilespmem:s7], [sflag:$0x9], $0x2000, s3, s9, $0x38;
	[tilespmem:$0x1AF00] =	vst v63  }
0x84: {  	_ = 	snop  }
0x85: {  	[tilespmem:s14], [sflag:$0x4] =	stream.linear.gather [spmem:s25], $0x2000, $0x38;
	[tilespmem:$0x1AF00] =	vst v63  }
0x86: {  	_ =	swait.ge [sflag:s18], $0x2000  }
0x87: {  	[sflag:s18] =	ssyncset.done $0x0  }
0x88: {  	s13 =	rddreg [dreg:$0xe];
	[sflag:s18] =	ssyncadd.s32 $0xFFFFE000  }
0x89: {  	[hbm4b:s13+s9] =	stream.strided.scatter [tilespmem:s14], [sflag:$0xA], $0x2000, s3, s9, $0x38;
	[tilespmem:$0x1AF00] =	vst v63  }
0x8a: {  	_ = 	snop  }
0x8b: {  	[tilespmem:s15], [sflag:$0x5] =	stream.linear.gather [spmem:s23], $0x2000, $0x38;
	[tilespmem:$0x1AF00] =	vst v63  }
0x8c: {  	_ =	swait.ge [sflag:s19], $0x2000  }
0x8d: {  	[sflag:s19] =	ssyncset.done $0x0  }
0x8e: {  	s10 =	rddreg [dreg:$0xf];
	[sflag:s19] =	ssyncadd.s32 $0xFFFFE000  }
0x8f: {  	[hbm4b:s10+s9] =	stream.strided.scatter [tilespmem:s15], [sflag:$0xB], $0x2000, s3, s9, $0x38;
	[tilespmem:$0x1AF00] =	vst v63  }
0x90: {  	_ =	swait.ge [sflag:s31], $0x2000  }
0x91: {  	[sflag:s31] =	ssyncset.done $0x0  }
0x92: {  	[sflag:s31] =	ssyncadd.s32 $0xFFFFE000  }
0x93: {  	_ =	swait.ge [sflag:s1], $0x2000  }
0x94: {  	[sflag:s1] =	ssyncset.done $0x0  }
0x95: {  	[sflag:s1] =	ssyncadd.s32 $0xFFFFE000  }
0x96: {  	_ =	swait.ge [sflag:s0], $0x2000  }
0x97: {  	[sflag:s0] =	ssyncset.done $0x0  }
0x98: {  	[sflag:s0] =	ssyncadd.s32 $0xFFFFE000  }
0x99: {  	_ =	swait.ge [sflag:s29], $0x2000  }
0x9a: {  	[sflag:s29] =	ssyncset.done $0x0  }
0x9b: {  	[sflag:s29] =	ssyncadd.s32 $0xFFFFE000  }
0x9c: {  	_ =	swait.ge [sflag:s21], $0x2000  }
0x9d: {  	s22 =	sadd.s32 $0x1, s22;
	s13 =	rddreg [dreg:$0x16]  }
0x9e: {  	p0 =	sne.s32 s22, s13  }
.Ltmp1:
0x9f: {  	_ = 	snop;
	(pc) =	sbr.rel @!p0 .LBB2_8-.Ltmp1, $3  }
0xa0: {  	_ =	sdelay $0x1  }
0xa1: {  	[sflag:s21] =	ssyncset.done $0x0  }
0xa2: {  	[sflag:s21] =	ssyncadd.s32 $0xFFFFE000  }
.LBB2_1:
0xa3: {  	[dreg:$0x17] =	wrdreg s22  }
0xa4: {  	s8 =	simm.s32 $0x0;
	s9 =	rddreg [dreg:$0x3];
	s10 =	simm.s32 $0xA000  }
0xa5: {  	[tilespmem:s10], [sflag:$0x1] =	stream.linear.gather [hbm4b:s9+s8], $0x2780, $0x38;
	[tilespmem:$0x1AF00] =	vst v63  }
0xa6: {  	s13 =	rddreg [dreg:$0x4];
	s22 =	simm.s32 $0xC780  }
0xa7: {  	[tilespmem:s22], [sflag:$0x2] =	stream.linear.gather [hbm4b:s13+s8], $0x2780, $0x38;
	[tilespmem:$0x1AF00] =	vst v63  }
0xa8: {  	s9 =	simm.s32 $0x100;
	s8 =	simm.s32 $0x0  }
.LBB2_2:
0xa9: {  	p0 =	sne.s32 s9, $0x7F00;
	[tilespmem:s8+$0xEF30] =	vst v0;
	s10 =	smov.u32 s9;
	s9 =	sadd.s32 $0x100, s9  }
.Ltmp2:
0xaa: {  	[tilespmem:s8+$0xEF20] =	vst v0;
	(pc) =	sbr.rel @p0 .LBB2_2-.Ltmp2, $3  }
0xab: {  	[tilespmem:s8+$0xEF00] =	vst v0  }
0xac: {  	[tilespmem:s8+$0xEF10] =	vst v0;
	_ =	sdelay $0x1  }
0xad: {  	s8 =	sshra.s32 s10, $0x2  }
0xae: {  	[tilespmem:s8+$0xEF30] =	vst v0  }
0xaf: {  	[tilespmem:s8+$0xEF20] =	vst v0  }
0xb0: {  	[tilespmem:s8+$0xEF00] =	vst v0  }
0xb1: {  	[tilespmem:s8+$0xEF10] =	vst v0;
	s13 =	rddreg [dreg:$0x5]  }
0xb2: {  	[spmem:s13] =	stream.linear.scatter [tilespmem:s30], [sflag:$0x7], $0x2000, $0x38;
	[tilespmem:$0x1AF00] =	vst v63  }
0xb3: {  	_ = 	snop  }
0xb4: {  	[spmem:s24] =	stream.linear.scatter [tilespmem:s30], [sflag:$0x8], $0x2000, $0x38;
	[tilespmem:$0x1AF00] =	vst v63  }
0xb5: {  	_ = 	snop  }
0xb6: {  	[spmem:s12] =	stream.linear.scatter [tilespmem:s30], [sflag:$0x9], $0x2000, $0x38;
	[tilespmem:$0x1AF00] =	vst v63  }
0xb7: {  	_ = 	snop  }
0xb8: {  	[spmem:s25] =	stream.linear.scatter [tilespmem:s30], [sflag:$0xA], $0x2000, $0x38;
	[tilespmem:$0x1AF00] =	vst v63  }
0xb9: {  	_ = 	snop  }
0xba: {  	[spmem:s23] =	stream.linear.scatter [tilespmem:s30], [sflag:$0xB], $0x2000, $0x38;
	[tilespmem:$0x1AF00] =	vst v63  }
0xbb: {  	_ =	swait.ge [sflag:s31], $0x2000  }
0xbc: {  	[sflag:s31] =	ssyncset.done $0x0  }
0xbd: {  	[sflag:s31] =	ssyncadd.s32 $0xFFFFE000  }
0xbe: {  	_ =	swait.ge [sflag:s1], $0x2000  }
0xbf: {  	[sflag:s1] =	ssyncset.done $0x0  }
0xc0: {  	[sflag:s1] =	ssyncadd.s32 $0xFFFFE000  }
0xc1: {  	_ =	swait.ge [sflag:s0], $0x2000  }
0xc2: {  	[sflag:s0] =	ssyncset.done $0x0  }
0xc3: {  	[sflag:s0] =	ssyncadd.s32 $0xFFFFE000  }
0xc4: {  	_ =	swait.ge [sflag:s29], $0x2000  }
0xc5: {  	[sflag:s29] =	ssyncset.done $0x0  }
0xc6: {  	s9 =	simm.s32 $0xB;
	[sflag:s29] =	ssyncadd.s32 $0xFFFFE000  }
0xc7: {  	_ =	swait.ge [sflag:s9], $0x2000  }
0xc8: {  	[sflag:s9] =	ssyncset.done $0x0  }
0xc9: {  	[sflag:s9] =	ssyncadd.s32 $0xFFFFE000  }
0xca: {  	_ =	swait.ge [sflag:s26], $0x2780  }
0xcb: {  	[sflag:s26] =	ssyncset.done $0x0  }
0xcc: {  	[sflag:s26] =	ssyncadd.s32 $0xFFFFD880  }
0xcd: {  	_ =	swait.ge [sflag:s11], $0x2780  }
0xce: {  	[sflag:s11] =	ssyncset.done $0x0  }
0xcf: {  	[sflag:s11] =	ssyncadd.s32 $0xFFFFD880  }
0xd0: {  	s10 =	simm.s32 $0xA000;
	[bflag:$0x0] =	sbarrier.arrive $0xFFFF  }
0xd1: {  	[tilespmem:s30], [sflag:$0x1] =	stream.indirect.gather [hbm4b:s4+s3], $0x40, s10, s3, $0xb8;
	[tilespmem:$0x1AF00] =	vst v63  }
0xd2: {  	s22 =	simm.s32 $0xA080  }
0xd3: {  	[tilespmem:s6], [sflag:$0x2] =	stream.indirect.gather [hbm4b:s4+s3], $0x40, s22, s3, $0xb8;
	[tilespmem:$0x1AF00] =	vst v63  }
0xd4: {  	s23 =	simm.s32 $0xA100  }
0xd5: {  	[tilespmem:s7], [sflag:$0x3] =	stream.indirect.gather [hbm4b:s4+s3], $0x40, s23, s3, $0xb8;
	[tilespmem:$0x1AF00] =	vst v63  }
0xd6: {  	s23 =	sld [smem:$0x7FD]  }
0xd7: {  	s9 =	simm.s32 $0xA180  }
0xd8: {  	[tilespmem:s14], [sflag:$0x4] =	stream.indirect.gather [hbm4b:s4+s3], $0x40, s9, s3, $0xb8;
	[tilespmem:$0x1AF00] =	vst v63  }
0xd9: {  	p0 =	seq.s32 s23, $0x1  }
.Ltmp3:
0xda: {  	s10 =	simm.s32 $0xA200;
	(pc) =	sbr.rel @p0 .LBB2_7-.Ltmp3, $4  }
0xdb: {  	[tilespmem:s15], [sflag:$0x5] =	stream.indirect.gather [hbm4b:s4+s3], $0x40, s10, s3, $0xb8;
	[tilespmem:$0x1AF00] =	vst v63  }
0xdc: {  	s22 =	simm.s32 $0xA280  }
0xdd: {  	[tilespmem:s16], [sflag:$0x6] =	stream.indirect.gather [hbm4b:s4+s3], $0x40, s22, s3, $0xb8;
	[tilespmem:$0x1AF00] =	vst v63  }
0xde: {  	s22 =	rddreg [dreg:$0x17]  }
0xdf: {  	_ =	swait.ge [sflag:s26], $0x2000  }
0xe0: {  	[sflag:s26] =	ssyncset.done $0x0  }
0xe1: {  	s8 =	simm.s32 $0xC780;
	[sflag:s26] =	ssyncadd.s32 $0xFFFFE000  }
0xe2: {  	[spmem:s2] =	stream.indirect.scatter.add.f32 [tilespmem:s30], [sflag:$0x7], $0x40, s8, s3, $0xb8;
	[tilespmem:$0x1AF00] =	vst v63  }
0xe3: {  	_ =	swait.ge [sflag:s11], $0x2000  }
0xe4: {  	[sflag:s11] =	ssyncset.done $0x0  }
0xe5: {  	s12 =	simm.s32 $0xC800;
	[sflag:s11] =	ssyncadd.s32 $0xFFFFE000  }
0xe6: {  	[spmem:s2] =	stream.indirect.scatter.add.f32 [tilespmem:s6], [sflag:$0x8], $0x40, s12, s3, $0xb8;
	[tilespmem:$0x1AF00] =	vst v63  }
0xe7: {  	_ =	swait.ge [sflag:s17], $0x2000  }
0xe8: {  	[sflag:s17] =	ssyncset.done $0x0  }
0xe9: {  	s13 =	simm.s32 $0xC880;
	[sflag:s17] =	ssyncadd.s32 $0xFFFFE000  }
0xea: {  	[spmem:s2] =	stream.indirect.scatter.add.f32 [tilespmem:s7], [sflag:$0x9], $0x40, s13, s3, $0xb8;
	[tilespmem:$0x1AF00] =	vst v63  }
0xeb: {  	_ =	swait.ge [sflag:s18], $0x2000  }
0xec: {  	[sflag:s18] =	ssyncset.done $0x0  }
0xed: {  	s22 =	simm.s32 $0xC900;
	[sflag:s18] =	ssyncadd.s32 $0xFFFFE000  }
0xee: {  	[spmem:s2] =	stream.indirect.scatter.add.f32 [tilespmem:s14], [sflag:$0xA], $0x40, s22, s3, $0xb8;
	[tilespmem:$0x1AF00] =	vst v63  }
0xef: {  	_ =	swait.ge [sflag:s19], $0x2000  }
0xf0: {  	[sflag:s19] =	ssyncset.done $0x0  }
0xf1: {  	s23 =	simm.s32 $0xC980;
	[sflag:s19] =	ssyncadd.s32 $0xFFFFE000  }
0xf2: {  	[spmem:s2] =	stream.indirect.scatter.add.f32 [tilespmem:s15], [sflag:$0xB], $0x40, s23, s3, $0xb8;
	[tilespmem:$0x1AF00] =	vst v63  }
0xf3: {  	_ =	swait.ge [sflag:s20], $0x2000  }
0xf4: {  	[sflag:s20] =	ssyncset.done $0x0  }
0xf5: {  	s24 =	simm.s32 $0xCA00;
	[sflag:s20] =	ssyncadd.s32 $0xFFFFE000  }
0xf6: {  	[spmem:s2] =	stream.indirect.scatter.add.f32 [tilespmem:s16], [sflag:$0xC], $0x40, s24, s3, $0xb8;
	[tilespmem:$0x1AF00] =	vst v63  }
0xf7: {  	p0 =	sle.s32 s5, $0x6;
	_ =	swait.ge [sflag:s31], $0x2000  }
0xf8: {  	s9 =	simm.s32 @!p0 $0xA300;
	[sflag:s31] =	ssyncset.done $0x0  }
0xf9: {  	s10 =	simm.s32 @!p0 $0x80;
	s8 =	simm.s32 @!p0 $0xEF00;
	[sflag:s31] =	ssyncadd.s32 $0xFFFFE000  }
0xfa: {  	[tilespmem:s8], [sflag:$0x1] =	stream.indirect.gather @!p0 [hbm4b:s4+s10], $0x40, s9, s10, $0xb8;
	[tilespmem:$0x1AF00] =	vst v63  }
0xfb: {  	p0 =	sle.s32 s5, $0x7;
	_ =	swait.ge [sflag:s1], $0x2000  }
0xfc: {  	s8 =	simm.s32 @!p0 $0x10F00;
	[sflag:s1] =	ssyncset.done $0x0  }
0xfd: {  	s9 =	simm.s32 @!p0 $0xA380;
	s10 =	simm.s32 @!p0 $0x80;
	[sflag:s1] =	ssyncadd.s32 $0xFFFFE000  }
0xfe: {  	[tilespmem:s8], [sflag:$0x2] =	stream.indirect.gather @!p0 [hbm4b:s4+s10], $0x40, s9, s10, $0xb8;
	[tilespmem:$0x1AF00] =	vst v63  }
0xff: {  	p0 =	sle.s32 s5, $0x8;
	_ =	swait.ge [sflag:s0], $0x2000  }
0x100: {  	s8 =	simm.s32 @!p0 $0x12F00;
	[sflag:s0] =	ssyncset.done $0x0  }
0x101: {  	s9 =	simm.s32 @!p0 $0xA400;
	s10 =	simm.s32 @!p0 $0x80;
	[sflag:s0] =	ssyncadd.s32 $0xFFFFE000  }
0x102: {  	[tilespmem:s8], [sflag:$0x3] =	stream.indirect.gather @!p0 [hbm4b:s4+s10], $0x40, s9, s10, $0xb8;
	[tilespmem:$0x1AF00] =	vst v63  }
0x103: {  	p0 =	sle.s32 s5, $0x9  }
0x104: {  	_ =	swait.ge [sflag:s29], $0x2000;
	s8 =	simm.s32 @!p0 $0x14F00  }
0x105: {  	s9 =	simm.s32 @!p0 $0xA480;
	[sflag:s29] =	ssyncset.done $0x0;
	s25 =	rddreg [dreg:$0x8]  }
0x106: {  	s10 =	simm.s32 @!p0 $0x80;
	[sflag:s29] =	ssyncadd.s32 $0xFFFFE000;
	s24 =	sadd.s32 $0xFFFFFFFF, s25  }
0x107: {  	[tilespmem:s8], [sflag:$0x4] =	stream.indirect.gather @!p0 [hbm4b:s4+s10], $0x40, s9, s10, $0xb8;
	[tilespmem:$0x1AF00] =	vst v63  }
0x108: {  	p0 =	sle.s32 s5, $0xA;
	p6 =	sne.s32 s24, $0x0;
	_ =	swait.ge [sflag:s21], $0x2000  }
0x109: {  	s8 =	simm.s32 @!p0 $0x16F00;
	s9 =	simm.s32 @!p0 $0xA500;
	[sflag:s21] =	ssyncset.done $0x0  }
.Ltmp4:
0x10a: {  	s10 =	simm.s32 @!p0 $0x80;
	[sflag:s21] =	ssyncadd.s32 $0xFFFFE000;
	(pc) =	sbr.rel @!p6 .LBB2_6-.Ltmp4, $4  }
0x10b: {  	[tilespmem:s8], [sflag:$0x5] =	stream.indirect.gather @!p0 [hbm4b:s4+s10], $0x40, s9, s10, $0xb8;
	[tilespmem:$0x1AF00] =	vst v63  }
0x10c: {  	s25 =	simm.s32 $0x11;
	p0 =	sle.s32 s5, $0xB;
	_ =	swait.ge [sflag:s28], $0x2000  }
0x10d: {  	s8 =	simm.s32 $0xC00;
	s9 =	simm.s32 @!p0 $0x18F00;
	[sflag:s28] =	ssyncset.done $0x0  }
0x10e: {  	s10 =	simm.s32 @!p0 $0xA580;
	s12 =	simm.s32 @!p0 $0x80;
	[sflag:s28] =	ssyncadd.s32 $0xFFFFE000  }
.LBB2_5:
0x10f: {  	[tilespmem:s9], [sflag:$0x6] =	stream.indirect.gather @!p0 [hbm4b:s4+s12], $0x40, s10, s12, $0xb8;
	[tilespmem:$0x1AF00] =	vst v63  }
0x110: {  	s24 =	sadd.s32 $0xFFFFFFFF, s24;
	s10 =	smov.u32 s25;
	s9 =	smov.u32 s8  }
0x111: {  	p6 =	sne.s32 s24, $0x0;
	_ =	swait.ge [sflag:s26], $0x2000  }
0x112: {  	s12 =	sshra.s32 s8, $0x2;
	[sflag:s26] =	ssyncset.done $0x0  }
0x113: {  	s13 =	sadd.s32 $0xC780, s12;
	[sflag:s26] =	ssyncadd.s32 $0xFFFFE000  }
0x114: {  	[spmem:s2] =	stream.indirect.scatter.add.f32 [tilespmem:s30], [sflag:$0x7], $0x40, s13, s3, $0xb8;
	[tilespmem:$0x1AF00] =	vst v63  }
0x115: {  	_ =	swait.ge [sflag:s11], $0x2000  }
0x116: {  	[sflag:s11] =	ssyncset.done $0x0  }
0x117: {  	s13 =	sadd.s32 $0xC800, s12;
	[sflag:s11] =	ssyncadd.s32 $0xFFFFE000  }
0x118: {  	[spmem:s2] =	stream.indirect.scatter.add.f32 [tilespmem:s6], [sflag:$0x8], $0x40, s13, s3, $0xb8;
	[tilespmem:$0x1AF00] =	vst v63  }
0x119: {  	_ =	swait.ge [sflag:s17], $0x2000  }
0x11a: {  	[sflag:s17] =	ssyncset.done $0x0  }
0x11b: {  	s13 =	sadd.s32 $0xC880, s12;
	[sflag:s17] =	ssyncadd.s32 $0xFFFFE000  }
0x11c: {  	[spmem:s2] =	stream.indirect.scatter.add.f32 [tilespmem:s7], [sflag:$0x9], $0x40, s13, s3, $0xb8;
	[tilespmem:$0x1AF00] =	vst v63  }
0x11d: {  	_ =	swait.ge [sflag:s18], $0x2000  }
0x11e: {  	[sflag:s18] =	ssyncset.done $0x0  }
0x11f: {  	s13 =	sadd.s32 $0xC900, s12;
	[sflag:s18] =	ssyncadd.s32 $0xFFFFE000  }
0x120: {  	[spmem:s2] =	stream.indirect.scatter.add.f32 [tilespmem:s14], [sflag:$0xA], $0x40, s13, s3, $0xb8;
	[tilespmem:$0x1AF00] =	vst v63  }
0x121: {  	_ =	swait.ge [sflag:s19], $0x2000  }
0x122: {  	[sflag:s19] =	ssyncset.done $0x0  }
0x123: {  	s13 =	sadd.s32 $0xC980, s12;
	[sflag:s19] =	ssyncadd.s32 $0xFFFFE000  }
0x124: {  	[spmem:s2] =	stream.indirect.scatter.add.f32 [tilespmem:s15], [sflag:$0xB], $0x40, s13, s3, $0xb8;
	[tilespmem:$0x1AF00] =	vst v63  }
0x125: {  	_ =	swait.ge [sflag:s20], $0x2000  }
0x126: {  	[sflag:s20] =	ssyncset.done $0x0  }
0x127: {  	s12 =	sadd.s32 $0xCA00, s12;
	s13 =	sadd.s32 $0xFFFFFFFB, s25;
	[sflag:s20] =	ssyncadd.s32 $0xFFFFE000  }
0x128: {  	[spmem:s2] =	stream.indirect.scatter.add.f32 [tilespmem:s16], [sflag:$0xC], $0x40, s12, s3, $0xb8;
	[tilespmem:$0x1AF00] =	vst v63  }
0x129: {  	p0 =	sge.s32 s13, s5;
	s12 =	sadd.s32 $0xFFFFFFFC, s25;
	_ =	swait.ge [sflag:s31], $0x2000  }
0x12a: {  	s13 =	sshra.s32 @!p0 s8, $0x2;
	s22 =	simm.s32 @!p0 $0xEF00;
	[sflag:s31] =	ssyncset.done $0x0  }
0x12b: {  	s23 =	simm.s32 @!p0 $0x80;
	s13 =	sadd.s32 @!p0 $0xA300, s13;
	[sflag:s31] =	ssyncadd.s32 $0xFFFFE000  }
0x12c: {  	[tilespmem:s22], [sflag:$0x1] =	stream.indirect.gather @!p0 [hbm4b:s4+s23], $0x40, s13, s23, $0xb8;
	[tilespmem:$0x1AF00] =	vst v63  }
0x12d: {  	p0 =	sge.s32 s12, s5;
	s12 =	sadd.s32 $0xFFFFFFFD, s25;
	_ =	swait.ge [sflag:s1], $0x2000  }
0x12e: {  	s13 =	sshra.s32 @!p0 s8, $0x2;
	s22 =	simm.s32 @!p0 $0x10F00;
	[sflag:s1] =	ssyncset.done $0x0  }
0x12f: {  	s23 =	simm.s32 @!p0 $0x80;
	s13 =	sadd.s32 @!p0 $0xA380, s13;
	[sflag:s1] =	ssyncadd.s32 $0xFFFFE000  }
0x130: {  	[tilespmem:s22], [sflag:$0x2] =	stream.indirect.gather @!p0 [hbm4b:s4+s23], $0x40, s13, s23, $0xb8;
	[tilespmem:$0x1AF00] =	vst v63  }
0x131: {  	p0 =	sge.s32 s12, s5;
	s12 =	sadd.s32 $0xFFFFFFFE, s25;
	_ =	swait.ge [sflag:s0], $0x2000  }
0x132: {  	s13 =	sshra.s32 @!p0 s8, $0x2;
	s22 =	simm.s32 @!p0 $0x12F00;
	[sflag:s0] =	ssyncset.done $0x0  }
0x133: {  	s23 =	simm.s32 @!p0 $0x80;
	s13 =	sadd.s32 @!p0 $0xA400, s13;
	[sflag:s0] =	ssyncadd.s32 $0xFFFFE000  }
0x134: {  	[tilespmem:s22], [sflag:$0x3] =	stream.indirect.gather @!p0 [hbm4b:s4+s23], $0x40, s13, s23, $0xb8;
	[tilespmem:$0x1AF00] =	vst v63  }
0x135: {  	p0 =	sge.s32 s12, s5;
	s12 =	sadd.s32 $0xFFFFFFFF, s25;
	_ =	swait.ge [sflag:s29], $0x2000  }
0x136: {  	s13 =	sshra.s32 @!p0 s8, $0x2;
	s22 =	simm.s32 @!p0 $0x14F00;
	[sflag:s29] =	ssyncset.done $0x0  }
0x137: {  	s23 =	simm.s32 @!p0 $0x80;
	s13 =	sadd.s32 @!p0 $0xA480, s13;
	[sflag:s29] =	ssyncadd.s32 $0xFFFFE000  }
0x138: {  	[tilespmem:s22], [sflag:$0x4] =	stream.indirect.gather @!p0 [hbm4b:s4+s23], $0x40, s13, s23, $0xb8;
	[tilespmem:$0x1AF00] =	vst v63  }
0x139: {  	p0 =	sge.s32 s12, s5  }
0x13a: {  	s25 =	sadd.s32 $0x6, s25;
	_ =	swait.ge [sflag:s21], $0x2000;
	s12 =	sshra.s32 @!p0 s8, $0x2  }
0x13b: {  	s13 =	simm.s32 @!p0 $0x16F00;
	s22 =	simm.s32 @!p0 $0x80;
	[sflag:s21] =	ssyncset.done $0x0  }
.Ltmp5:
0x13c: {  	s12 =	sadd.s32 @!p0 $0xA500, s12;
	[sflag:s21] =	ssyncadd.s32 $0xFFFFE000;
	(pc) =	sbr.rel @p6 .LBB2_5-.Ltmp5, $4  }
0x13d: {  	[tilespmem:s13], [sflag:$0x5] =	stream.indirect.gather @!p0 [hbm4b:s4+s22], $0x40, s12, s22, $0xb8;
	[tilespmem:$0x1AF00] =	vst v63  }
0x13e: {  	s8 =	sadd.s32 $0xC00, s8;
	p0 =	sge.s32 s10, s5;
	_ =	swait.ge [sflag:s28], $0x2000  }
0x13f: {  	s10 =	sshra.s32 @!p0 s9, $0x2;
	s9 =	simm.s32 @!p0 $0x18F00;
	[sflag:s28] =	ssyncset.done $0x0  }
0x140: {  	s12 =	simm.s32 @!p0 $0x80;
	s10 =	sadd.s32 @!p0 $0xA580, s10;
	[sflag:s28] =	ssyncadd.s32 $0xFFFFE000  }
.Ltmp6:
0x141: {  	_ = 	snop;
	(pc) =	sbr.rel .LBB2_6-.Ltmp6, $1  }
0x142: {  	_ =	sdelay $0x3  }
.LBB2_8:
0x143: {  	_ =	sfence.sel $0x180000  }
0x144: {  	[bflag:$0x0] =	sbarrier.arrive $0xFFFF  }
0x145: {  	_ =	strace $0x9000004D  }
0x146: {  	s0 =	stileid.u32;
	[bflag:$0x2] =	sbarrier.arrive $0xFFFF  }
0x147: {  	p0 =	sne.s32 s0, $0x0;
	s0 =	rddreg [dreg:$0x2]  }
0x148: {  	s0 =	sadd.s32 @!p0 $0x100000, s0  }
0x149: {  	[sflag:s0] =	ssyncadd.tile.s32 @!p0 $0x1;
	_ =	shalt  }
.Lfunc_end2:
_tile_overlayer_lowered:
.L_overlay_start_2:
0x14a: {  	(tag) =	ssettag $0x2  }
0x14b: {  	s0 =	rddreg [dreg:$0x0];
	s2 =	stileid.u32  }
0x14c: {  	s1 =	rddreg [dreg:$0x1];
	p0 =	sne.s32 s2, $0x0  }
0x14d: {  	s3 =	rddreg [dreg:$0x2];
	[bflag:$0x3] =	sbarrier.arrive $0xFFFF;
	s2 =	simm.s32 @!p0 $0x1C0D  }
0x14e: {  	[timem:s3], [sflag:s2] =	dma.local @!p0 [hbm:s0], s1  }
0x14f: {  	s0 =	simm.s32 @!p0 $0xD  }
0x150: {  	_ =	swait.ge @!p0 [sflag:s0], s1  }
0x151: {  	s1 =	ssub.s32 @!p0 $0x0, s1;
	[sflag:s0] =	ssyncset.done @!p0 $0x0  }
0x152: {  	[sflag:s0] =	ssyncadd.s32 @!p0 s1  }
0x153: {  	[bflag:$0x3] =	sbarrier.arrive $0xFFFF  }
0x154: {  	_ =	shalt  }

// kernel: kernel.9.cloned.1.call-start
scs
__scs_entry_jumppad:
0x0: {  	(pc) =	sbr.rel $0x88, $3  }
0x1: {  	(tag) =	ssettag $0x0;
	lr =	simm.s32 $0x1  }
0x2: {  	[smem:$0x3F8D] =	sst lr;
	_ =	strace $0xD0000000  }
0x3: {  	_ = 	snop  }
0x4: {  	_ = 	snop  }
0x5: {  	_ = 	snop  }
0x6: {  	_ = 	snop  }
0x7: {  	_ = 	snop  }
__scs_overlays_trampoline_lowered:
0x8: {  	[smem:$0x3F9C] =	sst s0  }
0x9: {  	[smem:$0x3F9D] =	sst s1  }
0xa: {  	[smem:$0x3F9E] =	sst s2  }
0xb: {  	[smem:$0x3F9F] =	sst s3  }
0xc: {  	[smem:$0x3FA0] =	sst s4  }
0xd: {  	[smem:$0x3FA1] =	sst s5  }
0xe: {  	[smem:$0x3FA2] =	sst s6  }
0xf: {  	[smem:$0x3FA3] =	sst s7  }
0x10: {  	[smem:$0x3FA4] =	sst s8  }
0x11: {  	[smem:$0x3FA5] =	sst s9;
	s0 =	simm.s32 @!p0 $0x0  }
0x12: {  	s1 =	sld [smem:$0x3F8B];
	s0 =	simm.s32 @p0 $0x1  }
0x13: {  	[smem:$0x3FA6] =	sst s0;
	s0 =	simm.s32 @!p1 $0x0  }
0x14: {  	s2 =	sld [smem:$0x3F8A];
	s0 =	simm.s32 @p1 $0x1  }
0x15: {  	[smem:$0x3FA7] =	sst s0;
	s0 =	simm.s32 @!p2 $0x0  }
0x16: {  	s3 =	sld [smem:$0x3FDB];
	s0 =	simm.s32 @p2 $0x1  }
0x17: {  	s4 =	simm.s32 $0x1BF5;
	[smem:$0x3FA9] =	sst s0  }
0x18: {  	s0 =	sld [smem:$0x3F8C];
	_ =	swait.ge [sflag:s4], $0x0  }
0x19: {  	s7 =	sld [smem:$0x3F8D]  }
0x1a: {  	s8 =	sadd.s32 $0xFFFFE003, lr  }
0x1b: {  	s9 =	sadd.s32 $0xFFFFFEF7, lr;
	s5 =	simm.s32 $0xFFFFFFFF;
	p2 =	slt.u32 s8, $0xFFFFF086  }
0x1c: {  	p1 =	slt.u32 s9, $0xF7A;
	s5 =	simm.s32 @!p2 $0x0  }
0x1d: {  	s5 =	simm.s32 @p1 $0x1;
	p0 =	seq.s32 s7, s2  }
0x1e: {  	s7 =	smul.u32 @!p0 $0xF7A, s2;
	p2 =	seq.s32 @!p0 s5, $0x0  }
0x1f: {  	s9 =	smul.u32 $0xF7A, s1;
	s8 =	simm.s32 @!p0 $0x1BF5;
	p2 =	por !p2, p0  }
0x20: {  	[sflag:s8] =	ssyncset.s32 @!p0 $0xFFFFF086;
	s6 =	sadd.s32 @!p0 s3, s7;
	s7 =	simm.s32 @!p0 $0x108  }
0x21: {  	s3 =	sadd.s32 s3, s9;
	s6 =	sadd.s32 @!p0 $0x88, s6;
	s7 =	simm.s32 @p2 $0x1082  }
0x22: {  	[simem:s7], [sflag:s8] =	dma.local @!p0 [hbm:s6], $0xF7A  }
0x23: {  	s9 =	sor.u32 $0xD0000000, s2;
	s6 =	simm.s32 $0x108;
	_ =	swait.ge @!p0 [sflag:s8], $0x0  }
0x24: {  	s3 =	sadd.s32 $0x88, s3;
	s6 =	simm.s32 @!p1 $0x1082;
	[sflag:s4] =	ssyncset.s32 $0xFFFFF086  }
0x25: {  	[simem:s6], [sflag:s4] =	dma.local [hbm:s3], $0xF7A  }
0x26: {  	[smem:$0x3F8D] =	sst s1;
	(tag) =	ssettag s2;
	_ =	strace s9  }
0x27: {  	s1 =	sld [smem:$0x3F9D]  }
0x28: {  	s2 =	sld [smem:$0x3F9E]  }
0x29: {  	s4 =	sld [smem:$0x3FA0]  }
0x2a: {  	p0 =	seq.s32 s5, $0x0;
	s5 =	sld [smem:$0x3FA1]  }
0x2b: {  	s6 =	sld [smem:$0x3FA2]  }
0x2c: {  	s7 =	sld [smem:$0x3FA3]  }
0x2d: {  	s3 =	simm.s32 $0x108;
	s8 =	sld [smem:$0x3FA4]  }
0x2e: {  	s3 =	simm.s32 @!p0 $0x1082;
	s9 =	sld [smem:$0x3FA5]  }
0x2f: {  	lr =	sadd.s32 s0, s3;
	s0 =	sld [smem:$0x3F9C]  }
0x30: {  	s3 =	sld [smem:$0x3F9F]  }
0x31: {  	[smem:$0x3FA8] =	sst s10  }
0x32: {  	s10 =	sld [smem:$0x3FA6];
	_ =	sdelay $0x3  }
0x33: {  	p0 =	seq.s32 s10, $0x1;
	s10 =	sld [smem:$0x3FA8];
	_ =	sdelay $0x3  }
0x34: {  	[smem:$0x3FA8] =	sst s10  }
0x35: {  	s10 =	sld [smem:$0x3FA7];
	_ =	sdelay $0x3  }
0x36: {  	p1 =	seq.s32 s10, $0x1;
	s10 =	sld [smem:$0x3FA8];
	_ =	sdelay $0x3  }
0x37: {  	[smem:$0x3FA8] =	sst s10  }
0x38: {  	s10 =	sld [smem:$0x3FA9]  }
0x39: {  	_ = 	snop;
	(pc) =	sbr.ind lr, $3  }
0x3a: {  	_ = 	snop  }
0x3b: {  	_ = 	snop  }
0x3c: {  	p2 =	seq.s32 s10, $0x1;
	s10 =	sld [smem:$0x3FA8]  }
0x3d: {  	_ =	shalt  }
0x3e: {  	_ =	shalt  }
0x3f: {  	_ =	shalt  }
0x40: {  	_ =	shalt  }
0x41: {  	_ =	shalt  }
0x42: {  	_ =	shalt  }
0x43: {  	_ =	shalt  }
0x44: {  	_ =	shalt  }
0x45: {  	_ =	shalt  }
0x46: {  	_ =	shalt  }
0x47: {  	_ =	shalt  }
0x48: {  	_ =	shalt  }
0x49: {  	_ =	shalt  }
0x4a: {  	_ =	shalt  }
0x4b: {  	_ =	shalt  }
0x4c: {  	_ =	shalt  }
0x4d: {  	_ =	shalt  }
0x4e: {  	_ =	shalt  }
0x4f: {  	_ =	shalt  }
0x50: {  	_ =	shalt  }
0x51: {  	_ =	shalt  }
0x52: {  	_ =	shalt  }
0x53: {  	_ =	shalt  }
0x54: {  	_ =	shalt  }
0x55: {  	_ =	shalt  }
0x56: {  	_ =	shalt  }
0x57: {  	_ =	shalt  }
0x58: {  	_ =	shalt  }
0x59: {  	_ =	shalt  }
0x5a: {  	_ =	shalt  }
0x5b: {  	_ =	shalt  }
0x5c: {  	_ =	shalt  }
0x5d: {  	_ =	shalt  }
0x5e: {  	_ =	shalt  }
0x5f: {  	_ =	shalt  }
0x60: {  	_ =	shalt  }
0x61: {  	_ =	shalt  }
0x62: {  	_ =	shalt  }
0x63: {  	_ =	shalt  }
0x64: {  	_ =	shalt  }
0x65: {  	_ =	shalt  }
0x66: {  	_ =	shalt  }
0x67: {  	_ =	shalt  }
0x68: {  	_ =	shalt  }
0x69: {  	_ =	shalt  }
0x6a: {  	_ =	shalt  }
0x6b: {  	_ =	shalt  }
0x6c: {  	_ =	shalt  }
0x6d: {  	_ =	shalt  }
0x6e: {  	_ =	shalt  }
0x6f: {  	_ =	shalt  }
0x70: {  	_ =	shalt  }
0x71: {  	_ =	shalt  }
0x72: {  	_ =	shalt  }
0x73: {  	_ =	shalt  }
0x74: {  	_ =	shalt  }
0x75: {  	_ =	shalt  }
0x76: {  	_ =	shalt  }
0x77: {  	_ =	shalt  }
0x78: {  	_ =	shalt  }
0x79: {  	_ =	shalt  }
0x7a: {  	_ =	shalt  }
0x7b: {  	_ =	shalt  }
0x7c: {  	_ =	shalt  }
0x7d: {  	_ =	shalt  }
0x7e: {  	_ =	shalt  }
0x7f: {  	_ =	shalt  }
0x80: {  	_ =	shalt  }
0x81: {  	_ =	shalt  }
0x82: {  	_ =	shalt  }
0x83: {  	_ =	shalt  }
0x84: {  	_ =	shalt  }
0x85: {  	_ =	shalt  }
0x86: {  	_ =	shalt  }
0x87: {  	_ =	shalt  }
.Lfunc_end0:
.L_simem_size_0:
called_computation_lowered:
.L_overlay_start_0:
0x88: {  	s2 =	sld [smem:$0x3FD9]  }
0x89: {  	s3 =	sld [smem:$0x3FFE];
	_ =	sdelay $0x1  }
0x8a: {  	s1 =	srdreg.scid  }
0x8b: {  	s0 =	sand.u32 $0x1, s1  }
0x8c: {  	s16 =	sshll.u32 s0, $0xA;
	s2 =	sadd.s32 s3, s2  }
0x8d: {  	s2 =	sadd.s32 s2, s16  }
0x8e: {  	[smem:$0x3FB4] =	sst s2  }
0x8f: {  	_ = 	snop  }
0x90: {  	(tm) =	ssettm $0x1  }
0x91: {  	s17 =	sld [smem:$0x3FFB];
	_ =	sdelay $0x3  }
0x92: {  	_ =	strace s17  }
0x93: {  	s2 =	sld [smem:$0x3FFC];
	_ =	sdelay $0x3  }
0x94: {  	_ =	strace s2  }
0x95: {  	s2 =	sld [smem:$0x3FFD];
	_ =	sdelay $0x3  }
0x96: {  	_ =	strace s2  }
0x97: {  	_ =	strace $0x8FFFFFFF  }
0x98: {  	s18 =	sld [smem:$0x3FDB];
	_ =	sdelay $0x1  }
0x99: {  	s19 =	simm.s32 $_scs_section_size  }
0x9a: {  	s4 =	simm.s32 $_size__tile_overlayer_lowered;
	s5 =	simm.s32 $_tile_overlayer_lowered  }
0x9b: {  	s22 =	simm.s32 $0x1BFF;
	s21 =	sshll.u32 s5, $0x1;
	s2 =	sadd.s32 s19, s18  }
0x9c: {  	s6 =	simm.s32 $0x0;
	s20 =	sshll.u32 s4, $0x1;
	s4 =	sadd.s32 s21, s2  }
0x9d: {  	[timem:s6], [sflag:s22] =	dma.local [hbm:s4], s20  }
0x9e: {  	_ =	swait.ge [sflag:s22], s20  }
0x9f: {  	s3 =	ssub.s32 $0x0, s20;
	[sflag:s22] =	ssyncset.done $0x0  }
0xa0: {  	[sflag:s22] =	ssyncadd.s32 s3;
	_ =	sdelay $0x1  }
0xa1: {  	s23 =	simm.s32 $0x1B8B  }
0xa2: {  	_ =	swait.ge [sflag:s23], $0x1  }
0xa3: {  	[sflag:s23] =	ssyncset.done $0x0  }
0xa4: {  	s25 =	simm.s32 $0x1B8E;
	s24 =	sld [smem:$0x3FFE];
	[sflag:s23] =	ssyncadd.s32 $0xFFFFFFFF  }
0xa5: {  	s26 =	simm.s32 $execute0_lowered;
	[smem:$0x3FD2] =	sst s25  }
0xa6: {  	s4 =	sshll.u32 s26, $0x1;
	_ =	strace $0x80000046;
	[dreg:$0x1] =	wrdreg $0xFFFFFFFF  }
0xa7: {  	s28 =	simm.s32 $_size_execute0_lowered;
	s2 =	sadd.s32 s2, s4;
	[dreg:$0x0] =	wrdreg $0x0  }
0xa8: {  	s4 =	sshll.u32 s28, $0x1;
	[dreg:$0x2] =	wrdreg s2  }
0xa9: {  	[dreg:$0x3] =	wrdreg s4  }
0xaa: {  	[dreg:$0x4] =	wrdreg $0xC0  }
0xab: {  	_ =	task [dreg:s6], $0x5FFFF  }
0xac: {  	[dreg:$0x1] =	wrdreg $0xFFFFFFFF  }
0xad: {  	[dreg:$0x0] =	wrdreg $0x60  }
0xae: {  	[dreg:$0x2] =	wrdreg s24  }
0xaf: {  	[dreg:$0x3] =	wrdreg $0x0  }
0xb0: {  	[dreg:$0x4] =	wrdreg $0x9  }
0xb1: {  	_ =	task.clear_ibuf [dreg:s6], $0x5FFFF;
	_ =	strace $0x90000046  }
0xb2: {  	s29 =	simm.s32 $0x9;
	_ =	strace $0x80000048  }
0xb3: {  	_ =	swait.ge [sflag:s29], $0x1  }
0xb4: {  	[sflag:s29] =	ssyncadd.s32 $0xFFFFFFFF  }
0xb5: {  	_ =	strace $0x90000048  }
0xb6: {  	_ =	sfence  }
0xb7: {  	s30 =	sld [smem:$0x0];
	_ =	sdelay $0x2  }
0xb8: {  	s31 =	sshll.u32 s1, $0xD;
	s1 =	sshrl.u32 s1, $0x2  }
0xb9: {  	s3 =	sand.u32 $0x4000, s31;
	s1 =	sadd.s32 s1, s30  }
0xba: {  	s0 =	sor.u32 s3, s0;
	s1 =	sshll.u32 s1, $0x11  }
0xbb: {  	s0 =	sor.u32 s1, s0  }
0xbc: {  	s0 =	sadd.s32 $0x8F2B, s0  }
0xbd: {  	[sflag:s0] =	ssyncadd.remote.s32 $0x1  }
0xbe: {  	_ =	sfence.sel $0xFFFF  }
0xbf: {  	[dreg:$0x0] =	wrdreg $0xFFFFFFFF;
	(pc) =	sbr.abs _section_cstart, $3  }
0xc0: {  	[dreg:$0x1] =	wrdreg $0xFFFFFFFF  }
0xc1: {  	_ =	task.clear_ibuf [dreg:s6], $0x2FFFF;
	_ =	strace $0x9FFFFFFF  }
0xc2: {  	(tm) =	ssettm $0x7FFFFFFF  }
0xc3: {  	_ =	shalt  }
tec
execute0_lowered:
.L_overlay_start_1:
0x0: {  	(tag) =	ssettag $0x1  }
0x1: {  	s0 =	srdreg.scid;
	s3 =	rddreg [dreg:$0x0]  }
0x2: {  	s11 =	stileid.u32;
	s2 =	rddreg [dreg:$0x1];
	s4 =	simm.s32 $0x0  }
0x3: {  	s29 =	simm.s32 $0x11700;
	s30 =	simm.s32 $0x6;
	s31 =	simm.s32 $0x7  }
0x4: {  	s28 =	simm.s32 $0x2;
	s1 =	sand.u32 $0x1, s0;
	s8 =	smul.u32 $0x280, s11  }
0x5: {  	s19 =	sshll.u32 s11, $0x1;
	[smem:$0x7FF] =	sst s4;
	s11 =	smul.u32 $0x32000, s11  }
0x6: {  	s0 =	sor.u32 s1, s19;
	s20 =	ssub.s32 $0x2, s1;
	s1 =	smul.u32 $0x2800, s1  }
0x7: {  	s4 =	sadd.s32 $0x17400, s3;
	_ =	strace $0x80000047;
	s0 =	smul.u32 $0x9C4, s0  }
0x8: {  	s9 =	sshrl.u32 s20, $0x1;
	s15 =	sadd.s32 $0x80, s8;
	s22 =	sshrl.u32 s11, $0x2  }
0x9: {  	s14 =	sadd.s32 $0x14000, s11;
	s17 =	sadd.s32 $0x1E000, s11;
	s18 =	sadd.s32 $0x28000, s11  }
0xa: {  	s12 =	smul.u32 $0x140, s15;
	s24 =	sadd.s32 s22, s2;
	s19 =	sshrl.u32 s18, $0x2  }
0xb: {  	s8 =	sadd.s32 s8, s1;
	s1 =	sadd.s32 s1, s15;
	s15 =	simm.s32 $0x1B700  }
0xc: {  	s6 =	sshrl.u32 s0, $0x5;
	s10 =	sadd.s32 $0x9C4, s0;
	s0 =	ssub.s32 s20, s9  }
0xd: {  	s8 =	sshll.u32 s8, $0x4;
	s1 =	sshll.u32 s1, $0x4;
	s5 =	sshll.u32 s6, $0x4  }
0xe: {  	s21 =	sshrl.u32 s10, $0x5;
	s23 =	sshrl.u32 s12, $0x2;
	s0 =	smax.u32 s0, $0x1  }
0xf: {  	s7 =	sadd.s32 s5, s3;
	s3 =	sadd.s32 $0x2FC00, s3;
	s5 =	ssub.s32 s21, s6  }
0x10: {  	p0 =	sne.s32 s21, s6;
	s6 =	simm.s32 $0x1;
	[dreg:$0x14] =	wrdreg s0  }
0x11: {  	s13 =	sadd.s32 $0x3A00, s7;
	s7 =	sadd.s32 $0xD640, s7;
	s25 =	sshll.u32 s5, $0x10  }
0x12: {  	s26 =	smul.u32 $0xFFFFCCCD, s5;
	s6 =	simm.s32 @!p0 $0x0;
	[dreg:$0x3] =	wrdreg s13  }
0x13: {  	s8 =	sadd.s32 s3, s8;
	s1 =	sadd.s32 s3, s1;
	[dreg:$0x4] =	wrdreg s7  }
0x14: {  	s10 =	sshra.s32 s25, $0x10;
	s13 =	sshra.s32 s5, $0x1F;
	[dreg:$0xd] =	wrdreg s1  }
0x15: {  	s25 =	sadd.s32 s19, s2;
	[dreg:$0xc] =	wrdreg s8;
	s1 =	simm.s32 $0x8  }
0x16: {  	s12 =	sadd.s32 $0x1999, s26;
	s10 =	smul.u32 $0x6667, s10;
	s6 =	sor.u32 s6, s13  }
0x17: {  	s13 =	sadd.s32 s23, s2;
	[dreg:$0x9] =	wrdreg s25;
	s12 =	sand.u32 $0xFFFF, s12  }
0x18: {  	p6 =	sne.s32 s6, $0x1;
	s6 =	sshrl.u32 s14, $0x2;
	p1 =	sgt.u32 s12, $0x3332  }
0x19: {  	s14 =	simm.s32 $0x1;
	s16 =	sshrl.u32 s10, $0x1F;
	p0 =	por !p1, !p6  }
0x1a: {  	s10 =	sshra.s32 s10, $0x11;
	s12 =	simm.s32 $0x1;
	p0 =	por !p0, !p0  }
0x1b: {  	[dreg:$0x5] =	wrdreg s13;
	s7 =	sadd.s32 s16, s10;
	s12 =	simm.s32 @!p0 $0x0  }
0x1c: {  	s10 =	sadd.s32 s6, s2;
	s6 =	sshrl.u32 s17, $0x2;
	s9 =	ssub.s32 s7, s12  }
0x1d: {  	[dreg:$0x6] =	wrdreg s10;
	s12 =	sadd.s32 s6, s2;
	s11 =	smul.u32 $0x5, s9  }
0x1e: {  	s20 =	smul.u32 $0xA00, s9;
	[dreg:$0x7] =	wrdreg s9;
	p5 =	slt.s32 s9, $0x1  }
0x1f: {  	[dreg:$0x8] =	wrdreg s12;
	s0 =	simm.s32 @!p5 $0x0;
	s21 =	sadd.s32 $0x1, s11  }
0x20: {  	s7 =	sshra.s32 s20, $0x2;
	s23 =	sadd.s32 $0x2, s11;
	s17 =	sadd.s32 $0x3, s11  }
0x21: {  	s18 =	sadd.s32 $0x4, s11;
	p0 =	sge.s32 s11, s5;
	s0 =	simm.s32 @p5 $0x1  }
0x22: {  	s11 =	simm.s32 $0x80;
	s16 =	sshll.u32 s21, $0x9;
	s7 =	sadd.s32 $0xEF80, s7  }
0x23: {  	s26 =	sshll.u32 s23, $0x9;
	s19 =	sshll.u32 s17, $0x9;
	p1 =	sge.s32 s21, s5  }
0x24: {  	s20 =	sshll.u32 s18, $0x9;
	p2 =	sge.s32 s23, s5;
	p3 =	sge.s32 s17, s5  }
0x25: {  	s23 =	sadd.s32 $0x1800, s8;
	p4 =	sge.s32 s18, s5;
	[smem:$0x7FD] =	sst s0  }
0x26: {  	s0 =	simm.s32 $0xA;
	s18 =	simm.s32 $0x4;
	[dreg:$0xa] =	wrdreg s7  }
0x27: {  	s22 =	sshra.s32 s16, $0x2;
	s3 =	sshra.s32 s19, $0x2;
	s6 =	sshra.s32 s20, $0x2  }
0x28: {  	[dreg:$0x12] =	wrdreg s23;
	s16 =	simm.s32 $0x3;
	s7 =	sadd.s32 $0xEF80, s22  }
0x29: {  	s19 =	simm.s32 $0x5;
	s3 =	sadd.s32 $0xEF80, s3;
	[dreg:$0xb] =	wrdreg s7  }
0x2a: {  	s20 =	simm.s32 $0x9;
	s21 =	sadd.s32 $0xEF80, s6;
	[dreg:$0xf] =	wrdreg s3  }
.Ltmp0:
0x2b: {  	s22 =	sadd.s32 $0x1000, s8;
	[dreg:$0x10] =	wrdreg s21;
	(pc) =	sbr.rel .LBB2_1-.Ltmp0, $4  }
0x2c: {  	s6 =	simm.s32 $0x16700;
	s7 =	sshra.s32 s26, $0x2;
	[dreg:$0x11] =	wrdreg s22  }
0x2d: {  	s26 =	sadd.s32 $0x2000, s8;
	s3 =	simm.s32 $0x13F00;
	s21 =	simm.s32 $0x50  }
0x2e: {  	s22 =	simm.s32 $0x0;
	s7 =	sadd.s32 $0xEF80, s7;
	[dreg:$0x13] =	wrdreg s26  }
0x2f: {  	v0 =	vimm.f32 $0.0e+00;
	s26 =	simm.s32 $0xC800;
	[dreg:$0xe] =	wrdreg s7;
	s7 =	simm.s32 $0x18F00  }
.LBB2_6:
0x30: {  	[tilespmem:s17], [sflag:$0x5] =	stream.indirect.gather @!p5 [hbm4b:s4+s8], $0x50, s25, s8, $0xb8;
	[tilespmem:$0x1DF00] =	vst v63  }
0x31: {  	s24 =	smov.u32 s13;
	s13 =	rddreg [dreg:$0x5]  }
0x32: {  	s10 =	rddreg [dreg:$0x6]  }
0x33: {  	s12 =	rddreg [dreg:$0x8]  }
0x34: {  	s25 =	rddreg [dreg:$0x9];
	s26 =	simm.s32 $0xC800  }
.LBB2_7:
0x35: {  	s8 =	simm.s32 @!p0 $0x1  }
0x36: {  	_ =	swait.ge @!p0 [sflag:s8], $0x2800  }
0x37: {  	s9 =	simm.s32 @!p0 $0x11700;
	[sflag:s8] =	ssyncset.done @!p0 $0x0  }
0x38: {  	s17 =	rddreg [dreg:$0xa];
	[sflag:s8] =	ssyncadd.s32 @!p0 $0xFFFFD800;
	s8 =	simm.s32 @!p0 $0x80  }
0x39: {  	[spmem:s2] =	stream.indirect.scatter.add.f32 @!p0 [tilespmem:s9], [sflag:$0xB], $0x50, s17, s8, $0xb8;
	[tilespmem:$0x1DF00] =	vst v63  }
0x3a: {  	s8 =	simm.s32 @!p0 $0xB  }
0x3b: {  	_ =	swait.ge @!p0 [sflag:s8], $0x2800  }
0x3c: {  	[sflag:s8] =	ssyncset.done @!p0 $0x0  }
0x3d: {  	[sflag:s8] =	ssyncadd.s32 @!p0 $0xFFFFD800;
	s8 =	simm.s32 @!p1 $0x2  }
0x3e: {  	_ =	swait.ge @!p1 [sflag:s8], $0x2800  }
0x3f: {  	s9 =	simm.s32 @!p1 $0x13F00;
	[sflag:s8] =	ssyncset.done @!p1 $0x0  }
0x40: {  	s17 =	rddreg [dreg:$0xb];
	[sflag:s8] =	ssyncadd.s32 @!p1 $0xFFFFD800;
	s8 =	simm.s32 @!p1 $0x80  }
0x41: {  	[spmem:s2] =	stream.indirect.scatter.add.f32 @!p1 [tilespmem:s9], [sflag:$0xB], $0x50, s17, s8, $0xb8;
	[tilespmem:$0x1DF00] =	vst v63  }
0x42: {  	s8 =	simm.s32 @!p1 $0xB  }
0x43: {  	_ =	swait.ge @!p1 [sflag:s8], $0x2800  }
0x44: {  	[sflag:s8] =	ssyncset.done @!p1 $0x0  }
0x45: {  	[sflag:s8] =	ssyncadd.s32 @!p1 $0xFFFFD800;
	s8 =	simm.s32 @!p2 $0x3  }
0x46: {  	_ =	swait.ge @!p2 [sflag:s8], $0x2800  }
0x47: {  	s9 =	simm.s32 @!p2 $0x16700;
	[sflag:s8] =	ssyncset.done @!p2 $0x0  }
0x48: {  	s17 =	rddreg [dreg:$0xe];
	[sflag:s8] =	ssyncadd.s32 @!p2 $0xFFFFD800;
	s8 =	simm.s32 @!p2 $0x80  }
0x49: {  	[spmem:s2] =	stream.indirect.scatter.add.f32 @!p2 [tilespmem:s9], [sflag:$0xB], $0x50, s17, s8, $0xb8;
	[tilespmem:$0x1DF00] =	vst v63  }
0x4a: {  	s8 =	simm.s32 @!p2 $0xB  }
0x4b: {  	_ =	swait.ge @!p2 [sflag:s8], $0x2800  }
0x4c: {  	[sflag:s8] =	ssyncset.done @!p2 $0x0  }
0x4d: {  	[sflag:s8] =	ssyncadd.s32 @!p2 $0xFFFFD800;
	s8 =	simm.s32 @!p3 $0x4  }
0x4e: {  	_ =	swait.ge @!p3 [sflag:s8], $0x2800  }
0x4f: {  	s9 =	simm.s32 @!p3 $0x18F00;
	[sflag:s8] =	ssyncset.done @!p3 $0x0  }
0x50: {  	s17 =	rddreg [dreg:$0xf];
	[sflag:s8] =	ssyncadd.s32 @!p3 $0xFFFFD800;
	s8 =	simm.s32 @!p3 $0x80  }
0x51: {  	[spmem:s2] =	stream.indirect.scatter.add.f32 @!p3 [tilespmem:s9], [sflag:$0xB], $0x50, s17, s8, $0xb8;
	[tilespmem:$0x1DF00] =	vst v63  }
0x52: {  	s8 =	simm.s32 @!p3 $0xB  }
0x53: {  	_ =	swait.ge @!p3 [sflag:s8], $0x2800  }
0x54: {  	[sflag:s8] =	ssyncset.done @!p3 $0x0  }
0x55: {  	[sflag:s8] =	ssyncadd.s32 @!p3 $0xFFFFD800;
	s8 =	simm.s32 @!p4 $0x5  }
0x56: {  	_ =	swait.ge @!p4 [sflag:s8], $0x2800  }
0x57: {  	s9 =	simm.s32 @!p4 $0x1B700;
	[sflag:s8] =	ssyncset.done @!p4 $0x0  }
0x58: {  	s17 =	rddreg [dreg:$0x10];
	[sflag:s8] =	ssyncadd.s32 @!p4 $0xFFFFD800;
	s8 =	simm.s32 @!p4 $0x80  }
0x59: {  	[spmem:s2] =	stream.indirect.scatter.add.f32 @!p4 [tilespmem:s9], [sflag:$0xB], $0x50, s17, s8, $0xb8;
	[tilespmem:$0x1DF00] =	vst v63  }
0x5a: {  	s8 =	simm.s32 @!p4 $0xB  }
0x5b: {  	_ =	swait.ge @!p4 [sflag:s8], $0x2800  }
0x5c: {  	[sflag:s8] =	ssyncset.done @!p4 $0x0  }
0x5d: {  	[sflag:s8] =	ssyncadd.s32 @!p4 $0xFFFFD800  }
0x5e: {  	[bflag:$0x0] =	sbarrier.arrive $0xFFFF  }
0x5f: {  	[tilespmem:s29], [sflag:$0x1] =	stream.linear.gather [spmem:s24], $0x2800, $0x38;
	[tilespmem:$0x1DF00] =	vst v63  }
0x60: {  	_ =	swait.ge [sflag:s14], $0x2800  }
0x61: {  	[sflag:s14] =	ssyncset.done $0x0  }
0x62: {  	s9 =	rddreg [dreg:$0xc];
	[sflag:s14] =	ssyncadd.s32 $0xFFFFD800  }
0x63: {  	[hbm4b:s9+s21] =	stream.strided.scatter [tilespmem:s29], [sflag:$0x6], $0x2800, s11, s21, $0x38;
	[tilespmem:$0x1DF00] =	vst v63  }
0x64: {  	_ = 	snop  }
0x65: {  	[tilespmem:s3], [sflag:$0x2] =	stream.linear.gather [spmem:s13], $0x2800, $0x38;
	[tilespmem:$0x1DF00] =	vst v63  }
0x66: {  	_ =	swait.ge [sflag:s28], $0x2800  }
0x67: {  	[sflag:s28] =	ssyncset.done $0x0  }
0x68: {  	s17 =	rddreg [dreg:$0xd];
	[sflag:s28] =	ssyncadd.s32 $0xFFFFD800  }
0x69: {  	[hbm4b:s17+s21] =	stream.strided.scatter [tilespmem:s3], [sflag:$0x7], $0x2800, s11, s21, $0x38;
	[tilespmem:$0x1DF00] =	vst v63  }
0x6a: {  	_ = 	snop  }
0x6b: {  	[tilespmem:s6], [sflag:$0x3] =	stream.linear.gather [spmem:s10], $0x2800, $0x38;
	[tilespmem:$0x1DF00] =	vst v63  }
0x6c: {  	_ =	swait.ge [sflag:s16], $0x2800  }
0x6d: {  	[sflag:s16] =	ssyncset.done $0x0  }
0x6e: {  	s23 =	rddreg [dreg:$0x11];
	[sflag:s16] =	ssyncadd.s32 $0xFFFFD800  }
0x6f: {  	[hbm4b:s23+s21] =	stream.strided.scatter [tilespmem:s6], [sflag:$0x8], $0x2800, s11, s21, $0x38;
	[tilespmem:$0x1DF00] =	vst v63  }
0x70: {  	_ = 	snop  }
0x71: {  	[tilespmem:s7], [sflag:$0x4] =	stream.linear.gather [spmem:s12], $0x2800, $0x38;
	[tilespmem:$0x1DF00] =	vst v63  }
0x72: {  	_ =	swait.ge [sflag:s18], $0x2800  }
0x73: {  	[sflag:s18] =	ssyncset.done $0x0  }
0x74: {  	s9 =	rddreg [dreg:$0x12];
	[sflag:s18] =	ssyncadd.s32 $0xFFFFD800  }
0x75: {  	[hbm4b:s9+s21] =	stream.strided.scatter [tilespmem:s7], [sflag:$0x9], $0x2800, s11, s21, $0x38;
	[tilespmem:$0x1DF00] =	vst v63  }
0x76: {  	_ = 	snop  }
0x77: {  	[tilespmem:s15], [sflag:$0x5] =	stream.linear.gather [spmem:s25], $0x2800, $0x38;
	[tilespmem:$0x1DF00] =	vst v63  }
0x78: {  	_ =	swait.ge [sflag:s19], $0x2800  }
0x79: {  	[sflag:s19] =	ssyncset.done $0x0  }
0x7a: {  	s17 =	rddreg [dreg:$0x13];
	[sflag:s19] =	ssyncadd.s32 $0xFFFFD800  }
0x7b: {  	[hbm4b:s17+s21] =	stream.strided.scatter [tilespmem:s15], [sflag:$0xA], $0x2800, s11, s21, $0x38;
	[tilespmem:$0x1DF00] =	vst v63  }
0x7c: {  	_ =	swait.ge [sflag:s30], $0x2800  }
0x7d: {  	[sflag:s30] =	ssyncset.done $0x0  }
0x7e: {  	[sflag:s30] =	ssyncadd.s32 $0xFFFFD800  }
0x7f: {  	_ =	swait.ge [sflag:s31], $0x2800  }
0x80: {  	[sflag:s31] =	ssyncset.done $0x0  }
0x81: {  	[sflag:s31] =	ssyncadd.s32 $0xFFFFD800  }
0x82: {  	_ =	swait.ge [sflag:s1], $0x2800  }
0x83: {  	[sflag:s1] =	ssyncset.done $0x0  }
0x84: {  	[sflag:s1] =	ssyncadd.s32 $0xFFFFD800  }
0x85: {  	_ =	swait.ge [sflag:s20], $0x2800  }
0x86: {  	[sflag:s20] =	ssyncset.done $0x0  }
0x87: {  	[sflag:s20] =	ssyncadd.s32 $0xFFFFD800  }
0x88: {  	_ =	swait.ge [sflag:s0], $0x2800  }
0x89: {  	s22 =	sadd.s32 $0x1, s22;
	s23 =	rddreg [dreg:$0x14]  }
0x8a: {  	p5 =	sne.s32 s22, s23  }
.Ltmp1:
0x8b: {  	_ = 	snop;
	(pc) =	sbr.rel @!p5 .LBB2_8-.Ltmp1, $3  }
0x8c: {  	_ =	sdelay $0x1  }
0x8d: {  	[sflag:s0] =	ssyncset.done $0x0  }
0x8e: {  	[sflag:s0] =	ssyncadd.s32 $0xFFFFD800  }
.LBB2_1:
0x8f: {  	s8 =	simm.s32 $0x0;
	s9 =	rddreg [dreg:$0x3]  }
0x90: {  	[tilespmem:s26], [sflag:$0x1] =	stream.linear.gather [hbm4b:s9+s8], $0x2780, $0x38;
	[tilespmem:$0x1DF00] =	vst v63  }
0x91: {  	s23 =	rddreg [dreg:$0x4];
	s17 =	simm.s32 $0xEF80  }
0x92: {  	[tilespmem:s17], [sflag:$0x2] =	stream.linear.gather [hbm4b:s23+s8], $0x2780, $0x38;
	[tilespmem:$0x1DF00] =	vst v63  }
0x93: {  	s23 =	simm.s32 $0x240;
	s17 =	simm.s32 $0x40  }
.LBB2_2:
0x94: {  	p5 =	sne.s32 s23, $0x9FC0;
	[tilespmem:s17+$0x11700] =	vst v0;
	s8 =	smov.u32 s23;
	s23 =	sadd.s32 $0x140, s23  }
.Ltmp2:
0x95: {  	[tilespmem:s17+$0x116F0] =	vst v0;
	(pc) =	sbr.rel @p5 .LBB2_2-.Ltmp2, $4  }
0x96: {  	[tilespmem:s17+$0x116E0] =	vst v0  }
0x97: {  	[tilespmem:s17+$0x116C0] =	vst v0  }
0x98: {  	[tilespmem:s17+$0x116D0] =	vst v0  }
0x99: {  	s17 =	sshra.s32 s8, $0x2  }
0x9a: {  	[tilespmem:s17+$0x11700] =	vst v0  }
0x9b: {  	[tilespmem:s17+$0x116F0] =	vst v0  }
0x9c: {  	[tilespmem:s17+$0x116E0] =	vst v0  }
0x9d: {  	[tilespmem:s17+$0x116C0] =	vst v0  }
0x9e: {  	[tilespmem:s17+$0x116D0] =	vst v0  }
0x9f: {  	[spmem:s24] =	stream.linear.scatter [tilespmem:s29], [sflag:$0x6], $0x2800, $0x38;
	[tilespmem:$0x1DF00] =	vst v63  }
0xa0: {  	_ = 	snop  }
0xa1: {  	[spmem:s13] =	stream.linear.scatter [tilespmem:s29], [sflag:$0x7], $0x2800, $0x38;
	[tilespmem:$0x1DF00] =	vst v63  }
0xa2: {  	_ = 	snop  }
0xa3: {  	[spmem:s10] =	stream.linear.scatter [tilespmem:s29], [sflag:$0x8], $0x2800, $0x38;
	[tilespmem:$0x1DF00] =	vst v63  }
0xa4: {  	_ = 	snop  }
0xa5: {  	[spmem:s12] =	stream.linear.scatter [tilespmem:s29], [sflag:$0x9], $0x2800, $0x38;
	[tilespmem:$0x1DF00] =	vst v63  }
0xa6: {  	_ = 	snop  }
0xa7: {  	[spmem:s25] =	stream.linear.scatter [tilespmem:s29], [sflag:$0xA], $0x2800, $0x38;
	[tilespmem:$0x1DF00] =	vst v63  }
0xa8: {  	_ =	swait.ge [sflag:s30], $0x2800  }
0xa9: {  	[sflag:s30] =	ssyncset.done $0x0  }
0xaa: {  	[sflag:s30] =	ssyncadd.s32 $0xFFFFD800  }
0xab: {  	_ =	swait.ge [sflag:s31], $0x2800  }
0xac: {  	[sflag:s31] =	ssyncset.done $0x0  }
0xad: {  	[sflag:s31] =	ssyncadd.s32 $0xFFFFD800  }
0xae: {  	_ =	swait.ge [sflag:s1], $0x2800  }
0xaf: {  	[sflag:s1] =	ssyncset.done $0x0  }
0xb0: {  	s8 =	simm.s32 $0x9;
	[sflag:s1] =	ssyncadd.s32 $0xFFFFD800  }
0xb1: {  	_ =	swait.ge [sflag:s8], $0x2800  }
0xb2: {  	[sflag:s8] =	ssyncset.done $0x0  }
0xb3: {  	[sflag:s8] =	ssyncadd.s32 $0xFFFFD800  }
0xb4: {  	_ =	swait.ge [sflag:s0], $0x2800  }
0xb5: {  	[sflag:s0] =	ssyncset.done $0x0  }
0xb6: {  	[sflag:s0] =	ssyncadd.s32 $0xFFFFD800  }
0xb7: {  	_ =	swait.ge [sflag:s14], $0x2780  }
0xb8: {  	[sflag:s14] =	ssyncset.done $0x0  }
0xb9: {  	[sflag:s14] =	ssyncadd.s32 $0xFFFFD880  }
0xba: {  	_ =	swait.ge [sflag:s28], $0x2780  }
0xbb: {  	[sflag:s28] =	ssyncset.done $0x0  }
0xbc: {  	[sflag:s28] =	ssyncadd.s32 $0xFFFFD880  }
0xbd: {  	[bflag:$0x0] =	sbarrier.arrive $0xFFFF  }
0xbe: {  	[tilespmem:s29], [sflag:$0x1] =	stream.indirect.gather [hbm4b:s4+s11], $0x50, s26, s11, $0xb8;
	[tilespmem:$0x1DF00] =	vst v63  }
0xbf: {  	s17 =	simm.s32 $0xC880  }
0xc0: {  	[tilespmem:s3], [sflag:$0x2] =	stream.indirect.gather [hbm4b:s4+s11], $0x50, s17, s11, $0xb8;
	[tilespmem:$0x1DF00] =	vst v63  }
0xc1: {  	s23 =	simm.s32 $0xC900  }
0xc2: {  	[tilespmem:s6], [sflag:$0x3] =	stream.indirect.gather [hbm4b:s4+s11], $0x50, s23, s11, $0xb8;
	[tilespmem:$0x1DF00] =	vst v63  }
0xc3: {  	s23 =	sld [smem:$0x7FD];
	_ =	sdelay $0x2  }
0xc4: {  	p5 =	seq.s32 s23, $0x1  }
.Ltmp3:
0xc5: {  	_ = 	snop;
	(pc) =	sbr.rel @p5 .LBB2_7-.Ltmp3, $4  }
0xc6: {  	s9 =	simm.s32 $0xC980  }
0xc7: {  	[tilespmem:s7], [sflag:$0x4] =	stream.indirect.gather [hbm4b:s4+s11], $0x50, s9, s11, $0xb8;
	[tilespmem:$0x1DF00] =	vst v63  }
0xc8: {  	s17 =	simm.s32 $0xCA00  }
0xc9: {  	[tilespmem:s15], [sflag:$0x5] =	stream.indirect.gather [hbm4b:s4+s11], $0x50, s17, s11, $0xb8;
	[tilespmem:$0x1DF00] =	vst v63  }
0xca: {  	_ =	swait.ge [sflag:s14], $0x2800  }
0xcb: {  	[sflag:s14] =	ssyncset.done $0x0  }
0xcc: {  	s8 =	simm.s32 $0xEF80;
	[sflag:s14] =	ssyncadd.s32 $0xFFFFD800  }
0xcd: {  	[spmem:s2] =	stream.indirect.scatter.add.f32 [tilespmem:s29], [sflag:$0x6], $0x50, s8, s11, $0xb8;
	[tilespmem:$0x1DF00] =	vst v63  }
0xce: {  	_ =	swait.ge [sflag:s28], $0x2800  }
0xcf: {  	[sflag:s28] =	ssyncset.done $0x0  }
0xd0: {  	s17 =	simm.s32 $0xF000;
	[sflag:s28] =	ssyncadd.s32 $0xFFFFD800  }
0xd1: {  	[spmem:s2] =	stream.indirect.scatter.add.f32 [tilespmem:s3], [sflag:$0x7], $0x50, s17, s11, $0xb8;
	[tilespmem:$0x1DF00] =	vst v63  }
0xd2: {  	_ =	swait.ge [sflag:s16], $0x2800  }
0xd3: {  	[sflag:s16] =	ssyncset.done $0x0  }
0xd4: {  	s23 =	simm.s32 $0xF080;
	[sflag:s16] =	ssyncadd.s32 $0xFFFFD800  }
0xd5: {  	[spmem:s2] =	stream.indirect.scatter.add.f32 [tilespmem:s6], [sflag:$0x8], $0x50, s23, s11, $0xb8;
	[tilespmem:$0x1DF00] =	vst v63  }
0xd6: {  	_ =	swait.ge [sflag:s18], $0x2800  }
0xd7: {  	[sflag:s18] =	ssyncset.done $0x0  }
0xd8: {  	s13 =	smov.u32 s24;
	s24 =	simm.s32 $0xF100;
	[sflag:s18] =	ssyncadd.s32 $0xFFFFD800  }
0xd9: {  	[spmem:s2] =	stream.indirect.scatter.add.f32 [tilespmem:s7], [sflag:$0x9], $0x50, s24, s11, $0xb8;
	[tilespmem:$0x1DF00] =	vst v63  }
0xda: {  	_ =	swait.ge [sflag:s19], $0x2800  }
0xdb: {  	[sflag:s19] =	ssyncset.done $0x0  }
0xdc: {  	s25 =	simm.s32 $0xF180;
	[sflag:s19] =	ssyncadd.s32 $0xFFFFD800  }
0xdd: {  	[spmem:s2] =	stream.indirect.scatter.add.f32 [tilespmem:s15], [sflag:$0xA], $0x50, s25, s11, $0xb8;
	[tilespmem:$0x1DF00] =	vst v63  }
0xde: {  	p5 =	sle.s32 s5, $0x5;
	_ =	swait.ge [sflag:s30], $0x2800  }
0xdf: {  	s8 =	simm.s32 @!p5 $0x11700;
	[sflag:s30] =	ssyncset.done $0x0  }
0xe0: {  	s17 =	simm.s32 @!p5 $0xCA80;
	s23 =	simm.s32 @!p5 $0x80;
	[sflag:s30] =	ssyncadd.s32 $0xFFFFD800  }
0xe1: {  	[tilespmem:s8], [sflag:$0x1] =	stream.indirect.gather @!p5 [hbm4b:s4+s23], $0x50, s17, s23, $0xb8;
	[tilespmem:$0x1DF00] =	vst v63  }
0xe2: {  	p5 =	sle.s32 s5, $0x6;
	_ =	swait.ge [sflag:s31], $0x2800  }
0xe3: {  	s8 =	simm.s32 @!p5 $0x13F00;
	[sflag:s31] =	ssyncset.done $0x0  }
0xe4: {  	s17 =	simm.s32 @!p5 $0xCB00;
	s23 =	simm.s32 @!p5 $0x80;
	[sflag:s31] =	ssyncadd.s32 $0xFFFFD800  }
0xe5: {  	[tilespmem:s8], [sflag:$0x2] =	stream.indirect.gather @!p5 [hbm4b:s4+s23], $0x50, s17, s23, $0xb8;
	[tilespmem:$0x1DF00] =	vst v63  }
0xe6: {  	p5 =	sle.s32 s5, $0x7  }
0xe7: {  	_ =	swait.ge [sflag:s1], $0x2800;
	s8 =	simm.s32 @!p5 $0x16700  }
0xe8: {  	s17 =	simm.s32 @!p5 $0xCB80;
	[sflag:s1] =	ssyncset.done $0x0;
	s26 =	rddreg [dreg:$0x7]  }
0xe9: {  	s23 =	simm.s32 @!p5 $0x80;
	[sflag:s1] =	ssyncadd.s32 $0xFFFFD800;
	s26 =	sadd.s32 $0xFFFFFFFF, s26  }
0xea: {  	[tilespmem:s8], [sflag:$0x3] =	stream.indirect.gather @!p5 [hbm4b:s4+s23], $0x50, s17, s23, $0xb8;
	[tilespmem:$0x1DF00] =	vst v63  }
0xeb: {  	p5 =	sle.s32 s5, $0x8;
	p6 =	sne.s32 s26, $0x0;
	_ =	swait.ge [sflag:s20], $0x2800  }
0xec: {  	s8 =	simm.s32 @!p5 $0x18F00;
	s17 =	simm.s32 @!p5 $0xCC00;
	[sflag:s20] =	ssyncset.done $0x0  }
.Ltmp4:
0xed: {  	s23 =	simm.s32 @!p5 $0x80;
	[sflag:s20] =	ssyncadd.s32 $0xFFFFD800;
	(pc) =	sbr.rel @!p6 .LBB2_6-.Ltmp4, $4  }
0xee: {  	[tilespmem:s8], [sflag:$0x4] =	stream.indirect.gather @!p5 [hbm4b:s4+s23], $0x50, s17, s23, $0xb8;
	[tilespmem:$0x1DF00] =	vst v63  }
0xef: {  	s24 =	simm.s32 $0xA00;
	p5 =	sle.s32 s5, $0x9;
	_ =	swait.ge [sflag:s0], $0x2800  }
0xf0: {  	s23 =	simm.s32 $0xE;
	s17 =	simm.s32 @!p5 $0x1B700;
	[sflag:s0] =	ssyncset.done $0x0  }
0xf1: {  	s25 =	simm.s32 @!p5 $0xCC80;
	s8 =	simm.s32 @!p5 $0x80;
	[sflag:s0] =	ssyncadd.s32 $0xFFFFD800  }
.LBB2_5:
0xf2: {  	[tilespmem:s17], [sflag:$0x5] =	stream.indirect.gather @!p5 [hbm4b:s4+s8], $0x50, s25, s8, $0xb8;
	[tilespmem:$0x1DF00] =	vst v63  }
0xf3: {  	s26 =	sadd.s32 $0xFFFFFFFF, s26;
	s17 =	smov.u32 s23;
	s25 =	smov.u32 s24  }
0xf4: {  	p6 =	sne.s32 s26, $0x0;
	_ =	swait.ge [sflag:s14], $0x2800  }
0xf5: {  	s8 =	sshra.s32 s24, $0x2;
	[sflag:s14] =	ssyncset.done $0x0  }
0xf6: {  	s9 =	sadd.s32 $0xEF80, s8;
	[sflag:s14] =	ssyncadd.s32 $0xFFFFD800  }
0xf7: {  	[spmem:s2] =	stream.indirect.scatter.add.f32 [tilespmem:s29], [sflag:$0x6], $0x50, s9, s11, $0xb8;
	[tilespmem:$0x1DF00] =	vst v63  }
0xf8: {  	_ =	swait.ge [sflag:s28], $0x2800  }
0xf9: {  	[sflag:s28] =	ssyncset.done $0x0  }
0xfa: {  	s9 =	sadd.s32 $0xF000, s8;
	[sflag:s28] =	ssyncadd.s32 $0xFFFFD800  }
0xfb: {  	[spmem:s2] =	stream.indirect.scatter.add.f32 [tilespmem:s3], [sflag:$0x7], $0x50, s9, s11, $0xb8;
	[tilespmem:$0x1DF00] =	vst v63  }
0xfc: {  	_ =	swait.ge [sflag:s16], $0x2800  }
0xfd: {  	[sflag:s16] =	ssyncset.done $0x0  }
0xfe: {  	s9 =	sadd.s32 $0xF080, s8;
	[sflag:s16] =	ssyncadd.s32 $0xFFFFD800  }
0xff: {  	[spmem:s2] =	stream.indirect.scatter.add.f32 [tilespmem:s6], [sflag:$0x8], $0x50, s9, s11, $0xb8;
	[tilespmem:$0x1DF00] =	vst v63  }
0x100: {  	_ =	swait.ge [sflag:s18], $0x2800  }
0x101: {  	[sflag:s18] =	ssyncset.done $0x0  }
0x102: {  	s9 =	sadd.s32 $0xF100, s8;
	[sflag:s18] =	ssyncadd.s32 $0xFFFFD800  }
0x103: {  	[spmem:s2] =	stream.indirect.scatter.add.f32 [tilespmem:s7], [sflag:$0x9], $0x50, s9, s11, $0xb8;
	[tilespmem:$0x1DF00] =	vst v63  }
0x104: {  	_ =	swait.ge [sflag:s19], $0x2800  }
0x105: {  	[sflag:s19] =	ssyncset.done $0x0  }
0x106: {  	s8 =	sadd.s32 $0xF180, s8;
	s9 =	sadd.s32 $0xFFFFFFFC, s23;
	[sflag:s19] =	ssyncadd.s32 $0xFFFFD800  }
0x107: {  	[spmem:s2] =	stream.indirect.scatter.add.f32 [tilespmem:s15], [sflag:$0xA], $0x50, s8, s11, $0xb8;
	[tilespmem:$0x1DF00] =	vst v63  }
0x108: {  	p5 =	sge.s32 s9, s5;
	s8 =	sadd.s32 $0xFFFFFFFD, s23;
	_ =	swait.ge [sflag:s30], $0x2800  }
0x109: {  	s9 =	sshra.s32 @!p5 s24, $0x2;
	s10 =	simm.s32 @!p5 $0x11700;
	[sflag:s30] =	ssyncset.done $0x0  }
0x10a: {  	s12 =	simm.s32 @!p5 $0x80;
	s9 =	sadd.s32 @!p5 $0xCA80, s9;
	[sflag:s30] =	ssyncadd.s32 $0xFFFFD800  }
0x10b: {  	[tilespmem:s10], [sflag:$0x1] =	stream.indirect.gather @!p5 [hbm4b:s4+s12], $0x50, s9, s12, $0xb8;
	[tilespmem:$0x1DF00] =	vst v63  }
0x10c: {  	p5 =	sge.s32 s8, s5;
	s8 =	sadd.s32 $0xFFFFFFFE, s23;
	_ =	swait.ge [sflag:s31], $0x2800  }
0x10d: {  	s9 =	sshra.s32 @!p5 s24, $0x2;
	s10 =	simm.s32 @!p5 $0x13F00;
	[sflag:s31] =	ssyncset.done $0x0  }
0x10e: {  	s12 =	simm.s32 @!p5 $0x80;
	s9 =	sadd.s32 @!p5 $0xCB00, s9;
	[sflag:s31] =	ssyncadd.s32 $0xFFFFD800  }
0x10f: {  	[tilespmem:s10], [sflag:$0x2] =	stream.indirect.gather @!p5 [hbm4b:s4+s12], $0x50, s9, s12, $0xb8;
	[tilespmem:$0x1DF00] =	vst v63  }
0x110: {  	p5 =	sge.s32 s8, s5;
	s8 =	sadd.s32 $0xFFFFFFFF, s23;
	_ =	swait.ge [sflag:s1], $0x2800  }
0x111: {  	s9 =	sshra.s32 @!p5 s24, $0x2;
	s10 =	simm.s32 @!p5 $0x16700;
	[sflag:s1] =	ssyncset.done $0x0  }
0x112: {  	s12 =	simm.s32 @!p5 $0x80;
	s9 =	sadd.s32 @!p5 $0xCB80, s9;
	[sflag:s1] =	ssyncadd.s32 $0xFFFFD800  }
0x113: {  	[tilespmem:s10], [sflag:$0x3] =	stream.indirect.gather @!p5 [hbm4b:s4+s12], $0x50, s9, s12, $0xb8;
	[tilespmem:$0x1DF00] =	vst v63  }
0x114: {  	p5 =	sge.s32 s8, s5  }
0x115: {  	s23 =	sadd.s32 $0x5, s23;
	_ =	swait.ge [sflag:s20], $0x2800;
	s8 =	sshra.s32 @!p5 s24, $0x2  }
0x116: {  	s9 =	simm.s32 @!p5 $0x18F00;
	s10 =	simm.s32 @!p5 $0x80;
	[sflag:s20] =	ssyncset.done $0x0  }
.Ltmp5:
0x117: {  	s8 =	sadd.s32 @!p5 $0xCC00, s8;
	[sflag:s20] =	ssyncadd.s32 $0xFFFFD800;
	(pc) =	sbr.rel @p6 .LBB2_5-.Ltmp5, $4  }
0x118: {  	[tilespmem:s9], [sflag:$0x4] =	stream.indirect.gather @!p5 [hbm4b:s4+s10], $0x50, s8, s10, $0xb8;
	[tilespmem:$0x1DF00] =	vst v63  }
0x119: {  	s24 =	sadd.s32 $0xA00, s24;
	p5 =	sge.s32 s17, s5;
	_ =	swait.ge [sflag:s0], $0x2800  }
0x11a: {  	s8 =	sshra.s32 @!p5 s25, $0x2;
	s17 =	simm.s32 @!p5 $0x1B700;
	[sflag:s0] =	ssyncset.done $0x0  }
0x11b: {  	s25 =	sadd.s32 @!p5 $0xCC80, s8;
	s8 =	simm.s32 @!p5 $0x80;
	[sflag:s0] =	ssyncadd.s32 $0xFFFFD800  }
.Ltmp6:
0x11c: {  	_ = 	snop;
	(pc) =	sbr.rel .LBB2_6-.Ltmp6, $1  }
0x11d: {  	_ =	sdelay $0x3  }
.LBB2_8:
0x11e: {  	_ =	sfence.sel $0x180000  }
0x11f: {  	[bflag:$0x0] =	sbarrier.arrive $0xFFFF  }
0x120: {  	_ =	strace $0x90000047  }
0x121: {  	s0 =	stileid.u32;
	[bflag:$0x2] =	sbarrier.arrive $0xFFFF  }
0x122: {  	p0 =	sne.s32 s0, $0x0;
	s0 =	rddreg [dreg:$0x2]  }
0x123: {  	s0 =	sadd.s32 @!p0 $0x100000, s0  }
0x124: {  	[sflag:s0] =	ssyncadd.tile.s32 @!p0 $0x1;
	_ =	shalt  }
.Lfunc_end2:
_tile_overlayer_lowered:
.L_overlay_start_2:
0x125: {  	(tag) =	ssettag $0x2  }
0x126: {  	s0 =	rddreg [dreg:$0x0];
	s2 =	stileid.u32  }
0x127: {  	s1 =	rddreg [dreg:$0x1];
	p0 =	sne.s32 s2, $0x0  }
0x128: {  	s3 =	rddreg [dreg:$0x2];
	[bflag:$0x3] =	sbarrier.arrive $0xFFFF;
	s2 =	simm.s32 @!p0 $0x1C0B  }
0x129: {  	[timem:s3], [sflag:s2] =	dma.local @!p0 [hbm:s0], s1  }
0x12a: {  	s0 =	simm.s32 @!p0 $0xB  }
0x12b: {  	_ =	swait.ge @!p0 [sflag:s0], s1  }
0x12c: {  	s1 =	ssub.s32 @!p0 $0x0, s1;
	[sflag:s0] =	ssyncset.done @!p0 $0x0  }
0x12d: {  	[sflag:s0] =	ssyncadd.s32 @!p0 s1  }
0x12e: {  	[bflag:$0x3] =	sbarrier.arrive $0xFFFF  }
0x12f: {  	_ =	shalt  }

</sc_bundles>
